<compile_context>
chip_gen: v7x
topology: tpu7x:2x2x1
jax: 0.10.2.dev20260603
libtpu: 0.0.44.dev20260713+nightly
codegen_flags: <defaults>
</compile_context>

<pallas_src>
import functools

import jax
import jax.numpy as jnp
from jax import lax
from jax.experimental import pallas as pl
from jax.experimental.pallas import tpu as pltpu
from jax.experimental.pallas import tpu_sc as plsc

N = 10000
E = 320000
D = 128
B = 128
OUT = 40

NC = 2
NS = 16
NW = NC * NS
N_PAD = 10112
RPT = N_PAD // NS
CHUNK = 96
NCHUNK = 3360
E_PAD = NCHUNK * CHUNK
CPT = NCHUNK // NW
CPT0 = 195
CPT1 = 15
SRC_CHUNKS = NS * CPT0 + (NS - 1) * CPT1 + CPT0
RB = N_PAD // 8

_mesh = plsc.VectorSubcoreMesh(
    core_axis_name="c", subcore_axis_name="s", num_cores=NC, num_subcores=NS)



@functools.partial(
    pl.kernel,
    mesh=_mesh,
    out_type=jax.ShapeDtypeStruct((NC * N_PAD,), jnp.float32),
    scratch_types=[
        pltpu.VMEM_SHARED((N_PAD,), jnp.float32),
        pltpu.VMEM((2, CHUNK), jnp.int32),
        pltpu.VMEM((CHUNK,), jnp.float32),
        pltpu.VMEM((RPT,), jnp.float32),
        pltpu.SemaphoreType.DMA((2,)),
    ],
)
def _sc_deg(dstI, zrow, out, dacc, dst_v, ones_v, bounce_v, isem):
    c = lax.axis_index("c")
    s = lax.axis_index("s")
    pltpu.sync_copy(zrow, bounce_v)
    pltpu.sync_copy(bounce_v, dacc.at[pl.ds(s * RPT, RPT)])
    for i in range(CHUNK // 16):
        ones_v[pl.ds(i * 16, 16)] = jnp.ones((16,), jnp.float32)
    plsc.subcore_barrier()
    base = (c * NS + s) * CPT

    def body(j, carry):
        b = j & 1

        @pl.when(j < CPT)
        def _():
            pltpu.async_copy(dstI.at[pl.ds((base + j) * CHUNK, CHUNK)],
                             dst_v.at[b], isem.at[b])

        @pl.when(j > 0)
        def _():
            pb = 1 - b
            pltpu.make_async_copy(
                dstI.at[pl.ds((base + j - 1) * CHUNK, CHUNK)],
                dst_v.at[pb], isem.at[pb]).wait()
            pltpu.sync_copy(ones_v, dacc.at[dst_v.at[pb]], add=True)

        return carry

    lax.fori_loop(0, CPT + 1, body, 0)
    plsc.subcore_barrier()
    pltpu.sync_copy(dacc.at[pl.ds(s * RPT, RPT)], bounce_v)
    pltpu.sync_copy(bounce_v, out.at[pl.ds(c * N_PAD + s * RPT, RPT)])



_PIECES = ((0, 96), (96, 96), (192, 96), (288, 96), (384, 96), (480, 96),
           (576, 56))


@functools.partial(
    pl.kernel,
    mesh=_mesh,
    out_type=jax.ShapeDtypeStruct((NC, N_PAD, D), jnp.float32),
    scratch_types=[
        pltpu.VMEM_SHARED((N_PAD, D), jnp.float32),
        pltpu.VMEM((CPT0 * CHUNK,), jnp.int32),
        pltpu.VMEM((2, CHUNK), jnp.int32),
        pltpu.VMEM((2, CHUNK, D), jnp.float32),
        pltpu.SemaphoreType.DMA((2,)),
    ],
)
def _sc_edge(y, srcI, dstI, ztile, out, acc, srcL, dst_v, rowsB, gsem):
    c = lax.axis_index("c")
    s = lax.axis_index("s")
    nloc = jnp.where(c == 0, CPT0, CPT1)
    base = jnp.where(c == 0, s * CPT0, NS * CPT0 + s * CPT1)
    pltpu.sync_copy(srcI.at[pl.ds(base * CHUNK, CPT0 * CHUNK)], srcL)
    pltpu.sync_copy(ztile, rowsB.at[0])
    for off, ln in _PIECES:
        pltpu.sync_copy(rowsB.at[0, pl.ds(0, ln)],
                        acc.at[pl.ds(s * RPT + off, ln)])
    plsc.subcore_barrier()

    def _gidx(j):
        return srcL.at[pl.ds(j * CHUNK, CHUNK)]

    def body(j, carry):
        b = j & 1

        @pl.when(j < nloc)
        def _():
            pltpu.async_copy(y.at[_gidx(j)], rowsB.at[b], gsem.at[b])
            pltpu.sync_copy(dstI.at[pl.ds((base + j) * CHUNK, CHUNK)],
                            dst_v.at[b])

        @pl.when(j > 0)
        def _():
            pb = 1 - b
            pltpu.make_async_copy(y.at[_gidx(j - 1)], rowsB.at[pb],
                                  gsem.at[pb]).wait()
            pltpu.sync_copy(rowsB.at[pb], acc.at[dst_v.at[pb]], add=True)

        return carry

    lax.fori_loop(0, nloc + 1, body, 0)
    plsc.subcore_barrier()
    for off, ln in _PIECES:
        pltpu.sync_copy(acc.at[pl.ds(s * RPT + off, ln)],
                        rowsB.at[0, pl.ds(0, ln)])
        pltpu.sync_copy(rowsB.at[0, pl.ds(0, ln)],
                        out.at[c, pl.ds(s * RPT + off, ln)])



def _tc_mm_body(x, w, xw_o):
    xw_o[...] = jnp.dot(x[...], w[...], preferred_element_type=jnp.float32)


def _tc_scale_body(d0, d1, xw, dinv_o, y_o):
    di = lax.rsqrt(d0[...] + d1[...] + 1.0)
    dinv_o[...] = di
    y_o[...] = di * xw[...]


def _tc_b_body(p0, p1, y0, dinv, b0, w, y1_o):
    di = dinv[...]
    h = jnp.maximum(di * (p0[...] + p1[...] + y0[...]) + b0[...], 0.0)
    y1_o[...] = di * jnp.dot(h, w[...], preferred_element_type=jnp.float32)


def _tc_c_body(p0, p1, y1, dinv, b1, batch, wm1, bm1, wm2, bm2, wm3, bm3, out_o):
    h = dinv[...] * (p0[...] + p1[...] + y1[...]) + b1[...]
    gid = lax.broadcasted_iota(jnp.int32, (B, N_PAD), 0)
    oh = (batch[...] == gid).astype(jnp.float32)
    sacc = jnp.dot(oh, h, preferred_element_type=jnp.float32)
    cnt = jnp.sum(oh, axis=1, keepdims=True)
    pooled = sacc / jnp.maximum(cnt, 1.0)
    z = jnp.maximum(jnp.dot(pooled, wm1[...], preferred_element_type=jnp.float32) + bm1[...], 0.0)
    z = jnp.maximum(jnp.dot(z, wm2[...], preferred_element_type=jnp.float32) + bm2[...], 0.0)
    out_o[...] = jnp.dot(z, wm3[...], preferred_element_type=jnp.float32) + bm3[...]


_row = lambda i: (i, 0)
_rep = lambda i: (0, 0)

_tc_mm = pl.pallas_call(
    _tc_mm_body,
    grid=(N_PAD // RB,),
    in_specs=[
        pl.BlockSpec((RB, D), _row),
        pl.BlockSpec((D, D), _rep),
    ],
    out_specs=pl.BlockSpec((RB, D), _row),
    out_shape=jax.ShapeDtypeStruct((N_PAD, D), jnp.float32),
)

_tc_scale = pl.pallas_call(
    _tc_scale_body,
    grid=(N_PAD // RB,),
    in_specs=[
        pl.BlockSpec((RB, 1), _row),
        pl.BlockSpec((RB, 1), _row),
        pl.BlockSpec((RB, D), _row),
    ],
    out_specs=[pl.BlockSpec((RB, 1), _row), pl.BlockSpec((RB, D), _row)],
    out_shape=[
        jax.ShapeDtypeStruct((N_PAD, 1), jnp.float32),
        jax.ShapeDtypeStruct((N_PAD, D), jnp.float32),
    ],
)

_tc_b = pl.pallas_call(
    _tc_b_body,
    grid=(N_PAD // RB,),
    in_specs=[
        pl.BlockSpec((RB, D), _row),
        pl.BlockSpec((RB, D), _row),
        pl.BlockSpec((RB, D), _row),
        pl.BlockSpec((RB, 1), _row),
        pl.BlockSpec((1, D), _rep),
        pl.BlockSpec((D, D), _rep),
    ],
    out_specs=pl.BlockSpec((RB, D), _row),
    out_shape=jax.ShapeDtypeStruct((N_PAD, D), jnp.float32),
)

_tc_c = pl.pallas_call(
    _tc_c_body,
    out_shape=jax.ShapeDtypeStruct((B, OUT), jnp.float32),
)


def kernel(x, edge_index, edge_attr, batch, W0, b0, W1, b1,
           Wm1, bm1, Wm2, bm2, Wm3, bm3):
    src = edge_index[0]
    dst = edge_index[1]
    srcp = jnp.concatenate(
        [src, jnp.zeros((SRC_CHUNKS * CHUNK - E,), jnp.int32)])
    dstp = jnp.concatenate([dst, jnp.full((E_PAD - E,), N, jnp.int32)])
    zrow = jnp.zeros((RPT,), jnp.float32)
    ztile = jnp.zeros((CHUNK, D), jnp.float32)
    x_pad = jnp.pad(x, ((0, N_PAD - N), (0, 0)))
    batchp = jnp.pad(batch, (0, N_PAD - N), constant_values=B).reshape(1, N_PAD)

    degp = _sc_deg(dstp, zrow).reshape(NC, N_PAD)
    xw0 = _tc_mm(x_pad, W0)
    d0 = degp[0].reshape(N_PAD, 1)
    d1 = degp[1].reshape(N_PAD, 1)
    dinv, y0 = _tc_scale(d0, d1, xw0)
    p = _sc_edge(y0, srcp, dstp, ztile)
    y1 = _tc_b(p[0], p[1], y0, dinv, b0.reshape(1, D), W1)
    p2 = _sc_edge(y1, srcp, dstp, ztile)
    return _tc_c(p2[0], p2[1], y1, dinv, b1.reshape(1, D), batchp,
                 Wm1, bm1.reshape(1, -1), Wm2, bm2.reshape(1, -1),
                 Wm3, bm3.reshape(1, -1))

# --- scband reference (transcript-rebuilt; emitter-appended) ---
"""Pipeline reference for scband-gnn-85856396247547 (READ-ONLY COPY).

The authoritative reference and input builder live on the scoring server;
editing this copy changes nothing except your own understanding.
"""

import jax, jax.numpy as jnp
import numpy as np

N = 10000
E = 320000
D = 128
B = 128
OUT = 40


def _glorot(key, shape):
    fan_in, fan_out = shape[0], shape[1]
    lim = np.sqrt(6.0 / (fan_in + fan_out))
    return jax.random.uniform(key, shape, dtype=jnp.float32, minval=-lim, maxval=lim)


def setup_inputs(seed: int = 0) -> dict:
    key = jax.random.key(seed)
    ks = jax.random.split(key, 16)
    inp = {}
    inp["x"] = jax.random.normal(ks[0], (N, D), dtype=jnp.float32)
    inp["edge_index"] = jax.random.randint(ks[1], (2, E), 0, N, dtype=jnp.int32)
    inp["edge_attr"] = jax.random.normal(ks[2], (E, 4), dtype=jnp.float32)
    inp["batch"] = jnp.sort(jax.random.randint(ks[3], (N,), 0, B, dtype=jnp.int32))
    # GCN layer params (weights stored [in, out])
    inp["W0"] = _glorot(ks[4], (D, D))
    inp["b0"] = jnp.zeros((D,), dtype=jnp.float32)
    inp["W1"] = _glorot(ks[5], (D, D))
    inp["b1"] = jnp.zeros((D,), dtype=jnp.float32)
    # final MLP: 128 -> 64 -> 32 -> 40
    inp["Wm1"] = _glorot(ks[6], (D, D // 2))
    inp["bm1"] = jnp.zeros((D // 2,), dtype=jnp.float32)
    inp["Wm2"] = _glorot(ks[7], (D // 2, D // 4))
    inp["bm2"] = jnp.zeros((D // 4,), dtype=jnp.float32)
    inp["Wm3"] = _glorot(ks[8], (D // 4, OUT))
    inp["bm3"] = jnp.zeros((OUT,), dtype=jnp.float32)
    return inp


def _gcn_layer(x, edge_index, W, b):
    # torch_geometric GCNConv semantics: add self-loops, symmetric D^-1/2 A D^-1/2 norm
    n = x.shape[0]
    loop = jnp.arange(n, dtype=edge_index.dtype)
    src = jnp.concatenate([edge_index[0], loop])
    dst = jnp.concatenate([edge_index[1], loop])
    deg = jax.ops.segment_sum(jnp.ones_like(src, dtype=x.dtype), dst, num_segments=n)
    dinv = jnp.where(deg > 0, jax.lax.rsqrt(jnp.maximum(deg, 1e-12)), 0.0)
    norm = dinv[src] * dinv[dst]
    xw = x @ W
    msg = xw[src] * norm[:, None]
    return jax.ops.segment_sum(msg, dst, num_segments=n) + b


def reference(x, edge_index, edge_attr, batch, W0, b0, W1, b1, Wm1, bm1, Wm2, bm2, Wm3, bm3):
    x = x.astype(jnp.float32)
    # layer 0 + ReLU (dropout is identity in eval mode)
    h = _gcn_layer(x, edge_index, W0, b0)
    h = jax.nn.relu(h)
    # layer 1 (last layer, no activation; last_layer_fa=False)
    h = _gcn_layer(h, edge_index, W1, b1)
    # global_mean_pool over graph ids
    s = jax.ops.segment_sum(h, batch, num_segments=B)
    cnt = jax.ops.segment_sum(jnp.ones((h.shape[0],), dtype=h.dtype), batch, num_segments=B)
    pooled = s / jnp.maximum(cnt, 1.0)[:, None]
    # readout MLP
    z = jax.nn.relu(pooled @ Wm1 + bm1)
    z = jax.nn.relu(z @ Wm2 + bm2)
    return z @ Wm3 + bm3

if __name__ == "__main__":
    import jax
    _d = setup_inputs()
    print(jax.jit(kernel)(*tuple(_d.values())))

</pallas_src>

<mosaic_0001>
#map = affine_map<(d0, d1) -> (0)>
module attributes {stable_mosaic.version = 14 : i64} {
  func.func @_sc_deg(%arg0: i32, %arg1: i32, %arg2: memref<322560xi32, #tpu.memory_space<hbm>>, %arg3: memref<632xf32, #tpu.memory_space<hbm>>, %arg4: memref<20224xf32, #tpu.memory_space<hbm>>, %arg5: memref<10112xf32, #tpu.memory_space<vmem_shared>>, %arg6: memref<2x96xi32, #tpu.memory_space<vmem>>, %arg7: memref<96xf32, #tpu.memory_space<vmem>>, %arg8: memref<632xf32, #tpu.memory_space<vmem>>, %arg9: memref<2x!tpu.dma_semaphore, #tpu.memory_space<semaphore_mem>>) attributes {dimension_semantics = [#tpu.dimension_semantics<core_parallel>, #tpu.dimension_semantics<subcore_parallel>], iteration_bounds = array<i64: 2, 16>, scalar_prefetch = 0 : i64, scratch_operands = 5 : i64, tpu.core_type = #tpu.core_type<sc_vector_subcore>, window_params = [{transform_indices = #map}, {transform_indices = #map}, {transform_indices = #map}]} {
    "tpu.region"() ({
      %run_scoped3A = tpu.sem_alloc : memref<!tpu.dma_semaphore, #tpu.memory_space<semaphore_mem>>
      tpu.enqueue_dma source(%arg3 : memref<632xf32, #tpu.memory_space<hbm>>) target(%arg8 : memref<632xf32, #tpu.memory_space<vmem>>) target_semaphore(%run_scoped3A : memref<!tpu.dma_semaphore, #tpu.memory_space<semaphore_mem>>)
      tpu.wait_dma2 semaphore(%run_scoped3A : memref<!tpu.dma_semaphore, #tpu.memory_space<semaphore_mem>>) src(%arg3 : memref<632xf32, #tpu.memory_space<hbm>>) dst(%arg8 : memref<632xf32, #tpu.memory_space<vmem>>)
      tpu.yield
    }) : () -> ()
    %mul3A = arith.constant 632 : i32
    %mul3A_0 = arith.muli %arg1, %mul3A : i32
    "tpu.region"() ({
      %run_scoped3A = tpu.sem_alloc : memref<!tpu.dma_semaphore, #tpu.memory_space<semaphore_mem>>
      %dma_start3A = tpu.memref_slice %arg5[%mul3A_0] : memref<10112xf32, #tpu.memory_space<vmem_shared>> -> memref<632xf32, #tpu.memory_space<vmem_shared>>
      %dma_start3A_52 = tpu.memref_slice %arg5[%mul3A_0] : memref<10112xf32, #tpu.memory_space<vmem_shared>> -> memref<632xf32, #tpu.memory_space<vmem_shared>>
      tpu.enqueue_dma source(%arg8 : memref<632xf32, #tpu.memory_space<vmem>>) target(%dma_start3A_52 : memref<632xf32, #tpu.memory_space<vmem_shared>>) target_semaphore(%run_scoped3A : memref<!tpu.dma_semaphore, #tpu.memory_space<semaphore_mem>>)
      %dma_wait3A = tpu.memref_slice %arg5[%mul3A_0] : memref<10112xf32, #tpu.memory_space<vmem_shared>> -> memref<632xf32, #tpu.memory_space<vmem_shared>>
      %dma_wait3A_53 = tpu.memref_slice %arg5[%mul3A_0] : memref<10112xf32, #tpu.memory_space<vmem_shared>> -> memref<632xf32, #tpu.memory_space<vmem_shared>>
      tpu.wait_dma2 semaphore(%run_scoped3A : memref<!tpu.dma_semaphore, #tpu.memory_space<semaphore_mem>>) src(%arg8 : memref<632xf32, #tpu.memory_space<vmem>>) dst(%dma_wait3A_53 : memref<632xf32, #tpu.memory_space<vmem_shared>>)
      tpu.yield
    }) : () -> ()
    %broadcast_in_dim3A = arith.constant 1.000000e+00 : f32
    %broadcast_in_dim3A_1 = vector.broadcast %broadcast_in_dim3A : f32 to vector<16xf32>
    %swap3A = arith.constant 0 : index
    %swap3A_2 = tpu.vector_load %arg7[%swap3A] {strides = array<i32>} : memref<96xf32, #tpu.memory_space<vmem>>, vector<16xf32>,
    %swap3A_3 = vector.shape_cast %swap3A_2 : vector<16xf32> to vector<16xf32>
    %swap3A_4 = vector.shape_cast %broadcast_in_dim3A_1 : vector<16xf32> to vector<16xf32>
    tpu.vector_store %arg7[%swap3A], %swap3A_4 {strides = array<i32>} : memref<96xf32, #tpu.memory_space<vmem>>, vector<16xf32>,
    %broadcast_in_dim3A_5 = arith.constant 1.000000e+00 : f32
    %broadcast_in_dim3A_6 = vector.broadcast %broadcast_in_dim3A_5 : f32 to vector<16xf32>
    %swap3A_7 = arith.constant 16 : index
    %swap3A_8 = tpu.vector_load %arg7[%swap3A_7] {strides = array<i32>} : memref<96xf32, #tpu.memory_space<vmem>>, vector<16xf32>,
    %swap3A_9 = vector.shape_cast %swap3A_8 : vector<16xf32> to vector<16xf32>
    %swap3A_10 = vector.shape_cast %broadcast_in_dim3A_6 : vector<16xf32> to vector<16xf32>
    tpu.vector_store %arg7[%swap3A_7], %swap3A_10 {strides = array<i32>} : memref<96xf32, #tpu.memory_space<vmem>>, vector<16xf32>,
    %broadcast_in_dim3A_11 = arith.constant 1.000000e+00 : f32
    %broadcast_in_dim3A_12 = vector.broadcast %broadcast_in_dim3A_11 : f32 to vector<16xf32>
    %swap3A_13 = arith.constant 32 : index
    %swap3A_14 = tpu.vector_load %arg7[%swap3A_13] {strides = array<i32>} : memref<96xf32, #tpu.memory_space<vmem>>, vector<16xf32>,
    %swap3A_15 = vector.shape_cast %swap3A_14 : vector<16xf32> to vector<16xf32>
    %swap3A_16 = vector.shape_cast %broadcast_in_dim3A_12 : vector<16xf32> to vector<16xf32>
    tpu.vector_store %arg7[%swap3A_13], %swap3A_16 {strides = array<i32>} : memref<96xf32, #tpu.memory_space<vmem>>, vector<16xf32>,
    %broadcast_in_dim3A_17 = arith.constant 1.000000e+00 : f32
    %broadcast_in_dim3A_18 = vector.broadcast %broadcast_in_dim3A_17 : f32 to vector<16xf32>
    %swap3A_19 = arith.constant 48 : index
    %swap3A_20 = tpu.vector_load %arg7[%swap3A_19] {strides = array<i32>} : memref<96xf32, #tpu.memory_space<vmem>>, vector<16xf32>,
    %swap3A_21 = vector.shape_cast %swap3A_20 : vector<16xf32> to vector<16xf32>
    %swap3A_22 = vector.shape_cast %broadcast_in_dim3A_18 : vector<16xf32> to vector<16xf32>
    tpu.vector_store %arg7[%swap3A_19], %swap3A_22 {strides = array<i32>} : memref<96xf32, #tpu.memory_space<vmem>>, vector<16xf32>,
    %broadcast_in_dim3A_23 = arith.constant 1.000000e+00 : f32
    %broadcast_in_dim3A_24 = vector.broadcast %broadcast_in_dim3A_23 : f32 to vector<16xf32>
    %swap3A_25 = arith.constant 64 : index
    %swap3A_26 = tpu.vector_load %arg7[%swap3A_25] {strides = array<i32>} : memref<96xf32, #tpu.memory_space<vmem>>, vector<16xf32>,
    %swap3A_27 = vector.shape_cast %swap3A_26 : vector<16xf32> to vector<16xf32>
    %swap3A_28 = vector.shape_cast %broadcast_in_dim3A_24 : vector<16xf32> to vector<16xf32>
    tpu.vector_store %arg7[%swap3A_25], %swap3A_28 {strides = array<i32>} : memref<96xf32, #tpu.memory_space<vmem>>, vector<16xf32>,
    %broadcast_in_dim3A_29 = arith.constant 1.000000e+00 : f32
    %broadcast_in_dim3A_30 = vector.broadcast %broadcast_in_dim3A_29 : f32 to vector<16xf32>
    %swap3A_31 = arith.constant 80 : index
    %swap3A_32 = tpu.vector_load %arg7[%swap3A_31] {strides = array<i32>} : memref<96xf32, #tpu.memory_space<vmem>>, vector<16xf32>,
    %swap3A_33 = vector.shape_cast %swap3A_32 : vector<16xf32> to vector<16xf32>
    %swap3A_34 = vector.shape_cast %broadcast_in_dim3A_30 : vector<16xf32> to vector<16xf32>
    tpu.vector_store %arg7[%swap3A_31], %swap3A_34 {strides = array<i32>} : memref<96xf32, #tpu.memory_space<vmem>>, vector<16xf32>,
    %barrier3A = arith.constant 0 : index
    tpu.barrier barrier_id(%barrier3A)
    %mul3A_35 = arith.constant 16 : i32
    %mul3A_36 = arith.muli %arg0, %mul3A_35 : i32
    %add3A = arith.addi %mul3A_36, %arg1 : i32
    %mul3A_37 = arith.constant 105 : i32
    %mul3A_38 = arith.muli %add3A, %mul3A_37 : i32
    %scan3A = arith.constant 0 : i32
    %scan3A_39 = arith.constant 0 : i32
    %scan3A_40 = arith.constant 106 : i32
    %scan3A_41 = arith.addi %scan3A_39, %scan3A_40 : i32
    %scan3A_42 = arith.constant 1 : i32
    scf.for %scan3A_52 = %scan3A_39 to %scan3A_41 step %scan3A_42  : i32 {
      %and3A = arith.constant 1 : i32
      %and3A_53 = arith.andi %scan3A_52, %and3A : i32
      %lt3A = arith.constant 105 : i32
      %lt3A_54 = arith.cmpi slt, %scan3A_52, %lt3A : i32
      %convert_element_type3A = arith.extui %lt3A_54 : i1 to i32
      %cond3A = arith.constant 0 : i32
      %cond3A_55 = arith.cmpi ne, %convert_element_type3A, %cond3A : i32
      scf.if %cond3A_55 {
        %add3A_60 = arith.addi %mul3A_38, %scan3A_52 : i32
        %mul3A_61 = arith.constant 96 : i32
        %mul3A_62 = arith.muli %add3A_60, %mul3A_61 : i32
        %dma_start3A = arith.constant 0 : i32
        %dma_start3A_63 = tpu.memref_slice %arg6[%and3A_53, %dma_start3A] : memref<2x96xi32, #tpu.memory_space<vmem>> -> memref<1x96xi32, #tpu.memory_space<vmem>>
        %dma_start3A_64 = tpu.memref_squeeze %dma_start3A_63 : memref<1x96xi32, #tpu.memory_space<vmem>> -> memref<96xi32, #tpu.memory_space<vmem>>
        %dma_start3A_65 = tpu.memref_slice %arg2[%mul3A_62] : memref<322560xi32, #tpu.memory_space<hbm>> -> memref<96xi32, #tpu.memory_space<hbm>>
        %dma_start3A_66 = tpu.memref_slice %arg9[%and3A_53] : memref<2x!tpu.dma_semaphore, #tpu.memory_space<semaphore_mem>> -> memref<1x!tpu.dma_semaphore, #tpu.memory_space<semaphore_mem>>
        %dma_start3A_67 = tpu.memref_squeeze %dma_start3A_66 : memref<1x!tpu.dma_semaphore, #tpu.memory_space<semaphore_mem>> -> memref<!tpu.dma_semaphore, #tpu.memory_space<semaphore_mem>>
        %dma_start3A_68 = arith.constant 0 : i32
        %dma_start3A_69 = tpu.memref_slice %arg6[%and3A_53, %dma_start3A_68] : memref<2x96xi32, #tpu.memory_space<vmem>> -> memref<1x96xi32, #tpu.memory_space<vmem>>
        %dma_start3A_70 = tpu.memref_squeeze %dma_start3A_69 : memref<1x96xi32, #tpu.memory_space<vmem>> -> memref<96xi32, #tpu.memory_space<vmem>>
        %dma_start3A_71 = tpu.memref_slice %arg2[%mul3A_62] : memref<322560xi32, #tpu.memory_space<hbm>> -> memref<96xi32, #tpu.memory_space<hbm>>
        tpu.enqueue_dma source(%dma_start3A_71 : memref<96xi32, #tpu.memory_space<hbm>>) target(%dma_start3A_70 : memref<96xi32, #tpu.memory_space<vmem>>) target_semaphore(%dma_start3A_67 : memref<!tpu.dma_semaphore, #tpu.memory_space<semaphore_mem>>)
      } else {
      }
      %gt3A = arith.constant 0 : i32
      %gt3A_56 = arith.cmpi sgt, %scan3A_52, %gt3A : i32
      %convert_element_type3A_57 = arith.extui %gt3A_56 : i1 to i32
      %cond3A_58 = arith.constant 0 : i32
      %cond3A_59 = arith.cmpi ne, %convert_element_type3A_57, %cond3A_58 : i32
      scf.if %cond3A_59 {
        %sub3A = arith.constant 1 : i32
        %sub3A_60 = arith.subi %sub3A, %and3A_53 : i32
        %add3A_61 = arith.addi %mul3A_38, %scan3A_52 : i32
        %sub3A_62 = arith.constant 1 : i32
        %sub3A_63 = arith.subi %add3A_61, %sub3A_62 : i32
        %mul3A_64 = arith.constant 96 : i32
        %mul3A_65 = arith.muli %sub3A_63, %mul3A_64 : i32
        %dma_wait3A = arith.constant 0 : i32
        %dma_wait3A_66 = tpu.memref_slice %arg6[%sub3A_60, %dma_wait3A] : memref<2x96xi32, #tpu.memory_space<vmem>> -> memref<1x96xi32, #tpu.memory_space<vmem>>
        %dma_wait3A_67 = tpu.memref_squeeze %dma_wait3A_66 : memref<1x96xi32, #tpu.memory_space<vmem>> -> memref<96xi32, #tpu.memory_space<vmem>>
        %dma_wait3A_68 = tpu.memref_slice %arg2[%mul3A_65] : memref<322560xi32, #tpu.memory_space<hbm>> -> memref<96xi32, #tpu.memory_space<hbm>>
        %dma_wait3A_69 = tpu.memref_slice %arg9[%sub3A_60] : memref<2x!tpu.dma_semaphore, #tpu.memory_space<semaphore_mem>> -> memref<1x!tpu.dma_semaphore, #tpu.memory_space<semaphore_mem>>
        %dma_wait3A_70 = tpu.memref_squeeze %dma_wait3A_69 : memref<1x!tpu.dma_semaphore, #tpu.memory_space<semaphore_mem>> -> memref<!tpu.dma_semaphore, #tpu.memory_space<semaphore_mem>>
        %dma_wait3A_71 = arith.constant 0 : i32
        %dma_wait3A_72 = tpu.memref_slice %arg6[%sub3A_60, %dma_wait3A_71] : memref<2x96xi32, #tpu.memory_space<vmem>> -> memref<1x96xi32, #tpu.memory_space<vmem>>
        %dma_wait3A_73 = tpu.memref_squeeze %dma_wait3A_72 : memref<1x96xi32, #tpu.memory_space<vmem>> -> memref<96xi32, #tpu.memory_space<vmem>>
        %dma_wait3A_74 = tpu.memref_slice %arg2[%mul3A_65] : memref<322560xi32, #tpu.memory_space<hbm>> -> memref<96xi32, #tpu.memory_space<hbm>>
        tpu.wait_dma2 semaphore(%dma_wait3A_70 : memref<!tpu.dma_semaphore, #tpu.memory_space<semaphore_mem>>) src(%dma_wait3A_74 : memref<96xi32, #tpu.memory_space<hbm>>) dst(%dma_wait3A_73 : memref<96xi32, #tpu.memory_space<vmem>>)
        "tpu.region"() ({
          %run_scoped3A = tpu.sem_alloc : memref<!tpu.dma_semaphore, #tpu.memory_space<semaphore_mem>>
          %dma_start3A = arith.constant 0 : i32
          %dma_start3A_75 = tpu.memref_slice %arg6[%sub3A_60, %dma_start3A] : memref<2x96xi32, #tpu.memory_space<vmem>> -> memref<1x96xi32, #tpu.memory_space<vmem>>
          %dma_start3A_76 = tpu.memref_squeeze %dma_start3A_75 : memref<1x96xi32, #tpu.memory_space<vmem>> -> memref<96xi32, #tpu.memory_space<vmem>>
          %dma_start3A_77 = arith.constant 0 : i32
          %dma_start3A_78 = tpu.memref_slice %arg5[%dma_start3A_77] : memref<10112xf32, #tpu.memory_space<vmem_shared>> -> memref<10112xf32, #tpu.memory_space<vmem_shared>>
          tpu.enqueue_indirect_dma source(%arg7 : memref<96xf32, #tpu.memory_space<vmem>>) target(%dma_start3A_78 : memref<10112xf32, #tpu.memory_space<vmem_shared>>) offsets(%dma_start3A_76 : memref<96xi32, #tpu.memory_space<vmem>>) semaphore(%run_scoped3A : memref<!tpu.dma_semaphore, #tpu.memory_space<semaphore_mem>>) {add = true}
          %dma_wait3A_79 = arith.constant 0 : i32
          %dma_wait3A_80 = tpu.memref_slice %arg6[%sub3A_60, %dma_wait3A_79] : memref<2x96xi32, #tpu.memory_space<vmem>> -> memref<1x96xi32, #tpu.memory_space<vmem>>
          %dma_wait3A_81 = tpu.memref_squeeze %dma_wait3A_80 : memref<1x96xi32, #tpu.memory_space<vmem>> -> memref<96xi32, #tpu.memory_space<vmem>>
          %dma_wait3A_82 = arith.constant 0 : i32
          %dma_wait3A_83 = tpu.memref_slice %arg5[%dma_wait3A_82] : memref<10112xf32, #tpu.memory_space<vmem_shared>> -> memref<10112xf32, #tpu.memory_space<vmem_shared>>
          tpu.wait_indirect_dma semaphore(%run_scoped3A : memref<!tpu.dma_semaphore, #tpu.memory_space<semaphore_mem>>) src(%arg7 : memref<96xf32, #tpu.memory_space<vmem>>) dst(%dma_wait3A_83 : memref<10112xf32, #tpu.memory_space<vmem_shared>>)
          tpu.yield
        }) : () -> ()
      } else {
      }
    }
    %scan3A_43 = arith.constant 106 : i32
    %barrier3A_44 = arith.constant 0 : index
    tpu.barrier barrier_id(%barrier3A_44)
    %mul3A_45 = arith.constant 632 : i32
    %mul3A_46 = arith.muli %arg1, %mul3A_45 : i32
    "tpu.region"() ({
      %run_scoped3A = tpu.sem_alloc : memref<!tpu.dma_semaphore, #tpu.memory_space<semaphore_mem>>
      %dma_start3A = tpu.memref_slice %arg5[%mul3A_46] : memref<10112xf32, #tpu.memory_space<vmem_shared>> -> memref<632xf32, #tpu.memory_space<vmem_shared>>
      %dma_start3A_52 = tpu.memref_slice %arg5[%mul3A_46] : memref<10112xf32, #tpu.memory_space<vmem_shared>> -> memref<632xf32, #tpu.memory_space<vmem_shared>>
      tpu.enqueue_dma source(%dma_start3A_52 : memref<632xf32, #tpu.memory_space<vmem_shared>>) target(%arg8 : memref<632xf32, #tpu.memory_space<vmem>>) target_semaphore(%run_scoped3A : memref<!tpu.dma_semaphore, #tpu.memory_space<semaphore_mem>>)
      %dma_wait3A = tpu.memref_slice %arg5[%mul3A_46] : memref<10112xf32, #tpu.memory_space<vmem_shared>> -> memref<632xf32, #tpu.memory_space<vmem_shared>>
      %dma_wait3A_53 = tpu.memref_slice %arg5[%mul3A_46] : memref<10112xf32, #tpu.memory_space<vmem_shared>> -> memref<632xf32, #tpu.memory_space<vmem_shared>>
      tpu.wait_dma2 semaphore(%run_scoped3A : memref<!tpu.dma_semaphore, #tpu.memory_space<semaphore_mem>>) src(%dma_wait3A_53 : memref<632xf32, #tpu.memory_space<vmem_shared>>) dst(%arg8 : memref<632xf32, #tpu.memory_space<vmem>>)
      tpu.yield
    }) : () -> ()
    %mul3A_47 = arith.constant 10112 : i32
    %mul3A_48 = arith.muli %arg0, %mul3A_47 : i32
    %mul3A_49 = arith.constant 632 : i32
    %mul3A_50 = arith.muli %arg1, %mul3A_49 : i32
    %add3A_51 = arith.addi %mul3A_48, %mul3A_50 : i32
    "tpu.region"() ({
      %run_scoped3A = tpu.sem_alloc : memref<!tpu.dma_semaphore, #tpu.memory_space<semaphore_mem>>
      %dma_start3A = tpu.memref_slice %arg4[%add3A_51] : memref<20224xf32, #tpu.memory_space<hbm>> -> memref<632xf32, #tpu.memory_space<hbm>>
      %dma_start3A_52 = tpu.memref_slice %arg4[%add3A_51] : memref<20224xf32, #tpu.memory_space<hbm>> -> memref<632xf32, #tpu.memory_space<hbm>>
      tpu.enqueue_dma source(%arg8 : memref<632xf32, #tpu.memory_space<vmem>>) target(%dma_start3A_52 : memref<632xf32, #tpu.memory_space<hbm>>) target_semaphore(%run_scoped3A : memref<!tpu.dma_semaphore, #tpu.memory_space<semaphore_mem>>)
      %dma_wait3A = tpu.memref_slice %arg4[%add3A_51] : memref<20224xf32, #tpu.memory_space<hbm>> -> memref<632xf32, #tpu.memory_space<hbm>>
      %dma_wait3A_53 = tpu.memref_slice %arg4[%add3A_51] : memref<20224xf32, #tpu.memory_space<hbm>> -> memref<632xf32, #tpu.memory_space<hbm>>
      tpu.wait_dma2 semaphore(%run_scoped3A : memref<!tpu.dma_semaphore, #tpu.memory_space<semaphore_mem>>) src(%arg8 : memref<632xf32, #tpu.memory_space<vmem>>) dst(%dma_wait3A_53 : memref<632xf32, #tpu.memory_space<hbm>>)
      tpu.yield
    }) : () -> ()
    return
  }
}

#map = affine_map<(d0, d1) -> (0, 0)>
#map1 = affine_map<(d0, d1) -> (0)>
#map2 = affine_map<(d0, d1) -> (0, 0, 0)>
module attributes {stable_mosaic.version = 14 : i64} {
  func.func @_sc_edge(%arg0: i32, %arg1: i32, %arg2: memref<10112x128xf32, #tpu.memory_space<hbm>>, %arg3: memref<339840xi32, #tpu.memory_space<hbm>>, %arg4: memref<322560xi32, #tpu.memory_space<hbm>>, %arg5: memref<96x128xf32, #tpu.memory_space<hbm>>, %arg6: memref<2x10112x128xf32, #tpu.memory_space<hbm>>, %arg7: memref<10112x128xf32, #tpu.memory_space<vmem_shared>>, %arg8: memref<18720xi32, #tpu.memory_space<vmem>>, %arg9: memref<2x96xi32, #tpu.memory_space<vmem>>, %arg10: memref<2x96x128xf32, #tpu.memory_space<vmem>>, %arg11: memref<2x!tpu.dma_semaphore, #tpu.memory_space<semaphore_mem>>) attributes {dimension_semantics = [#tpu.dimension_semantics<core_parallel>, #tpu.dimension_semantics<subcore_parallel>], iteration_bounds = array<i64: 2, 16>, scalar_prefetch = 0 : i64, scratch_operands = 5 : i64, tpu.core_type = #tpu.core_type<sc_vector_subcore>, window_params = [{transform_indices = #map}, {transform_indices = #map1}, {transform_indices = #map1}, {transform_indices = #map}, {transform_indices = #map2}]} {
    %eq3A = arith.constant 0 : i32
    %eq3A_0 = arith.cmpi eq, %arg0, %eq3A : i32
    %jit3A = arith.constant 195 : i32
    %jit3A_1 = arith.constant 15 : i32
    %select_n3A = arith.select %eq3A_0, %jit3A, %jit3A_1 : i32
    %eq3A_2 = arith.constant 0 : i32
    %eq3A_3 = arith.cmpi eq, %arg0, %eq3A_2 : i32
    %mul3A = arith.constant 195 : i32
    %mul3A_4 = arith.muli %arg1, %mul3A : i32
    %mul3A_5 = arith.constant 15 : i32
    %mul3A_6 = arith.muli %arg1, %mul3A_5 : i32
    %add3A = arith.constant 3120 : i32
    %add3A_7 = arith.addi %add3A, %mul3A_6 : i32
    %select_n3A_8 = arith.select %eq3A_3, %mul3A_4, %add3A_7 : i32
    %mul3A_9 = arith.constant 96 : i32
    %mul3A_10 = arith.muli %select_n3A_8, %mul3A_9 : i32
    "tpu.region"() ({
      %run_scoped3A_128 = tpu.sem_alloc : memref<!tpu.dma_semaphore, #tpu.memory_space<semaphore_mem>>
      %dma_start3A = tpu.memref_slice %arg3[%mul3A_10] : memref<339840xi32, #tpu.memory_space<hbm>> -> memref<18720xi32, #tpu.memory_space<hbm>>
      %dma_start3A_129 = tpu.memref_slice %arg3[%mul3A_10] : memref<339840xi32, #tpu.memory_space<hbm>> -> memref<18720xi32, #tpu.memory_space<hbm>>
      tpu.enqueue_dma source(%dma_start3A_129 : memref<18720xi32, #tpu.memory_space<hbm>>) target(%arg8 : memref<18720xi32, #tpu.memory_space<vmem>>) target_semaphore(%run_scoped3A_128 : memref<!tpu.dma_semaphore, #tpu.memory_space<semaphore_mem>>)
      %dma_wait3A = tpu.memref_slice %arg3[%mul3A_10] : memref<339840xi32, #tpu.memory_space<hbm>> -> memref<18720xi32, #tpu.memory_space<hbm>>
      %dma_wait3A_130 = tpu.memref_slice %arg3[%mul3A_10] : memref<339840xi32, #tpu.memory_space<hbm>> -> memref<18720xi32, #tpu.memory_space<hbm>>
      tpu.wait_dma2 semaphore(%run_scoped3A_128 : memref<!tpu.dma_semaphore, #tpu.memory_space<semaphore_mem>>) src(%dma_wait3A_130 : memref<18720xi32, #tpu.memory_space<hbm>>) dst(%arg8 : memref<18720xi32, #tpu.memory_space<vmem>>)
      tpu.yield
    }) : () -> ()
    %run_scoped3A = arith.constant 0 : i32
    "tpu.region"() ({
      %run_scoped3A_128 = tpu.sem_alloc : memref<!tpu.dma_semaphore, #tpu.memory_space<semaphore_mem>>
      %dma_start3A = arith.constant 0 : i32
      %dma_start3A_129 = arith.constant 0 : i32
      %dma_start3A_130 = tpu.memref_slice %arg10[%run_scoped3A, %dma_start3A, %dma_start3A_129] : memref<2x96x128xf32, #tpu.memory_space<vmem>> -> memref<1x96x128xf32, #tpu.memory_space<vmem>>
      %dma_start3A_131 = tpu.memref_squeeze %dma_start3A_130 : memref<1x96x128xf32, #tpu.memory_space<vmem>> -> memref<96x128xf32, #tpu.memory_space<vmem>>
      %dma_start3A_132 = arith.constant 0 : i32
      %dma_start3A_133 = arith.constant 0 : i32
      %dma_start3A_134 = tpu.memref_slice %arg10[%run_scoped3A, %dma_start3A_132, %dma_start3A_133] : memref<2x96x128xf32, #tpu.memory_space<vmem>> -> memref<1x96x128xf32, #tpu.memory_space<vmem>>
      %dma_start3A_135 = tpu.memref_squeeze %dma_start3A_134 : memref<1x96x128xf32, #tpu.memory_space<vmem>> -> memref<96x128xf32, #tpu.memory_space<vmem>>
      tpu.enqueue_dma source(%arg5 : memref<96x128xf32, #tpu.memory_space<hbm>>) target(%dma_start3A_135 : memref<96x128xf32, #tpu.memory_space<vmem>>) target_semaphore(%run_scoped3A_128 : memref<!tpu.dma_semaphore, #tpu.memory_space<semaphore_mem>>)
      %dma_wait3A = arith.constant 0 : i32
      %dma_wait3A_136 = arith.constant 0 : i32
      %dma_wait3A_137 = tpu.memref_slice %arg10[%run_scoped3A, %dma_wait3A, %dma_wait3A_136] : memref<2x96x128xf32, #tpu.memory_space<vmem>> -> memref<1x96x128xf32, #tpu.memory_space<vmem>>
      %dma_wait3A_138 = tpu.memref_squeeze %dma_wait3A_137 : memref<1x96x128xf32, #tpu.memory_space<vmem>> -> memref<96x128xf32, #tpu.memory_space<vmem>>
      %dma_wait3A_139 = arith.constant 0 : i32
      %dma_wait3A_140 = arith.constant 0 : i32
      %dma_wait3A_141 = tpu.memref_slice %arg10[%run_scoped3A, %dma_wait3A_139, %dma_wait3A_140] : memref<2x96x128xf32, #tpu.memory_space<vmem>> -> memref<1x96x128xf32, #tpu.memory_space<vmem>>
      %dma_wait3A_142 = tpu.memref_squeeze %dma_wait3A_141 : memref<1x96x128xf32, #tpu.memory_space<vmem>> -> memref<96x128xf32, #tpu.memory_space<vmem>>
      tpu.wait_dma2 semaphore(%run_scoped3A_128 : memref<!tpu.dma_semaphore, #tpu.memory_space<semaphore_mem>>) src(%arg5 : memref<96x128xf32, #tpu.memory_space<hbm>>) dst(%dma_wait3A_142 : memref<96x128xf32, #tpu.memory_space<vmem>>)
      tpu.yield
    }) : () -> ()
    %mul3A_11 = arith.constant 632 : i32
    %mul3A_12 = arith.muli %arg1, %mul3A_11 : i32
    %add3A_13 = arith.constant 0 : i32
    %add3A_14 = arith.addi %mul3A_12, %add3A_13 : i32
    %run_scoped3A_15 = arith.constant 0 : i32
    "tpu.region"() ({
      %run_scoped3A_128 = tpu.sem_alloc : memref<!tpu.dma_semaphore, #tpu.memory_space<semaphore_mem>>
      %dma_start3A = arith.constant 0 : i32
      %dma_start3A_129 = arith.constant 0 : i32
      %dma_start3A_130 = tpu.memref_slice %arg10[%run_scoped3A_15, %dma_start3A, %dma_start3A_129] : memref<2x96x128xf32, #tpu.memory_space<vmem>> -> memref<1x96x128xf32, #tpu.memory_space<vmem>>
      %dma_start3A_131 = tpu.memref_squeeze %dma_start3A_130 : memref<1x96x128xf32, #tpu.memory_space<vmem>> -> memref<96x128xf32, #tpu.memory_space<vmem>>
      %dma_start3A_132 = arith.constant 0 : i32
      %dma_start3A_133 = tpu.memref_slice %arg7[%add3A_14, %dma_start3A_132] : memref<10112x128xf32, #tpu.memory_space<vmem_shared>> -> memref<96x128xf32, #tpu.memory_space<vmem_shared>>
      %dma_start3A_134 = arith.constant 0 : i32
      %dma_start3A_135 = tpu.memref_slice %arg7[%add3A_14, %dma_start3A_134] : memref<10112x128xf32, #tpu.memory_space<vmem_shared>> -> memref<96x128xf32, #tpu.memory_space<vmem_shared>>
      %dma_start3A_136 = arith.constant 0 : i32
      %dma_start3A_137 = arith.constant 0 : i32
      %dma_start3A_138 = tpu.memref_slice %arg10[%run_scoped3A_15, %dma_start3A_136, %dma_start3A_137] : memref<2x96x128xf32, #tpu.memory_space<vmem>> -> memref<1x96x128xf32, #tpu.memory_space<vmem>>
      %dma_start3A_139 = tpu.memref_squeeze %dma_start3A_138 : memref<1x96x128xf32, #tpu.memory_space<vmem>> -> memref<96x128xf32, #tpu.memory_space<vmem>>
      tpu.enqueue_dma source(%dma_start3A_139 : memref<96x128xf32, #tpu.memory_space<vmem>>) target(%dma_start3A_135 : memref<96x128xf32, #tpu.memory_space<vmem_shared>>) target_semaphore(%run_scoped3A_128 : memref<!tpu.dma_semaphore, #tpu.memory_space<semaphore_mem>>)
      %dma_wait3A = arith.constant 0 : i32
      %dma_wait3A_140 = arith.constant 0 : i32
      %dma_wait3A_141 = tpu.memref_slice %arg10[%run_scoped3A_15, %dma_wait3A, %dma_wait3A_140] : memref<2x96x128xf32, #tpu.memory_space<vmem>> -> memref<1x96x128xf32, #tpu.memory_space<vmem>>
      %dma_wait3A_142 = tpu.memref_squeeze %dma_wait3A_141 : memref<1x96x128xf32, #tpu.memory_space<vmem>> -> memref<96x128xf32, #tpu.memory_space<vmem>>
      %dma_wait3A_143 = arith.constant 0 : i32
      %dma_wait3A_144 = tpu.memref_slice %arg7[%add3A_14, %dma_wait3A_143] : memref<10112x128xf32, #tpu.memory_space<vmem_shared>> -> memref<96x128xf32, #tpu.memory_space<vmem_shared>>
      %dma_wait3A_145 = arith.constant 0 : i32
      %dma_wait3A_146 = tpu.memref_slice %arg7[%add3A_14, %dma_wait3A_145] : memref<10112x128xf32, #tpu.memory_space<vmem_shared>> -> memref<96x128xf32, #tpu.memory_space<vmem_shared>>
      %dma_wait3A_147 = arith.constant 0 : i32
      %dma_wait3A_148 = arith.constant 0 : i32
      %dma_wait3A_149 = tpu.memref_slice %arg10[%run_scoped3A_15, %dma_wait3A_147, %dma_wait3A_148] : memref<2x96x128xf32, #tpu.memory_space<vmem>> -> memref<1x96x128xf32, #tpu.memory_space<vmem>>
      %dma_wait3A_150 = tpu.memref_squeeze %dma_wait3A_149 : memref<1x96x128xf32, #tpu.memory_space<vmem>> -> memref<96x128xf32, #tpu.memory_space<vmem>>
      tpu.wait_dma2 semaphore(%run_scoped3A_128 : memref<!tpu.dma_semaphore, #tpu.memory_space<semaphore_mem>>) src(%dma_wait3A_150 : memref<96x128xf32, #tpu.memory_space<vmem>>) dst(%dma_wait3A_146 : memref<96x128xf32, #tpu.memory_space<vmem_shared>>)
      tpu.yield
    }) : () -> ()
    %mul3A_16 = arith.constant 632 : i32
    %mul3A_17 = arith.muli %arg1, %mul3A_16 : i32
    %add3A_18 = arith.constant 96 : i32
    %add3A_19 = arith.addi %mul3A_17, %add3A_18 : i32
    %run_scoped3A_20 = arith.constant 0 : i32
    "tpu.region"() ({
      %run_scoped3A_128 = tpu.sem_alloc : memref<!tpu.dma_semaphore, #tpu.memory_space<semaphore_mem>>
      %dma_start3A = arith.constant 0 : i32
      %dma_start3A_129 = arith.constant 0 : i32
      %dma_start3A_130 = tpu.memref_slice %arg10[%run_scoped3A_20, %dma_start3A, %dma_start3A_129] : memref<2x96x128xf32, #tpu.memory_space<vmem>> -> memref<1x96x128xf32, #tpu.memory_space<vmem>>
      %dma_start3A_131 = tpu.memref_squeeze %dma_start3A_130 : memref<1x96x128xf32, #tpu.memory_space<vmem>> -> memref<96x128xf32, #tpu.memory_space<vmem>>
      %dma_start3A_132 = arith.constant 0 : i32
      %dma_start3A_133 = tpu.memref_slice %arg7[%add3A_19, %dma_start3A_132] : memref<10112x128xf32, #tpu.memory_space<vmem_shared>> -> memref<96x128xf32, #tpu.memory_space<vmem_shared>>
      %dma_start3A_134 = arith.constant 0 : i32
      %dma_start3A_135 = tpu.memref_slice %arg7[%add3A_19, %dma_start3A_134] : memref<10112x128xf32, #tpu.memory_space<vmem_shared>> -> memref<96x128xf32, #tpu.memory_space<vmem_shared>>
      %dma_start3A_136 = arith.constant 0 : i32
      %dma_start3A_137 = arith.constant 0 : i32
      %dma_start3A_138 = tpu.memref_slice %arg10[%run_scoped3A_20, %dma_start3A_136, %dma_start3A_137] : memref<2x96x128xf32, #tpu.memory_space<vmem>> -> memref<1x96x128xf32, #tpu.memory_space<vmem>>
      %dma_start3A_139 = tpu.memref_squeeze %dma_start3A_138 : memref<1x96x128xf32, #tpu.memory_space<vmem>> -> memref<96x128xf32, #tpu.memory_space<vmem>>
      tpu.enqueue_dma source(%dma_start3A_139 : memref<96x128xf32, #tpu.memory_space<vmem>>) target(%dma_start3A_135 : memref<96x128xf32, #tpu.memory_space<vmem_shared>>) target_semaphore(%run_scoped3A_128 : memref<!tpu.dma_semaphore, #tpu.memory_space<semaphore_mem>>)
      %dma_wait3A = arith.constant 0 : i32
      %dma_wait3A_140 = arith.constant 0 : i32
      %dma_wait3A_141 = tpu.memref_slice %arg10[%run_scoped3A_20, %dma_wait3A, %dma_wait3A_140] : memref<2x96x128xf32, #tpu.memory_space<vmem>> -> memref<1x96x128xf32, #tpu.memory_space<vmem>>
      %dma_wait3A_142 = tpu.memref_squeeze %dma_wait3A_141 : memref<1x96x128xf32, #tpu.memory_space<vmem>> -> memref<96x128xf32, #tpu.memory_space<vmem>>
      %dma_wait3A_143 = arith.constant 0 : i32
      %dma_wait3A_144 = tpu.memref_slice %arg7[%add3A_19, %dma_wait3A_143] : memref<10112x128xf32, #tpu.memory_space<vmem_shared>> -> memref<96x128xf32, #tpu.memory_space<vmem_shared>>
      %dma_wait3A_145 = arith.constant 0 : i32
      %dma_wait3A_146 = tpu.memref_slice %arg7[%add3A_19, %dma_wait3A_145] : memref<10112x128xf32, #tpu.memory_space<vmem_shared>> -> memref<96x128xf32, #tpu.memory_space<vmem_shared>>
      %dma_wait3A_147 = arith.constant 0 : i32
      %dma_wait3A_148 = arith.constant 0 : i32
      %dma_wait3A_149 = tpu.memref_slice %arg10[%run_scoped3A_20, %dma_wait3A_147, %dma_wait3A_148] : memref<2x96x128xf32, #tpu.memory_space<vmem>> -> memref<1x96x128xf32, #tpu.memory_space<vmem>>
      %dma_wait3A_150 = tpu.memref_squeeze %dma_wait3A_149 : memref<1x96x128xf32, #tpu.memory_space<vmem>> -> memref<96x128xf32, #tpu.memory_space<vmem>>
      tpu.wait_dma2 semaphore(%run_scoped3A_128 : memref<!tpu.dma_semaphore, #tpu.memory_space<semaphore_mem>>) src(%dma_wait3A_150 : memref<96x128xf32, #tpu.memory_space<vmem>>) dst(%dma_wait3A_146 : memref<96x128xf32, #tpu.memory_space<vmem_shared>>)
      tpu.yield
    }) : () -> ()
    %mul3A_21 = arith.constant 632 : i32
    %mul3A_22 = arith.muli %arg1, %mul3A_21 : i32
    %add3A_23 = arith.constant 192 : i32
    %add3A_24 = arith.addi %mul3A_22, %add3A_23 : i32
    %run_scoped3A_25 = arith.constant 0 : i32
    "tpu.region"() ({
      %run_scoped3A_128 = tpu.sem_alloc : memref<!tpu.dma_semaphore, #tpu.memory_space<semaphore_mem>>
      %dma_start3A = arith.constant 0 : i32
      %dma_start3A_129 = arith.constant 0 : i32
      %dma_start3A_130 = tpu.memref_slice %arg10[%run_scoped3A_25, %dma_start3A, %dma_start3A_129] : memref<2x96x128xf32, #tpu.memory_space<vmem>> -> memref<1x96x128xf32, #tpu.memory_space<vmem>>
      %dma_start3A_131 = tpu.memref_squeeze %dma_start3A_130 : memref<1x96x128xf32, #tpu.memory_space<vmem>> -> memref<96x128xf32, #tpu.memory_space<vmem>>
      %dma_start3A_132 = arith.constant 0 : i32
      %dma_start3A_133 = tpu.memref_slice %arg7[%add3A_24, %dma_start3A_132] : memref<10112x128xf32, #tpu.memory_space<vmem_shared>> -> memref<96x128xf32, #tpu.memory_space<vmem_shared>>
      %dma_start3A_134 = arith.constant 0 : i32
      %dma_start3A_135 = tpu.memref_slice %arg7[%add3A_24, %dma_start3A_134] : memref<10112x128xf32, #tpu.memory_space<vmem_shared>> -> memref<96x128xf32, #tpu.memory_space<vmem_shared>>
      %dma_start3A_136 = arith.constant 0 : i32
      %dma_start3A_137 = arith.constant 0 : i32
      %dma_start3A_138 = tpu.memref_slice %arg10[%run_scoped3A_25, %dma_start3A_136, %dma_start3A_137] : memref<2x96x128xf32, #tpu.memory_space<vmem>> -> memref<1x96x128xf32, #tpu.memory_space<vmem>>
      %dma_start3A_139 = tpu.memref_squeeze %dma_start3A_138 : memref<1x96x128xf32, #tpu.memory_space<vmem>> -> memref<96x128xf32, #tpu.memory_space<vmem>>
      tpu.enqueue_dma source(%dma_start3A_139 : memref<96x128xf32, #tpu.memory_space<vmem>>) target(%dma_start3A_135 : memref<96x128xf32, #tpu.memory_space<vmem_shared>>) target_semaphore(%run_scoped3A_128 : memref<!tpu.dma_semaphore, #tpu.memory_space<semaphore_mem>>)
      %dma_wait3A = arith.constant 0 : i32
      %dma_wait3A_140 = arith.constant 0 : i32
      %dma_wait3A_141 = tpu.memref_slice %arg10[%run_scoped3A_25, %dma_wait3A, %dma_wait3A_140] : memref<2x96x128xf32, #tpu.memory_space<vmem>> -> memref<1x96x128xf32, #tpu.memory_space<vmem>>
      %dma_wait3A_142 = tpu.memref_squeeze %dma_wait3A_141 : memref<1x96x128xf32, #tpu.memory_space<vmem>> -> memref<96x128xf32, #tpu.memory_space<vmem>>
      %dma_wait3A_143 = arith.constant 0 : i32
      %dma_wait3A_144 = tpu.memref_slice %arg7[%add3A_24, %dma_wait3A_143] : memref<10112x128xf32, #tpu.memory_space<vmem_shared>> -> memref<96x128xf32, #tpu.memory_space<vmem_shared>>
      %dma_wait3A_145 = arith.constant 0 : i32
      %dma_wait3A_146 = tpu.memref_slice %arg7[%add3A_24, %dma_wait3A_145] : memref<10112x128xf32, #tpu.memory_space<vmem_shared>> -> memref<96x128xf32, #tpu.memory_space<vmem_shared>>
      %dma_wait3A_147 = arith.constant 0 : i32
      %dma_wait3A_148 = arith.constant 0 : i32
      %dma_wait3A_149 = tpu.memref_slice %arg10[%run_scoped3A_25, %dma_wait3A_147, %dma_wait3A_148] : memref<2x96x128xf32, #tpu.memory_space<vmem>> -> memref<1x96x128xf32, #tpu.memory_space<vmem>>
      %dma_wait3A_150 = tpu.memref_squeeze %dma_wait3A_149 : memref<1x96x128xf32, #tpu.memory_space<vmem>> -> memref<96x128xf32, #tpu.memory_space<vmem>>
      tpu.wait_dma2 semaphore(%run_scoped3A_128 : memref<!tpu.dma_semaphore, #tpu.memory_space<semaphore_mem>>) src(%dma_wait3A_150 : memref<96x128xf32, #tpu.memory_space<vmem>>) dst(%dma_wait3A_146 : memref<96x128xf32, #tpu.memory_space<vmem_shared>>)
      tpu.yield
    }) : () -> ()
    %mul3A_26 = arith.constant 632 : i32
    %mul3A_27 = arith.muli %arg1, %mul3A_26 : i32
    %add3A_28 = arith.constant 288 : i32
    %add3A_29 = arith.addi %mul3A_27, %add3A_28 : i32
    %run_scoped3A_30 = arith.constant 0 : i32
    "tpu.region"() ({
      %run_scoped3A_128 = tpu.sem_alloc : memref<!tpu.dma_semaphore, #tpu.memory_space<semaphore_mem>>
      %dma_start3A = arith.constant 0 : i32
      %dma_start3A_129 = arith.constant 0 : i32
      %dma_start3A_130 = tpu.memref_slice %arg10[%run_scoped3A_30, %dma_start3A, %dma_start3A_129] : memref<2x96x128xf32, #tpu.memory_space<vmem>> -> memref<1x96x128xf32, #tpu.memory_space<vmem>>
      %dma_start3A_131 = tpu.memref_squeeze %dma_start3A_130 : memref<1x96x128xf32, #tpu.memory_space<vmem>> -> memref<96x128xf32, #tpu.memory_space<vmem>>
      %dma_start3A_132 = arith.constant 0 : i32
      %dma_start3A_133 = tpu.memref_slice %arg7[%add3A_29, %dma_start3A_132] : memref<10112x128xf32, #tpu.memory_space<vmem_shared>> -> memref<96x128xf32, #tpu.memory_space<vmem_shared>>
      %dma_start3A_134 = arith.constant 0 : i32
      %dma_start3A_135 = tpu.memref_slice %arg7[%add3A_29, %dma_start3A_134] : memref<10112x128xf32, #tpu.memory_space<vmem_shared>> -> memref<96x128xf32, #tpu.memory_space<vmem_shared>>
      %dma_start3A_136 = arith.constant 0 : i32
      %dma_start3A_137 = arith.constant 0 : i32
      %dma_start3A_138 = tpu.memref_slice %arg10[%run_scoped3A_30, %dma_start3A_136, %dma_start3A_137] : memref<2x96x128xf32, #tpu.memory_space<vmem>> -> memref<1x96x128xf32, #tpu.memory_space<vmem>>
      %dma_start3A_139 = tpu.memref_squeeze %dma_start3A_138 : memref<1x96x128xf32, #tpu.memory_space<vmem>> -> memref<96x128xf32, #tpu.memory_space<vmem>>
      tpu.enqueue_dma source(%dma_start3A_139 : memref<96x128xf32, #tpu.memory_space<vmem>>) target(%dma_start3A_135 : memref<96x128xf32, #tpu.memory_space<vmem_shared>>) target_semaphore(%run_scoped3A_128 : memref<!tpu.dma_semaphore, #tpu.memory_space<semaphore_mem>>)
      %dma_wait3A = arith.constant 0 : i32
      %dma_wait3A_140 = arith.constant 0 : i32
      %dma_wait3A_141 = tpu.memref_slice %arg10[%run_scoped3A_30, %dma_wait3A, %dma_wait3A_140] : memref<2x96x128xf32, #tpu.memory_space<vmem>> -> memref<1x96x128xf32, #tpu.memory_space<vmem>>
      %dma_wait3A_142 = tpu.memref_squeeze %dma_wait3A_141 : memref<1x96x128xf32, #tpu.memory_space<vmem>> -> memref<96x128xf32, #tpu.memory_space<vmem>>
      %dma_wait3A_143 = arith.constant 0 : i32
      %dma_wait3A_144 = tpu.memref_slice %arg7[%add3A_29, %dma_wait3A_143] : memref<10112x128xf32, #tpu.memory_space<vmem_shared>> -> memref<96x128xf32, #tpu.memory_space<vmem_shared>>
      %dma_wait3A_145 = arith.constant 0 : i32
      %dma_wait3A_146 = tpu.memref_slice %arg7[%add3A_29, %dma_wait3A_145] : memref<10112x128xf32, #tpu.memory_space<vmem_shared>> -> memref<96x128xf32, #tpu.memory_space<vmem_shared>>
      %dma_wait3A_147 = arith.constant 0 : i32
      %dma_wait3A_148 = arith.constant 0 : i32
      %dma_wait3A_149 = tpu.memref_slice %arg10[%run_scoped3A_30, %dma_wait3A_147, %dma_wait3A_148] : memref<2x96x128xf32, #tpu.memory_space<vmem>> -> memref<1x96x128xf32, #tpu.memory_space<vmem>>
      %dma_wait3A_150 = tpu.memref_squeeze %dma_wait3A_149 : memref<1x96x128xf32, #tpu.memory_space<vmem>> -> memref<96x128xf32, #tpu.memory_space<vmem>>
      tpu.wait_dma2 semaphore(%run_scoped3A_128 : memref<!tpu.dma_semaphore, #tpu.memory_space<semaphore_mem>>) src(%dma_wait3A_150 : memref<96x128xf32, #tpu.memory_space<vmem>>) dst(%dma_wait3A_146 : memref<96x128xf32, #tpu.memory_space<vmem_shared>>)
      tpu.yield
    }) : () -> ()
    %mul3A_31 = arith.constant 632 : i32
    %mul3A_32 = arith.muli %arg1, %mul3A_31 : i32
    %add3A_33 = arith.constant 384 : i32
    %add3A_34 = arith.addi %mul3A_32, %add3A_33 : i32
    %run_scoped3A_35 = arith.constant 0 : i32
    "tpu.region"() ({
      %run_scoped3A_128 = tpu.sem_alloc : memref<!tpu.dma_semaphore, #tpu.memory_space<semaphore_mem>>
      %dma_start3A = arith.constant 0 : i32
      %dma_start3A_129 = arith.constant 0 : i32
      %dma_start3A_130 = tpu.memref_slice %arg10[%run_scoped3A_35, %dma_start3A, %dma_start3A_129] : memref<2x96x128xf32, #tpu.memory_space<vmem>> -> memref<1x96x128xf32, #tpu.memory_space<vmem>>
      %dma_start3A_131 = tpu.memref_squeeze %dma_start3A_130 : memref<1x96x128xf32, #tpu.memory_space<vmem>> -> memref<96x128xf32, #tpu.memory_space<vmem>>
      %dma_start3A_132 = arith.constant 0 : i32
      %dma_start3A_133 = tpu.memref_slice %arg7[%add3A_34, %dma_start3A_132] : memref<10112x128xf32, #tpu.memory_space<vmem_shared>> -> memref<96x128xf32, #tpu.memory_space<vmem_shared>>
      %dma_start3A_134 = arith.constant 0 : i32
      %dma_start3A_135 = tpu.memref_slice %arg7[%add3A_34, %dma_start3A_134] : memref<10112x128xf32, #tpu.memory_space<vmem_shared>> -> memref<96x128xf32, #tpu.memory_space<vmem_shared>>
      %dma_start3A_136 = arith.constant 0 : i32
      %dma_start3A_137 = arith.constant 0 : i32
      %dma_start3A_138 = tpu.memref_slice %arg10[%run_scoped3A_35, %dma_start3A_136, %dma_start3A_137] : memref<2x96x128xf32, #tpu.memory_space<vmem>> -> memref<1x96x128xf32, #tpu.memory_space<vmem>>
      %dma_start3A_139 = tpu.memref_squeeze %dma_start3A_138 : memref<1x96x128xf32, #tpu.memory_space<vmem>> -> memref<96x128xf32, #tpu.memory_space<vmem>>
      tpu.enqueue_dma source(%dma_start3A_139 : memref<96x128xf32, #tpu.memory_space<vmem>>) target(%dma_start3A_135 : memref<96x128xf32, #tpu.memory_space<vmem_shared>>) target_semaphore(%run_scoped3A_128 : memref<!tpu.dma_semaphore, #tpu.memory_space<semaphore_mem>>)
      %dma_wait3A = arith.constant 0 : i32
      %dma_wait3A_140 = arith.constant 0 : i32
      %dma_wait3A_141 = tpu.memref_slice %arg10[%run_scoped3A_35, %dma_wait3A, %dma_wait3A_140] : memref<2x96x128xf32, #tpu.memory_space<vmem>> -> memref<1x96x128xf32, #tpu.memory_space<vmem>>
      %dma_wait3A_142 = tpu.memref_squeeze %dma_wait3A_141 : memref<1x96x128xf32, #tpu.memory_space<vmem>> -> memref<96x128xf32, #tpu.memory_space<vmem>>
      %dma_wait3A_143 = arith.constant 0 : i32
      %dma_wait3A_144 = tpu.memref_slice %arg7[%add3A_34, %dma_wait3A_143] : memref<10112x128xf32, #tpu.memory_space<vmem_shared>> -> memref<96x128xf32, #tpu.memory_space<vmem_shared>>
      %dma_wait3A_145 = arith.constant 0 : i32
      %dma_wait3A_146 = tpu.memref_slice %arg7[%add3A_34, %dma_wait3A_145] : memref<10112x128xf32, #tpu.memory_space<vmem_shared>> -> memref<96x128xf32, #tpu.memory_space<vmem_shared>>
      %dma_wait3A_147 = arith.constant 0 : i32
      %dma_wait3A_148 = arith.constant 0 : i32
      %dma_wait3A_149 = tpu.memref_slice %arg10[%run_scoped3A_35, %dma_wait3A_147, %dma_wait3A_148] : memref<2x96x128xf32, #tpu.memory_space<vmem>> -> memref<1x96x128xf32, #tpu.memory_space<vmem>>
      %dma_wait3A_150 = tpu.memref_squeeze %dma_wait3A_149 : memref<1x96x128xf32, #tpu.memory_space<vmem>> -> memref<96x128xf32, #tpu.memory_space<vmem>>
      tpu.wait_dma2 semaphore(%run_scoped3A_128 : memref<!tpu.dma_semaphore, #tpu.memory_space<semaphore_mem>>) src(%dma_wait3A_150 : memref<96x128xf32, #tpu.memory_space<vmem>>) dst(%dma_wait3A_146 : memref<96x128xf32, #tpu.memory_space<vmem_shared>>)
      tpu.yield
    }) : () -> ()
    %mul3A_36 = arith.constant 632 : i32
    %mul3A_37 = arith.muli %arg1, %mul3A_36 : i32
    %add3A_38 = arith.constant 480 : i32
    %add3A_39 = arith.addi %mul3A_37, %add3A_38 : i32
    %run_scoped3A_40 = arith.constant 0 : i32
    "tpu.region"() ({
      %run_scoped3A_128 = tpu.sem_alloc : memref<!tpu.dma_semaphore, #tpu.memory_space<semaphore_mem>>
      %dma_start3A = arith.constant 0 : i32
      %dma_start3A_129 = arith.constant 0 : i32
      %dma_start3A_130 = tpu.memref_slice %arg10[%run_scoped3A_40, %dma_start3A, %dma_start3A_129] : memref<2x96x128xf32, #tpu.memory_space<vmem>> -> memref<1x96x128xf32, #tpu.memory_space<vmem>>
      %dma_start3A_131 = tpu.memref_squeeze %dma_start3A_130 : memref<1x96x128xf32, #tpu.memory_space<vmem>> -> memref<96x128xf32, #tpu.memory_space<vmem>>
      %dma_start3A_132 = arith.constant 0 : i32
      %dma_start3A_133 = tpu.memref_slice %arg7[%add3A_39, %dma_start3A_132] : memref<10112x128xf32, #tpu.memory_space<vmem_shared>> -> memref<96x128xf32, #tpu.memory_space<vmem_shared>>
      %dma_start3A_134 = arith.constant 0 : i32
      %dma_start3A_135 = tpu.memref_slice %arg7[%add3A_39, %dma_start3A_134] : memref<10112x128xf32, #tpu.memory_space<vmem_shared>> -> memref<96x128xf32, #tpu.memory_space<vmem_shared>>
      %dma_start3A_136 = arith.constant 0 : i32
      %dma_start3A_137 = arith.constant 0 : i32
      %dma_start3A_138 = tpu.memref_slice %arg10[%run_scoped3A_40, %dma_start3A_136, %dma_start3A_137] : memref<2x96x128xf32, #tpu.memory_space<vmem>> -> memref<1x96x128xf32, #tpu.memory_space<vmem>>
      %dma_start3A_139 = tpu.memref_squeeze %dma_start3A_138 : memref<1x96x128xf32, #tpu.memory_space<vmem>> -> memref<96x128xf32, #tpu.memory_space<vmem>>
      tpu.enqueue_dma source(%dma_start3A_139 : memref<96x128xf32, #tpu.memory_space<vmem>>) target(%dma_start3A_135 : memref<96x128xf32, #tpu.memory_space<vmem_shared>>) target_semaphore(%run_scoped3A_128 : memref<!tpu.dma_semaphore, #tpu.memory_space<semaphore_mem>>)
      %dma_wait3A = arith.constant 0 : i32
      %dma_wait3A_140 = arith.constant 0 : i32
      %dma_wait3A_141 = tpu.memref_slice %arg10[%run_scoped3A_40, %dma_wait3A, %dma_wait3A_140] : memref<2x96x128xf32, #tpu.memory_space<vmem>> -> memref<1x96x128xf32, #tpu.memory_space<vmem>>
      %dma_wait3A_142 = tpu.memref_squeeze %dma_wait3A_141 : memref<1x96x128xf32, #tpu.memory_space<vmem>> -> memref<96x128xf32, #tpu.memory_space<vmem>>
      %dma_wait3A_143 = arith.constant 0 : i32
      %dma_wait3A_144 = tpu.memref_slice %arg7[%add3A_39, %dma_wait3A_143] : memref<10112x128xf32, #tpu.memory_space<vmem_shared>> -> memref<96x128xf32, #tpu.memory_space<vmem_shared>>
      %dma_wait3A_145 = arith.constant 0 : i32
      %dma_wait3A_146 = tpu.memref_slice %arg7[%add3A_39, %dma_wait3A_145] : memref<10112x128xf32, #tpu.memory_space<vmem_shared>> -> memref<96x128xf32, #tpu.memory_space<vmem_shared>>
      %dma_wait3A_147 = arith.constant 0 : i32
      %dma_wait3A_148 = arith.constant 0 : i32
      %dma_wait3A_149 = tpu.memref_slice %arg10[%run_scoped3A_40, %dma_wait3A_147, %dma_wait3A_148] : memref<2x96x128xf32, #tpu.memory_space<vmem>> -> memref<1x96x128xf32, #tpu.memory_space<vmem>>
      %dma_wait3A_150 = tpu.memref_squeeze %dma_wait3A_149 : memref<1x96x128xf32, #tpu.memory_space<vmem>> -> memref<96x128xf32, #tpu.memory_space<vmem>>
      tpu.wait_dma2 semaphore(%run_scoped3A_128 : memref<!tpu.dma_semaphore, #tpu.memory_space<semaphore_mem>>) src(%dma_wait3A_150 : memref<96x128xf32, #tpu.memory_space<vmem>>) dst(%dma_wait3A_146 : memref<96x128xf32, #tpu.memory_space<vmem_shared>>)
      tpu.yield
    }) : () -> ()
    %mul3A_41 = arith.constant 632 : i32
    %mul3A_42 = arith.muli %arg1, %mul3A_41 : i32
    %add3A_43 = arith.constant 576 : i32
    %add3A_44 = arith.addi %mul3A_42, %add3A_43 : i32
    %run_scoped3A_45 = arith.constant 0 : i32
    "tpu.region"() ({
      %run_scoped3A_128 = tpu.sem_alloc : memref<!tpu.dma_semaphore, #tpu.memory_space<semaphore_mem>>
      %dma_start3A = arith.constant 0 : i32
      %dma_start3A_129 = arith.constant 0 : i32
      %dma_start3A_130 = tpu.memref_slice %arg10[%run_scoped3A_45, %dma_start3A, %dma_start3A_129] : memref<2x96x128xf32, #tpu.memory_space<vmem>> -> memref<1x56x128xf32, #tpu.memory_space<vmem>>
      %dma_start3A_131 = tpu.memref_squeeze %dma_start3A_130 : memref<1x56x128xf32, #tpu.memory_space<vmem>> -> memref<56x128xf32, #tpu.memory_space<vmem>>
      %dma_start3A_132 = arith.constant 0 : i32
      %dma_start3A_133 = tpu.memref_slice %arg7[%add3A_44, %dma_start3A_132] : memref<10112x128xf32, #tpu.memory_space<vmem_shared>> -> memref<56x128xf32, #tpu.memory_space<vmem_shared>>
      %dma_start3A_134 = arith.constant 0 : i32
      %dma_start3A_135 = tpu.memref_slice %arg7[%add3A_44, %dma_start3A_134] : memref<10112x128xf32, #tpu.memory_space<vmem_shared>> -> memref<56x128xf32, #tpu.memory_space<vmem_shared>>
      %dma_start3A_136 = arith.constant 0 : i32
      %dma_start3A_137 = arith.constant 0 : i32
      %dma_start3A_138 = tpu.memref_slice %arg10[%run_scoped3A_45, %dma_start3A_136, %dma_start3A_137] : memref<2x96x128xf32, #tpu.memory_space<vmem>> -> memref<1x56x128xf32, #tpu.memory_space<vmem>>
      %dma_start3A_139 = tpu.memref_squeeze %dma_start3A_138 : memref<1x56x128xf32, #tpu.memory_space<vmem>> -> memref<56x128xf32, #tpu.memory_space<vmem>>
      tpu.enqueue_dma source(%dma_start3A_139 : memref<56x128xf32, #tpu.memory_space<vmem>>) target(%dma_start3A_135 : memref<56x128xf32, #tpu.memory_space<vmem_shared>>) target_semaphore(%run_scoped3A_128 : memref<!tpu.dma_semaphore, #tpu.memory_space<semaphore_mem>>)
      %dma_wait3A = arith.constant 0 : i32
      %dma_wait3A_140 = arith.constant 0 : i32
      %dma_wait3A_141 = tpu.memref_slice %arg10[%run_scoped3A_45, %dma_wait3A, %dma_wait3A_140] : memref<2x96x128xf32, #tpu.memory_space<vmem>> -> memref<1x56x128xf32, #tpu.memory_space<vmem>>
      %dma_wait3A_142 = tpu.memref_squeeze %dma_wait3A_141 : memref<1x56x128xf32, #tpu.memory_space<vmem>> -> memref<56x128xf32, #tpu.memory_space<vmem>>
      %dma_wait3A_143 = arith.constant 0 : i32
      %dma_wait3A_144 = tpu.memref_slice %arg7[%add3A_44, %dma_wait3A_143] : memref<10112x128xf32, #tpu.memory_space<vmem_shared>> -> memref<56x128xf32, #tpu.memory_space<vmem_shared>>
      %dma_wait3A_145 = arith.constant 0 : i32
      %dma_wait3A_146 = tpu.memref_slice %arg7[%add3A_44, %dma_wait3A_145] : memref<10112x128xf32, #tpu.memory_space<vmem_shared>> -> memref<56x128xf32, #tpu.memory_space<vmem_shared>>
      %dma_wait3A_147 = arith.constant 0 : i32
      %dma_wait3A_148 = arith.constant 0 : i32
      %dma_wait3A_149 = tpu.memref_slice %arg10[%run_scoped3A_45, %dma_wait3A_147, %dma_wait3A_148] : memref<2x96x128xf32, #tpu.memory_space<vmem>> -> memref<1x56x128xf32, #tpu.memory_space<vmem>>
      %dma_wait3A_150 = tpu.memref_squeeze %dma_wait3A_149 : memref<1x56x128xf32, #tpu.memory_space<vmem>> -> memref<56x128xf32, #tpu.memory_space<vmem>>
      tpu.wait_dma2 semaphore(%run_scoped3A_128 : memref<!tpu.dma_semaphore, #tpu.memory_space<semaphore_mem>>) src(%dma_wait3A_150 : memref<56x128xf32, #tpu.memory_space<vmem>>) dst(%dma_wait3A_146 : memref<56x128xf32, #tpu.memory_space<vmem_shared>>)
      tpu.yield
    }) : () -> ()
    %barrier3A = arith.constant 0 : index
    tpu.barrier barrier_id(%barrier3A)
    %add3A_46 = arith.constant 1 : i32
    %add3A_47 = arith.addi %select_n3A, %add3A_46 : i32
    %while3A = arith.constant 0 : i32
    %while3A_48 = arith.constant 0 : i32
    %while3A_49 = arith.subi %add3A_47, %while3A_48 : i32
    %while3A_50 = arith.addi %while3A_48, %while3A_49 : i32
    %while3A_51 = arith.constant 1 : i32
    %while3A_52 = arith.divsi %while3A_49, %while3A_51 : i32
    %while3A_53 = arith.muli %while3A_52, %while3A_51 : i32
    %while3A_54 = arith.addi %while3A_48, %while3A_53 : i32
    %while3A_55 = arith.constant 1 : i32
    scf.for %while3A_128 = %while3A_48 to %while3A_54 step %while3A_55  : i32 {
      %and3A = arith.constant 1 : i32
      %and3A_129 = arith.andi %while3A_128, %and3A : i32
      %lt3A = arith.cmpi slt, %while3A_128, %select_n3A : i32
      %convert_element_type3A = arith.extui %lt3A : i1 to i32
      %cond3A = arith.constant 0 : i32
      %cond3A_130 = arith.cmpi ne, %convert_element_type3A, %cond3A : i32
      scf.if %cond3A_130 {
        %mul3A_135 = arith.constant 96 : i32
        %mul3A_136 = arith.muli %while3A_128, %mul3A_135 : i32
        %dma_start3A = arith.constant 0 : i32
        %dma_start3A_137 = arith.constant 0 : i32
        %dma_start3A_138 = tpu.memref_slice %arg10[%and3A_129, %dma_start3A, %dma_start3A_137] : memref<2x96x128xf32, #tpu.memory_space<vmem>> -> memref<1x96x128xf32, #tpu.memory_space<vmem>>
        %dma_start3A_139 = tpu.memref_squeeze %dma_start3A_138 : memref<1x96x128xf32, #tpu.memory_space<vmem>> -> memref<96x128xf32, #tpu.memory_space<vmem>>
        %dma_start3A_140 = tpu.memref_slice %arg8[%mul3A_136] : memref<18720xi32, #tpu.memory_space<vmem>> -> memref<96xi32, #tpu.memory_space<vmem>>
        %dma_start3A_141 = arith.constant 0 : i32
        %dma_start3A_142 = arith.constant 0 : i32
        %dma_start3A_143 = tpu.memref_slice %arg2[%dma_start3A_141, %dma_start3A_142] : memref<10112x128xf32, #tpu.memory_space<hbm>> -> memref<10112x128xf32, #tpu.memory_space<hbm>>
        %dma_start3A_144 = tpu.memref_slice %arg11[%and3A_129] : memref<2x!tpu.dma_semaphore, #tpu.memory_space<semaphore_mem>> -> memref<1x!tpu.dma_semaphore, #tpu.memory_space<semaphore_mem>>
        %dma_start3A_145 = tpu.memref_squeeze %dma_start3A_144 : memref<1x!tpu.dma_semaphore, #tpu.memory_space<semaphore_mem>> -> memref<!tpu.dma_semaphore, #tpu.memory_space<semaphore_mem>>
        tpu.enqueue_indirect_dma source(%dma_start3A_143 : memref<10112x128xf32, #tpu.memory_space<hbm>>) target(%dma_start3A_139 : memref<96x128xf32, #tpu.memory_space<vmem>>) offsets(%dma_start3A_140 : memref<96xi32, #tpu.memory_space<vmem>>) semaphore(%dma_start3A_145 : memref<!tpu.dma_semaphore, #tpu.memory_space<semaphore_mem>>)
        %add3A_146 = arith.addi %select_n3A_8, %while3A_128 : i32
        %mul3A_147 = arith.constant 96 : i32
        %mul3A_148 = arith.muli %add3A_146, %mul3A_147 : i32
        "tpu.region"() ({
          %run_scoped3A_149 = tpu.sem_alloc : memref<!tpu.dma_semaphore, #tpu.memory_space<semaphore_mem>>
          %dma_start3A_150 = arith.constant 0 : i32
          %dma_start3A_151 = tpu.memref_slice %arg9[%and3A_129, %dma_start3A_150] : memref<2x96xi32, #tpu.memory_space<vmem>> -> memref<1x96xi32, #tpu.memory_space<vmem>>
          %dma_start3A_152 = tpu.memref_squeeze %dma_start3A_151 : memref<1x96xi32, #tpu.memory_space<vmem>> -> memref<96xi32, #tpu.memory_space<vmem>>
          %dma_start3A_153 = tpu.memref_slice %arg4[%mul3A_148] : memref<322560xi32, #tpu.memory_space<hbm>> -> memref<96xi32, #tpu.memory_space<hbm>>
          %dma_start3A_154 = arith.constant 0 : i32
          %dma_start3A_155 = tpu.memref_slice %arg9[%and3A_129, %dma_start3A_154] : memref<2x96xi32, #tpu.memory_space<vmem>> -> memref<1x96xi32, #tpu.memory_space<vmem>>
          %dma_start3A_156 = tpu.memref_squeeze %dma_start3A_155 : memref<1x96xi32, #tpu.memory_space<vmem>> -> memref<96xi32, #tpu.memory_space<vmem>>
          %dma_start3A_157 = tpu.memref_slice %arg4[%mul3A_148] : memref<322560xi32, #tpu.memory_space<hbm>> -> memref<96xi32, #tpu.memory_space<hbm>>
          tpu.enqueue_dma source(%dma_start3A_157 : memref<96xi32, #tpu.memory_space<hbm>>) target(%dma_start3A_156 : memref<96xi32, #tpu.memory_space<vmem>>) target_semaphore(%run_scoped3A_149 : memref<!tpu.dma_semaphore, #tpu.memory_space<semaphore_mem>>)
          %dma_wait3A = arith.constant 0 : i32
          %dma_wait3A_158 = tpu.memref_slice %arg9[%and3A_129, %dma_wait3A] : memref<2x96xi32, #tpu.memory_space<vmem>> -> memref<1x96xi32, #tpu.memory_space<vmem>>
          %dma_wait3A_159 = tpu.memref_squeeze %dma_wait3A_158 : memref<1x96xi32, #tpu.memory_space<vmem>> -> memref<96xi32, #tpu.memory_space<vmem>>
          %dma_wait3A_160 = tpu.memref_slice %arg4[%mul3A_148] : memref<322560xi32, #tpu.memory_space<hbm>> -> memref<96xi32, #tpu.memory_space<hbm>>
          %dma_wait3A_161 = arith.constant 0 : i32
          %dma_wait3A_162 = tpu.memref_slice %arg9[%and3A_129, %dma_wait3A_161] : memref<2x96xi32, #tpu.memory_space<vmem>> -> memref<1x96xi32, #tpu.memory_space<vmem>>
          %dma_wait3A_163 = tpu.memref_squeeze %dma_wait3A_162 : memref<1x96xi32, #tpu.memory_space<vmem>> -> memref<96xi32, #tpu.memory_space<vmem>>
          %dma_wait3A_164 = tpu.memref_slice %arg4[%mul3A_148] : memref<322560xi32, #tpu.memory_space<hbm>> -> memref<96xi32, #tpu.memory_space<hbm>>
          tpu.wait_dma2 semaphore(%run_scoped3A_149 : memref<!tpu.dma_semaphore, #tpu.memory_space<semaphore_mem>>) src(%dma_wait3A_164 : memref<96xi32, #tpu.memory_space<hbm>>) dst(%dma_wait3A_163 : memref<96xi32, #tpu.memory_space<vmem>>)
          tpu.yield
        }) : () -> ()
      } else {
      }
      %gt3A = arith.constant 0 : i32
      %gt3A_131 = arith.cmpi sgt, %while3A_128, %gt3A : i32
      %convert_element_type3A_132 = arith.extui %gt3A_131 : i1 to i32
      %cond3A_133 = arith.constant 0 : i32
      %cond3A_134 = arith.cmpi ne, %convert_element_type3A_132, %cond3A_133 : i32
      scf.if %cond3A_134 {
        %sub3A = arith.constant 1 : i32
        %sub3A_135 = arith.subi %sub3A, %and3A_129 : i32
        %sub3A_136 = arith.constant 1 : i32
        %sub3A_137 = arith.subi %while3A_128, %sub3A_136 : i32
        %mul3A_138 = arith.constant 96 : i32
        %mul3A_139 = arith.muli %sub3A_137, %mul3A_138 : i32
        %dma_wait3A = arith.constant 0 : i32
        %dma_wait3A_140 = arith.constant 0 : i32
        %dma_wait3A_141 = tpu.memref_slice %arg10[%sub3A_135, %dma_wait3A, %dma_wait3A_140] : memref<2x96x128xf32, #tpu.memory_space<vmem>> -> memref<1x96x128xf32, #tpu.memory_space<vmem>>
        %dma_wait3A_142 = tpu.memref_squeeze %dma_wait3A_141 : memref<1x96x128xf32, #tpu.memory_space<vmem>> -> memref<96x128xf32, #tpu.memory_space<vmem>>
        %dma_wait3A_143 = tpu.memref_slice %arg8[%mul3A_139] : memref<18720xi32, #tpu.memory_space<vmem>> -> memref<96xi32, #tpu.memory_space<vmem>>
        %dma_wait3A_144 = arith.constant 0 : i32
        %dma_wait3A_145 = arith.constant 0 : i32
        %dma_wait3A_146 = tpu.memref_slice %arg2[%dma_wait3A_144, %dma_wait3A_145] : memref<10112x128xf32, #tpu.memory_space<hbm>> -> memref<10112x128xf32, #tpu.memory_space<hbm>>
        %dma_wait3A_147 = tpu.memref_slice %arg11[%sub3A_135] : memref<2x!tpu.dma_semaphore, #tpu.memory_space<semaphore_mem>> -> memref<1x!tpu.dma_semaphore, #tpu.memory_space<semaphore_mem>>
        %dma_wait3A_148 = tpu.memref_squeeze %dma_wait3A_147 : memref<1x!tpu.dma_semaphore, #tpu.memory_space<semaphore_mem>> -> memref<!tpu.dma_semaphore, #tpu.memory_space<semaphore_mem>>
        tpu.wait_indirect_dma semaphore(%dma_wait3A_148 : memref<!tpu.dma_semaphore, #tpu.memory_space<semaphore_mem>>) src(%dma_wait3A_146 : memref<10112x128xf32, #tpu.memory_space<hbm>>) dst(%dma_wait3A_142 : memref<96x128xf32, #tpu.memory_space<vmem>>)
        "tpu.region"() ({
          %run_scoped3A_149 = tpu.sem_alloc : memref<!tpu.dma_semaphore, #tpu.memory_space<semaphore_mem>>
          %dma_start3A = arith.constant 0 : i32
          %dma_start3A_150 = arith.constant 0 : i32
          %dma_start3A_151 = tpu.memref_slice %arg10[%sub3A_135, %dma_start3A, %dma_start3A_150] : memref<2x96x128xf32, #tpu.memory_space<vmem>> -> memref<1x96x128xf32, #tpu.memory_space<vmem>>
          %dma_start3A_152 = tpu.memref_squeeze %dma_start3A_151 : memref<1x96x128xf32, #tpu.memory_space<vmem>> -> memref<96x128xf32, #tpu.memory_space<vmem>>
          %dma_start3A_153 = arith.constant 0 : i32
          %dma_start3A_154 = tpu.memref_slice %arg9[%sub3A_135, %dma_start3A_153] : memref<2x96xi32, #tpu.memory_space<vmem>> -> memref<1x96xi32, #tpu.memory_space<vmem>>
          %dma_start3A_155 = tpu.memref_squeeze %dma_start3A_154 : memref<1x96xi32, #tpu.memory_space<vmem>> -> memref<96xi32, #tpu.memory_space<vmem>>
          %dma_start3A_156 = arith.constant 0 : i32
          %dma_start3A_157 = arith.constant 0 : i32
          %dma_start3A_158 = tpu.memref_slice %arg7[%dma_start3A_156, %dma_start3A_157] : memref<10112x128xf32, #tpu.memory_space<vmem_shared>> -> memref<10112x128xf32, #tpu.memory_space<vmem_shared>>
          tpu.enqueue_indirect_dma source(%dma_start3A_152 : memref<96x128xf32, #tpu.memory_space<vmem>>) target(%dma_start3A_158 : memref<10112x128xf32, #tpu.memory_space<vmem_shared>>) offsets(%dma_start3A_155 : memref<96xi32, #tpu.memory_space<vmem>>) semaphore(%run_scoped3A_149 : memref<!tpu.dma_semaphore, #tpu.memory_space<semaphore_mem>>) {add = true}
          %dma_wait3A_159 = arith.constant 0 : i32
          %dma_wait3A_160 = arith.constant 0 : i32
          %dma_wait3A_161 = tpu.memref_slice %arg10[%sub3A_135, %dma_wait3A_159, %dma_wait3A_160] : memref<2x96x128xf32, #tpu.memory_space<vmem>> -> memref<1x96x128xf32, #tpu.memory_space<vmem>>
          %dma_wait3A_162 = tpu.memref_squeeze %dma_wait3A_161 : memref<1x96x128xf32, #tpu.memory_space<vmem>> -> memref<96x128xf32, #tpu.memory_space<vmem>>
          %dma_wait3A_163 = arith.constant 0 : i32
          %dma_wait3A_164 = tpu.memref_slice %arg9[%sub3A_135, %dma_wait3A_163] : memref<2x96xi32, #tpu.memory_space<vmem>> -> memref<1x96xi32, #tpu.memory_space<vmem>>
          %dma_wait3A_165 = tpu.memref_squeeze %dma_wait3A_164 : memref<1x96xi32, #tpu.memory_space<vmem>> -> memref<96xi32, #tpu.memory_space<vmem>>
          %dma_wait3A_166 = arith.constant 0 : i32
          %dma_wait3A_167 = arith.constant 0 : i32
          %dma_wait3A_168 = tpu.memref_slice %arg7[%dma_wait3A_166, %dma_wait3A_167] : memref<10112x128xf32, #tpu.memory_space<vmem_shared>> -> memref<10112x128xf32, #tpu.memory_space<vmem_shared>>
          tpu.wait_indirect_dma semaphore(%run_scoped3A_149 : memref<!tpu.dma_semaphore, #tpu.memory_space<semaphore_mem>>) src(%dma_wait3A_162 : memref<96x128xf32, #tpu.memory_space<vmem>>) dst(%dma_wait3A_168 : memref<10112x128xf32, #tpu.memory_space<vmem_shared>>)
          tpu.yield
        }) : () -> ()
      } else {
      }
    }
    %while3A_56 = arith.constant 1 : i32
    scf.for %while3A_128 = %while3A_54 to %while3A_50 step %while3A_56  : i32 {
      %and3A = arith.constant 1 : i32
      %and3A_129 = arith.andi %while3A_128, %and3A : i32
      %lt3A = arith.cmpi slt, %while3A_128, %select_n3A : i32
      %convert_element_type3A = arith.extui %lt3A : i1 to i32
      %cond3A = arith.constant 0 : i32
      %cond3A_130 = arith.cmpi ne, %convert_element_type3A, %cond3A : i32
      scf.if %cond3A_130 {
        %mul3A_135 = arith.constant 96 : i32
        %mul3A_136 = arith.muli %while3A_128, %mul3A_135 : i32
        %dma_start3A = arith.constant 0 : i32
        %dma_start3A_137 = arith.constant 0 : i32
        %dma_start3A_138 = tpu.memref_slice %arg10[%and3A_129, %dma_start3A, %dma_start3A_137] : memref<2x96x128xf32, #tpu.memory_space<vmem>> -> memref<1x96x128xf32, #tpu.memory_space<vmem>>
        %dma_start3A_139 = tpu.memref_squeeze %dma_start3A_138 : memref<1x96x128xf32, #tpu.memory_space<vmem>> -> memref<96x128xf32, #tpu.memory_space<vmem>>
        %dma_start3A_140 = tpu.memref_slice %arg8[%mul3A_136] : memref<18720xi32, #tpu.memory_space<vmem>> -> memref<96xi32, #tpu.memory_space<vmem>>
        %dma_start3A_141 = arith.constant 0 : i32
        %dma_start3A_142 = arith.constant 0 : i32
        %dma_start3A_143 = tpu.memref_slice %arg2[%dma_start3A_141, %dma_start3A_142] : memref<10112x128xf32, #tpu.memory_space<hbm>> -> memref<10112x128xf32, #tpu.memory_space<hbm>>
        %dma_start3A_144 = tpu.memref_slice %arg11[%and3A_129] : memref<2x!tpu.dma_semaphore, #tpu.memory_space<semaphore_mem>> -> memref<1x!tpu.dma_semaphore, #tpu.memory_space<semaphore_mem>>
        %dma_start3A_145 = tpu.memref_squeeze %dma_start3A_144 : memref<1x!tpu.dma_semaphore, #tpu.memory_space<semaphore_mem>> -> memref<!tpu.dma_semaphore, #tpu.memory_space<semaphore_mem>>
        tpu.enqueue_indirect_dma source(%dma_start3A_143 : memref<10112x128xf32, #tpu.memory_space<hbm>>) target(%dma_start3A_139 : memref<96x128xf32, #tpu.memory_space<vmem>>) offsets(%dma_start3A_140 : memref<96xi32, #tpu.memory_space<vmem>>) semaphore(%dma_start3A_145 : memref<!tpu.dma_semaphore, #tpu.memory_space<semaphore_mem>>)
        %add3A_146 = arith.addi %select_n3A_8, %while3A_128 : i32
        %mul3A_147 = arith.constant 96 : i32
        %mul3A_148 = arith.muli %add3A_146, %mul3A_147 : i32
        "tpu.region"() ({
          %run_scoped3A_149 = tpu.sem_alloc : memref<!tpu.dma_semaphore, #tpu.memory_space<semaphore_mem>>
          %dma_start3A_150 = arith.constant 0 : i32
          %dma_start3A_151 = tpu.memref_slice %arg9[%and3A_129, %dma_start3A_150] : memref<2x96xi32, #tpu.memory_space<vmem>> -> memref<1x96xi32, #tpu.memory_space<vmem>>
          %dma_start3A_152 = tpu.memref_squeeze %dma_start3A_151 : memref<1x96xi32, #tpu.memory_space<vmem>> -> memref<96xi32, #tpu.memory_space<vmem>>
          %dma_start3A_153 = tpu.memref_slice %arg4[%mul3A_148] : memref<322560xi32, #tpu.memory_space<hbm>> -> memref<96xi32, #tpu.memory_space<hbm>>
          %dma_start3A_154 = arith.constant 0 : i32
          %dma_start3A_155 = tpu.memref_slice %arg9[%and3A_129, %dma_start3A_154] : memref<2x96xi32, #tpu.memory_space<vmem>> -> memref<1x96xi32, #tpu.memory_space<vmem>>
          %dma_start3A_156 = tpu.memref_squeeze %dma_start3A_155 : memref<1x96xi32, #tpu.memory_space<vmem>> -> memref<96xi32, #tpu.memory_space<vmem>>
          %dma_start3A_157 = tpu.memref_slice %arg4[%mul3A_148] : memref<322560xi32, #tpu.memory_space<hbm>> -> memref<96xi32, #tpu.memory_space<hbm>>
          tpu.enqueue_dma source(%dma_start3A_157 : memref<96xi32, #tpu.memory_space<hbm>>) target(%dma_start3A_156 : memref<96xi32, #tpu.memory_space<vmem>>) target_semaphore(%run_scoped3A_149 : memref<!tpu.dma_semaphore, #tpu.memory_space<semaphore_mem>>)
          %dma_wait3A = arith.constant 0 : i32
          %dma_wait3A_158 = tpu.memref_slice %arg9[%and3A_129, %dma_wait3A] : memref<2x96xi32, #tpu.memory_space<vmem>> -> memref<1x96xi32, #tpu.memory_space<vmem>>
          %dma_wait3A_159 = tpu.memref_squeeze %dma_wait3A_158 : memref<1x96xi32, #tpu.memory_space<vmem>> -> memref<96xi32, #tpu.memory_space<vmem>>
          %dma_wait3A_160 = tpu.memref_slice %arg4[%mul3A_148] : memref<322560xi32, #tpu.memory_space<hbm>> -> memref<96xi32, #tpu.memory_space<hbm>>
          %dma_wait3A_161 = arith.constant 0 : i32
          %dma_wait3A_162 = tpu.memref_slice %arg9[%and3A_129, %dma_wait3A_161] : memref<2x96xi32, #tpu.memory_space<vmem>> -> memref<1x96xi32, #tpu.memory_space<vmem>>
          %dma_wait3A_163 = tpu.memref_squeeze %dma_wait3A_162 : memref<1x96xi32, #tpu.memory_space<vmem>> -> memref<96xi32, #tpu.memory_space<vmem>>
          %dma_wait3A_164 = tpu.memref_slice %arg4[%mul3A_148] : memref<322560xi32, #tpu.memory_space<hbm>> -> memref<96xi32, #tpu.memory_space<hbm>>
          tpu.wait_dma2 semaphore(%run_scoped3A_149 : memref<!tpu.dma_semaphore, #tpu.memory_space<semaphore_mem>>) src(%dma_wait3A_164 : memref<96xi32, #tpu.memory_space<hbm>>) dst(%dma_wait3A_163 : memref<96xi32, #tpu.memory_space<vmem>>)
          tpu.yield
        }) : () -> ()
      } else {
      }
      %gt3A = arith.constant 0 : i32
      %gt3A_131 = arith.cmpi sgt, %while3A_128, %gt3A : i32
      %convert_element_type3A_132 = arith.extui %gt3A_131 : i1 to i32
      %cond3A_133 = arith.constant 0 : i32
      %cond3A_134 = arith.cmpi ne, %convert_element_type3A_132, %cond3A_133 : i32
      scf.if %cond3A_134 {
        %sub3A = arith.constant 1 : i32
        %sub3A_135 = arith.subi %sub3A, %and3A_129 : i32
        %sub3A_136 = arith.constant 1 : i32
        %sub3A_137 = arith.subi %while3A_128, %sub3A_136 : i32
        %mul3A_138 = arith.constant 96 : i32
        %mul3A_139 = arith.muli %sub3A_137, %mul3A_138 : i32
        %dma_wait3A = arith.constant 0 : i32
        %dma_wait3A_140 = arith.constant 0 : i32
        %dma_wait3A_141 = tpu.memref_slice %arg10[%sub3A_135, %dma_wait3A, %dma_wait3A_140] : memref<2x96x128xf32, #tpu.memory_space<vmem>> -> memref<1x96x128xf32, #tpu.memory_space<vmem>>
        %dma_wait3A_142 = tpu.memref_squeeze %dma_wait3A_141 : memref<1x96x128xf32, #tpu.memory_space<vmem>> -> memref<96x128xf32, #tpu.memory_space<vmem>>
        %dma_wait3A_143 = tpu.memref_slice %arg8[%mul3A_139] : memref<18720xi32, #tpu.memory_space<vmem>> -> memref<96xi32, #tpu.memory_space<vmem>>
        %dma_wait3A_144 = arith.constant 0 : i32
        %dma_wait3A_145 = arith.constant 0 : i32
        %dma_wait3A_146 = tpu.memref_slice %arg2[%dma_wait3A_144, %dma_wait3A_145] : memref<10112x128xf32, #tpu.memory_space<hbm>> -> memref<10112x128xf32, #tpu.memory_space<hbm>>
        %dma_wait3A_147 = tpu.memref_slice %arg11[%sub3A_135] : memref<2x!tpu.dma_semaphore, #tpu.memory_space<semaphore_mem>> -> memref<1x!tpu.dma_semaphore, #tpu.memory_space<semaphore_mem>>
        %dma_wait3A_148 = tpu.memref_squeeze %dma_wait3A_147 : memref<1x!tpu.dma_semaphore, #tpu.memory_space<semaphore_mem>> -> memref<!tpu.dma_semaphore, #tpu.memory_space<semaphore_mem>>
        tpu.wait_indirect_dma semaphore(%dma_wait3A_148 : memref<!tpu.dma_semaphore, #tpu.memory_space<semaphore_mem>>) src(%dma_wait3A_146 : memref<10112x128xf32, #tpu.memory_space<hbm>>) dst(%dma_wait3A_142 : memref<96x128xf32, #tpu.memory_space<vmem>>)
        "tpu.region"() ({
          %run_scoped3A_149 = tpu.sem_alloc : memref<!tpu.dma_semaphore, #tpu.memory_space<semaphore_mem>>
          %dma_start3A = arith.constant 0 : i32
          %dma_start3A_150 = arith.constant 0 : i32
          %dma_start3A_151 = tpu.memref_slice %arg10[%sub3A_135, %dma_start3A, %dma_start3A_150] : memref<2x96x128xf32, #tpu.memory_space<vmem>> -> memref<1x96x128xf32, #tpu.memory_space<vmem>>
          %dma_start3A_152 = tpu.memref_squeeze %dma_start3A_151 : memref<1x96x128xf32, #tpu.memory_space<vmem>> -> memref<96x128xf32, #tpu.memory_space<vmem>>
          %dma_start3A_153 = arith.constant 0 : i32
          %dma_start3A_154 = tpu.memref_slice %arg9[%sub3A_135, %dma_start3A_153] : memref<2x96xi32, #tpu.memory_space<vmem>> -> memref<1x96xi32, #tpu.memory_space<vmem>>
          %dma_start3A_155 = tpu.memref_squeeze %dma_start3A_154 : memref<1x96xi32, #tpu.memory_space<vmem>> -> memref<96xi32, #tpu.memory_space<vmem>>
          %dma_start3A_156 = arith.constant 0 : i32
          %dma_start3A_157 = arith.constant 0 : i32
          %dma_start3A_158 = tpu.memref_slice %arg7[%dma_start3A_156, %dma_start3A_157] : memref<10112x128xf32, #tpu.memory_space<vmem_shared>> -> memref<10112x128xf32, #tpu.memory_space<vmem_shared>>
          tpu.enqueue_indirect_dma source(%dma_start3A_152 : memref<96x128xf32, #tpu.memory_space<vmem>>) target(%dma_start3A_158 : memref<10112x128xf32, #tpu.memory_space<vmem_shared>>) offsets(%dma_start3A_155 : memref<96xi32, #tpu.memory_space<vmem>>) semaphore(%run_scoped3A_149 : memref<!tpu.dma_semaphore, #tpu.memory_space<semaphore_mem>>) {add = true}
          %dma_wait3A_159 = arith.constant 0 : i32
          %dma_wait3A_160 = arith.constant 0 : i32
          %dma_wait3A_161 = tpu.memref_slice %arg10[%sub3A_135, %dma_wait3A_159, %dma_wait3A_160] : memref<2x96x128xf32, #tpu.memory_space<vmem>> -> memref<1x96x128xf32, #tpu.memory_space<vmem>>
          %dma_wait3A_162 = tpu.memref_squeeze %dma_wait3A_161 : memref<1x96x128xf32, #tpu.memory_space<vmem>> -> memref<96x128xf32, #tpu.memory_space<vmem>>
          %dma_wait3A_163 = arith.constant 0 : i32
          %dma_wait3A_164 = tpu.memref_slice %arg9[%sub3A_135, %dma_wait3A_163] : memref<2x96xi32, #tpu.memory_space<vmem>> -> memref<1x96xi32, #tpu.memory_space<vmem>>
          %dma_wait3A_165 = tpu.memref_squeeze %dma_wait3A_164 : memref<1x96xi32, #tpu.memory_space<vmem>> -> memref<96xi32, #tpu.memory_space<vmem>>
          %dma_wait3A_166 = arith.constant 0 : i32
          %dma_wait3A_167 = arith.constant 0 : i32
          %dma_wait3A_168 = tpu.memref_slice %arg7[%dma_wait3A_166, %dma_wait3A_167] : memref<10112x128xf32, #tpu.memory_space<vmem_shared>> -> memref<10112x128xf32, #tpu.memory_space<vmem_shared>>
          tpu.wait_indirect_dma semaphore(%run_scoped3A_149 : memref<!tpu.dma_semaphore, #tpu.memory_space<semaphore_mem>>) src(%dma_wait3A_162 : memref<96x128xf32, #tpu.memory_space<vmem>>) dst(%dma_wait3A_168 : memref<10112x128xf32, #tpu.memory_space<vmem_shared>>)
          tpu.yield
        }) : () -> ()
      } else {
      }
    }
    %barrier3A_57 = arith.constant 0 : index
    tpu.barrier barrier_id(%barrier3A_57)
    %mul3A_58 = arith.constant 632 : i32
    %mul3A_59 = arith.muli %arg1, %mul3A_58 : i32
    %add3A_60 = arith.constant 0 : i32
    %add3A_61 = arith.addi %mul3A_59, %add3A_60 : i32
    %run_scoped3A_62 = arith.constant 0 : i32
    "tpu.region"() ({
      %run_scoped3A_128 = tpu.sem_alloc : memref<!tpu.dma_semaphore, #tpu.memory_space<semaphore_mem>>
      %dma_start3A = arith.constant 0 : i32
      %dma_start3A_129 = arith.constant 0 : i32
      %dma_start3A_130 = tpu.memref_slice %arg10[%run_scoped3A_62, %dma_start3A, %dma_start3A_129] : memref<2x96x128xf32, #tpu.memory_space<vmem>> -> memref<1x96x128xf32, #tpu.memory_space<vmem>>
      %dma_start3A_131 = tpu.memref_squeeze %dma_start3A_130 : memref<1x96x128xf32, #tpu.memory_space<vmem>> -> memref<96x128xf32, #tpu.memory_space<vmem>>
      %dma_start3A_132 = arith.constant 0 : i32
      %dma_start3A_133 = tpu.memref_slice %arg7[%add3A_61, %dma_start3A_132] : memref<10112x128xf32, #tpu.memory_space<vmem_shared>> -> memref<96x128xf32, #tpu.memory_space<vmem_shared>>
      %dma_start3A_134 = arith.constant 0 : i32
      %dma_start3A_135 = arith.constant 0 : i32
      %dma_start3A_136 = tpu.memref_slice %arg10[%run_scoped3A_62, %dma_start3A_134, %dma_start3A_135] : memref<2x96x128xf32, #tpu.memory_space<vmem>> -> memref<1x96x128xf32, #tpu.memory_space<vmem>>
      %dma_start3A_137 = tpu.memref_squeeze %dma_start3A_136 : memref<1x96x128xf32, #tpu.memory_space<vmem>> -> memref<96x128xf32, #tpu.memory_space<vmem>>
      %dma_start3A_138 = arith.constant 0 : i32
      %dma_start3A_139 = tpu.memref_slice %arg7[%add3A_61, %dma_start3A_138] : memref<10112x128xf32, #tpu.memory_space<vmem_shared>> -> memref<96x128xf32, #tpu.memory_space<vmem_shared>>
      tpu.enqueue_dma source(%dma_start3A_139 : memref<96x128xf32, #tpu.memory_space<vmem_shared>>) target(%dma_start3A_137 : memref<96x128xf32, #tpu.memory_space<vmem>>) target_semaphore(%run_scoped3A_128 : memref<!tpu.dma_semaphore, #tpu.memory_space<semaphore_mem>>)
      %dma_wait3A = arith.constant 0 : i32
      %dma_wait3A_140 = arith.constant 0 : i32
      %dma_wait3A_141 = tpu.memref_slice %arg10[%run_scoped3A_62, %dma_wait3A, %dma_wait3A_140] : memref<2x96x128xf32, #tpu.memory_space<vmem>> -> memref<1x96x128xf32, #tpu.memory_space<vmem>>
      %dma_wait3A_142 = tpu.memref_squeeze %dma_wait3A_141 : memref<1x96x128xf32, #tpu.memory_space<vmem>> -> memref<96x128xf32, #tpu.memory_space<vmem>>
      %dma_wait3A_143 = arith.constant 0 : i32
      %dma_wait3A_144 = tpu.memref_slice %arg7[%add3A_61, %dma_wait3A_143] : memref<10112x128xf32, #tpu.memory_space<vmem_shared>> -> memref<96x128xf32, #tpu.memory_space<vmem_shared>>
      %dma_wait3A_145 = arith.constant 0 : i32
      %dma_wait3A_146 = arith.constant 0 : i32
      %dma_wait3A_147 = tpu.memref_slice %arg10[%run_scoped3A_62, %dma_wait3A_145, %dma_wait3A_146] : memref<2x96x128xf32, #tpu.memory_space<vmem>> -> memref<1x96x128xf32, #tpu.memory_space<vmem>>
      %dma_wait3A_148 = tpu.memref_squeeze %dma_wait3A_147 : memref<1x96x128xf32, #tpu.memory_space<vmem>> -> memref<96x128xf32, #tpu.memory_space<vmem>>
      %dma_wait3A_149 = arith.constant 0 : i32
      %dma_wait3A_150 = tpu.memref_slice %arg7[%add3A_61, %dma_wait3A_149] : memref<10112x128xf32, #tpu.memory_space<vmem_shared>> -> memref<96x128xf32, #tpu.memory_space<vmem_shared>>
      tpu.wait_dma2 semaphore(%run_scoped3A_128 : memref<!tpu.dma_semaphore, #tpu.memory_space<semaphore_mem>>) src(%dma_wait3A_150 : memref<96x128xf32, #tpu.memory_space<vmem_shared>>) dst(%dma_wait3A_148 : memref<96x128xf32, #tpu.memory_space<vmem>>)
      tpu.yield
    }) : () -> ()
    %mul3A_63 = arith.constant 632 : i32
    %mul3A_64 = arith.muli %arg1, %mul3A_63 : i32
    %add3A_65 = arith.constant 0 : i32
    %add3A_66 = arith.addi %mul3A_64, %add3A_65 : i32
    %run_scoped3A_67 = arith.constant 0 : i32
    "tpu.region"() ({
      %run_scoped3A_128 = tpu.sem_alloc : memref<!tpu.dma_semaphore, #tpu.memory_space<semaphore_mem>>
      %dma_start3A = arith.constant 0 : i32
      %dma_start3A_129 = arith.constant 0 : i32
      %dma_start3A_130 = tpu.memref_slice %arg10[%run_scoped3A_67, %dma_start3A, %dma_start3A_129] : memref<2x96x128xf32, #tpu.memory_space<vmem>> -> memref<1x96x128xf32, #tpu.memory_space<vmem>>
      %dma_start3A_131 = tpu.memref_squeeze %dma_start3A_130 : memref<1x96x128xf32, #tpu.memory_space<vmem>> -> memref<96x128xf32, #tpu.memory_space<vmem>>
      %dma_start3A_132 = arith.constant 0 : i32
      %dma_start3A_133 = tpu.memref_slice %arg6[%arg0, %add3A_66, %dma_start3A_132] : memref<2x10112x128xf32, #tpu.memory_space<hbm>> -> memref<1x96x128xf32, #tpu.memory_space<hbm>>
      %dma_start3A_134 = tpu.memref_squeeze %dma_start3A_133 : memref<1x96x128xf32, #tpu.memory_space<hbm>> -> memref<96x128xf32, #tpu.memory_space<hbm>>
      %dma_start3A_135 = arith.constant 0 : i32
      %dma_start3A_136 = tpu.memref_slice %arg6[%arg0, %add3A_66, %dma_start3A_135] : memref<2x10112x128xf32, #tpu.memory_space<hbm>> -> memref<1x96x128xf32, #tpu.memory_space<hbm>>
      %dma_start3A_137 = tpu.memref_squeeze %dma_start3A_136 : memref<1x96x128xf32, #tpu.memory_space<hbm>> -> memref<96x128xf32, #tpu.memory_space<hbm>>
      %dma_start3A_138 = arith.constant 0 : i32
      %dma_start3A_139 = arith.constant 0 : i32
      %dma_start3A_140 = tpu.memref_slice %arg10[%run_scoped3A_67, %dma_start3A_138, %dma_start3A_139] : memref<2x96x128xf32, #tpu.memory_space<vmem>> -> memref<1x96x128xf32, #tpu.memory_space<vmem>>
      %dma_start3A_141 = tpu.memref_squeeze %dma_start3A_140 : memref<1x96x128xf32, #tpu.memory_space<vmem>> -> memref<96x128xf32, #tpu.memory_space<vmem>>
      tpu.enqueue_dma source(%dma_start3A_141 : memref<96x128xf32, #tpu.memory_space<vmem>>) target(%dma_start3A_137 : memref<96x128xf32, #tpu.memory_space<hbm>>) target_semaphore(%run_scoped3A_128 : memref<!tpu.dma_semaphore, #tpu.memory_space<semaphore_mem>>)
      %dma_wait3A = arith.constant 0 : i32
      %dma_wait3A_142 = arith.constant 0 : i32
      %dma_wait3A_143 = tpu.memref_slice %arg10[%run_scoped3A_67, %dma_wait3A, %dma_wait3A_142] : memref<2x96x128xf32, #tpu.memory_space<vmem>> -> memref<1x96x128xf32, #tpu.memory_space<vmem>>
      %dma_wait3A_144 = tpu.memref_squeeze %dma_wait3A_143 : memref<1x96x128xf32, #tpu.memory_space<vmem>> -> memref<96x128xf32, #tpu.memory_space<vmem>>
      %dma_wait3A_145 = arith.constant 0 : i32
      %dma_wait3A_146 = tpu.memref_slice %arg6[%arg0, %add3A_66, %dma_wait3A_145] : memref<2x10112x128xf32, #tpu.memory_space<hbm>> -> memref<1x96x128xf32, #tpu.memory_space<hbm>>
      %dma_wait3A_147 = tpu.memref_squeeze %dma_wait3A_146 : memref<1x96x128xf32, #tpu.memory_space<hbm>> -> memref<96x128xf32, #tpu.memory_space<hbm>>
      %dma_wait3A_148 = arith.constant 0 : i32
      %dma_wait3A_149 = tpu.memref_slice %arg6[%arg0, %add3A_66, %dma_wait3A_148] : memref<2x10112x128xf32, #tpu.memory_space<hbm>> -> memref<1x96x128xf32, #tpu.memory_space<hbm>>
      %dma_wait3A_150 = tpu.memref_squeeze %dma_wait3A_149 : memref<1x96x128xf32, #tpu.memory_space<hbm>> -> memref<96x128xf32, #tpu.memory_space<hbm>>
      %dma_wait3A_151 = arith.constant 0 : i32
      %dma_wait3A_152 = arith.constant 0 : i32
      %dma_wait3A_153 = tpu.memref_slice %arg10[%run_scoped3A_67, %dma_wait3A_151, %dma_wait3A_152] : memref<2x96x128xf32, #tpu.memory_space<vmem>> -> memref<1x96x128xf32, #tpu.memory_space<vmem>>
      %dma_wait3A_154 = tpu.memref_squeeze %dma_wait3A_153 : memref<1x96x128xf32, #tpu.memory_space<vmem>> -> memref<96x128xf32, #tpu.memory_space<vmem>>
      tpu.wait_dma2 semaphore(%run_scoped3A_128 : memref<!tpu.dma_semaphore, #tpu.memory_space<semaphore_mem>>) src(%dma_wait3A_154 : memref<96x128xf32, #tpu.memory_space<vmem>>) dst(%dma_wait3A_150 : memref<96x128xf32, #tpu.memory_space<hbm>>)
      tpu.yield
    }) : () -> ()
    %mul3A_68 = arith.constant 632 : i32
    %mul3A_69 = arith.muli %arg1, %mul3A_68 : i32
    %add3A_70 = arith.constant 96 : i32
    %add3A_71 = arith.addi %mul3A_69, %add3A_70 : i32
    %run_scoped3A_72 = arith.constant 0 : i32
    "tpu.region"() ({
      %run_scoped3A_128 = tpu.sem_alloc : memref<!tpu.dma_semaphore, #tpu.memory_space<semaphore_mem>>
      %dma_start3A = arith.constant 0 : i32
      %dma_start3A_129 = arith.constant 0 : i32
      %dma_start3A_130 = tpu.memref_slice %arg10[%run_scoped3A_72, %dma_start3A, %dma_start3A_129] : memref<2x96x128xf32, #tpu.memory_space<vmem>> -> memref<1x96x128xf32, #tpu.memory_space<vmem>>
      %dma_start3A_131 = tpu.memref_squeeze %dma_start3A_130 : memref<1x96x128xf32, #tpu.memory_space<vmem>> -> memref<96x128xf32, #tpu.memory_space<vmem>>
      %dma_start3A_132 = arith.constant 0 : i32
      %dma_start3A_133 = tpu.memref_slice %arg7[%add3A_71, %dma_start3A_132] : memref<10112x128xf32, #tpu.memory_space<vmem_shared>> -> memref<96x128xf32, #tpu.memory_space<vmem_shared>>
      %dma_start3A_134 = arith.constant 0 : i32
      %dma_start3A_135 = arith.constant 0 : i32
      %dma_start3A_136 = tpu.memref_slice %arg10[%run_scoped3A_72, %dma_start3A_134, %dma_start3A_135] : memref<2x96x128xf32, #tpu.memory_space<vmem>> -> memref<1x96x128xf32, #tpu.memory_space<vmem>>
      %dma_start3A_137 = tpu.memref_squeeze %dma_start3A_136 : memref<1x96x128xf32, #tpu.memory_space<vmem>> -> memref<96x128xf32, #tpu.memory_space<vmem>>
      %dma_start3A_138 = arith.constant 0 : i32
      %dma_start3A_139 = tpu.memref_slice %arg7[%add3A_71, %dma_start3A_138] : memref<10112x128xf32, #tpu.memory_space<vmem_shared>> -> memref<96x128xf32, #tpu.memory_space<vmem_shared>>
      tpu.enqueue_dma source(%dma_start3A_139 : memref<96x128xf32, #tpu.memory_space<vmem_shared>>) target(%dma_start3A_137 : memref<96x128xf32, #tpu.memory_space<vmem>>) target_semaphore(%run_scoped3A_128 : memref<!tpu.dma_semaphore, #tpu.memory_space<semaphore_mem>>)
      %dma_wait3A = arith.constant 0 : i32
      %dma_wait3A_140 = arith.constant 0 : i32
      %dma_wait3A_141 = tpu.memref_slice %arg10[%run_scoped3A_72, %dma_wait3A, %dma_wait3A_140] : memref<2x96x128xf32, #tpu.memory_space<vmem>> -> memref<1x96x128xf32, #tpu.memory_space<vmem>>
      %dma_wait3A_142 = tpu.memref_squeeze %dma_wait3A_141 : memref<1x96x128xf32, #tpu.memory_space<vmem>> -> memref<96x128xf32, #tpu.memory_space<vmem>>
      %dma_wait3A_143 = arith.constant 0 : i32
      %dma_wait3A_144 = tpu.memref_slice %arg7[%add3A_71, %dma_wait3A_143] : memref<10112x128xf32, #tpu.memory_space<vmem_shared>> -> memref<96x128xf32, #tpu.memory_space<vmem_shared>>
      %dma_wait3A_145 = arith.constant 0 : i32
      %dma_wait3A_146 = arith.constant 0 : i32
      %dma_wait3A_147 = tpu.memref_slice %arg10[%run_scoped3A_72, %dma_wait3A_145, %dma_wait3A_146] : memref<2x96x128xf32, #tpu.memory_space<vmem>> -> memref<1x96x128xf32, #tpu.memory_space<vmem>>
      %dma_wait3A_148 = tpu.memref_squeeze %dma_wait3A_147 : memref<1x96x128xf32, #tpu.memory_space<vmem>> -> memref<96x128xf32, #tpu.memory_space<vmem>>
      %dma_wait3A_149 = arith.constant 0 : i32
      %dma_wait3A_150 = tpu.memref_slice %arg7[%add3A_71, %dma_wait3A_149] : memref<10112x128xf32, #tpu.memory_space<vmem_shared>> -> memref<96x128xf32, #tpu.memory_space<vmem_shared>>
      tpu.wait_dma2 semaphore(%run_scoped3A_128 : memref<!tpu.dma_semaphore, #tpu.memory_space<semaphore_mem>>) src(%dma_wait3A_150 : memref<96x128xf32, #tpu.memory_space<vmem_shared>>) dst(%dma_wait3A_148 : memref<96x128xf32, #tpu.memory_space<vmem>>)
      tpu.yield
    }) : () -> ()
    %mul3A_73 = arith.constant 632 : i32
    %mul3A_74 = arith.muli %arg1, %mul3A_73 : i32
    %add3A_75 = arith.constant 96 : i32
    %add3A_76 = arith.addi %mul3A_74, %add3A_75 : i32
    %run_scoped3A_77 = arith.constant 0 : i32
    "tpu.region"() ({
      %run_scoped3A_128 = tpu.sem_alloc : memref<!tpu.dma_semaphore, #tpu.memory_space<semaphore_mem>>
      %dma_start3A = arith.constant 0 : i32
      %dma_start3A_129 = arith.constant 0 : i32
      %dma_start3A_130 = tpu.memref_slice %arg10[%run_scoped3A_77, %dma_start3A, %dma_start3A_129] : memref<2x96x128xf32, #tpu.memory_space<vmem>> -> memref<1x96x128xf32, #tpu.memory_space<vmem>>
      %dma_start3A_131 = tpu.memref_squeeze %dma_start3A_130 : memref<1x96x128xf32, #tpu.memory_space<vmem>> -> memref<96x128xf32, #tpu.memory_space<vmem>>
      %dma_start3A_132 = arith.constant 0 : i32
      %dma_start3A_133 = tpu.memref_slice %arg6[%arg0, %add3A_76, %dma_start3A_132] : memref<2x10112x128xf32, #tpu.memory_space<hbm>> -> memref<1x96x128xf32, #tpu.memory_space<hbm>>
      %dma_start3A_134 = tpu.memref_squeeze %dma_start3A_133 : memref<1x96x128xf32, #tpu.memory_space<hbm>> -> memref<96x128xf32, #tpu.memory_space<hbm>>
      %dma_start3A_135 = arith.constant 0 : i32
      %dma_start3A_136 = tpu.memref_slice %arg6[%arg0, %add3A_76, %dma_start3A_135] : memref<2x10112x128xf32, #tpu.memory_space<hbm>> -> memref<1x96x128xf32, #tpu.memory_space<hbm>>
      %dma_start3A_137 = tpu.memref_squeeze %dma_start3A_136 : memref<1x96x128xf32, #tpu.memory_space<hbm>> -> memref<96x128xf32, #tpu.memory_space<hbm>>
      %dma_start3A_138 = arith.constant 0 : i32
      %dma_start3A_139 = arith.constant 0 : i32
      %dma_start3A_140 = tpu.memref_slice %arg10[%run_scoped3A_77, %dma_start3A_138, %dma_start3A_139] : memref<2x96x128xf32, #tpu.memory_space<vmem>> -> memref<1x96x128xf32, #tpu.memory_space<vmem>>
      %dma_start3A_141 = tpu.memref_squeeze %dma_start3A_140 : memref<1x96x128xf32, #tpu.memory_space<vmem>> -> memref<96x128xf32, #tpu.memory_space<vmem>>
      tpu.enqueue_dma source(%dma_start3A_141 : memref<96x128xf32, #tpu.memory_space<vmem>>) target(%dma_start3A_137 : memref<96x128xf32, #tpu.memory_space<hbm>>) target_semaphore(%run_scoped3A_128 : memref<!tpu.dma_semaphore, #tpu.memory_space<semaphore_mem>>)
      %dma_wait3A = arith.constant 0 : i32
      %dma_wait3A_142 = arith.constant 0 : i32
      %dma_wait3A_143 = tpu.memref_slice %arg10[%run_scoped3A_77, %dma_wait3A, %dma_wait3A_142] : memref<2x96x128xf32, #tpu.memory_space<vmem>> -> memref<1x96x128xf32, #tpu.memory_space<vmem>>
      %dma_wait3A_144 = tpu.memref_squeeze %dma_wait3A_143 : memref<1x96x128xf32, #tpu.memory_space<vmem>> -> memref<96x128xf32, #tpu.memory_space<vmem>>
      %dma_wait3A_145 = arith.constant 0 : i32
      %dma_wait3A_146 = tpu.memref_slice %arg6[%arg0, %add3A_76, %dma_wait3A_145] : memref<2x10112x128xf32, #tpu.memory_space<hbm>> -> memref<1x96x128xf32, #tpu.memory_space<hbm>>
      %dma_wait3A_147 = tpu.memref_squeeze %dma_wait3A_146 : memref<1x96x128xf32, #tpu.memory_space<hbm>> -> memref<96x128xf32, #tpu.memory_space<hbm>>
      %dma_wait3A_148 = arith.constant 0 : i32
      %dma_wait3A_149 = tpu.memref_slice %arg6[%arg0, %add3A_76, %dma_wait3A_148] : memref<2x10112x128xf32, #tpu.memory_space<hbm>> -> memref<1x96x128xf32, #tpu.memory_space<hbm>>
      %dma_wait3A_150 = tpu.memref_squeeze %dma_wait3A_149 : memref<1x96x128xf32, #tpu.memory_space<hbm>> -> memref<96x128xf32, #tpu.memory_space<hbm>>
      %dma_wait3A_151 = arith.constant 0 : i32
      %dma_wait3A_152 = arith.constant 0 : i32
      %dma_wait3A_153 = tpu.memref_slice %arg10[%run_scoped3A_77, %dma_wait3A_151, %dma_wait3A_152] : memref<2x96x128xf32, #tpu.memory_space<vmem>> -> memref<1x96x128xf32, #tpu.memory_space<vmem>>
      %dma_wait3A_154 = tpu.memref_squeeze %dma_wait3A_153 : memref<1x96x128xf32, #tpu.memory_space<vmem>> -> memref<96x128xf32, #tpu.memory_space<vmem>>
      tpu.wait_dma2 semaphore(%run_scoped3A_128 : memref<!tpu.dma_semaphore, #tpu.memory_space<semaphore_mem>>) src(%dma_wait3A_154 : memref<96x128xf32, #tpu.memory_space<vmem>>) dst(%dma_wait3A_150 : memref<96x128xf32, #tpu.memory_space<hbm>>)
      tpu.yield
    }) : () -> ()
    %mul3A_78 = arith.constant 632 : i32
    %mul3A_79 = arith.muli %arg1, %mul3A_78 : i32
    %add3A_80 = arith.constant 192 : i32
    %add3A_81 = arith.addi %mul3A_79, %add3A_80 : i32
    %run_scoped3A_82 = arith.constant 0 : i32
    "tpu.region"() ({
      %run_scoped3A_128 = tpu.sem_alloc : memref<!tpu.dma_semaphore, #tpu.memory_space<semaphore_mem>>
      %dma_start3A = arith.constant 0 : i32
      %dma_start3A_129 = arith.constant 0 : i32
      %dma_start3A_130 = tpu.memref_slice %arg10[%run_scoped3A_82, %dma_start3A, %dma_start3A_129] : memref<2x96x128xf32, #tpu.memory_space<vmem>> -> memref<1x96x128xf32, #tpu.memory_space<vmem>>
      %dma_start3A_131 = tpu.memref_squeeze %dma_start3A_130 : memref<1x96x128xf32, #tpu.memory_space<vmem>> -> memref<96x128xf32, #tpu.memory_space<vmem>>
      %dma_start3A_132 = arith.constant 0 : i32
      %dma_start3A_133 = tpu.memref_slice %arg7[%add3A_81, %dma_start3A_132] : memref<10112x128xf32, #tpu.memory_space<vmem_shared>> -> memref<96x128xf32, #tpu.memory_space<vmem_shared>>
      %dma_start3A_134 = arith.constant 0 : i32
      %dma_start3A_135 = arith.constant 0 : i32
      %dma_start3A_136 = tpu.memref_slice %arg10[%run_scoped3A_82, %dma_start3A_134, %dma_start3A_135] : memref<2x96x128xf32, #tpu.memory_space<vmem>> -> memref<1x96x128xf32, #tpu.memory_space<vmem>>
      %dma_start3A_137 = tpu.memref_squeeze %dma_start3A_136 : memref<1x96x128xf32, #tpu.memory_space<vmem>> -> memref<96x128xf32, #tpu.memory_space<vmem>>
      %dma_start3A_138 = arith.constant 0 : i32
      %dma_start3A_139 = tpu.memref_slice %arg7[%add3A_81, %dma_start3A_138] : memref<10112x128xf32, #tpu.memory_space<vmem_shared>> -> memref<96x128xf32, #tpu.memory_space<vmem_shared>>
      tpu.enqueue_dma source(%dma_start3A_139 : memref<96x128xf32, #tpu.memory_space<vmem_shared>>) target(%dma_start3A_137 : memref<96x128xf32, #tpu.memory_space<vmem>>) target_semaphore(%run_scoped3A_128 : memref<!tpu.dma_semaphore, #tpu.memory_space<semaphore_mem>>)
      %dma_wait3A = arith.constant 0 : i32
      %dma_wait3A_140 = arith.constant 0 : i32
      %dma_wait3A_141 = tpu.memref_slice %arg10[%run_scoped3A_82, %dma_wait3A, %dma_wait3A_140] : memref<2x96x128xf32, #tpu.memory_space<vmem>> -> memref<1x96x128xf32, #tpu.memory_space<vmem>>
      %dma_wait3A_142 = tpu.memref_squeeze %dma_wait3A_141 : memref<1x96x128xf32, #tpu.memory_space<vmem>> -> memref<96x128xf32, #tpu.memory_space<vmem>>
      %dma_wait3A_143 = arith.constant 0 : i32
      %dma_wait3A_144 = tpu.memref_slice %arg7[%add3A_81, %dma_wait3A_143] : memref<10112x128xf32, #tpu.memory_space<vmem_shared>> -> memref<96x128xf32, #tpu.memory_space<vmem_shared>>
      %dma_wait3A_145 = arith.constant 0 : i32
      %dma_wait3A_146 = arith.constant 0 : i32
      %dma_wait3A_147 = tpu.memref_slice %arg10[%run_scoped3A_82, %dma_wait3A_145, %dma_wait3A_146] : memref<2x96x128xf32, #tpu.memory_space<vmem>> -> memref<1x96x128xf32, #tpu.memory_space<vmem>>
      %dma_wait3A_148 = tpu.memref_squeeze %dma_wait3A_147 : memref<1x96x128xf32, #tpu.memory_space<vmem>> -> memref<96x128xf32, #tpu.memory_space<vmem>>
      %dma_wait3A_149 = arith.constant 0 : i32
      %dma_wait3A_150 = tpu.memref_slice %arg7[%add3A_81, %dma_wait3A_149] : memref<10112x128xf32, #tpu.memory_space<vmem_shared>> -> memref<96x128xf32, #tpu.memory_space<vmem_shared>>
      tpu.wait_dma2 semaphore(%run_scoped3A_128 : memref<!tpu.dma_semaphore, #tpu.memory_space<semaphore_mem>>) src(%dma_wait3A_150 : memref<96x128xf32, #tpu.memory_space<vmem_shared>>) dst(%dma_wait3A_148 : memref<96x128xf32, #tpu.memory_space<vmem>>)
      tpu.yield
    }) : () -> ()
    %mul3A_83 = arith.constant 632 : i32
    %mul3A_84 = arith.muli %arg1, %mul3A_83 : i32
    %add3A_85 = arith.constant 192 : i32
    %add3A_86 = arith.addi %mul3A_84, %add3A_85 : i32
    %run_scoped3A_87 = arith.constant 0 : i32
    "tpu.region"() ({
      %run_scoped3A_128 = tpu.sem_alloc : memref<!tpu.dma_semaphore, #tpu.memory_space<semaphore_mem>>
      %dma_start3A = arith.constant 0 : i32
      %dma_start3A_129 = arith.constant 0 : i32
      %dma_start3A_130 = tpu.memref_slice %arg10[%run_scoped3A_87, %dma_start3A, %dma_start3A_129] : memref<2x96x128xf32, #tpu.memory_space<vmem>> -> memref<1x96x128xf32, #tpu.memory_space<vmem>>
      %dma_start3A_131 = tpu.memref_squeeze %dma_start3A_130 : memref<1x96x128xf32, #tpu.memory_space<vmem>> -> memref<96x128xf32, #tpu.memory_space<vmem>>
      %dma_start3A_132 = arith.constant 0 : i32
      %dma_start3A_133 = tpu.memref_slice %arg6[%arg0, %add3A_86, %dma_start3A_132] : memref<2x10112x128xf32, #tpu.memory_space<hbm>> -> memref<1x96x128xf32, #tpu.memory_space<hbm>>
      %dma_start3A_134 = tpu.memref_squeeze %dma_start3A_133 : memref<1x96x128xf32, #tpu.memory_space<hbm>> -> memref<96x128xf32, #tpu.memory_space<hbm>>
      %dma_start3A_135 = arith.constant 0 : i32
      %dma_start3A_136 = tpu.memref_slice %arg6[%arg0, %add3A_86, %dma_start3A_135] : memref<2x10112x128xf32, #tpu.memory_space<hbm>> -> memref<1x96x128xf32, #tpu.memory_space<hbm>>
      %dma_start3A_137 = tpu.memref_squeeze %dma_start3A_136 : memref<1x96x128xf32, #tpu.memory_space<hbm>> -> memref<96x128xf32, #tpu.memory_space<hbm>>
      %dma_start3A_138 = arith.constant 0 : i32
      %dma_start3A_139 = arith.constant 0 : i32
      %dma_start3A_140 = tpu.memref_slice %arg10[%run_scoped3A_87, %dma_start3A_138, %dma_start3A_139] : memref<2x96x128xf32, #tpu.memory_space<vmem>> -> memref<1x96x128xf32, #tpu.memory_space<vmem>>
      %dma_start3A_141 = tpu.memref_squeeze %dma_start3A_140 : memref<1x96x128xf32, #tpu.memory_space<vmem>> -> memref<96x128xf32, #tpu.memory_space<vmem>>
      tpu.enqueue_dma source(%dma_start3A_141 : memref<96x128xf32, #tpu.memory_space<vmem>>) target(%dma_start3A_137 : memref<96x128xf32, #tpu.memory_space<hbm>>) target_semaphore(%run_scoped3A_128 : memref<!tpu.dma_semaphore, #tpu.memory_space<semaphore_mem>>)
      %dma_wait3A = arith.constant 0 : i32
      %dma_wait3A_142 = arith.constant 0 : i32
      %dma_wait3A_143 = tpu.memref_slice %arg10[%run_scoped3A_87, %dma_wait3A, %dma_wait3A_142] : memref<2x96x128xf32, #tpu.memory_space<vmem>> -> memref<1x96x128xf32, #tpu.memory_space<vmem>>
      %dma_wait3A_144 = tpu.memref_squeeze %dma_wait3A_143 : memref<1x96x128xf32, #tpu.memory_space<vmem>> -> memref<96x128xf32, #tpu.memory_space<vmem>>
      %dma_wait3A_145 = arith.constant 0 : i32
      %dma_wait3A_146 = tpu.memref_slice %arg6[%arg0, %add3A_86, %dma_wait3A_145] : memref<2x10112x128xf32, #tpu.memory_space<hbm>> -> memref<1x96x128xf32, #tpu.memory_space<hbm>>
      %dma_wait3A_147 = tpu.memref_squeeze %dma_wait3A_146 : memref<1x96x128xf32, #tpu.memory_space<hbm>> -> memref<96x128xf32, #tpu.memory_space<hbm>>
      %dma_wait3A_148 = arith.constant 0 : i32
      %dma_wait3A_149 = tpu.memref_slice %arg6[%arg0, %add3A_86, %dma_wait3A_148] : memref<2x10112x128xf32, #tpu.memory_space<hbm>> -> memref<1x96x128xf32, #tpu.memory_space<hbm>>
      %dma_wait3A_150 = tpu.memref_squeeze %dma_wait3A_149 : memref<1x96x128xf32, #tpu.memory_space<hbm>> -> memref<96x128xf32, #tpu.memory_space<hbm>>
      %dma_wait3A_151 = arith.constant 0 : i32
      %dma_wait3A_152 = arith.constant 0 : i32
      %dma_wait3A_153 = tpu.memref_slice %arg10[%run_scoped3A_87, %dma_wait3A_151, %dma_wait3A_152] : memref<2x96x128xf32, #tpu.memory_space<vmem>> -> memref<1x96x128xf32, #tpu.memory_space<vmem>>
      %dma_wait3A_154 = tpu.memref_squeeze %dma_wait3A_153 : memref<1x96x128xf32, #tpu.memory_space<vmem>> -> memref<96x128xf32, #tpu.memory_space<vmem>>
      tpu.wait_dma2 semaphore(%run_scoped3A_128 : memref<!tpu.dma_semaphore, #tpu.memory_space<semaphore_mem>>) src(%dma_wait3A_154 : memref<96x128xf32, #tpu.memory_space<vmem>>) dst(%dma_wait3A_150 : memref<96x128xf32, #tpu.memory_space<hbm>>)
      tpu.yield
    }) : () -> ()
    %mul3A_88 = arith.constant 632 : i32
    %mul3A_89 = arith.muli %arg1, %mul3A_88 : i32
    %add3A_90 = arith.constant 288 : i32
    %add3A_91 = arith.addi %mul3A_89, %add3A_90 : i32
    %run_scoped3A_92 = arith.constant 0 : i32
    "tpu.region"() ({
      %run_scoped3A_128 = tpu.sem_alloc : memref<!tpu.dma_semaphore, #tpu.memory_space<semaphore_mem>>
      %dma_start3A = arith.constant 0 : i32
      %dma_start3A_129 = arith.constant 0 : i32
      %dma_start3A_130 = tpu.memref_slice %arg10[%run_scoped3A_92, %dma_start3A, %dma_start3A_129] : memref<2x96x128xf32, #tpu.memory_space<vmem>> -> memref<1x96x128xf32, #tpu.memory_space<vmem>>
      %dma_start3A_131 = tpu.memref_squeeze %dma_start3A_130 : memref<1x96x128xf32, #tpu.memory_space<vmem>> -> memref<96x128xf32, #tpu.memory_space<vmem>>
      %dma_start3A_132 = arith.constant 0 : i32
      %dma_start3A_133 = tpu.memref_slice %arg7[%add3A_91, %dma_start3A_132] : memref<10112x128xf32, #tpu.memory_space<vmem_shared>> -> memref<96x128xf32, #tpu.memory_space<vmem_shared>>
      %dma_start3A_134 = arith.constant 0 : i32
      %dma_start3A_135 = arith.constant 0 : i32
      %dma_start3A_136 = tpu.memref_slice %arg10[%run_scoped3A_92, %dma_start3A_134, %dma_start3A_135] : memref<2x96x128xf32, #tpu.memory_space<vmem>> -> memref<1x96x128xf32, #tpu.memory_space<vmem>>
      %dma_start3A_137 = tpu.memref_squeeze %dma_start3A_136 : memref<1x96x128xf32, #tpu.memory_space<vmem>> -> memref<96x128xf32, #tpu.memory_space<vmem>>
      %dma_start3A_138 = arith.constant 0 : i32
      %dma_start3A_139 = tpu.memref_slice %arg7[%add3A_91, %dma_start3A_138] : memref<10112x128xf32, #tpu.memory_space<vmem_shared>> -> memref<96x128xf32, #tpu.memory_space<vmem_shared>>
      tpu.enqueue_dma source(%dma_start3A_139 : memref<96x128xf32, #tpu.memory_space<vmem_shared>>) target(%dma_start3A_137 : memref<96x128xf32, #tpu.memory_space<vmem>>) target_semaphore(%run_scoped3A_128 : memref<!tpu.dma_semaphore, #tpu.memory_space<semaphore_mem>>)
      %dma_wait3A = arith.constant 0 : i32
      %dma_wait3A_140 = arith.constant 0 : i32
      %dma_wait3A_141 = tpu.memref_slice %arg10[%run_scoped3A_92, %dma_wait3A, %dma_wait3A_140] : memref<2x96x128xf32, #tpu.memory_space<vmem>> -> memref<1x96x128xf32, #tpu.memory_space<vmem>>
      %dma_wait3A_142 = tpu.memref_squeeze %dma_wait3A_141 : memref<1x96x128xf32, #tpu.memory_space<vmem>> -> memref<96x128xf32, #tpu.memory_space<vmem>>
      %dma_wait3A_143 = arith.constant 0 : i32
      %dma_wait3A_144 = tpu.memref_slice %arg7[%add3A_91, %dma_wait3A_143] : memref<10112x128xf32, #tpu.memory_space<vmem_shared>> -> memref<96x128xf32, #tpu.memory_space<vmem_shared>>
      %dma_wait3A_145 = arith.constant 0 : i32
      %dma_wait3A_146 = arith.constant 0 : i32
      %dma_wait3A_147 = tpu.memref_slice %arg10[%run_scoped3A_92, %dma_wait3A_145, %dma_wait3A_146] : memref<2x96x128xf32, #tpu.memory_space<vmem>> -> memref<1x96x128xf32, #tpu.memory_space<vmem>>
      %dma_wait3A_148 = tpu.memref_squeeze %dma_wait3A_147 : memref<1x96x128xf32, #tpu.memory_space<vmem>> -> memref<96x128xf32, #tpu.memory_space<vmem>>
      %dma_wait3A_149 = arith.constant 0 : i32
      %dma_wait3A_150 = tpu.memref_slice %arg7[%add3A_91, %dma_wait3A_149] : memref<10112x128xf32, #tpu.memory_space<vmem_shared>> -> memref<96x128xf32, #tpu.memory_space<vmem_shared>>
      tpu.wait_dma2 semaphore(%run_scoped3A_128 : memref<!tpu.dma_semaphore, #tpu.memory_space<semaphore_mem>>) src(%dma_wait3A_150 : memref<96x128xf32, #tpu.memory_space<vmem_shared>>) dst(%dma_wait3A_148 : memref<96x128xf32, #tpu.memory_space<vmem>>)
      tpu.yield
    }) : () -> ()
    %mul3A_93 = arith.constant 632 : i32
    %mul3A_94 = arith.muli %arg1, %mul3A_93 : i32
    %add3A_95 = arith.constant 288 : i32
    %add3A_96 = arith.addi %mul3A_94, %add3A_95 : i32
    %run_scoped3A_97 = arith.constant 0 : i32
    "tpu.region"() ({
      %run_scoped3A_128 = tpu.sem_alloc : memref<!tpu.dma_semaphore, #tpu.memory_space<semaphore_mem>>
      %dma_start3A = arith.constant 0 : i32
      %dma_start3A_129 = arith.constant 0 : i32
      %dma_start3A_130 = tpu.memref_slice %arg10[%run_scoped3A_97, %dma_start3A, %dma_start3A_129] : memref<2x96x128xf32, #tpu.memory_space<vmem>> -> memref<1x96x128xf32, #tpu.memory_space<vmem>>
      %dma_start3A_131 = tpu.memref_squeeze %dma_start3A_130 : memref<1x96x128xf32, #tpu.memory_space<vmem>> -> memref<96x128xf32, #tpu.memory_space<vmem>>
      %dma_start3A_132 = arith.constant 0 : i32
      %dma_start3A_133 = tpu.memref_slice %arg6[%arg0, %add3A_96, %dma_start3A_132] : memref<2x10112x128xf32, #tpu.memory_space<hbm>> -> memref<1x96x128xf32, #tpu.memory_space<hbm>>
      %dma_start3A_134 = tpu.memref_squeeze %dma_start3A_133 : memref<1x96x128xf32, #tpu.memory_space<hbm>> -> memref<96x128xf32, #tpu.memory_space<hbm>>
      %dma_start3A_135 = arith.constant 0 : i32
      %dma_start3A_136 = tpu.memref_slice %arg6[%arg0, %add3A_96, %dma_start3A_135] : memref<2x10112x128xf32, #tpu.memory_space<hbm>> -> memref<1x96x128xf32, #tpu.memory_space<hbm>>
      %dma_start3A_137 = tpu.memref_squeeze %dma_start3A_136 : memref<1x96x128xf32, #tpu.memory_space<hbm>> -> memref<96x128xf32, #tpu.memory_space<hbm>>
      %dma_start3A_138 = arith.constant 0 : i32
      %dma_start3A_139 = arith.constant 0 : i32
      %dma_start3A_140 = tpu.memref_slice %arg10[%run_scoped3A_97, %dma_start3A_138, %dma_start3A_139] : memref<2x96x128xf32, #tpu.memory_space<vmem>> -> memref<1x96x128xf32, #tpu.memory_space<vmem>>
      %dma_start3A_141 = tpu.memref_squeeze %dma_start3A_140 : memref<1x96x128xf32, #tpu.memory_space<vmem>> -> memref<96x128xf32, #tpu.memory_space<vmem>>
      tpu.enqueue_dma source(%dma_start3A_141 : memref<96x128xf32, #tpu.memory_space<vmem>>) target(%dma_start3A_137 : memref<96x128xf32, #tpu.memory_space<hbm>>) target_semaphore(%run_scoped3A_128 : memref<!tpu.dma_semaphore, #tpu.memory_space<semaphore_mem>>)
      %dma_wait3A = arith.constant 0 : i32
      %dma_wait3A_142 = arith.constant 0 : i32
      %dma_wait3A_143 = tpu.memref_slice %arg10[%run_scoped3A_97, %dma_wait3A, %dma_wait3A_142] : memref<2x96x128xf32, #tpu.memory_space<vmem>> -> memref<1x96x128xf32, #tpu.memory_space<vmem>>
      %dma_wait3A_144 = tpu.memref_squeeze %dma_wait3A_143 : memref<1x96x128xf32, #tpu.memory_space<vmem>> -> memref<96x128xf32, #tpu.memory_space<vmem>>
      %dma_wait3A_145 = arith.constant 0 : i32
      %dma_wait3A_146 = tpu.memref_slice %arg6[%arg0, %add3A_96, %dma_wait3A_145] : memref<2x10112x128xf32, #tpu.memory_space<hbm>> -> memref<1x96x128xf32, #tpu.memory_space<hbm>>
      %dma_wait3A_147 = tpu.memref_squeeze %dma_wait3A_146 : memref<1x96x128xf32, #tpu.memory_space<hbm>> -> memref<96x128xf32, #tpu.memory_space<hbm>>
      %dma_wait3A_148 = arith.constant 0 : i32
      %dma_wait3A_149 = tpu.memref_slice %arg6[%arg0, %add3A_96, %dma_wait3A_148] : memref<2x10112x128xf32, #tpu.memory_space<hbm>> -> memref<1x96x128xf32, #tpu.memory_space<hbm>>
      %dma_wait3A_150 = tpu.memref_squeeze %dma_wait3A_149 : memref<1x96x128xf32, #tpu.memory_space<hbm>> -> memref<96x128xf32, #tpu.memory_space<hbm>>
      %dma_wait3A_151 = arith.constant 0 : i32
      %dma_wait3A_152 = arith.constant 0 : i32
      %dma_wait3A_153 = tpu.memref_slice %arg10[%run_scoped3A_97, %dma_wait3A_151, %dma_wait3A_152] : memref<2x96x128xf32, #tpu.memory_space<vmem>> -> memref<1x96x128xf32, #tpu.memory_space<vmem>>
      %dma_wait3A_154 = tpu.memref_squeeze %dma_wait3A_153 : memref<1x96x128xf32, #tpu.memory_space<vmem>> -> memref<96x128xf32, #tpu.memory_space<vmem>>
      tpu.wait_dma2 semaphore(%run_scoped3A_128 : memref<!tpu.dma_semaphore, #tpu.memory_space<semaphore_mem>>) src(%dma_wait3A_154 : memref<96x128xf32, #tpu.memory_space<vmem>>) dst(%dma_wait3A_150 : memref<96x128xf32, #tpu.memory_space<hbm>>)
      tpu.yield
    }) : () -> ()
    %mul3A_98 = arith.constant 632 : i32
    %mul3A_99 = arith.muli %arg1, %mul3A_98 : i32
    %add3A_100 = arith.constant 384 : i32
    %add3A_101 = arith.addi %mul3A_99, %add3A_100 : i32
    %run_scoped3A_102 = arith.constant 0 : i32
    "tpu.region"() ({
      %run_scoped3A_128 = tpu.sem_alloc : memref<!tpu.dma_semaphore, #tpu.memory_space<semaphore_mem>>
      %dma_start3A = arith.constant 0 : i32
      %dma_start3A_129 = arith.constant 0 : i32
      %dma_start3A_130 = tpu.memref_slice %arg10[%run_scoped3A_102, %dma_start3A, %dma_start3A_129] : memref<2x96x128xf32, #tpu.memory_space<vmem>> -> memref<1x96x128xf32, #tpu.memory_space<vmem>>
      %dma_start3A_131 = tpu.memref_squeeze %dma_start3A_130 : memref<1x96x128xf32, #tpu.memory_space<vmem>> -> memref<96x128xf32, #tpu.memory_space<vmem>>
      %dma_start3A_132 = arith.constant 0 : i32
      %dma_start3A_133 = tpu.memref_slice %arg7[%add3A_101, %dma_start3A_132] : memref<10112x128xf32, #tpu.memory_space<vmem_shared>> -> memref<96x128xf32, #tpu.memory_space<vmem_shared>>
      %dma_start3A_134 = arith.constant 0 : i32
      %dma_start3A_135 = arith.constant 0 : i32
      %dma_start3A_136 = tpu.memref_slice %arg10[%run_scoped3A_102, %dma_start3A_134, %dma_start3A_135] : memref<2x96x128xf32, #tpu.memory_space<vmem>> -> memref<1x96x128xf32, #tpu.memory_space<vmem>>
      %dma_start3A_137 = tpu.memref_squeeze %dma_start3A_136 : memref<1x96x128xf32, #tpu.memory_space<vmem>> -> memref<96x128xf32, #tpu.memory_space<vmem>>
      %dma_start3A_138 = arith.constant 0 : i32
      %dma_start3A_139 = tpu.memref_slice %arg7[%add3A_101, %dma_start3A_138] : memref<10112x128xf32, #tpu.memory_space<vmem_shared>> -> memref<96x128xf32, #tpu.memory_space<vmem_shared>>
      tpu.enqueue_dma source(%dma_start3A_139 : memref<96x128xf32, #tpu.memory_space<vmem_shared>>) target(%dma_start3A_137 : memref<96x128xf32, #tpu.memory_space<vmem>>) target_semaphore(%run_scoped3A_128 : memref<!tpu.dma_semaphore, #tpu.memory_space<semaphore_mem>>)
      %dma_wait3A = arith.constant 0 : i32
      %dma_wait3A_140 = arith.constant 0 : i32
      %dma_wait3A_141 = tpu.memref_slice %arg10[%run_scoped3A_102, %dma_wait3A, %dma_wait3A_140] : memref<2x96x128xf32, #tpu.memory_space<vmem>> -> memref<1x96x128xf32, #tpu.memory_space<vmem>>
      %dma_wait3A_142 = tpu.memref_squeeze %dma_wait3A_141 : memref<1x96x128xf32, #tpu.memory_space<vmem>> -> memref<96x128xf32, #tpu.memory_space<vmem>>
      %dma_wait3A_143 = arith.constant 0 : i32
      %dma_wait3A_144 = tpu.memref_slice %arg7[%add3A_101, %dma_wait3A_143] : memref<10112x128xf32, #tpu.memory_space<vmem_shared>> -> memref<96x128xf32, #tpu.memory_space<vmem_shared>>
      %dma_wait3A_145 = arith.constant 0 : i32
      %dma_wait3A_146 = arith.constant 0 : i32
      %dma_wait3A_147 = tpu.memref_slice %arg10[%run_scoped3A_102, %dma_wait3A_145, %dma_wait3A_146] : memref<2x96x128xf32, #tpu.memory_space<vmem>> -> memref<1x96x128xf32, #tpu.memory_space<vmem>>
      %dma_wait3A_148 = tpu.memref_squeeze %dma_wait3A_147 : memref<1x96x128xf32, #tpu.memory_space<vmem>> -> memref<96x128xf32, #tpu.memory_space<vmem>>
      %dma_wait3A_149 = arith.constant 0 : i32
      %dma_wait3A_150 = tpu.memref_slice %arg7[%add3A_101, %dma_wait3A_149] : memref<10112x128xf32, #tpu.memory_space<vmem_shared>> -> memref<96x128xf32, #tpu.memory_space<vmem_shared>>
      tpu.wait_dma2 semaphore(%run_scoped3A_128 : memref<!tpu.dma_semaphore, #tpu.memory_space<semaphore_mem>>) src(%dma_wait3A_150 : memref<96x128xf32, #tpu.memory_space<vmem_shared>>) dst(%dma_wait3A_148 : memref<96x128xf32, #tpu.memory_space<vmem>>)
      tpu.yield
    }) : () -> ()
    %mul3A_103 = arith.constant 632 : i32
    %mul3A_104 = arith.muli %arg1, %mul3A_103 : i32
    %add3A_105 = arith.constant 384 : i32
    %add3A_106 = arith.addi %mul3A_104, %add3A_105 : i32
    %run_scoped3A_107 = arith.constant 0 : i32
    "tpu.region"() ({
      %run_scoped3A_128 = tpu.sem_alloc : memref<!tpu.dma_semaphore, #tpu.memory_space<semaphore_mem>>
      %dma_start3A = arith.constant 0 : i32
      %dma_start3A_129 = arith.constant 0 : i32
      %dma_start3A_130 = tpu.memref_slice %arg10[%run_scoped3A_107, %dma_start3A, %dma_start3A_129] : memref<2x96x128xf32, #tpu.memory_space<vmem>> -> memref<1x96x128xf32, #tpu.memory_space<vmem>>
      %dma_start3A_131 = tpu.memref_squeeze %dma_start3A_130 : memref<1x96x128xf32, #tpu.memory_space<vmem>> -> memref<96x128xf32, #tpu.memory_space<vmem>>
      %dma_start3A_132 = arith.constant 0 : i32
      %dma_start3A_133 = tpu.memref_slice %arg6[%arg0, %add3A_106, %dma_start3A_132] : memref<2x10112x128xf32, #tpu.memory_space<hbm>> -> memref<1x96x128xf32, #tpu.memory_space<hbm>>
      %dma_start3A_134 = tpu.memref_squeeze %dma_start3A_133 : memref<1x96x128xf32, #tpu.memory_space<hbm>> -> memref<96x128xf32, #tpu.memory_space<hbm>>
      %dma_start3A_135 = arith.constant 0 : i32
      %dma_start3A_136 = tpu.memref_slice %arg6[%arg0, %add3A_106, %dma_start3A_135] : memref<2x10112x128xf32, #tpu.memory_space<hbm>> -> memref<1x96x128xf32, #tpu.memory_space<hbm>>
      %dma_start3A_137 = tpu.memref_squeeze %dma_start3A_136 : memref<1x96x128xf32, #tpu.memory_space<hbm>> -> memref<96x128xf32, #tpu.memory_space<hbm>>
      %dma_start3A_138 = arith.constant 0 : i32
      %dma_start3A_139 = arith.constant 0 : i32
      %dma_start3A_140 = tpu.memref_slice %arg10[%run_scoped3A_107, %dma_start3A_138, %dma_start3A_139] : memref<2x96x128xf32, #tpu.memory_space<vmem>> -> memref<1x96x128xf32, #tpu.memory_space<vmem>>
      %dma_start3A_141 = tpu.memref_squeeze %dma_start3A_140 : memref<1x96x128xf32, #tpu.memory_space<vmem>> -> memref<96x128xf32, #tpu.memory_space<vmem>>
      tpu.enqueue_dma source(%dma_start3A_141 : memref<96x128xf32, #tpu.memory_space<vmem>>) target(%dma_start3A_137 : memref<96x128xf32, #tpu.memory_space<hbm>>) target_semaphore(%run_scoped3A_128 : memref<!tpu.dma_semaphore, #tpu.memory_space<semaphore_mem>>)
      %dma_wait3A = arith.constant 0 : i32
      %dma_wait3A_142 = arith.constant 0 : i32
      %dma_wait3A_143 = tpu.memref_slice %arg10[%run_scoped3A_107, %dma_wait3A, %dma_wait3A_142] : memref<2x96x128xf32, #tpu.memory_space<vmem>> -> memref<1x96x128xf32, #tpu.memory_space<vmem>>
      %dma_wait3A_144 = tpu.memref_squeeze %dma_wait3A_143 : memref<1x96x128xf32, #tpu.memory_space<vmem>> -> memref<96x128xf32, #tpu.memory_space<vmem>>
      %dma_wait3A_145 = arith.constant 0 : i32
      %dma_wait3A_146 = tpu.memref_slice %arg6[%arg0, %add3A_106, %dma_wait3A_145] : memref<2x10112x128xf32, #tpu.memory_space<hbm>> -> memref<1x96x128xf32, #tpu.memory_space<hbm>>
      %dma_wait3A_147 = tpu.memref_squeeze %dma_wait3A_146 : memref<1x96x128xf32, #tpu.memory_space<hbm>> -> memref<96x128xf32, #tpu.memory_space<hbm>>
      %dma_wait3A_148 = arith.constant 0 : i32
      %dma_wait3A_149 = tpu.memref_slice %arg6[%arg0, %add3A_106, %dma_wait3A_148] : memref<2x10112x128xf32, #tpu.memory_space<hbm>> -> memref<1x96x128xf32, #tpu.memory_space<hbm>>
      %dma_wait3A_150 = tpu.memref_squeeze %dma_wait3A_149 : memref<1x96x128xf32, #tpu.memory_space<hbm>> -> memref<96x128xf32, #tpu.memory_space<hbm>>
      %dma_wait3A_151 = arith.constant 0 : i32
      %dma_wait3A_152 = arith.constant 0 : i32
      %dma_wait3A_153 = tpu.memref_slice %arg10[%run_scoped3A_107, %dma_wait3A_151, %dma_wait3A_152] : memref<2x96x128xf32, #tpu.memory_space<vmem>> -> memref<1x96x128xf32, #tpu.memory_space<vmem>>
      %dma_wait3A_154 = tpu.memref_squeeze %dma_wait3A_153 : memref<1x96x128xf32, #tpu.memory_space<vmem>> -> memref<96x128xf32, #tpu.memory_space<vmem>>
      tpu.wait_dma2 semaphore(%run_scoped3A_128 : memref<!tpu.dma_semaphore, #tpu.memory_space<semaphore_mem>>) src(%dma_wait3A_154 : memref<96x128xf32, #tpu.memory_space<vmem>>) dst(%dma_wait3A_150 : memref<96x128xf32, #tpu.memory_space<hbm>>)
      tpu.yield
    }) : () -> ()
    %mul3A_108 = arith.constant 632 : i32
    %mul3A_109 = arith.muli %arg1, %mul3A_108 : i32
    %add3A_110 = arith.constant 480 : i32
    %add3A_111 = arith.addi %mul3A_109, %add3A_110 : i32
    %run_scoped3A_112 = arith.constant 0 : i32
    "tpu.region"() ({
      %run_scoped3A_128 = tpu.sem_alloc : memref<!tpu.dma_semaphore, #tpu.memory_space<semaphore_mem>>
      %dma_start3A = arith.constant 0 : i32
      %dma_start3A_129 = arith.constant 0 : i32
      %dma_start3A_130 = tpu.memref_slice %arg10[%run_scoped3A_112, %dma_start3A, %dma_start3A_129] : memref<2x96x128xf32, #tpu.memory_space<vmem>> -> memref<1x96x128xf32, #tpu.memory_space<vmem>>
      %dma_start3A_131 = tpu.memref_squeeze %dma_start3A_130 : memref<1x96x128xf32, #tpu.memory_space<vmem>> -> memref<96x128xf32, #tpu.memory_space<vmem>>
      %dma_start3A_132 = arith.constant 0 : i32
      %dma_start3A_133 = tpu.memref_slice %arg7[%add3A_111, %dma_start3A_132] : memref<10112x128xf32, #tpu.memory_space<vmem_shared>> -> memref<96x128xf32, #tpu.memory_space<vmem_shared>>
      %dma_start3A_134 = arith.constant 0 : i32
      %dma_start3A_135 = arith.constant 0 : i32
      %dma_start3A_136 = tpu.memref_slice %arg10[%run_scoped3A_112, %dma_start3A_134, %dma_start3A_135] : memref<2x96x128xf32, #tpu.memory_space<vmem>> -> memref<1x96x128xf32, #tpu.memory_space<vmem>>
      %dma_start3A_137 = tpu.memref_squeeze %dma_start3A_136 : memref<1x96x128xf32, #tpu.memory_space<vmem>> -> memref<96x128xf32, #tpu.memory_space<vmem>>
      %dma_start3A_138 = arith.constant 0 : i32
      %dma_start3A_139 = tpu.memref_slice %arg7[%add3A_111, %dma_start3A_138] : memref<10112x128xf32, #tpu.memory_space<vmem_shared>> -> memref<96x128xf32, #tpu.memory_space<vmem_shared>>
      tpu.enqueue_dma source(%dma_start3A_139 : memref<96x128xf32, #tpu.memory_space<vmem_shared>>) target(%dma_start3A_137 : memref<96x128xf32, #tpu.memory_space<vmem>>) target_semaphore(%run_scoped3A_128 : memref<!tpu.dma_semaphore, #tpu.memory_space<semaphore_mem>>)
      %dma_wait3A = arith.constant 0 : i32
      %dma_wait3A_140 = arith.constant 0 : i32
      %dma_wait3A_141 = tpu.memref_slice %arg10[%run_scoped3A_112, %dma_wait3A, %dma_wait3A_140] : memref<2x96x128xf32, #tpu.memory_space<vmem>> -> memref<1x96x128xf32, #tpu.memory_space<vmem>>
      %dma_wait3A_142 = tpu.memref_squeeze %dma_wait3A_141 : memref<1x96x128xf32, #tpu.memory_space<vmem>> -> memref<96x128xf32, #tpu.memory_space<vmem>>
      %dma_wait3A_143 = arith.constant 0 : i32
      %dma_wait3A_144 = tpu.memref_slice %arg7[%add3A_111, %dma_wait3A_143] : memref<10112x128xf32, #tpu.memory_space<vmem_shared>> -> memref<96x128xf32, #tpu.memory_space<vmem_shared>>
      %dma_wait3A_145 = arith.constant 0 : i32
      %dma_wait3A_146 = arith.constant 0 : i32
      %dma_wait3A_147 = tpu.memref_slice %arg10[%run_scoped3A_112, %dma_wait3A_145, %dma_wait3A_146] : memref<2x96x128xf32, #tpu.memory_space<vmem>> -> memref<1x96x128xf32, #tpu.memory_space<vmem>>
      %dma_wait3A_148 = tpu.memref_squeeze %dma_wait3A_147 : memref<1x96x128xf32, #tpu.memory_space<vmem>> -> memref<96x128xf32, #tpu.memory_space<vmem>>
      %dma_wait3A_149 = arith.constant 0 : i32
      %dma_wait3A_150 = tpu.memref_slice %arg7[%add3A_111, %dma_wait3A_149] : memref<10112x128xf32, #tpu.memory_space<vmem_shared>> -> memref<96x128xf32, #tpu.memory_space<vmem_shared>>
      tpu.wait_dma2 semaphore(%run_scoped3A_128 : memref<!tpu.dma_semaphore, #tpu.memory_space<semaphore_mem>>) src(%dma_wait3A_150 : memref<96x128xf32, #tpu.memory_space<vmem_shared>>) dst(%dma_wait3A_148 : memref<96x128xf32, #tpu.memory_space<vmem>>)
      tpu.yield
    }) : () -> ()
    %mul3A_113 = arith.constant 632 : i32
    %mul3A_114 = arith.muli %arg1, %mul3A_113 : i32
    %add3A_115 = arith.constant 480 : i32
    %add3A_116 = arith.addi %mul3A_114, %add3A_115 : i32
    %run_scoped3A_117 = arith.constant 0 : i32
    "tpu.region"() ({
      %run_scoped3A_128 = tpu.sem_alloc : memref<!tpu.dma_semaphore, #tpu.memory_space<semaphore_mem>>
      %dma_start3A = arith.constant 0 : i32
      %dma_start3A_129 = arith.constant 0 : i32
      %dma_start3A_130 = tpu.memref_slice %arg10[%run_scoped3A_117, %dma_start3A, %dma_start3A_129] : memref<2x96x128xf32, #tpu.memory_space<vmem>> -> memref<1x96x128xf32, #tpu.memory_space<vmem>>
      %dma_start3A_131 = tpu.memref_squeeze %dma_start3A_130 : memref<1x96x128xf32, #tpu.memory_space<vmem>> -> memref<96x128xf32, #tpu.memory_space<vmem>>
      %dma_start3A_132 = arith.constant 0 : i32
      %dma_start3A_133 = tpu.memref_slice %arg6[%arg0, %add3A_116, %dma_start3A_132] : memref<2x10112x128xf32, #tpu.memory_space<hbm>> -> memref<1x96x128xf32, #tpu.memory_space<hbm>>
      %dma_start3A_134 = tpu.memref_squeeze %dma_start3A_133 : memref<1x96x128xf32, #tpu.memory_space<hbm>> -> memref<96x128xf32, #tpu.memory_space<hbm>>
      %dma_start3A_135 = arith.constant 0 : i32
      %dma_start3A_136 = tpu.memref_slice %arg6[%arg0, %add3A_116, %dma_start3A_135] : memref<2x10112x128xf32, #tpu.memory_space<hbm>> -> memref<1x96x128xf32, #tpu.memory_space<hbm>>
      %dma_start3A_137 = tpu.memref_squeeze %dma_start3A_136 : memref<1x96x128xf32, #tpu.memory_space<hbm>> -> memref<96x128xf32, #tpu.memory_space<hbm>>
      %dma_start3A_138 = arith.constant 0 : i32
      %dma_start3A_139 = arith.constant 0 : i32
      %dma_start3A_140 = tpu.memref_slice %arg10[%run_scoped3A_117, %dma_start3A_138, %dma_start3A_139] : memref<2x96x128xf32, #tpu.memory_space<vmem>> -> memref<1x96x128xf32, #tpu.memory_space<vmem>>
      %dma_start3A_141 = tpu.memref_squeeze %dma_start3A_140 : memref<1x96x128xf32, #tpu.memory_space<vmem>> -> memref<96x128xf32, #tpu.memory_space<vmem>>
      tpu.enqueue_dma source(%dma_start3A_141 : memref<96x128xf32, #tpu.memory_space<vmem>>) target(%dma_start3A_137 : memref<96x128xf32, #tpu.memory_space<hbm>>) target_semaphore(%run_scoped3A_128 : memref<!tpu.dma_semaphore, #tpu.memory_space<semaphore_mem>>)
      %dma_wait3A = arith.constant 0 : i32
      %dma_wait3A_142 = arith.constant 0 : i32
      %dma_wait3A_143 = tpu.memref_slice %arg10[%run_scoped3A_117, %dma_wait3A, %dma_wait3A_142] : memref<2x96x128xf32, #tpu.memory_space<vmem>> -> memref<1x96x128xf32, #tpu.memory_space<vmem>>
      %dma_wait3A_144 = tpu.memref_squeeze %dma_wait3A_143 : memref<1x96x128xf32, #tpu.memory_space<vmem>> -> memref<96x128xf32, #tpu.memory_space<vmem>>
      %dma_wait3A_145 = arith.constant 0 : i32
      %dma_wait3A_146 = tpu.memref_slice %arg6[%arg0, %add3A_116, %dma_wait3A_145] : memref<2x10112x128xf32, #tpu.memory_space<hbm>> -> memref<1x96x128xf32, #tpu.memory_space<hbm>>
      %dma_wait3A_147 = tpu.memref_squeeze %dma_wait3A_146 : memref<1x96x128xf32, #tpu.memory_space<hbm>> -> memref<96x128xf32, #tpu.memory_space<hbm>>
      %dma_wait3A_148 = arith.constant 0 : i32
      %dma_wait3A_149 = tpu.memref_slice %arg6[%arg0, %add3A_116, %dma_wait3A_148] : memref<2x10112x128xf32, #tpu.memory_space<hbm>> -> memref<1x96x128xf32, #tpu.memory_space<hbm>>
      %dma_wait3A_150 = tpu.memref_squeeze %dma_wait3A_149 : memref<1x96x128xf32, #tpu.memory_space<hbm>> -> memref<96x128xf32, #tpu.memory_space<hbm>>
      %dma_wait3A_151 = arith.constant 0 : i32
      %dma_wait3A_152 = arith.constant 0 : i32
      %dma_wait3A_153 = tpu.memref_slice %arg10[%run_scoped3A_117, %dma_wait3A_151, %dma_wait3A_152] : memref<2x96x128xf32, #tpu.memory_space<vmem>> -> memref<1x96x128xf32, #tpu.memory_space<vmem>>
      %dma_wait3A_154 = tpu.memref_squeeze %dma_wait3A_153 : memref<1x96x128xf32, #tpu.memory_space<vmem>> -> memref<96x128xf32, #tpu.memory_space<vmem>>
      tpu.wait_dma2 semaphore(%run_scoped3A_128 : memref<!tpu.dma_semaphore, #tpu.memory_space<semaphore_mem>>) src(%dma_wait3A_154 : memref<96x128xf32, #tpu.memory_space<vmem>>) dst(%dma_wait3A_150 : memref<96x128xf32, #tpu.memory_space<hbm>>)
      tpu.yield
    }) : () -> ()
    %mul3A_118 = arith.constant 632 : i32
    %mul3A_119 = arith.muli %arg1, %mul3A_118 : i32
    %add3A_120 = arith.constant 576 : i32
    %add3A_121 = arith.addi %mul3A_119, %add3A_120 : i32
    %run_scoped3A_122 = arith.constant 0 : i32
    "tpu.region"() ({
      %run_scoped3A_128 = tpu.sem_alloc : memref<!tpu.dma_semaphore, #tpu.memory_space<semaphore_mem>>
      %dma_start3A = arith.constant 0 : i32
      %dma_start3A_129 = arith.constant 0 : i32
      %dma_start3A_130 = tpu.memref_slice %arg10[%run_scoped3A_122, %dma_start3A, %dma_start3A_129] : memref<2x96x128xf32, #tpu.memory_space<vmem>> -> memref<1x56x128xf32, #tpu.memory_space<vmem>>
      %dma_start3A_131 = tpu.memref_squeeze %dma_start3A_130 : memref<1x56x128xf32, #tpu.memory_space<vmem>> -> memref<56x128xf32, #tpu.memory_space<vmem>>
      %dma_start3A_132 = arith.constant 0 : i32
      %dma_start3A_133 = tpu.memref_slice %arg7[%add3A_121, %dma_start3A_132] : memref<10112x128xf32, #tpu.memory_space<vmem_shared>> -> memref<56x128xf32, #tpu.memory_space<vmem_shared>>
      %dma_start3A_134 = arith.constant 0 : i32
      %dma_start3A_135 = arith.constant 0 : i32
      %dma_start3A_136 = tpu.memref_slice %arg10[%run_scoped3A_122, %dma_start3A_134, %dma_start3A_135] : memref<2x96x128xf32, #tpu.memory_space<vmem>> -> memref<1x56x128xf32, #tpu.memory_space<vmem>>
      %dma_start3A_137 = tpu.memref_squeeze %dma_start3A_136 : memref<1x56x128xf32, #tpu.memory_space<vmem>> -> memref<56x128xf32, #tpu.memory_space<vmem>>
      %dma_start3A_138 = arith.constant 0 : i32
      %dma_start3A_139 = tpu.memref_slice %arg7[%add3A_121, %dma_start3A_138] : memref<10112x128xf32, #tpu.memory_space<vmem_shared>> -> memref<56x128xf32, #tpu.memory_space<vmem_shared>>
      tpu.enqueue_dma source(%dma_start3A_139 : memref<56x128xf32, #tpu.memory_space<vmem_shared>>) target(%dma_start3A_137 : memref<56x128xf32, #tpu.memory_space<vmem>>) target_semaphore(%run_scoped3A_128 : memref<!tpu.dma_semaphore, #tpu.memory_space<semaphore_mem>>)
      %dma_wait3A = arith.constant 0 : i32
      %dma_wait3A_140 = arith.constant 0 : i32
      %dma_wait3A_141 = tpu.memref_slice %arg10[%run_scoped3A_122, %dma_wait3A, %dma_wait3A_140] : memref<2x96x128xf32, #tpu.memory_space<vmem>> -> memref<1x56x128xf32, #tpu.memory_space<vmem>>
      %dma_wait3A_142 = tpu.memref_squeeze %dma_wait3A_141 : memref<1x56x128xf32, #tpu.memory_space<vmem>> -> memref<56x128xf32, #tpu.memory_space<vmem>>
      %dma_wait3A_143 = arith.constant 0 : i32
      %dma_wait3A_144 = tpu.memref_slice %arg7[%add3A_121, %dma_wait3A_143] : memref<10112x128xf32, #tpu.memory_space<vmem_shared>> -> memref<56x128xf32, #tpu.memory_space<vmem_shared>>
      %dma_wait3A_145 = arith.constant 0 : i32
      %dma_wait3A_146 = arith.constant 0 : i32
      %dma_wait3A_147 = tpu.memref_slice %arg10[%run_scoped3A_122, %dma_wait3A_145, %dma_wait3A_146] : memref<2x96x128xf32, #tpu.memory_space<vmem>> -> memref<1x56x128xf32, #tpu.memory_space<vmem>>
      %dma_wait3A_148 = tpu.memref_squeeze %dma_wait3A_147 : memref<1x56x128xf32, #tpu.memory_space<vmem>> -> memref<56x128xf32, #tpu.memory_space<vmem>>
      %dma_wait3A_149 = arith.constant 0 : i32
      %dma_wait3A_150 = tpu.memref_slice %arg7[%add3A_121, %dma_wait3A_149] : memref<10112x128xf32, #tpu.memory_space<vmem_shared>> -> memref<56x128xf32, #tpu.memory_space<vmem_shared>>
      tpu.wait_dma2 semaphore(%run_scoped3A_128 : memref<!tpu.dma_semaphore, #tpu.memory_space<semaphore_mem>>) src(%dma_wait3A_150 : memref<56x128xf32, #tpu.memory_space<vmem_shared>>) dst(%dma_wait3A_148 : memref<56x128xf32, #tpu.memory_space<vmem>>)
      tpu.yield
    }) : () -> ()
    %mul3A_123 = arith.constant 632 : i32
    %mul3A_124 = arith.muli %arg1, %mul3A_123 : i32
    %add3A_125 = arith.constant 576 : i32
    %add3A_126 = arith.addi %mul3A_124, %add3A_125 : i32
    %run_scoped3A_127 = arith.constant 0 : i32
    "tpu.region"() ({
      %run_scoped3A_128 = tpu.sem_alloc : memref<!tpu.dma_semaphore, #tpu.memory_space<semaphore_mem>>
      %dma_start3A = arith.constant 0 : i32
      %dma_start3A_129 = arith.constant 0 : i32
      %dma_start3A_130 = tpu.memref_slice %arg10[%run_scoped3A_127, %dma_start3A, %dma_start3A_129] : memref<2x96x128xf32, #tpu.memory_space<vmem>> -> memref<1x56x128xf32, #tpu.memory_space<vmem>>
      %dma_start3A_131 = tpu.memref_squeeze %dma_start3A_130 : memref<1x56x128xf32, #tpu.memory_space<vmem>> -> memref<56x128xf32, #tpu.memory_space<vmem>>
      %dma_start3A_132 = arith.constant 0 : i32
      %dma_start3A_133 = tpu.memref_slice %arg6[%arg0, %add3A_126, %dma_start3A_132] : memref<2x10112x128xf32, #tpu.memory_space<hbm>> -> memref<1x56x128xf32, #tpu.memory_space<hbm>>
      %dma_start3A_134 = tpu.memref_squeeze %dma_start3A_133 : memref<1x56x128xf32, #tpu.memory_space<hbm>> -> memref<56x128xf32, #tpu.memory_space<hbm>>
      %dma_start3A_135 = arith.constant 0 : i32
      %dma_start3A_136 = tpu.memref_slice %arg6[%arg0, %add3A_126, %dma_start3A_135] : memref<2x10112x128xf32, #tpu.memory_space<hbm>> -> memref<1x56x128xf32, #tpu.memory_space<hbm>>
      %dma_start3A_137 = tpu.memref_squeeze %dma_start3A_136 : memref<1x56x128xf32, #tpu.memory_space<hbm>> -> memref<56x128xf32, #tpu.memory_space<hbm>>
      %dma_start3A_138 = arith.constant 0 : i32
      %dma_start3A_139 = arith.constant 0 : i32
      %dma_start3A_140 = tpu.memref_slice %arg10[%run_scoped3A_127, %dma_start3A_138, %dma_start3A_139] : memref<2x96x128xf32, #tpu.memory_space<vmem>> -> memref<1x56x128xf32, #tpu.memory_space<vmem>>
      %dma_start3A_141 = tpu.memref_squeeze %dma_start3A_140 : memref<1x56x128xf32, #tpu.memory_space<vmem>> -> memref<56x128xf32, #tpu.memory_space<vmem>>
      tpu.enqueue_dma source(%dma_start3A_141 : memref<56x128xf32, #tpu.memory_space<vmem>>) target(%dma_start3A_137 : memref<56x128xf32, #tpu.memory_space<hbm>>) target_semaphore(%run_scoped3A_128 : memref<!tpu.dma_semaphore, #tpu.memory_space<semaphore_mem>>)
      %dma_wait3A = arith.constant 0 : i32
      %dma_wait3A_142 = arith.constant 0 : i32
      %dma_wait3A_143 = tpu.memref_slice %arg10[%run_scoped3A_127, %dma_wait3A, %dma_wait3A_142] : memref<2x96x128xf32, #tpu.memory_space<vmem>> -> memref<1x56x128xf32, #tpu.memory_space<vmem>>
      %dma_wait3A_144 = tpu.memref_squeeze %dma_wait3A_143 : memref<1x56x128xf32, #tpu.memory_space<vmem>> -> memref<56x128xf32, #tpu.memory_space<vmem>>
      %dma_wait3A_145 = arith.constant 0 : i32
      %dma_wait3A_146 = tpu.memref_slice %arg6[%arg0, %add3A_126, %dma_wait3A_145] : memref<2x10112x128xf32, #tpu.memory_space<hbm>> -> memref<1x56x128xf32, #tpu.memory_space<hbm>>
      %dma_wait3A_147 = tpu.memref_squeeze %dma_wait3A_146 : memref<1x56x128xf32, #tpu.memory_space<hbm>> -> memref<56x128xf32, #tpu.memory_space<hbm>>
      %dma_wait3A_148 = arith.constant 0 : i32
      %dma_wait3A_149 = tpu.memref_slice %arg6[%arg0, %add3A_126, %dma_wait3A_148] : memref<2x10112x128xf32, #tpu.memory_space<hbm>> -> memref<1x56x128xf32, #tpu.memory_space<hbm>>
      %dma_wait3A_150 = tpu.memref_squeeze %dma_wait3A_149 : memref<1x56x128xf32, #tpu.memory_space<hbm>> -> memref<56x128xf32, #tpu.memory_space<hbm>>
      %dma_wait3A_151 = arith.constant 0 : i32
      %dma_wait3A_152 = arith.constant 0 : i32
      %dma_wait3A_153 = tpu.memref_slice %arg10[%run_scoped3A_127, %dma_wait3A_151, %dma_wait3A_152] : memref<2x96x128xf32, #tpu.memory_space<vmem>> -> memref<1x56x128xf32, #tpu.memory_space<vmem>>
      %dma_wait3A_154 = tpu.memref_squeeze %dma_wait3A_153 : memref<1x56x128xf32, #tpu.memory_space<vmem>> -> memref<56x128xf32, #tpu.memory_space<vmem>>
      tpu.wait_dma2 semaphore(%run_scoped3A_128 : memref<!tpu.dma_semaphore, #tpu.memory_space<semaphore_mem>>) src(%dma_wait3A_154 : memref<56x128xf32, #tpu.memory_space<vmem>>) dst(%dma_wait3A_150 : memref<56x128xf32, #tpu.memory_space<hbm>>)
      tpu.yield
    }) : () -> ()
    return
  }
}

#map = affine_map<(d0, d1) -> (0, 0)>
#map1 = affine_map<(d0, d1) -> (0)>
#map2 = affine_map<(d0, d1) -> (0, 0, 0)>
module attributes {stable_mosaic.version = 14 : i64} {
  func.func @_sc_edge(%arg0: i32, %arg1: i32, %arg2: memref<10112x128xf32, #tpu.memory_space<hbm>>, %arg3: memref<339840xi32, #tpu.memory_space<hbm>>, %arg4: memref<322560xi32, #tpu.memory_space<hbm>>, %arg5: memref<96x128xf32, #tpu.memory_space<hbm>>, %arg6: memref<2x10112x128xf32, #tpu.memory_space<hbm>>, %arg7: memref<10112x128xf32, #tpu.memory_space<vmem_shared>>, %arg8: memref<18720xi32, #tpu.memory_space<vmem>>, %arg9: memref<2x96xi32, #tpu.memory_space<vmem>>, %arg10: memref<2x96x128xf32, #tpu.memory_space<vmem>>, %arg11: memref<2x!tpu.dma_semaphore, #tpu.memory_space<semaphore_mem>>) attributes {dimension_semantics = [#tpu.dimension_semantics<core_parallel>, #tpu.dimension_semantics<subcore_parallel>], iteration_bounds = array<i64: 2, 16>, scalar_prefetch = 0 : i64, scratch_operands = 5 : i64, tpu.core_type = #tpu.core_type<sc_vector_subcore>, window_params = [{transform_indices = #map}, {transform_indices = #map1}, {transform_indices = #map1}, {transform_indices = #map}, {transform_indices = #map2}]} {
    %eq3A = arith.constant 0 : i32
    %eq3A_0 = arith.cmpi eq, %arg0, %eq3A : i32
    %jit3A = arith.constant 195 : i32
    %jit3A_1 = arith.constant 15 : i32
    %select_n3A = arith.select %eq3A_0, %jit3A, %jit3A_1 : i32
    %eq3A_2 = arith.constant 0 : i32
    %eq3A_3 = arith.cmpi eq, %arg0, %eq3A_2 : i32
    %mul3A = arith.constant 195 : i32
    %mul3A_4 = arith.muli %arg1, %mul3A : i32
    %mul3A_5 = arith.constant 15 : i32
    %mul3A_6 = arith.muli %arg1, %mul3A_5 : i32
    %add3A = arith.constant 3120 : i32
    %add3A_7 = arith.addi %add3A, %mul3A_6 : i32
    %select_n3A_8 = arith.select %eq3A_3, %mul3A_4, %add3A_7 : i32
    %mul3A_9 = arith.constant 96 : i32
    %mul3A_10 = arith.muli %select_n3A_8, %mul3A_9 : i32
    "tpu.region"() ({
      %run_scoped3A_128 = tpu.sem_alloc : memref<!tpu.dma_semaphore, #tpu.memory_space<semaphore_mem>>
      %dma_start3A = tpu.memref_slice %arg3[%mul3A_10] : memref<339840xi32, #tpu.memory_space<hbm>> -> memref<18720xi32, #tpu.memory_space<hbm>>
      %dma_start3A_129 = tpu.memref_slice %arg3[%mul3A_10] : memref<339840xi32, #tpu.memory_space<hbm>> -> memref<18720xi32, #tpu.memory_space<hbm>>
      tpu.enqueue_dma source(%dma_start3A_129 : memref<18720xi32, #tpu.memory_space<hbm>>) target(%arg8 : memref<18720xi32, #tpu.memory_space<vmem>>) target_semaphore(%run_scoped3A_128 : memref<!tpu.dma_semaphore, #tpu.memory_space<semaphore_mem>>)
      %dma_wait3A = tpu.memref_slice %arg3[%mul3A_10] : memref<339840xi32, #tpu.memory_space<hbm>> -> memref<18720xi32, #tpu.memory_space<hbm>>
      %dma_wait3A_130 = tpu.memref_slice %arg3[%mul3A_10] : memref<339840xi32, #tpu.memory_space<hbm>> -> memref<18720xi32, #tpu.memory_space<hbm>>
      tpu.wait_dma2 semaphore(%run_scoped3A_128 : memref<!tpu.dma_semaphore, #tpu.memory_space<semaphore_mem>>) src(%dma_wait3A_130 : memref<18720xi32, #tpu.memory_space<hbm>>) dst(%arg8 : memref<18720xi32, #tpu.memory_space<vmem>>)
      tpu.yield
    }) : () -> ()
    %run_scoped3A = arith.constant 0 : i32
    "tpu.region"() ({
      %run_scoped3A_128 = tpu.sem_alloc : memref<!tpu.dma_semaphore, #tpu.memory_space<semaphore_mem>>
      %dma_start3A = arith.constant 0 : i32
      %dma_start3A_129 = arith.constant 0 : i32
      %dma_start3A_130 = tpu.memref_slice %arg10[%run_scoped3A, %dma_start3A, %dma_start3A_129] : memref<2x96x128xf32, #tpu.memory_space<vmem>> -> memref<1x96x128xf32, #tpu.memory_space<vmem>>
      %dma_start3A_131 = tpu.memref_squeeze %dma_start3A_130 : memref<1x96x128xf32, #tpu.memory_space<vmem>> -> memref<96x128xf32, #tpu.memory_space<vmem>>
      %dma_start3A_132 = arith.constant 0 : i32
      %dma_start3A_133 = arith.constant 0 : i32
      %dma_start3A_134 = tpu.memref_slice %arg10[%run_scoped3A, %dma_start3A_132, %dma_start3A_133] : memref<2x96x128xf32, #tpu.memory_space<vmem>> -> memref<1x96x128xf32, #tpu.memory_space<vmem>>
      %dma_start3A_135 = tpu.memref_squeeze %dma_start3A_134 : memref<1x96x128xf32, #tpu.memory_space<vmem>> -> memref<96x128xf32, #tpu.memory_space<vmem>>
      tpu.enqueue_dma source(%arg5 : memref<96x128xf32, #tpu.memory_space<hbm>>) target(%dma_start3A_135 : memref<96x128xf32, #tpu.memory_space<vmem>>) target_semaphore(%run_scoped3A_128 : memref<!tpu.dma_semaphore, #tpu.memory_space<semaphore_mem>>)
      %dma_wait3A = arith.constant 0 : i32
      %dma_wait3A_136 = arith.constant 0 : i32
      %dma_wait3A_137 = tpu.memref_slice %arg10[%run_scoped3A, %dma_wait3A, %dma_wait3A_136] : memref<2x96x128xf32, #tpu.memory_space<vmem>> -> memref<1x96x128xf32, #tpu.memory_space<vmem>>
      %dma_wait3A_138 = tpu.memref_squeeze %dma_wait3A_137 : memref<1x96x128xf32, #tpu.memory_space<vmem>> -> memref<96x128xf32, #tpu.memory_space<vmem>>
      %dma_wait3A_139 = arith.constant 0 : i32
      %dma_wait3A_140 = arith.constant 0 : i32
      %dma_wait3A_141 = tpu.memref_slice %arg10[%run_scoped3A, %dma_wait3A_139, %dma_wait3A_140] : memref<2x96x128xf32, #tpu.memory_space<vmem>> -> memref<1x96x128xf32, #tpu.memory_space<vmem>>
      %dma_wait3A_142 = tpu.memref_squeeze %dma_wait3A_141 : memref<1x96x128xf32, #tpu.memory_space<vmem>> -> memref<96x128xf32, #tpu.memory_space<vmem>>
      tpu.wait_dma2 semaphore(%run_scoped3A_128 : memref<!tpu.dma_semaphore, #tpu.memory_space<semaphore_mem>>) src(%arg5 : memref<96x128xf32, #tpu.memory_space<hbm>>) dst(%dma_wait3A_142 : memref<96x128xf32, #tpu.memory_space<vmem>>)
      tpu.yield
    }) : () -> ()
    %mul3A_11 = arith.constant 632 : i32
    %mul3A_12 = arith.muli %arg1, %mul3A_11 : i32
    %add3A_13 = arith.constant 0 : i32
    %add3A_14 = arith.addi %mul3A_12, %add3A_13 : i32
    %run_scoped3A_15 = arith.constant 0 : i32
    "tpu.region"() ({
      %run_scoped3A_128 = tpu.sem_alloc : memref<!tpu.dma_semaphore, #tpu.memory_space<semaphore_mem>>
      %dma_start3A = arith.constant 0 : i32
      %dma_start3A_129 = arith.constant 0 : i32
      %dma_start3A_130 = tpu.memref_slice %arg10[%run_scoped3A_15, %dma_start3A, %dma_start3A_129] : memref<2x96x128xf32, #tpu.memory_space<vmem>> -> memref<1x96x128xf32, #tpu.memory_space<vmem>>
      %dma_start3A_131 = tpu.memref_squeeze %dma_start3A_130 : memref<1x96x128xf32, #tpu.memory_space<vmem>> -> memref<96x128xf32, #tpu.memory_space<vmem>>
      %dma_start3A_132 = arith.constant 0 : i32
      %dma_start3A_133 = tpu.memref_slice %arg7[%add3A_14, %dma_start3A_132] : memref<10112x128xf32, #tpu.memory_space<vmem_shared>> -> memref<96x128xf32, #tpu.memory_space<vmem_shared>>
      %dma_start3A_134 = arith.constant 0 : i32
      %dma_start3A_135 = tpu.memref_slice %arg7[%add3A_14, %dma_start3A_134] : memref<10112x128xf32, #tpu.memory_space<vmem_shared>> -> memref<96x128xf32, #tpu.memory_space<vmem_shared>>
      %dma_start3A_136 = arith.constant 0 : i32
      %dma_start3A_137 = arith.constant 0 : i32
      %dma_start3A_138 = tpu.memref_slice %arg10[%run_scoped3A_15, %dma_start3A_136, %dma_start3A_137] : memref<2x96x128xf32, #tpu.memory_space<vmem>> -> memref<1x96x128xf32, #tpu.memory_space<vmem>>
      %dma_start3A_139 = tpu.memref_squeeze %dma_start3A_138 : memref<1x96x128xf32, #tpu.memory_space<vmem>> -> memref<96x128xf32, #tpu.memory_space<vmem>>
      tpu.enqueue_dma source(%dma_start3A_139 : memref<96x128xf32, #tpu.memory_space<vmem>>) target(%dma_start3A_135 : memref<96x128xf32, #tpu.memory_space<vmem_shared>>) target_semaphore(%run_scoped3A_128 : memref<!tpu.dma_semaphore, #tpu.memory_space<semaphore_mem>>)
      %dma_wait3A = arith.constant 0 : i32
      %dma_wait3A_140 = arith.constant 0 : i32
      %dma_wait3A_141 = tpu.memref_slice %arg10[%run_scoped3A_15, %dma_wait3A, %dma_wait3A_140] : memref<2x96x128xf32, #tpu.memory_space<vmem>> -> memref<1x96x128xf32, #tpu.memory_space<vmem>>
      %dma_wait3A_142 = tpu.memref_squeeze %dma_wait3A_141 : memref<1x96x128xf32, #tpu.memory_space<vmem>> -> memref<96x128xf32, #tpu.memory_space<vmem>>
      %dma_wait3A_143 = arith.constant 0 : i32
      %dma_wait3A_144 = tpu.memref_slice %arg7[%add3A_14, %dma_wait3A_143] : memref<10112x128xf32, #tpu.memory_space<vmem_shared>> -> memref<96x128xf32, #tpu.memory_space<vmem_shared>>
      %dma_wait3A_145 = arith.constant 0 : i32
      %dma_wait3A_146 = tpu.memref_slice %arg7[%add3A_14, %dma_wait3A_145] : memref<10112x128xf32, #tpu.memory_space<vmem_shared>> -> memref<96x128xf32, #tpu.memory_space<vmem_shared>>
      %dma_wait3A_147 = arith.constant 0 : i32
      %dma_wait3A_148 = arith.constant 0 : i32
      %dma_wait3A_149 = tpu.memref_slice %arg10[%run_scoped3A_15, %dma_wait3A_147, %dma_wait3A_148] : memref<2x96x128xf32, #tpu.memory_space<vmem>> -> memref<1x96x128xf32, #tpu.memory_space<vmem>>
      %dma_wait3A_150 = tpu.memref_squeeze %dma_wait3A_149 : memref<1x96x128xf32, #tpu.memory_space<vmem>> -> memref<96x128xf32, #tpu.memory_space<vmem>>
      tpu.wait_dma2 semaphore(%run_scoped3A_128 : memref<!tpu.dma_semaphore, #tpu.memory_space<semaphore_mem>>) src(%dma_wait3A_150 : memref<96x128xf32, #tpu.memory_space<vmem>>) dst(%dma_wait3A_146 : memref<96x128xf32, #tpu.memory_space<vmem_shared>>)
      tpu.yield
    }) : () -> ()
    %mul3A_16 = arith.constant 632 : i32
    %mul3A_17 = arith.muli %arg1, %mul3A_16 : i32
    %add3A_18 = arith.constant 96 : i32
    %add3A_19 = arith.addi %mul3A_17, %add3A_18 : i32
    %run_scoped3A_20 = arith.constant 0 : i32
    "tpu.region"() ({
      %run_scoped3A_128 = tpu.sem_alloc : memref<!tpu.dma_semaphore, #tpu.memory_space<semaphore_mem>>
      %dma_start3A = arith.constant 0 : i32
      %dma_start3A_129 = arith.constant 0 : i32
      %dma_start3A_130 = tpu.memref_slice %arg10[%run_scoped3A_20, %dma_start3A, %dma_start3A_129] : memref<2x96x128xf32, #tpu.memory_space<vmem>> -> memref<1x96x128xf32, #tpu.memory_space<vmem>>
      %dma_start3A_131 = tpu.memref_squeeze %dma_start3A_130 : memref<1x96x128xf32, #tpu.memory_space<vmem>> -> memref<96x128xf32, #tpu.memory_space<vmem>>
      %dma_start3A_132 = arith.constant 0 : i32
      %dma_start3A_133 = tpu.memref_slice %arg7[%add3A_19, %dma_start3A_132] : memref<10112x128xf32, #tpu.memory_space<vmem_shared>> -> memref<96x128xf32, #tpu.memory_space<vmem_shared>>
      %dma_start3A_134 = arith.constant 0 : i32
      %dma_start3A_135 = tpu.memref_slice %arg7[%add3A_19, %dma_start3A_134] : memref<10112x128xf32, #tpu.memory_space<vmem_shared>> -> memref<96x128xf32, #tpu.memory_space<vmem_shared>>
      %dma_start3A_136 = arith.constant 0 : i32
      %dma_start3A_137 = arith.constant 0 : i32
      %dma_start3A_138 = tpu.memref_slice %arg10[%run_scoped3A_20, %dma_start3A_136, %dma_start3A_137] : memref<2x96x128xf32, #tpu.memory_space<vmem>> -> memref<1x96x128xf32, #tpu.memory_space<vmem>>
      %dma_start3A_139 = tpu.memref_squeeze %dma_start3A_138 : memref<1x96x128xf32, #tpu.memory_space<vmem>> -> memref<96x128xf32, #tpu.memory_space<vmem>>
      tpu.enqueue_dma source(%dma_start3A_139 : memref<96x128xf32, #tpu.memory_space<vmem>>) target(%dma_start3A_135 : memref<96x128xf32, #tpu.memory_space<vmem_shared>>) target_semaphore(%run_scoped3A_128 : memref<!tpu.dma_semaphore, #tpu.memory_space<semaphore_mem>>)
      %dma_wait3A = arith.constant 0 : i32
      %dma_wait3A_140 = arith.constant 0 : i32
      %dma_wait3A_141 = tpu.memref_slice %arg10[%run_scoped3A_20, %dma_wait3A, %dma_wait3A_140] : memref<2x96x128xf32, #tpu.memory_space<vmem>> -> memref<1x96x128xf32, #tpu.memory_space<vmem>>
      %dma_wait3A_142 = tpu.memref_squeeze %dma_wait3A_141 : memref<1x96x128xf32, #tpu.memory_space<vmem>> -> memref<96x128xf32, #tpu.memory_space<vmem>>
      %dma_wait3A_143 = arith.constant 0 : i32
      %dma_wait3A_144 = tpu.memref_slice %arg7[%add3A_19, %dma_wait3A_143] : memref<10112x128xf32, #tpu.memory_space<vmem_shared>> -> memref<96x128xf32, #tpu.memory_space<vmem_shared>>
      %dma_wait3A_145 = arith.constant 0 : i32
      %dma_wait3A_146 = tpu.memref_slice %arg7[%add3A_19, %dma_wait3A_145] : memref<10112x128xf32, #tpu.memory_space<vmem_shared>> -> memref<96x128xf32, #tpu.memory_space<vmem_shared>>
      %dma_wait3A_147 = arith.constant 0 : i32
      %dma_wait3A_148 = arith.constant 0 : i32
      %dma_wait3A_149 = tpu.memref_slice %arg10[%run_scoped3A_20, %dma_wait3A_147, %dma_wait3A_148] : memref<2x96x128xf32, #tpu.memory_space<vmem>> -> memref<1x96x128xf32, #tpu.memory_space<vmem>>
      %dma_wait3A_150 = tpu.memref_squeeze %dma_wait3A_149 : memref<1x96x128xf32, #tpu.memory_space<vmem>> -> memref<96x128xf32, #tpu.memory_space<vmem>>
      tpu.wait_dma2 semaphore(%run_scoped3A_128 : memref<!tpu.dma_semaphore, #tpu.memory_space<semaphore_mem>>) src(%dma_wait3A_150 : memref<96x128xf32, #tpu.memory_space<vmem>>) dst(%dma_wait3A_146 : memref<96x128xf32, #tpu.memory_space<vmem_shared>>)
      tpu.yield
    }) : () -> ()
    %mul3A_21 = arith.constant 632 : i32
    %mul3A_22 = arith.muli %arg1, %mul3A_21 : i32
    %add3A_23 = arith.constant 192 : i32
    %add3A_24 = arith.addi %mul3A_22, %add3A_23 : i32
    %run_scoped3A_25 = arith.constant 0 : i32
    "tpu.region"() ({
      %run_scoped3A_128 = tpu.sem_alloc : memref<!tpu.dma_semaphore, #tpu.memory_space<semaphore_mem>>
      %dma_start3A = arith.constant 0 : i32
      %dma_start3A_129 = arith.constant 0 : i32
      %dma_start3A_130 = tpu.memref_slice %arg10[%run_scoped3A_25, %dma_start3A, %dma_start3A_129] : memref<2x96x128xf32, #tpu.memory_space<vmem>> -> memref<1x96x128xf32, #tpu.memory_space<vmem>>
      %dma_start3A_131 = tpu.memref_squeeze %dma_start3A_130 : memref<1x96x128xf32, #tpu.memory_space<vmem>> -> memref<96x128xf32, #tpu.memory_space<vmem>>
      %dma_start3A_132 = arith.constant 0 : i32
      %dma_start3A_133 = tpu.memref_slice %arg7[%add3A_24, %dma_start3A_132] : memref<10112x128xf32, #tpu.memory_space<vmem_shared>> -> memref<96x128xf32, #tpu.memory_space<vmem_shared>>
      %dma_start3A_134 = arith.constant 0 : i32
      %dma_start3A_135 = tpu.memref_slice %arg7[%add3A_24, %dma_start3A_134] : memref<10112x128xf32, #tpu.memory_space<vmem_shared>> -> memref<96x128xf32, #tpu.memory_space<vmem_shared>>
      %dma_start3A_136 = arith.constant 0 : i32
      %dma_start3A_137 = arith.constant 0 : i32
      %dma_start3A_138 = tpu.memref_slice %arg10[%run_scoped3A_25, %dma_start3A_136, %dma_start3A_137] : memref<2x96x128xf32, #tpu.memory_space<vmem>> -> memref<1x96x128xf32, #tpu.memory_space<vmem>>
      %dma_start3A_139 = tpu.memref_squeeze %dma_start3A_138 : memref<1x96x128xf32, #tpu.memory_space<vmem>> -> memref<96x128xf32, #tpu.memory_space<vmem>>
      tpu.enqueue_dma source(%dma_start3A_139 : memref<96x128xf32, #tpu.memory_space<vmem>>) target(%dma_start3A_135 : memref<96x128xf32, #tpu.memory_space<vmem_shared>>) target_semaphore(%run_scoped3A_128 : memref<!tpu.dma_semaphore, #tpu.memory_space<semaphore_mem>>)
      %dma_wait3A = arith.constant 0 : i32
      %dma_wait3A_140 = arith.constant 0 : i32
      %dma_wait3A_141 = tpu.memref_slice %arg10[%run_scoped3A_25, %dma_wait3A, %dma_wait3A_140] : memref<2x96x128xf32, #tpu.memory_space<vmem>> -> memref<1x96x128xf32, #tpu.memory_space<vmem>>
      %dma_wait3A_142 = tpu.memref_squeeze %dma_wait3A_141 : memref<1x96x128xf32, #tpu.memory_space<vmem>> -> memref<96x128xf32, #tpu.memory_space<vmem>>
      %dma_wait3A_143 = arith.constant 0 : i32
      %dma_wait3A_144 = tpu.memref_slice %arg7[%add3A_24, %dma_wait3A_143] : memref<10112x128xf32, #tpu.memory_space<vmem_shared>> -> memref<96x128xf32, #tpu.memory_space<vmem_shared>>
      %dma_wait3A_145 = arith.constant 0 : i32
      %dma_wait3A_146 = tpu.memref_slice %arg7[%add3A_24, %dma_wait3A_145] : memref<10112x128xf32, #tpu.memory_space<vmem_shared>> -> memref<96x128xf32, #tpu.memory_space<vmem_shared>>
      %dma_wait3A_147 = arith.constant 0 : i32
      %dma_wait3A_148 = arith.constant 0 : i32
      %dma_wait3A_149 = tpu.memref_slice %arg10[%run_scoped3A_25, %dma_wait3A_147, %dma_wait3A_148] : memref<2x96x128xf32, #tpu.memory_space<vmem>> -> memref<1x96x128xf32, #tpu.memory_space<vmem>>
      %dma_wait3A_150 = tpu.memref_squeeze %dma_wait3A_149 : memref<1x96x128xf32, #tpu.memory_space<vmem>> -> memref<96x128xf32, #tpu.memory_space<vmem>>
      tpu.wait_dma2 semaphore(%run_scoped3A_128 : memref<!tpu.dma_semaphore, #tpu.memory_space<semaphore_mem>>) src(%dma_wait3A_150 : memref<96x128xf32, #tpu.memory_space<vmem>>) dst(%dma_wait3A_146 : memref<96x128xf32, #tpu.memory_space<vmem_shared>>)
      tpu.yield
    }) : () -> ()
    %mul3A_26 = arith.constant 632 : i32
    %mul3A_27 = arith.muli %arg1, %mul3A_26 : i32
    %add3A_28 = arith.constant 288 : i32
    %add3A_29 = arith.addi %mul3A_27, %add3A_28 : i32
    %run_scoped3A_30 = arith.constant 0 : i32
    "tpu.region"() ({
      %run_scoped3A_128 = tpu.sem_alloc : memref<!tpu.dma_semaphore, #tpu.memory_space<semaphore_mem>>
      %dma_start3A = arith.constant 0 : i32
      %dma_start3A_129 = arith.constant 0 : i32
      %dma_start3A_130 = tpu.memref_slice %arg10[%run_scoped3A_30, %dma_start3A, %dma_start3A_129] : memref<2x96x128xf32, #tpu.memory_space<vmem>> -> memref<1x96x128xf32, #tpu.memory_space<vmem>>
      %dma_start3A_131 = tpu.memref_squeeze %dma_start3A_130 : memref<1x96x128xf32, #tpu.memory_space<vmem>> -> memref<96x128xf32, #tpu.memory_space<vmem>>
      %dma_start3A_132 = arith.constant 0 : i32
      %dma_start3A_133 = tpu.memref_slice %arg7[%add3A_29, %dma_start3A_132] : memref<10112x128xf32, #tpu.memory_space<vmem_shared>> -> memref<96x128xf32, #tpu.memory_space<vmem_shared>>
      %dma_start3A_134 = arith.constant 0 : i32
      %dma_start3A_135 = tpu.memref_slice %arg7[%add3A_29, %dma_start3A_134] : memref<10112x128xf32, #tpu.memory_space<vmem_shared>> -> memref<96x128xf32, #tpu.memory_space<vmem_shared>>
      %dma_start3A_136 = arith.constant 0 : i32
      %dma_start3A_137 = arith.constant 0 : i32
      %dma_start3A_138 = tpu.memref_slice %arg10[%run_scoped3A_30, %dma_start3A_136, %dma_start3A_137] : memref<2x96x128xf32, #tpu.memory_space<vmem>> -> memref<1x96x128xf32, #tpu.memory_space<vmem>>
      %dma_start3A_139 = tpu.memref_squeeze %dma_start3A_138 : memref<1x96x128xf32, #tpu.memory_space<vmem>> -> memref<96x128xf32, #tpu.memory_space<vmem>>
      tpu.enqueue_dma source(%dma_start3A_139 : memref<96x128xf32, #tpu.memory_space<vmem>>) target(%dma_start3A_135 : memref<96x128xf32, #tpu.memory_space<vmem_shared>>) target_semaphore(%run_scoped3A_128 : memref<!tpu.dma_semaphore, #tpu.memory_space<semaphore_mem>>)
      %dma_wait3A = arith.constant 0 : i32
      %dma_wait3A_140 = arith.constant 0 : i32
      %dma_wait3A_141 = tpu.memref_slice %arg10[%run_scoped3A_30, %dma_wait3A, %dma_wait3A_140] : memref<2x96x128xf32, #tpu.memory_space<vmem>> -> memref<1x96x128xf32, #tpu.memory_space<vmem>>
      %dma_wait3A_142 = tpu.memref_squeeze %dma_wait3A_141 : memref<1x96x128xf32, #tpu.memory_space<vmem>> -> memref<96x128xf32, #tpu.memory_space<vmem>>
      %dma_wait3A_143 = arith.constant 0 : i32
      %dma_wait3A_144 = tpu.memref_slice %arg7[%add3A_29, %dma_wait3A_143] : memref<10112x128xf32, #tpu.memory_space<vmem_shared>> -> memref<96x128xf32, #tpu.memory_space<vmem_shared>>
      %dma_wait3A_145 = arith.constant 0 : i32
      %dma_wait3A_146 = tpu.memref_slice %arg7[%add3A_29, %dma_wait3A_145] : memref<10112x128xf32, #tpu.memory_space<vmem_shared>> -> memref<96x128xf32, #tpu.memory_space<vmem_shared>>
      %dma_wait3A_147 = arith.constant 0 : i32
      %dma_wait3A_148 = arith.constant 0 : i32
      %dma_wait3A_149 = tpu.memref_slice %arg10[%run_scoped3A_30, %dma_wait3A_147, %dma_wait3A_148] : memref<2x96x128xf32, #tpu.memory_space<vmem>> -> memref<1x96x128xf32, #tpu.memory_space<vmem>>
      %dma_wait3A_150 = tpu.memref_squeeze %dma_wait3A_149 : memref<1x96x128xf32, #tpu.memory_space<vmem>> -> memref<96x128xf32, #tpu.memory_space<vmem>>
      tpu.wait_dma2 semaphore(%run_scoped3A_128 : memref<!tpu.dma_semaphore, #tpu.memory_space<semaphore_mem>>) src(%dma_wait3A_150 : memref<96x128xf32, #tpu.memory_space<vmem>>) dst(%dma_wait3A_146 : memref<96x128xf32, #tpu.memory_space<vmem_shared>>)
      tpu.yield
    }) : () -> ()
    %mul3A_31 = arith.constant 632 : i32
    %mul3A_32 = arith.muli %arg1, %mul3A_31 : i32
    %add3A_33 = arith.constant 384 : i32
    %add3A_34 = arith.addi %mul3A_32, %add3A_33 : i32
    %run_scoped3A_35 = arith.constant 0 : i32
    "tpu.region"() ({
      %run_scoped3A_128 = tpu.sem_alloc : memref<!tpu.dma_semaphore, #tpu.memory_space<semaphore_mem>>
      %dma_start3A = arith.constant 0 : i32
      %dma_start3A_129 = arith.constant 0 : i32
      %dma_start3A_130 = tpu.memref_slice %arg10[%run_scoped3A_35, %dma_start3A, %dma_start3A_129] : memref<2x96x128xf32, #tpu.memory_space<vmem>> -> memref<1x96x128xf32, #tpu.memory_space<vmem>>
      %dma_start3A_131 = tpu.memref_squeeze %dma_start3A_130 : memref<1x96x128xf32, #tpu.memory_space<vmem>> -> memref<96x128xf32, #tpu.memory_space<vmem>>
      %dma_start3A_132 = arith.constant 0 : i32
      %dma_start3A_133 = tpu.memref_slice %arg7[%add3A_34, %dma_start3A_132] : memref<10112x128xf32, #tpu.memory_space<vmem_shared>> -> memref<96x128xf32, #tpu.memory_space<vmem_shared>>
      %dma_start3A_134 = arith.constant 0 : i32
      %dma_start3A_135 = tpu.memref_slice %arg7[%add3A_34, %dma_start3A_134] : memref<10112x128xf32, #tpu.memory_space<vmem_shared>> -> memref<96x128xf32, #tpu.memory_space<vmem_shared>>
      %dma_start3A_136 = arith.constant 0 : i32
      %dma_start3A_137 = arith.constant 0 : i32
      %dma_start3A_138 = tpu.memref_slice %arg10[%run_scoped3A_35, %dma_start3A_136, %dma_start3A_137] : memref<2x96x128xf32, #tpu.memory_space<vmem>> -> memref<1x96x128xf32, #tpu.memory_space<vmem>>
      %dma_start3A_139 = tpu.memref_squeeze %dma_start3A_138 : memref<1x96x128xf32, #tpu.memory_space<vmem>> -> memref<96x128xf32, #tpu.memory_space<vmem>>
      tpu.enqueue_dma source(%dma_start3A_139 : memref<96x128xf32, #tpu.memory_space<vmem>>) target(%dma_start3A_135 : memref<96x128xf32, #tpu.memory_space<vmem_shared>>) target_semaphore(%run_scoped3A_128 : memref<!tpu.dma_semaphore, #tpu.memory_space<semaphore_mem>>)
      %dma_wait3A = arith.constant 0 : i32
      %dma_wait3A_140 = arith.constant 0 : i32
      %dma_wait3A_141 = tpu.memref_slice %arg10[%run_scoped3A_35, %dma_wait3A, %dma_wait3A_140] : memref<2x96x128xf32, #tpu.memory_space<vmem>> -> memref<1x96x128xf32, #tpu.memory_space<vmem>>
      %dma_wait3A_142 = tpu.memref_squeeze %dma_wait3A_141 : memref<1x96x128xf32, #tpu.memory_space<vmem>> -> memref<96x128xf32, #tpu.memory_space<vmem>>
      %dma_wait3A_143 = arith.constant 0 : i32
      %dma_wait3A_144 = tpu.memref_slice %arg7[%add3A_34, %dma_wait3A_143] : memref<10112x128xf32, #tpu.memory_space<vmem_shared>> -> memref<96x128xf32, #tpu.memory_space<vmem_shared>>
      %dma_wait3A_145 = arith.constant 0 : i32
      %dma_wait3A_146 = tpu.memref_slice %arg7[%add3A_34, %dma_wait3A_145] : memref<10112x128xf32, #tpu.memory_space<vmem_shared>> -> memref<96x128xf32, #tpu.memory_space<vmem_shared>>
      %dma_wait3A_147 = arith.constant 0 : i32
      %dma_wait3A_148 = arith.constant 0 : i32
      %dma_wait3A_149 = tpu.memref_slice %arg10[%run_scoped3A_35, %dma_wait3A_147, %dma_wait3A_148] : memref<2x96x128xf32, #tpu.memory_space<vmem>> -> memref<1x96x128xf32, #tpu.memory_space<vmem>>
      %dma_wait3A_150 = tpu.memref_squeeze %dma_wait3A_149 : memref<1x96x128xf32, #tpu.memory_space<vmem>> -> memref<96x128xf32, #tpu.memory_space<vmem>>
      tpu.wait_dma2 semaphore(%run_scoped3A_128 : memref<!tpu.dma_semaphore, #tpu.memory_space<semaphore_mem>>) src(%dma_wait3A_150 : memref<96x128xf32, #tpu.memory_space<vmem>>) dst(%dma_wait3A_146 : memref<96x128xf32, #tpu.memory_space<vmem_shared>>)
      tpu.yield
    }) : () -> ()
    %mul3A_36 = arith.constant 632 : i32
    %mul3A_37 = arith.muli %arg1, %mul3A_36 : i32
    %add3A_38 = arith.constant 480 : i32
    %add3A_39 = arith.addi %mul3A_37, %add3A_38 : i32
    %run_scoped3A_40 = arith.constant 0 : i32
    "tpu.region"() ({
      %run_scoped3A_128 = tpu.sem_alloc : memref<!tpu.dma_semaphore, #tpu.memory_space<semaphore_mem>>
      %dma_start3A = arith.constant 0 : i32
      %dma_start3A_129 = arith.constant 0 : i32
      %dma_start3A_130 = tpu.memref_slice %arg10[%run_scoped3A_40, %dma_start3A, %dma_start3A_129] : memref<2x96x128xf32, #tpu.memory_space<vmem>> -> memref<1x96x128xf32, #tpu.memory_space<vmem>>
      %dma_start3A_131 = tpu.memref_squeeze %dma_start3A_130 : memref<1x96x128xf32, #tpu.memory_space<vmem>> -> memref<96x128xf32, #tpu.memory_space<vmem>>
      %dma_start3A_132 = arith.constant 0 : i32
      %dma_start3A_133 = tpu.memref_slice %arg7[%add3A_39, %dma_start3A_132] : memref<10112x128xf32, #tpu.memory_space<vmem_shared>> -> memref<96x128xf32, #tpu.memory_space<vmem_shared>>
      %dma_start3A_134 = arith.constant 0 : i32
      %dma_start3A_135 = tpu.memref_slice %arg7[%add3A_39, %dma_start3A_134] : memref<10112x128xf32, #tpu.memory_space<vmem_shared>> -> memref<96x128xf32, #tpu.memory_space<vmem_shared>>
      %dma_start3A_136 = arith.constant 0 : i32
      %dma_start3A_137 = arith.constant 0 : i32
      %dma_start3A_138 = tpu.memref_slice %arg10[%run_scoped3A_40, %dma_start3A_136, %dma_start3A_137] : memref<2x96x128xf32, #tpu.memory_space<vmem>> -> memref<1x96x128xf32, #tpu.memory_space<vmem>>
      %dma_start3A_139 = tpu.memref_squeeze %dma_start3A_138 : memref<1x96x128xf32, #tpu.memory_space<vmem>> -> memref<96x128xf32, #tpu.memory_space<vmem>>
      tpu.enqueue_dma source(%dma_start3A_139 : memref<96x128xf32, #tpu.memory_space<vmem>>) target(%dma_start3A_135 : memref<96x128xf32, #tpu.memory_space<vmem_shared>>) target_semaphore(%run_scoped3A_128 : memref<!tpu.dma_semaphore, #tpu.memory_space<semaphore_mem>>)
      %dma_wait3A = arith.constant 0 : i32
      %dma_wait3A_140 = arith.constant 0 : i32
      %dma_wait3A_141 = tpu.memref_slice %arg10[%run_scoped3A_40, %dma_wait3A, %dma_wait3A_140] : memref<2x96x128xf32, #tpu.memory_space<vmem>> -> memref<1x96x128xf32, #tpu.memory_space<vmem>>
      %dma_wait3A_142 = tpu.memref_squeeze %dma_wait3A_141 : memref<1x96x128xf32, #tpu.memory_space<vmem>> -> memref<96x128xf32, #tpu.memory_space<vmem>>
      %dma_wait3A_143 = arith.constant 0 : i32
      %dma_wait3A_144 = tpu.memref_slice %arg7[%add3A_39, %dma_wait3A_143] : memref<10112x128xf32, #tpu.memory_space<vmem_shared>> -> memref<96x128xf32, #tpu.memory_space<vmem_shared>>
      %dma_wait3A_145 = arith.constant 0 : i32
      %dma_wait3A_146 = tpu.memref_slice %arg7[%add3A_39, %dma_wait3A_145] : memref<10112x128xf32, #tpu.memory_space<vmem_shared>> -> memref<96x128xf32, #tpu.memory_space<vmem_shared>>
      %dma_wait3A_147 = arith.constant 0 : i32
      %dma_wait3A_148 = arith.constant 0 : i32
      %dma_wait3A_149 = tpu.memref_slice %arg10[%run_scoped3A_40, %dma_wait3A_147, %dma_wait3A_148] : memref<2x96x128xf32, #tpu.memory_space<vmem>> -> memref<1x96x128xf32, #tpu.memory_space<vmem>>
      %dma_wait3A_150 = tpu.memref_squeeze %dma_wait3A_149 : memref<1x96x128xf32, #tpu.memory_space<vmem>> -> memref<96x128xf32, #tpu.memory_space<vmem>>
      tpu.wait_dma2 semaphore(%run_scoped3A_128 : memref<!tpu.dma_semaphore, #tpu.memory_space<semaphore_mem>>) src(%dma_wait3A_150 : memref<96x128xf32, #tpu.memory_space<vmem>>) dst(%dma_wait3A_146 : memref<96x128xf32, #tpu.memory_space<vmem_shared>>)
      tpu.yield
    }) : () -> ()
    %mul3A_41 = arith.constant 632 : i32
    %mul3A_42 = arith.muli %arg1, %mul3A_41 : i32
    %add3A_43 = arith.constant 576 : i32
    %add3A_44 = arith.addi %mul3A_42, %add3A_43 : i32
    %run_scoped3A_45 = arith.constant 0 : i32
    "tpu.region"() ({
      %run_scoped3A_128 = tpu.sem_alloc : memref<!tpu.dma_semaphore, #tpu.memory_space<semaphore_mem>>
      %dma_start3A = arith.constant 0 : i32
      %dma_start3A_129 = arith.constant 0 : i32
      %dma_start3A_130 = tpu.memref_slice %arg10[%run_scoped3A_45, %dma_start3A, %dma_start3A_129] : memref<2x96x128xf32, #tpu.memory_space<vmem>> -> memref<1x56x128xf32, #tpu.memory_space<vmem>>
      %dma_start3A_131 = tpu.memref_squeeze %dma_start3A_130 : memref<1x56x128xf32, #tpu.memory_space<vmem>> -> memref<56x128xf32, #tpu.memory_space<vmem>>
      %dma_start3A_132 = arith.constant 0 : i32
      %dma_start3A_133 = tpu.memref_slice %arg7[%add3A_44, %dma_start3A_132] : memref<10112x128xf32, #tpu.memory_space<vmem_shared>> -> memref<56x128xf32, #tpu.memory_space<vmem_shared>>
      %dma_start3A_134 = arith.constant 0 : i32
      %dma_start3A_135 = tpu.memref_slice %arg7[%add3A_44, %dma_start3A_134] : memref<10112x128xf32, #tpu.memory_space<vmem_shared>> -> memref<56x128xf32, #tpu.memory_space<vmem_shared>>
      %dma_start3A_136 = arith.constant 0 : i32
      %dma_start3A_137 = arith.constant 0 : i32
      %dma_start3A_138 = tpu.memref_slice %arg10[%run_scoped3A_45, %dma_start3A_136, %dma_start3A_137] : memref<2x96x128xf32, #tpu.memory_space<vmem>> -> memref<1x56x128xf32, #tpu.memory_space<vmem>>
      %dma_start3A_139 = tpu.memref_squeeze %dma_start3A_138 : memref<1x56x128xf32, #tpu.memory_space<vmem>> -> memref<56x128xf32, #tpu.memory_space<vmem>>
      tpu.enqueue_dma source(%dma_start3A_139 : memref<56x128xf32, #tpu.memory_space<vmem>>) target(%dma_start3A_135 : memref<56x128xf32, #tpu.memory_space<vmem_shared>>) target_semaphore(%run_scoped3A_128 : memref<!tpu.dma_semaphore, #tpu.memory_space<semaphore_mem>>)
      %dma_wait3A = arith.constant 0 : i32
      %dma_wait3A_140 = arith.constant 0 : i32
      %dma_wait3A_141 = tpu.memref_slice %arg10[%run_scoped3A_45, %dma_wait3A, %dma_wait3A_140] : memref<2x96x128xf32, #tpu.memory_space<vmem>> -> memref<1x56x128xf32, #tpu.memory_space<vmem>>
      %dma_wait3A_142 = tpu.memref_squeeze %dma_wait3A_141 : memref<1x56x128xf32, #tpu.memory_space<vmem>> -> memref<56x128xf32, #tpu.memory_space<vmem>>
      %dma_wait3A_143 = arith.constant 0 : i32
      %dma_wait3A_144 = tpu.memref_slice %arg7[%add3A_44, %dma_wait3A_143] : memref<10112x128xf32, #tpu.memory_space<vmem_shared>> -> memref<56x128xf32, #tpu.memory_space<vmem_shared>>
      %dma_wait3A_145 = arith.constant 0 : i32
      %dma_wait3A_146 = tpu.memref_slice %arg7[%add3A_44, %dma_wait3A_145] : memref<10112x128xf32, #tpu.memory_space<vmem_shared>> -> memref<56x128xf32, #tpu.memory_space<vmem_shared>>
      %dma_wait3A_147 = arith.constant 0 : i32
      %dma_wait3A_148 = arith.constant 0 : i32
      %dma_wait3A_149 = tpu.memref_slice %arg10[%run_scoped3A_45, %dma_wait3A_147, %dma_wait3A_148] : memref<2x96x128xf32, #tpu.memory_space<vmem>> -> memref<1x56x128xf32, #tpu.memory_space<vmem>>
      %dma_wait3A_150 = tpu.memref_squeeze %dma_wait3A_149 : memref<1x56x128xf32, #tpu.memory_space<vmem>> -> memref<56x128xf32, #tpu.memory_space<vmem>>
      tpu.wait_dma2 semaphore(%run_scoped3A_128 : memref<!tpu.dma_semaphore, #tpu.memory_space<semaphore_mem>>) src(%dma_wait3A_150 : memref<56x128xf32, #tpu.memory_space<vmem>>) dst(%dma_wait3A_146 : memref<56x128xf32, #tpu.memory_space<vmem_shared>>)
      tpu.yield
    }) : () -> ()
    %barrier3A = arith.constant 0 : index
    tpu.barrier barrier_id(%barrier3A)
    %add3A_46 = arith.constant 1 : i32
    %add3A_47 = arith.addi %select_n3A, %add3A_46 : i32
    %while3A = arith.constant 0 : i32
    %while3A_48 = arith.constant 0 : i32
    %while3A_49 = arith.subi %add3A_47, %while3A_48 : i32
    %while3A_50 = arith.addi %while3A_48, %while3A_49 : i32
    %while3A_51 = arith.constant 1 : i32
    %while3A_52 = arith.divsi %while3A_49, %while3A_51 : i32
    %while3A_53 = arith.muli %while3A_52, %while3A_51 : i32
    %while3A_54 = arith.addi %while3A_48, %while3A_53 : i32
    %while3A_55 = arith.constant 1 : i32
    scf.for %while3A_128 = %while3A_48 to %while3A_54 step %while3A_55  : i32 {
      %and3A = arith.constant 1 : i32
      %and3A_129 = arith.andi %while3A_128, %and3A : i32
      %lt3A = arith.cmpi slt, %while3A_128, %select_n3A : i32
      %convert_element_type3A = arith.extui %lt3A : i1 to i32
      %cond3A = arith.constant 0 : i32
      %cond3A_130 = arith.cmpi ne, %convert_element_type3A, %cond3A : i32
      scf.if %cond3A_130 {
        %mul3A_135 = arith.constant 96 : i32
        %mul3A_136 = arith.muli %while3A_128, %mul3A_135 : i32
        %dma_start3A = arith.constant 0 : i32
        %dma_start3A_137 = arith.constant 0 : i32
        %dma_start3A_138 = tpu.memref_slice %arg10[%and3A_129, %dma_start3A, %dma_start3A_137] : memref<2x96x128xf32, #tpu.memory_space<vmem>> -> memref<1x96x128xf32, #tpu.memory_space<vmem>>
        %dma_start3A_139 = tpu.memref_squeeze %dma_start3A_138 : memref<1x96x128xf32, #tpu.memory_space<vmem>> -> memref<96x128xf32, #tpu.memory_space<vmem>>
        %dma_start3A_140 = tpu.memref_slice %arg8[%mul3A_136] : memref<18720xi32, #tpu.memory_space<vmem>> -> memref<96xi32, #tpu.memory_space<vmem>>
        %dma_start3A_141 = arith.constant 0 : i32
        %dma_start3A_142 = arith.constant 0 : i32
        %dma_start3A_143 = tpu.memref_slice %arg2[%dma_start3A_141, %dma_start3A_142] : memref<10112x128xf32, #tpu.memory_space<hbm>> -> memref<10112x128xf32, #tpu.memory_space<hbm>>
        %dma_start3A_144 = tpu.memref_slice %arg11[%and3A_129] : memref<2x!tpu.dma_semaphore, #tpu.memory_space<semaphore_mem>> -> memref<1x!tpu.dma_semaphore, #tpu.memory_space<semaphore_mem>>
        %dma_start3A_145 = tpu.memref_squeeze %dma_start3A_144 : memref<1x!tpu.dma_semaphore, #tpu.memory_space<semaphore_mem>> -> memref<!tpu.dma_semaphore, #tpu.memory_space<semaphore_mem>>
        tpu.enqueue_indirect_dma source(%dma_start3A_143 : memref<10112x128xf32, #tpu.memory_space<hbm>>) target(%dma_start3A_139 : memref<96x128xf32, #tpu.memory_space<vmem>>) offsets(%dma_start3A_140 : memref<96xi32, #tpu.memory_space<vmem>>) semaphore(%dma_start3A_145 : memref<!tpu.dma_semaphore, #tpu.memory_space<semaphore_mem>>)
        %add3A_146 = arith.addi %select_n3A_8, %while3A_128 : i32
        %mul3A_147 = arith.constant 96 : i32
        %mul3A_148 = arith.muli %add3A_146, %mul3A_147 : i32
        "tpu.region"() ({
          %run_scoped3A_149 = tpu.sem_alloc : memref<!tpu.dma_semaphore, #tpu.memory_space<semaphore_mem>>
          %dma_start3A_150 = arith.constant 0 : i32
          %dma_start3A_151 = tpu.memref_slice %arg9[%and3A_129, %dma_start3A_150] : memref<2x96xi32, #tpu.memory_space<vmem>> -> memref<1x96xi32, #tpu.memory_space<vmem>>
          %dma_start3A_152 = tpu.memref_squeeze %dma_start3A_151 : memref<1x96xi32, #tpu.memory_space<vmem>> -> memref<96xi32, #tpu.memory_space<vmem>>
          %dma_start3A_153 = tpu.memref_slice %arg4[%mul3A_148] : memref<322560xi32, #tpu.memory_space<hbm>> -> memref<96xi32, #tpu.memory_space<hbm>>
          %dma_start3A_154 = arith.constant 0 : i32
          %dma_start3A_155 = tpu.memref_slice %arg9[%and3A_129, %dma_start3A_154] : memref<2x96xi32, #tpu.memory_space<vmem>> -> memref<1x96xi32, #tpu.memory_space<vmem>>
          %dma_start3A_156 = tpu.memref_squeeze %dma_start3A_155 : memref<1x96xi32, #tpu.memory_space<vmem>> -> memref<96xi32, #tpu.memory_space<vmem>>
          %dma_start3A_157 = tpu.memref_slice %arg4[%mul3A_148] : memref<322560xi32, #tpu.memory_space<hbm>> -> memref<96xi32, #tpu.memory_space<hbm>>
          tpu.enqueue_dma source(%dma_start3A_157 : memref<96xi32, #tpu.memory_space<hbm>>) target(%dma_start3A_156 : memref<96xi32, #tpu.memory_space<vmem>>) target_semaphore(%run_scoped3A_149 : memref<!tpu.dma_semaphore, #tpu.memory_space<semaphore_mem>>)
          %dma_wait3A = arith.constant 0 : i32
          %dma_wait3A_158 = tpu.memref_slice %arg9[%and3A_129, %dma_wait3A] : memref<2x96xi32, #tpu.memory_space<vmem>> -> memref<1x96xi32, #tpu.memory_space<vmem>>
          %dma_wait3A_159 = tpu.memref_squeeze %dma_wait3A_158 : memref<1x96xi32, #tpu.memory_space<vmem>> -> memref<96xi32, #tpu.memory_space<vmem>>
          %dma_wait3A_160 = tpu.memref_slice %arg4[%mul3A_148] : memref<322560xi32, #tpu.memory_space<hbm>> -> memref<96xi32, #tpu.memory_space<hbm>>
          %dma_wait3A_161 = arith.constant 0 : i32
          %dma_wait3A_162 = tpu.memref_slice %arg9[%and3A_129, %dma_wait3A_161] : memref<2x96xi32, #tpu.memory_space<vmem>> -> memref<1x96xi32, #tpu.memory_space<vmem>>
          %dma_wait3A_163 = tpu.memref_squeeze %dma_wait3A_162 : memref<1x96xi32, #tpu.memory_space<vmem>> -> memref<96xi32, #tpu.memory_space<vmem>>
          %dma_wait3A_164 = tpu.memref_slice %arg4[%mul3A_148] : memref<322560xi32, #tpu.memory_space<hbm>> -> memref<96xi32, #tpu.memory_space<hbm>>
          tpu.wait_dma2 semaphore(%run_scoped3A_149 : memref<!tpu.dma_semaphore, #tpu.memory_space<semaphore_mem>>) src(%dma_wait3A_164 : memref<96xi32, #tpu.memory_space<hbm>>) dst(%dma_wait3A_163 : memref<96xi32, #tpu.memory_space<vmem>>)
          tpu.yield
        }) : () -> ()
      } else {
      }
      %gt3A = arith.constant 0 : i32
      %gt3A_131 = arith.cmpi sgt, %while3A_128, %gt3A : i32
      %convert_element_type3A_132 = arith.extui %gt3A_131 : i1 to i32
      %cond3A_133 = arith.constant 0 : i32
      %cond3A_134 = arith.cmpi ne, %convert_element_type3A_132, %cond3A_133 : i32
      scf.if %cond3A_134 {
        %sub3A = arith.constant 1 : i32
        %sub3A_135 = arith.subi %sub3A, %and3A_129 : i32
        %sub3A_136 = arith.constant 1 : i32
        %sub3A_137 = arith.subi %while3A_128, %sub3A_136 : i32
        %mul3A_138 = arith.constant 96 : i32
        %mul3A_139 = arith.muli %sub3A_137, %mul3A_138 : i32
        %dma_wait3A = arith.constant 0 : i32
        %dma_wait3A_140 = arith.constant 0 : i32
        %dma_wait3A_141 = tpu.memref_slice %arg10[%sub3A_135, %dma_wait3A, %dma_wait3A_140] : memref<2x96x128xf32, #tpu.memory_space<vmem>> -> memref<1x96x128xf32, #tpu.memory_space<vmem>>
        %dma_wait3A_142 = tpu.memref_squeeze %dma_wait3A_141 : memref<1x96x128xf32, #tpu.memory_space<vmem>> -> memref<96x128xf32, #tpu.memory_space<vmem>>
        %dma_wait3A_143 = tpu.memref_slice %arg8[%mul3A_139] : memref<18720xi32, #tpu.memory_space<vmem>> -> memref<96xi32, #tpu.memory_space<vmem>>
        %dma_wait3A_144 = arith.constant 0 : i32
        %dma_wait3A_145 = arith.constant 0 : i32
        %dma_wait3A_146 = tpu.memref_slice %arg2[%dma_wait3A_144, %dma_wait3A_145] : memref<10112x128xf32, #tpu.memory_space<hbm>> -> memref<10112x128xf32, #tpu.memory_space<hbm>>
        %dma_wait3A_147 = tpu.memref_slice %arg11[%sub3A_135] : memref<2x!tpu.dma_semaphore, #tpu.memory_space<semaphore_mem>> -> memref<1x!tpu.dma_semaphore, #tpu.memory_space<semaphore_mem>>
        %dma_wait3A_148 = tpu.memref_squeeze %dma_wait3A_147 : memref<1x!tpu.dma_semaphore, #tpu.memory_space<semaphore_mem>> -> memref<!tpu.dma_semaphore, #tpu.memory_space<semaphore_mem>>
        tpu.wait_indirect_dma semaphore(%dma_wait3A_148 : memref<!tpu.dma_semaphore, #tpu.memory_space<semaphore_mem>>) src(%dma_wait3A_146 : memref<10112x128xf32, #tpu.memory_space<hbm>>) dst(%dma_wait3A_142 : memref<96x128xf32, #tpu.memory_space<vmem>>)
        "tpu.region"() ({
          %run_scoped3A_149 = tpu.sem_alloc : memref<!tpu.dma_semaphore, #tpu.memory_space<semaphore_mem>>
          %dma_start3A = arith.constant 0 : i32
          %dma_start3A_150 = arith.constant 0 : i32
          %dma_start3A_151 = tpu.memref_slice %arg10[%sub3A_135, %dma_start3A, %dma_start3A_150] : memref<2x96x128xf32, #tpu.memory_space<vmem>> -> memref<1x96x128xf32, #tpu.memory_space<vmem>>
          %dma_start3A_152 = tpu.memref_squeeze %dma_start3A_151 : memref<1x96x128xf32, #tpu.memory_space<vmem>> -> memref<96x128xf32, #tpu.memory_space<vmem>>
          %dma_start3A_153 = arith.constant 0 : i32
          %dma_start3A_154 = tpu.memref_slice %arg9[%sub3A_135, %dma_start3A_153] : memref<2x96xi32, #tpu.memory_space<vmem>> -> memref<1x96xi32, #tpu.memory_space<vmem>>
          %dma_start3A_155 = tpu.memref_squeeze %dma_start3A_154 : memref<1x96xi32, #tpu.memory_space<vmem>> -> memref<96xi32, #tpu.memory_space<vmem>>
          %dma_start3A_156 = arith.constant 0 : i32
          %dma_start3A_157 = arith.constant 0 : i32
          %dma_start3A_158 = tpu.memref_slice %arg7[%dma_start3A_156, %dma_start3A_157] : memref<10112x128xf32, #tpu.memory_space<vmem_shared>> -> memref<10112x128xf32, #tpu.memory_space<vmem_shared>>
          tpu.enqueue_indirect_dma source(%dma_start3A_152 : memref<96x128xf32, #tpu.memory_space<vmem>>) target(%dma_start3A_158 : memref<10112x128xf32, #tpu.memory_space<vmem_shared>>) offsets(%dma_start3A_155 : memref<96xi32, #tpu.memory_space<vmem>>) semaphore(%run_scoped3A_149 : memref<!tpu.dma_semaphore, #tpu.memory_space<semaphore_mem>>) {add = true}
          %dma_wait3A_159 = arith.constant 0 : i32
          %dma_wait3A_160 = arith.constant 0 : i32
          %dma_wait3A_161 = tpu.memref_slice %arg10[%sub3A_135, %dma_wait3A_159, %dma_wait3A_160] : memref<2x96x128xf32, #tpu.memory_space<vmem>> -> memref<1x96x128xf32, #tpu.memory_space<vmem>>
          %dma_wait3A_162 = tpu.memref_squeeze %dma_wait3A_161 : memref<1x96x128xf32, #tpu.memory_space<vmem>> -> memref<96x128xf32, #tpu.memory_space<vmem>>
          %dma_wait3A_163 = arith.constant 0 : i32
          %dma_wait3A_164 = tpu.memref_slice %arg9[%sub3A_135, %dma_wait3A_163] : memref<2x96xi32, #tpu.memory_space<vmem>> -> memref<1x96xi32, #tpu.memory_space<vmem>>
          %dma_wait3A_165 = tpu.memref_squeeze %dma_wait3A_164 : memref<1x96xi32, #tpu.memory_space<vmem>> -> memref<96xi32, #tpu.memory_space<vmem>>
          %dma_wait3A_166 = arith.constant 0 : i32
          %dma_wait3A_167 = arith.constant 0 : i32
          %dma_wait3A_168 = tpu.memref_slice %arg7[%dma_wait3A_166, %dma_wait3A_167] : memref<10112x128xf32, #tpu.memory_space<vmem_shared>> -> memref<10112x128xf32, #tpu.memory_space<vmem_shared>>
          tpu.wait_indirect_dma semaphore(%run_scoped3A_149 : memref<!tpu.dma_semaphore, #tpu.memory_space<semaphore_mem>>) src(%dma_wait3A_162 : memref<96x128xf32, #tpu.memory_space<vmem>>) dst(%dma_wait3A_168 : memref<10112x128xf32, #tpu.memory_space<vmem_shared>>)
          tpu.yield
        }) : () -> ()
      } else {
      }
    }
    %while3A_56 = arith.constant 1 : i32
    scf.for %while3A_128 = %while3A_54 to %while3A_50 step %while3A_56  : i32 {
      %and3A = arith.constant 1 : i32
      %and3A_129 = arith.andi %while3A_128, %and3A : i32
      %lt3A = arith.cmpi slt, %while3A_128, %select_n3A : i32
      %convert_element_type3A = arith.extui %lt3A : i1 to i32
      %cond3A = arith.constant 0 : i32
      %cond3A_130 = arith.cmpi ne, %convert_element_type3A, %cond3A : i32
      scf.if %cond3A_130 {
        %mul3A_135 = arith.constant 96 : i32
        %mul3A_136 = arith.muli %while3A_128, %mul3A_135 : i32
        %dma_start3A = arith.constant 0 : i32
        %dma_start3A_137 = arith.constant 0 : i32
        %dma_start3A_138 = tpu.memref_slice %arg10[%and3A_129, %dma_start3A, %dma_start3A_137] : memref<2x96x128xf32, #tpu.memory_space<vmem>> -> memref<1x96x128xf32, #tpu.memory_space<vmem>>
        %dma_start3A_139 = tpu.memref_squeeze %dma_start3A_138 : memref<1x96x128xf32, #tpu.memory_space<vmem>> -> memref<96x128xf32, #tpu.memory_space<vmem>>
        %dma_start3A_140 = tpu.memref_slice %arg8[%mul3A_136] : memref<18720xi32, #tpu.memory_space<vmem>> -> memref<96xi32, #tpu.memory_space<vmem>>
        %dma_start3A_141 = arith.constant 0 : i32
        %dma_start3A_142 = arith.constant 0 : i32
        %dma_start3A_143 = tpu.memref_slice %arg2[%dma_start3A_141, %dma_start3A_142] : memref<10112x128xf32, #tpu.memory_space<hbm>> -> memref<10112x128xf32, #tpu.memory_space<hbm>>
        %dma_start3A_144 = tpu.memref_slice %arg11[%and3A_129] : memref<2x!tpu.dma_semaphore, #tpu.memory_space<semaphore_mem>> -> memref<1x!tpu.dma_semaphore, #tpu.memory_space<semaphore_mem>>
        %dma_start3A_145 = tpu.memref_squeeze %dma_start3A_144 : memref<1x!tpu.dma_semaphore, #tpu.memory_space<semaphore_mem>> -> memref<!tpu.dma_semaphore, #tpu.memory_space<semaphore_mem>>
        tpu.enqueue_indirect_dma source(%dma_start3A_143 : memref<10112x128xf32, #tpu.memory_space<hbm>>) target(%dma_start3A_139 : memref<96x128xf32, #tpu.memory_space<vmem>>) offsets(%dma_start3A_140 : memref<96xi32, #tpu.memory_space<vmem>>) semaphore(%dma_start3A_145 : memref<!tpu.dma_semaphore, #tpu.memory_space<semaphore_mem>>)
        %add3A_146 = arith.addi %select_n3A_8, %while3A_128 : i32
        %mul3A_147 = arith.constant 96 : i32
        %mul3A_148 = arith.muli %add3A_146, %mul3A_147 : i32
        "tpu.region"() ({
          %run_scoped3A_149 = tpu.sem_alloc : memref<!tpu.dma_semaphore, #tpu.memory_space<semaphore_mem>>
          %dma_start3A_150 = arith.constant 0 : i32
          %dma_start3A_151 = tpu.memref_slice %arg9[%and3A_129, %dma_start3A_150] : memref<2x96xi32, #tpu.memory_space<vmem>> -> memref<1x96xi32, #tpu.memory_space<vmem>>
          %dma_start3A_152 = tpu.memref_squeeze %dma_start3A_151 : memref<1x96xi32, #tpu.memory_space<vmem>> -> memref<96xi32, #tpu.memory_space<vmem>>
          %dma_start3A_153 = tpu.memref_slice %arg4[%mul3A_148] : memref<322560xi32, #tpu.memory_space<hbm>> -> memref<96xi32, #tpu.memory_space<hbm>>
          %dma_start3A_154 = arith.constant 0 : i32
          %dma_start3A_155 = tpu.memref_slice %arg9[%and3A_129, %dma_start3A_154] : memref<2x96xi32, #tpu.memory_space<vmem>> -> memref<1x96xi32, #tpu.memory_space<vmem>>
          %dma_start3A_156 = tpu.memref_squeeze %dma_start3A_155 : memref<1x96xi32, #tpu.memory_space<vmem>> -> memref<96xi32, #tpu.memory_space<vmem>>
          %dma_start3A_157 = tpu.memref_slice %arg4[%mul3A_148] : memref<322560xi32, #tpu.memory_space<hbm>> -> memref<96xi32, #tpu.memory_space<hbm>>
          tpu.enqueue_dma source(%dma_start3A_157 : memref<96xi32, #tpu.memory_space<hbm>>) target(%dma_start3A_156 : memref<96xi32, #tpu.memory_space<vmem>>) target_semaphore(%run_scoped3A_149 : memref<!tpu.dma_semaphore, #tpu.memory_space<semaphore_mem>>)
          %dma_wait3A = arith.constant 0 : i32
          %dma_wait3A_158 = tpu.memref_slice %arg9[%and3A_129, %dma_wait3A] : memref<2x96xi32, #tpu.memory_space<vmem>> -> memref<1x96xi32, #tpu.memory_space<vmem>>
          %dma_wait3A_159 = tpu.memref_squeeze %dma_wait3A_158 : memref<1x96xi32, #tpu.memory_space<vmem>> -> memref<96xi32, #tpu.memory_space<vmem>>
          %dma_wait3A_160 = tpu.memref_slice %arg4[%mul3A_148] : memref<322560xi32, #tpu.memory_space<hbm>> -> memref<96xi32, #tpu.memory_space<hbm>>
          %dma_wait3A_161 = arith.constant 0 : i32
          %dma_wait3A_162 = tpu.memref_slice %arg9[%and3A_129, %dma_wait3A_161] : memref<2x96xi32, #tpu.memory_space<vmem>> -> memref<1x96xi32, #tpu.memory_space<vmem>>
          %dma_wait3A_163 = tpu.memref_squeeze %dma_wait3A_162 : memref<1x96xi32, #tpu.memory_space<vmem>> -> memref<96xi32, #tpu.memory_space<vmem>>
          %dma_wait3A_164 = tpu.memref_slice %arg4[%mul3A_148] : memref<322560xi32, #tpu.memory_space<hbm>> -> memref<96xi32, #tpu.memory_space<hbm>>
          tpu.wait_dma2 semaphore(%run_scoped3A_149 : memref<!tpu.dma_semaphore, #tpu.memory_space<semaphore_mem>>) src(%dma_wait3A_164 : memref<96xi32, #tpu.memory_space<hbm>>) dst(%dma_wait3A_163 : memref<96xi32, #tpu.memory_space<vmem>>)
          tpu.yield
        }) : () -> ()
      } else {
      }
      %gt3A = arith.constant 0 : i32
      %gt3A_131 = arith.cmpi sgt, %while3A_128, %gt3A : i32
      %convert_element_type3A_132 = arith.extui %gt3A_131 : i1 to i32
      %cond3A_133 = arith.constant 0 : i32
      %cond3A_134 = arith.cmpi ne, %convert_element_type3A_132, %cond3A_133 : i32
      scf.if %cond3A_134 {
        %sub3A = arith.constant 1 : i32
        %sub3A_135 = arith.subi %sub3A, %and3A_129 : i32
        %sub3A_136 = arith.constant 1 : i32
        %sub3A_137 = arith.subi %while3A_128, %sub3A_136 : i32
        %mul3A_138 = arith.constant 96 : i32
        %mul3A_139 = arith.muli %sub3A_137, %mul3A_138 : i32
        %dma_wait3A = arith.constant 0 : i32
        %dma_wait3A_140 = arith.constant 0 : i32
        %dma_wait3A_141 = tpu.memref_slice %arg10[%sub3A_135, %dma_wait3A, %dma_wait3A_140] : memref<2x96x128xf32, #tpu.memory_space<vmem>> -> memref<1x96x128xf32, #tpu.memory_space<vmem>>
        %dma_wait3A_142 = tpu.memref_squeeze %dma_wait3A_141 : memref<1x96x128xf32, #tpu.memory_space<vmem>> -> memref<96x128xf32, #tpu.memory_space<vmem>>
        %dma_wait3A_143 = tpu.memref_slice %arg8[%mul3A_139] : memref<18720xi32, #tpu.memory_space<vmem>> -> memref<96xi32, #tpu.memory_space<vmem>>
        %dma_wait3A_144 = arith.constant 0 : i32
        %dma_wait3A_145 = arith.constant 0 : i32
        %dma_wait3A_146 = tpu.memref_slice %arg2[%dma_wait3A_144, %dma_wait3A_145] : memref<10112x128xf32, #tpu.memory_space<hbm>> -> memref<10112x128xf32, #tpu.memory_space<hbm>>
        %dma_wait3A_147 = tpu.memref_slice %arg11[%sub3A_135] : memref<2x!tpu.dma_semaphore, #tpu.memory_space<semaphore_mem>> -> memref<1x!tpu.dma_semaphore, #tpu.memory_space<semaphore_mem>>
        %dma_wait3A_148 = tpu.memref_squeeze %dma_wait3A_147 : memref<1x!tpu.dma_semaphore, #tpu.memory_space<semaphore_mem>> -> memref<!tpu.dma_semaphore, #tpu.memory_space<semaphore_mem>>
        tpu.wait_indirect_dma semaphore(%dma_wait3A_148 : memref<!tpu.dma_semaphore, #tpu.memory_space<semaphore_mem>>) src(%dma_wait3A_146 : memref<10112x128xf32, #tpu.memory_space<hbm>>) dst(%dma_wait3A_142 : memref<96x128xf32, #tpu.memory_space<vmem>>)
        "tpu.region"() ({
          %run_scoped3A_149 = tpu.sem_alloc : memref<!tpu.dma_semaphore, #tpu.memory_space<semaphore_mem>>
          %dma_start3A = arith.constant 0 : i32
          %dma_start3A_150 = arith.constant 0 : i32
          %dma_start3A_151 = tpu.memref_slice %arg10[%sub3A_135, %dma_start3A, %dma_start3A_150] : memref<2x96x128xf32, #tpu.memory_space<vmem>> -> memref<1x96x128xf32, #tpu.memory_space<vmem>>
          %dma_start3A_152 = tpu.memref_squeeze %dma_start3A_151 : memref<1x96x128xf32, #tpu.memory_space<vmem>> -> memref<96x128xf32, #tpu.memory_space<vmem>>
          %dma_start3A_153 = arith.constant 0 : i32
          %dma_start3A_154 = tpu.memref_slice %arg9[%sub3A_135, %dma_start3A_153] : memref<2x96xi32, #tpu.memory_space<vmem>> -> memref<1x96xi32, #tpu.memory_space<vmem>>
          %dma_start3A_155 = tpu.memref_squeeze %dma_start3A_154 : memref<1x96xi32, #tpu.memory_space<vmem>> -> memref<96xi32, #tpu.memory_space<vmem>>
          %dma_start3A_156 = arith.constant 0 : i32
          %dma_start3A_157 = arith.constant 0 : i32
          %dma_start3A_158 = tpu.memref_slice %arg7[%dma_start3A_156, %dma_start3A_157] : memref<10112x128xf32, #tpu.memory_space<vmem_shared>> -> memref<10112x128xf32, #tpu.memory_space<vmem_shared>>
          tpu.enqueue_indirect_dma source(%dma_start3A_152 : memref<96x128xf32, #tpu.memory_space<vmem>>) target(%dma_start3A_158 : memref<10112x128xf32, #tpu.memory_space<vmem_shared>>) offsets(%dma_start3A_155 : memref<96xi32, #tpu.memory_space<vmem>>) semaphore(%run_scoped3A_149 : memref<!tpu.dma_semaphore, #tpu.memory_space<semaphore_mem>>) {add = true}
          %dma_wait3A_159 = arith.constant 0 : i32
          %dma_wait3A_160 = arith.constant 0 : i32
          %dma_wait3A_161 = tpu.memref_slice %arg10[%sub3A_135, %dma_wait3A_159, %dma_wait3A_160] : memref<2x96x128xf32, #tpu.memory_space<vmem>> -> memref<1x96x128xf32, #tpu.memory_space<vmem>>
          %dma_wait3A_162 = tpu.memref_squeeze %dma_wait3A_161 : memref<1x96x128xf32, #tpu.memory_space<vmem>> -> memref<96x128xf32, #tpu.memory_space<vmem>>
          %dma_wait3A_163 = arith.constant 0 : i32
          %dma_wait3A_164 = tpu.memref_slice %arg9[%sub3A_135, %dma_wait3A_163] : memref<2x96xi32, #tpu.memory_space<vmem>> -> memref<1x96xi32, #tpu.memory_space<vmem>>
          %dma_wait3A_165 = tpu.memref_squeeze %dma_wait3A_164 : memref<1x96xi32, #tpu.memory_space<vmem>> -> memref<96xi32, #tpu.memory_space<vmem>>
          %dma_wait3A_166 = arith.constant 0 : i32
          %dma_wait3A_167 = arith.constant 0 : i32
          %dma_wait3A_168 = tpu.memref_slice %arg7[%dma_wait3A_166, %dma_wait3A_167] : memref<10112x128xf32, #tpu.memory_space<vmem_shared>> -> memref<10112x128xf32, #tpu.memory_space<vmem_shared>>
          tpu.wait_indirect_dma semaphore(%run_scoped3A_149 : memref<!tpu.dma_semaphore, #tpu.memory_space<semaphore_mem>>) src(%dma_wait3A_162 : memref<96x128xf32, #tpu.memory_space<vmem>>) dst(%dma_wait3A_168 : memref<10112x128xf32, #tpu.memory_space<vmem_shared>>)
          tpu.yield
        }) : () -> ()
      } else {
      }
    }
    %barrier3A_57 = arith.constant 0 : index
    tpu.barrier barrier_id(%barrier3A_57)
    %mul3A_58 = arith.constant 632 : i32
    %mul3A_59 = arith.muli %arg1, %mul3A_58 : i32
    %add3A_60 = arith.constant 0 : i32
    %add3A_61 = arith.addi %mul3A_59, %add3A_60 : i32
    %run_scoped3A_62 = arith.constant 0 : i32
    "tpu.region"() ({
      %run_scoped3A_128 = tpu.sem_alloc : memref<!tpu.dma_semaphore, #tpu.memory_space<semaphore_mem>>
      %dma_start3A = arith.constant 0 : i32
      %dma_start3A_129 = arith.constant 0 : i32
      %dma_start3A_130 = tpu.memref_slice %arg10[%run_scoped3A_62, %dma_start3A, %dma_start3A_129] : memref<2x96x128xf32, #tpu.memory_space<vmem>> -> memref<1x96x128xf32, #tpu.memory_space<vmem>>
      %dma_start3A_131 = tpu.memref_squeeze %dma_start3A_130 : memref<1x96x128xf32, #tpu.memory_space<vmem>> -> memref<96x128xf32, #tpu.memory_space<vmem>>
      %dma_start3A_132 = arith.constant 0 : i32
      %dma_start3A_133 = tpu.memref_slice %arg7[%add3A_61, %dma_start3A_132] : memref<10112x128xf32, #tpu.memory_space<vmem_shared>> -> memref<96x128xf32, #tpu.memory_space<vmem_shared>>
      %dma_start3A_134 = arith.constant 0 : i32
      %dma_start3A_135 = arith.constant 0 : i32
      %dma_start3A_136 = tpu.memref_slice %arg10[%run_scoped3A_62, %dma_start3A_134, %dma_start3A_135] : memref<2x96x128xf32, #tpu.memory_space<vmem>> -> memref<1x96x128xf32, #tpu.memory_space<vmem>>
      %dma_start3A_137 = tpu.memref_squeeze %dma_start3A_136 : memref<1x96x128xf32, #tpu.memory_space<vmem>> -> memref<96x128xf32, #tpu.memory_space<vmem>>
      %dma_start3A_138 = arith.constant 0 : i32
      %dma_start3A_139 = tpu.memref_slice %arg7[%add3A_61, %dma_start3A_138] : memref<10112x128xf32, #tpu.memory_space<vmem_shared>> -> memref<96x128xf32, #tpu.memory_space<vmem_shared>>
      tpu.enqueue_dma source(%dma_start3A_139 : memref<96x128xf32, #tpu.memory_space<vmem_shared>>) target(%dma_start3A_137 : memref<96x128xf32, #tpu.memory_space<vmem>>) target_semaphore(%run_scoped3A_128 : memref<!tpu.dma_semaphore, #tpu.memory_space<semaphore_mem>>)
      %dma_wait3A = arith.constant 0 : i32
      %dma_wait3A_140 = arith.constant 0 : i32
      %dma_wait3A_141 = tpu.memref_slice %arg10[%run_scoped3A_62, %dma_wait3A, %dma_wait3A_140] : memref<2x96x128xf32, #tpu.memory_space<vmem>> -> memref<1x96x128xf32, #tpu.memory_space<vmem>>
      %dma_wait3A_142 = tpu.memref_squeeze %dma_wait3A_141 : memref<1x96x128xf32, #tpu.memory_space<vmem>> -> memref<96x128xf32, #tpu.memory_space<vmem>>
      %dma_wait3A_143 = arith.constant 0 : i32
      %dma_wait3A_144 = tpu.memref_slice %arg7[%add3A_61, %dma_wait3A_143] : memref<10112x128xf32, #tpu.memory_space<vmem_shared>> -> memref<96x128xf32, #tpu.memory_space<vmem_shared>>
      %dma_wait3A_145 = arith.constant 0 : i32
      %dma_wait3A_146 = arith.constant 0 : i32
      %dma_wait3A_147 = tpu.memref_slice %arg10[%run_scoped3A_62, %dma_wait3A_145, %dma_wait3A_146] : memref<2x96x128xf32, #tpu.memory_space<vmem>> -> memref<1x96x128xf32, #tpu.memory_space<vmem>>
      %dma_wait3A_148 = tpu.memref_squeeze %dma_wait3A_147 : memref<1x96x128xf32, #tpu.memory_space<vmem>> -> memref<96x128xf32, #tpu.memory_space<vmem>>
      %dma_wait3A_149 = arith.constant 0 : i32
      %dma_wait3A_150 = tpu.memref_slice %arg7[%add3A_61, %dma_wait3A_149] : memref<10112x128xf32, #tpu.memory_space<vmem_shared>> -> memref<96x128xf32, #tpu.memory_space<vmem_shared>>
      tpu.wait_dma2 semaphore(%run_scoped3A_128 : memref<!tpu.dma_semaphore, #tpu.memory_space<semaphore_mem>>) src(%dma_wait3A_150 : memref<96x128xf32, #tpu.memory_space<vmem_shared>>) dst(%dma_wait3A_148 : memref<96x128xf32, #tpu.memory_space<vmem>>)
      tpu.yield
    }) : () -> ()
    %mul3A_63 = arith.constant 632 : i32
    %mul3A_64 = arith.muli %arg1, %mul3A_63 : i32
    %add3A_65 = arith.constant 0 : i32
    %add3A_66 = arith.addi %mul3A_64, %add3A_65 : i32
    %run_scoped3A_67 = arith.constant 0 : i32
    "tpu.region"() ({
      %run_scoped3A_128 = tpu.sem_alloc : memref<!tpu.dma_semaphore, #tpu.memory_space<semaphore_mem>>
      %dma_start3A = arith.constant 0 : i32
      %dma_start3A_129 = arith.constant 0 : i32
      %dma_start3A_130 = tpu.memref_slice %arg10[%run_scoped3A_67, %dma_start3A, %dma_start3A_129] : memref<2x96x128xf32, #tpu.memory_space<vmem>> -> memref<1x96x128xf32, #tpu.memory_space<vmem>>
      %dma_start3A_131 = tpu.memref_squeeze %dma_start3A_130 : memref<1x96x128xf32, #tpu.memory_space<vmem>> -> memref<96x128xf32, #tpu.memory_space<vmem>>
      %dma_start3A_132 = arith.constant 0 : i32
      %dma_start3A_133 = tpu.memref_slice %arg6[%arg0, %add3A_66, %dma_start3A_132] : memref<2x10112x128xf32, #tpu.memory_space<hbm>> -> memref<1x96x128xf32, #tpu.memory_space<hbm>>
      %dma_start3A_134 = tpu.memref_squeeze %dma_start3A_133 : memref<1x96x128xf32, #tpu.memory_space<hbm>> -> memref<96x128xf32, #tpu.memory_space<hbm>>
      %dma_start3A_135 = arith.constant 0 : i32
      %dma_start3A_136 = tpu.memref_slice %arg6[%arg0, %add3A_66, %dma_start3A_135] : memref<2x10112x128xf32, #tpu.memory_space<hbm>> -> memref<1x96x128xf32, #tpu.memory_space<hbm>>
      %dma_start3A_137 = tpu.memref_squeeze %dma_start3A_136 : memref<1x96x128xf32, #tpu.memory_space<hbm>> -> memref<96x128xf32, #tpu.memory_space<hbm>>
      %dma_start3A_138 = arith.constant 0 : i32
      %dma_start3A_139 = arith.constant 0 : i32
      %dma_start3A_140 = tpu.memref_slice %arg10[%run_scoped3A_67, %dma_start3A_138, %dma_start3A_139] : memref<2x96x128xf32, #tpu.memory_space<vmem>> -> memref<1x96x128xf32, #tpu.memory_space<vmem>>
      %dma_start3A_141 = tpu.memref_squeeze %dma_start3A_140 : memref<1x96x128xf32, #tpu.memory_space<vmem>> -> memref<96x128xf32, #tpu.memory_space<vmem>>
      tpu.enqueue_dma source(%dma_start3A_141 : memref<96x128xf32, #tpu.memory_space<vmem>>) target(%dma_start3A_137 : memref<96x128xf32, #tpu.memory_space<hbm>>) target_semaphore(%run_scoped3A_128 : memref<!tpu.dma_semaphore, #tpu.memory_space<semaphore_mem>>)
      %dma_wait3A = arith.constant 0 : i32
      %dma_wait3A_142 = arith.constant 0 : i32
      %dma_wait3A_143 = tpu.memref_slice %arg10[%run_scoped3A_67, %dma_wait3A, %dma_wait3A_142] : memref<2x96x128xf32, #tpu.memory_space<vmem>> -> memref<1x96x128xf32, #tpu.memory_space<vmem>>
      %dma_wait3A_144 = tpu.memref_squeeze %dma_wait3A_143 : memref<1x96x128xf32, #tpu.memory_space<vmem>> -> memref<96x128xf32, #tpu.memory_space<vmem>>
      %dma_wait3A_145 = arith.constant 0 : i32
      %dma_wait3A_146 = tpu.memref_slice %arg6[%arg0, %add3A_66, %dma_wait3A_145] : memref<2x10112x128xf32, #tpu.memory_space<hbm>> -> memref<1x96x128xf32, #tpu.memory_space<hbm>>
      %dma_wait3A_147 = tpu.memref_squeeze %dma_wait3A_146 : memref<1x96x128xf32, #tpu.memory_space<hbm>> -> memref<96x128xf32, #tpu.memory_space<hbm>>
      %dma_wait3A_148 = arith.constant 0 : i32
      %dma_wait3A_149 = tpu.memref_slice %arg6[%arg0, %add3A_66, %dma_wait3A_148] : memref<2x10112x128xf32, #tpu.memory_space<hbm>> -> memref<1x96x128xf32, #tpu.memory_space<hbm>>
      %dma_wait3A_150 = tpu.memref_squeeze %dma_wait3A_149 : memref<1x96x128xf32, #tpu.memory_space<hbm>> -> memref<96x128xf32, #tpu.memory_space<hbm>>
      %dma_wait3A_151 = arith.constant 0 : i32
      %dma_wait3A_152 = arith.constant 0 : i32
      %dma_wait3A_153 = tpu.memref_slice %arg10[%run_scoped3A_67, %dma_wait3A_151, %dma_wait3A_152] : memref<2x96x128xf32, #tpu.memory_space<vmem>> -> memref<1x96x128xf32, #tpu.memory_space<vmem>>
      %dma_wait3A_154 = tpu.memref_squeeze %dma_wait3A_153 : memref<1x96x128xf32, #tpu.memory_space<vmem>> -> memref<96x128xf32, #tpu.memory_space<vmem>>
      tpu.wait_dma2 semaphore(%run_scoped3A_128 : memref<!tpu.dma_semaphore, #tpu.memory_space<semaphore_mem>>) src(%dma_wait3A_154 : memref<96x128xf32, #tpu.memory_space<vmem>>) dst(%dma_wait3A_150 : memref<96x128xf32, #tpu.memory_space<hbm>>)
      tpu.yield
    }) : () -> ()
    %mul3A_68 = arith.constant 632 : i32
    %mul3A_69 = arith.muli %arg1, %mul3A_68 : i32
    %add3A_70 = arith.constant 96 : i32
    %add3A_71 = arith.addi %mul3A_69, %add3A_70 : i32
    %run_scoped3A_72 = arith.constant 0 : i32
    "tpu.region"() ({
      %run_scoped3A_128 = tpu.sem_alloc : memref<!tpu.dma_semaphore, #tpu.memory_space<semaphore_mem>>
      %dma_start3A = arith.constant 0 : i32
      %dma_start3A_129 = arith.constant 0 : i32
      %dma_start3A_130 = tpu.memref_slice %arg10[%run_scoped3A_72, %dma_start3A, %dma_start3A_129] : memref<2x96x128xf32, #tpu.memory_space<vmem>> -> memref<1x96x128xf32, #tpu.memory_space<vmem>>
      %dma_start3A_131 = tpu.memref_squeeze %dma_start3A_130 : memref<1x96x128xf32, #tpu.memory_space<vmem>> -> memref<96x128xf32, #tpu.memory_space<vmem>>
      %dma_start3A_132 = arith.constant 0 : i32
      %dma_start3A_133 = tpu.memref_slice %arg7[%add3A_71, %dma_start3A_132] : memref<10112x128xf32, #tpu.memory_space<vmem_shared>> -> memref<96x128xf32, #tpu.memory_space<vmem_shared>>
      %dma_start3A_134 = arith.constant 0 : i32
      %dma_start3A_135 = arith.constant 0 : i32
      %dma_start3A_136 = tpu.memref_slice %arg10[%run_scoped3A_72, %dma_start3A_134, %dma_start3A_135] : memref<2x96x128xf32, #tpu.memory_space<vmem>> -> memref<1x96x128xf32, #tpu.memory_space<vmem>>
      %dma_start3A_137 = tpu.memref_squeeze %dma_start3A_136 : memref<1x96x128xf32, #tpu.memory_space<vmem>> -> memref<96x128xf32, #tpu.memory_space<vmem>>
      %dma_start3A_138 = arith.constant 0 : i32
      %dma_start3A_139 = tpu.memref_slice %arg7[%add3A_71, %dma_start3A_138] : memref<10112x128xf32, #tpu.memory_space<vmem_shared>> -> memref<96x128xf32, #tpu.memory_space<vmem_shared>>
      tpu.enqueue_dma source(%dma_start3A_139 : memref<96x128xf32, #tpu.memory_space<vmem_shared>>) target(%dma_start3A_137 : memref<96x128xf32, #tpu.memory_space<vmem>>) target_semaphore(%run_scoped3A_128 : memref<!tpu.dma_semaphore, #tpu.memory_space<semaphore_mem>>)
      %dma_wait3A = arith.constant 0 : i32
      %dma_wait3A_140 = arith.constant 0 : i32
      %dma_wait3A_141 = tpu.memref_slice %arg10[%run_scoped3A_72, %dma_wait3A, %dma_wait3A_140] : memref<2x96x128xf32, #tpu.memory_space<vmem>> -> memref<1x96x128xf32, #tpu.memory_space<vmem>>
      %dma_wait3A_142 = tpu.memref_squeeze %dma_wait3A_141 : memref<1x96x128xf32, #tpu.memory_space<vmem>> -> memref<96x128xf32, #tpu.memory_space<vmem>>
      %dma_wait3A_143 = arith.constant 0 : i32
      %dma_wait3A_144 = tpu.memref_slice %arg7[%add3A_71, %dma_wait3A_143] : memref<10112x128xf32, #tpu.memory_space<vmem_shared>> -> memref<96x128xf32, #tpu.memory_space<vmem_shared>>
      %dma_wait3A_145 = arith.constant 0 : i32
      %dma_wait3A_146 = arith.constant 0 : i32
      %dma_wait3A_147 = tpu.memref_slice %arg10[%run_scoped3A_72, %dma_wait3A_145, %dma_wait3A_146] : memref<2x96x128xf32, #tpu.memory_space<vmem>> -> memref<1x96x128xf32, #tpu.memory_space<vmem>>
      %dma_wait3A_148 = tpu.memref_squeeze %dma_wait3A_147 : memref<1x96x128xf32, #tpu.memory_space<vmem>> -> memref<96x128xf32, #tpu.memory_space<vmem>>
      %dma_wait3A_149 = arith.constant 0 : i32
      %dma_wait3A_150 = tpu.memref_slice %arg7[%add3A_71, %dma_wait3A_149] : memref<10112x128xf32, #tpu.memory_space<vmem_shared>> -> memref<96x128xf32, #tpu.memory_space<vmem_shared>>
      tpu.wait_dma2 semaphore(%run_scoped3A_128 : memref<!tpu.dma_semaphore, #tpu.memory_space<semaphore_mem>>) src(%dma_wait3A_150 : memref<96x128xf32, #tpu.memory_space<vmem_shared>>) dst(%dma_wait3A_148 : memref<96x128xf32, #tpu.memory_space<vmem>>)
      tpu.yield
    }) : () -> ()
    %mul3A_73 = arith.constant 632 : i32
    %mul3A_74 = arith.muli %arg1, %mul3A_73 : i32
    %add3A_75 = arith.constant 96 : i32
    %add3A_76 = arith.addi %mul3A_74, %add3A_75 : i32
    %run_scoped3A_77 = arith.constant 0 : i32
    "tpu.region"() ({
      %run_scoped3A_128 = tpu.sem_alloc : memref<!tpu.dma_semaphore, #tpu.memory_space<semaphore_mem>>
      %dma_start3A = arith.constant 0 : i32
      %dma_start3A_129 = arith.constant 0 : i32
      %dma_start3A_130 = tpu.memref_slice %arg10[%run_scoped3A_77, %dma_start3A, %dma_start3A_129] : memref<2x96x128xf32, #tpu.memory_space<vmem>> -> memref<1x96x128xf32, #tpu.memory_space<vmem>>
      %dma_start3A_131 = tpu.memref_squeeze %dma_start3A_130 : memref<1x96x128xf32, #tpu.memory_space<vmem>> -> memref<96x128xf32, #tpu.memory_space<vmem>>
      %dma_start3A_132 = arith.constant 0 : i32
      %dma_start3A_133 = tpu.memref_slice %arg6[%arg0, %add3A_76, %dma_start3A_132] : memref<2x10112x128xf32, #tpu.memory_space<hbm>> -> memref<1x96x128xf32, #tpu.memory_space<hbm>>
      %dma_start3A_134 = tpu.memref_squeeze %dma_start3A_133 : memref<1x96x128xf32, #tpu.memory_space<hbm>> -> memref<96x128xf32, #tpu.memory_space<hbm>>
      %dma_start3A_135 = arith.constant 0 : i32
      %dma_start3A_136 = tpu.memref_slice %arg6[%arg0, %add3A_76, %dma_start3A_135] : memref<2x10112x128xf32, #tpu.memory_space<hbm>> -> memref<1x96x128xf32, #tpu.memory_space<hbm>>
      %dma_start3A_137 = tpu.memref_squeeze %dma_start3A_136 : memref<1x96x128xf32, #tpu.memory_space<hbm>> -> memref<96x128xf32, #tpu.memory_space<hbm>>
      %dma_start3A_138 = arith.constant 0 : i32
      %dma_start3A_139 = arith.constant 0 : i32
      %dma_start3A_140 = tpu.memref_slice %arg10[%run_scoped3A_77, %dma_start3A_138, %dma_start3A_139] : memref<2x96x128xf32, #tpu.memory_space<vmem>> -> memref<1x96x128xf32, #tpu.memory_space<vmem>>
      %dma_start3A_141 = tpu.memref_squeeze %dma_start3A_140 : memref<1x96x128xf32, #tpu.memory_space<vmem>> -> memref<96x128xf32, #tpu.memory_space<vmem>>
      tpu.enqueue_dma source(%dma_start3A_141 : memref<96x128xf32, #tpu.memory_space<vmem>>) target(%dma_start3A_137 : memref<96x128xf32, #tpu.memory_space<hbm>>) target_semaphore(%run_scoped3A_128 : memref<!tpu.dma_semaphore, #tpu.memory_space<semaphore_mem>>)
      %dma_wait3A = arith.constant 0 : i32
      %dma_wait3A_142 = arith.constant 0 : i32
      %dma_wait3A_143 = tpu.memref_slice %arg10[%run_scoped3A_77, %dma_wait3A, %dma_wait3A_142] : memref<2x96x128xf32, #tpu.memory_space<vmem>> -> memref<1x96x128xf32, #tpu.memory_space<vmem>>
      %dma_wait3A_144 = tpu.memref_squeeze %dma_wait3A_143 : memref<1x96x128xf32, #tpu.memory_space<vmem>> -> memref<96x128xf32, #tpu.memory_space<vmem>>
      %dma_wait3A_145 = arith.constant 0 : i32
      %dma_wait3A_146 = tpu.memref_slice %arg6[%arg0, %add3A_76, %dma_wait3A_145] : memref<2x10112x128xf32, #tpu.memory_space<hbm>> -> memref<1x96x128xf32, #tpu.memory_space<hbm>>
      %dma_wait3A_147 = tpu.memref_squeeze %dma_wait3A_146 : memref<1x96x128xf32, #tpu.memory_space<hbm>> -> memref<96x128xf32, #tpu.memory_space<hbm>>
      %dma_wait3A_148 = arith.constant 0 : i32
      %dma_wait3A_149 = tpu.memref_slice %arg6[%arg0, %add3A_76, %dma_wait3A_148] : memref<2x10112x128xf32, #tpu.memory_space<hbm>> -> memref<1x96x128xf32, #tpu.memory_space<hbm>>
      %dma_wait3A_150 = tpu.memref_squeeze %dma_wait3A_149 : memref<1x96x128xf32, #tpu.memory_space<hbm>> -> memref<96x128xf32, #tpu.memory_space<hbm>>
      %dma_wait3A_151 = arith.constant 0 : i32
      %dma_wait3A_152 = arith.constant 0 : i32
      %dma_wait3A_153 = tpu.memref_slice %arg10[%run_scoped3A_77, %dma_wait3A_151, %dma_wait3A_152] : memref<2x96x128xf32, #tpu.memory_space<vmem>> -> memref<1x96x128xf32, #tpu.memory_space<vmem>>
      %dma_wait3A_154 = tpu.memref_squeeze %dma_wait3A_153 : memref<1x96x128xf32, #tpu.memory_space<vmem>> -> memref<96x128xf32, #tpu.memory_space<vmem>>
      tpu.wait_dma2 semaphore(%run_scoped3A_128 : memref<!tpu.dma_semaphore, #tpu.memory_space<semaphore_mem>>) src(%dma_wait3A_154 : memref<96x128xf32, #tpu.memory_space<vmem>>) dst(%dma_wait3A_150 : memref<96x128xf32, #tpu.memory_space<hbm>>)
      tpu.yield
    }) : () -> ()
    %mul3A_78 = arith.constant 632 : i32
    %mul3A_79 = arith.muli %arg1, %mul3A_78 : i32
    %add3A_80 = arith.constant 192 : i32
    %add3A_81 = arith.addi %mul3A_79, %add3A_80 : i32
    %run_scoped3A_82 = arith.constant 0 : i32
    "tpu.region"() ({
      %run_scoped3A_128 = tpu.sem_alloc : memref<!tpu.dma_semaphore, #tpu.memory_space<semaphore_mem>>
      %dma_start3A = arith.constant 0 : i32
      %dma_start3A_129 = arith.constant 0 : i32
      %dma_start3A_130 = tpu.memref_slice %arg10[%run_scoped3A_82, %dma_start3A, %dma_start3A_129] : memref<2x96x128xf32, #tpu.memory_space<vmem>> -> memref<1x96x128xf32, #tpu.memory_space<vmem>>
      %dma_start3A_131 = tpu.memref_squeeze %dma_start3A_130 : memref<1x96x128xf32, #tpu.memory_space<vmem>> -> memref<96x128xf32, #tpu.memory_space<vmem>>
      %dma_start3A_132 = arith.constant 0 : i32
      %dma_start3A_133 = tpu.memref_slice %arg7[%add3A_81, %dma_start3A_132] : memref<10112x128xf32, #tpu.memory_space<vmem_shared>> -> memref<96x128xf32, #tpu.memory_space<vmem_shared>>
      %dma_start3A_134 = arith.constant 0 : i32
      %dma_start3A_135 = arith.constant 0 : i32
      %dma_start3A_136 = tpu.memref_slice %arg10[%run_scoped3A_82, %dma_start3A_134, %dma_start3A_135] : memref<2x96x128xf32, #tpu.memory_space<vmem>> -> memref<1x96x128xf32, #tpu.memory_space<vmem>>
      %dma_start3A_137 = tpu.memref_squeeze %dma_start3A_136 : memref<1x96x128xf32, #tpu.memory_space<vmem>> -> memref<96x128xf32, #tpu.memory_space<vmem>>
      %dma_start3A_138 = arith.constant 0 : i32
      %dma_start3A_139 = tpu.memref_slice %arg7[%add3A_81, %dma_start3A_138] : memref<10112x128xf32, #tpu.memory_space<vmem_shared>> -> memref<96x128xf32, #tpu.memory_space<vmem_shared>>
      tpu.enqueue_dma source(%dma_start3A_139 : memref<96x128xf32, #tpu.memory_space<vmem_shared>>) target(%dma_start3A_137 : memref<96x128xf32, #tpu.memory_space<vmem>>) target_semaphore(%run_scoped3A_128 : memref<!tpu.dma_semaphore, #tpu.memory_space<semaphore_mem>>)
      %dma_wait3A = arith.constant 0 : i32
      %dma_wait3A_140 = arith.constant 0 : i32
      %dma_wait3A_141 = tpu.memref_slice %arg10[%run_scoped3A_82, %dma_wait3A, %dma_wait3A_140] : memref<2x96x128xf32, #tpu.memory_space<vmem>> -> memref<1x96x128xf32, #tpu.memory_space<vmem>>
      %dma_wait3A_142 = tpu.memref_squeeze %dma_wait3A_141 : memref<1x96x128xf32, #tpu.memory_space<vmem>> -> memref<96x128xf32, #tpu.memory_space<vmem>>
      %dma_wait3A_143 = arith.constant 0 : i32
      %dma_wait3A_144 = tpu.memref_slice %arg7[%add3A_81, %dma_wait3A_143] : memref<10112x128xf32, #tpu.memory_space<vmem_shared>> -> memref<96x128xf32, #tpu.memory_space<vmem_shared>>
      %dma_wait3A_145 = arith.constant 0 : i32
      %dma_wait3A_146 = arith.constant 0 : i32
      %dma_wait3A_147 = tpu.memref_slice %arg10[%run_scoped3A_82, %dma_wait3A_145, %dma_wait3A_146] : memref<2x96x128xf32, #tpu.memory_space<vmem>> -> memref<1x96x128xf32, #tpu.memory_space<vmem>>
      %dma_wait3A_148 = tpu.memref_squeeze %dma_wait3A_147 : memref<1x96x128xf32, #tpu.memory_space<vmem>> -> memref<96x128xf32, #tpu.memory_space<vmem>>
      %dma_wait3A_149 = arith.constant 0 : i32
      %dma_wait3A_150 = tpu.memref_slice %arg7[%add3A_81, %dma_wait3A_149] : memref<10112x128xf32, #tpu.memory_space<vmem_shared>> -> memref<96x128xf32, #tpu.memory_space<vmem_shared>>
      tpu.wait_dma2 semaphore(%run_scoped3A_128 : memref<!tpu.dma_semaphore, #tpu.memory_space<semaphore_mem>>) src(%dma_wait3A_150 : memref<96x128xf32, #tpu.memory_space<vmem_shared>>) dst(%dma_wait3A_148 : memref<96x128xf32, #tpu.memory_space<vmem>>)
      tpu.yield
    }) : () -> ()
    %mul3A_83 = arith.constant 632 : i32
    %mul3A_84 = arith.muli %arg1, %mul3A_83 : i32
    %add3A_85 = arith.constant 192 : i32
    %add3A_86 = arith.addi %mul3A_84, %add3A_85 : i32
    %run_scoped3A_87 = arith.constant 0 : i32
    "tpu.region"() ({
      %run_scoped3A_128 = tpu.sem_alloc : memref<!tpu.dma_semaphore, #tpu.memory_space<semaphore_mem>>
      %dma_start3A = arith.constant 0 : i32
      %dma_start3A_129 = arith.constant 0 : i32
      %dma_start3A_130 = tpu.memref_slice %arg10[%run_scoped3A_87, %dma_start3A, %dma_start3A_129] : memref<2x96x128xf32, #tpu.memory_space<vmem>> -> memref<1x96x128xf32, #tpu.memory_space<vmem>>
      %dma_start3A_131 = tpu.memref_squeeze %dma_start3A_130 : memref<1x96x128xf32, #tpu.memory_space<vmem>> -> memref<96x128xf32, #tpu.memory_space<vmem>>
      %dma_start3A_132 = arith.constant 0 : i32
      %dma_start3A_133 = tpu.memref_slice %arg6[%arg0, %add3A_86, %dma_start3A_132] : memref<2x10112x128xf32, #tpu.memory_space<hbm>> -> memref<1x96x128xf32, #tpu.memory_space<hbm>>
      %dma_start3A_134 = tpu.memref_squeeze %dma_start3A_133 : memref<1x96x128xf32, #tpu.memory_space<hbm>> -> memref<96x128xf32, #tpu.memory_space<hbm>>
      %dma_start3A_135 = arith.constant 0 : i32
      %dma_start3A_136 = tpu.memref_slice %arg6[%arg0, %add3A_86, %dma_start3A_135] : memref<2x10112x128xf32, #tpu.memory_space<hbm>> -> memref<1x96x128xf32, #tpu.memory_space<hbm>>
      %dma_start3A_137 = tpu.memref_squeeze %dma_start3A_136 : memref<1x96x128xf32, #tpu.memory_space<hbm>> -> memref<96x128xf32, #tpu.memory_space<hbm>>
      %dma_start3A_138 = arith.constant 0 : i32
      %dma_start3A_139 = arith.constant 0 : i32
      %dma_start3A_140 = tpu.memref_slice %arg10[%run_scoped3A_87, %dma_start3A_138, %dma_start3A_139] : memref<2x96x128xf32, #tpu.memory_space<vmem>> -> memref<1x96x128xf32, #tpu.memory_space<vmem>>
      %dma_start3A_141 = tpu.memref_squeeze %dma_start3A_140 : memref<1x96x128xf32, #tpu.memory_space<vmem>> -> memref<96x128xf32, #tpu.memory_space<vmem>>
      tpu.enqueue_dma source(%dma_start3A_141 : memref<96x128xf32, #tpu.memory_space<vmem>>) target(%dma_start3A_137 : memref<96x128xf32, #tpu.memory_space<hbm>>) target_semaphore(%run_scoped3A_128 : memref<!tpu.dma_semaphore, #tpu.memory_space<semaphore_mem>>)
      %dma_wait3A = arith.constant 0 : i32
      %dma_wait3A_142 = arith.constant 0 : i32
      %dma_wait3A_143 = tpu.memref_slice %arg10[%run_scoped3A_87, %dma_wait3A, %dma_wait3A_142] : memref<2x96x128xf32, #tpu.memory_space<vmem>> -> memref<1x96x128xf32, #tpu.memory_space<vmem>>
      %dma_wait3A_144 = tpu.memref_squeeze %dma_wait3A_143 : memref<1x96x128xf32, #tpu.memory_space<vmem>> -> memref<96x128xf32, #tpu.memory_space<vmem>>
      %dma_wait3A_145 = arith.constant 0 : i32
      %dma_wait3A_146 = tpu.memref_slice %arg6[%arg0, %add3A_86, %dma_wait3A_145] : memref<2x10112x128xf32, #tpu.memory_space<hbm>> -> memref<1x96x128xf32, #tpu.memory_space<hbm>>
      %dma_wait3A_147 = tpu.memref_squeeze %dma_wait3A_146 : memref<1x96x128xf32, #tpu.memory_space<hbm>> -> memref<96x128xf32, #tpu.memory_space<hbm>>
      %dma_wait3A_148 = arith.constant 0 : i32
      %dma_wait3A_149 = tpu.memref_slice %arg6[%arg0, %add3A_86, %dma_wait3A_148] : memref<2x10112x128xf32, #tpu.memory_space<hbm>> -> memref<1x96x128xf32, #tpu.memory_space<hbm>>
      %dma_wait3A_150 = tpu.memref_squeeze %dma_wait3A_149 : memref<1x96x128xf32, #tpu.memory_space<hbm>> -> memref<96x128xf32, #tpu.memory_space<hbm>>
      %dma_wait3A_151 = arith.constant 0 : i32
      %dma_wait3A_152 = arith.constant 0 : i32
      %dma_wait3A_153 = tpu.memref_slice %arg10[%run_scoped3A_87, %dma_wait3A_151, %dma_wait3A_152] : memref<2x96x128xf32, #tpu.memory_space<vmem>> -> memref<1x96x128xf32, #tpu.memory_space<vmem>>
      %dma_wait3A_154 = tpu.memref_squeeze %dma_wait3A_153 : memref<1x96x128xf32, #tpu.memory_space<vmem>> -> memref<96x128xf32, #tpu.memory_space<vmem>>
      tpu.wait_dma2 semaphore(%run_scoped3A_128 : memref<!tpu.dma_semaphore, #tpu.memory_space<semaphore_mem>>) src(%dma_wait3A_154 : memref<96x128xf32, #tpu.memory_space<vmem>>) dst(%dma_wait3A_150 : memref<96x128xf32, #tpu.memory_space<hbm>>)
      tpu.yield
    }) : () -> ()
    %mul3A_88 = arith.constant 632 : i32
    %mul3A_89 = arith.muli %arg1, %mul3A_88 : i32
    %add3A_90 = arith.constant 288 : i32
    %add3A_91 = arith.addi %mul3A_89, %add3A_90 : i32
    %run_scoped3A_92 = arith.constant 0 : i32
    "tpu.region"() ({
      %run_scoped3A_128 = tpu.sem_alloc : memref<!tpu.dma_semaphore, #tpu.memory_space<semaphore_mem>>
      %dma_start3A = arith.constant 0 : i32
      %dma_start3A_129 = arith.constant 0 : i32
      %dma_start3A_130 = tpu.memref_slice %arg10[%run_scoped3A_92, %dma_start3A, %dma_start3A_129] : memref<2x96x128xf32, #tpu.memory_space<vmem>> -> memref<1x96x128xf32, #tpu.memory_space<vmem>>
      %dma_start3A_131 = tpu.memref_squeeze %dma_start3A_130 : memref<1x96x128xf32, #tpu.memory_space<vmem>> -> memref<96x128xf32, #tpu.memory_space<vmem>>
      %dma_start3A_132 = arith.constant 0 : i32
      %dma_start3A_133 = tpu.memref_slice %arg7[%add3A_91, %dma_start3A_132] : memref<10112x128xf32, #tpu.memory_space<vmem_shared>> -> memref<96x128xf32, #tpu.memory_space<vmem_shared>>
      %dma_start3A_134 = arith.constant 0 : i32
      %dma_start3A_135 = arith.constant 0 : i32
      %dma_start3A_136 = tpu.memref_slice %arg10[%run_scoped3A_92, %dma_start3A_134, %dma_start3A_135] : memref<2x96x128xf32, #tpu.memory_space<vmem>> -> memref<1x96x128xf32, #tpu.memory_space<vmem>>
      %dma_start3A_137 = tpu.memref_squeeze %dma_start3A_136 : memref<1x96x128xf32, #tpu.memory_space<vmem>> -> memref<96x128xf32, #tpu.memory_space<vmem>>
      %dma_start3A_138 = arith.constant 0 : i32
      %dma_start3A_139 = tpu.memref_slice %arg7[%add3A_91, %dma_start3A_138] : memref<10112x128xf32, #tpu.memory_space<vmem_shared>> -> memref<96x128xf32, #tpu.memory_space<vmem_shared>>
      tpu.enqueue_dma source(%dma_start3A_139 : memref<96x128xf32, #tpu.memory_space<vmem_shared>>) target(%dma_start3A_137 : memref<96x128xf32, #tpu.memory_space<vmem>>) target_semaphore(%run_scoped3A_128 : memref<!tpu.dma_semaphore, #tpu.memory_space<semaphore_mem>>)
      %dma_wait3A = arith.constant 0 : i32
      %dma_wait3A_140 = arith.constant 0 : i32
      %dma_wait3A_141 = tpu.memref_slice %arg10[%run_scoped3A_92, %dma_wait3A, %dma_wait3A_140] : memref<2x96x128xf32, #tpu.memory_space<vmem>> -> memref<1x96x128xf32, #tpu.memory_space<vmem>>
      %dma_wait3A_142 = tpu.memref_squeeze %dma_wait3A_141 : memref<1x96x128xf32, #tpu.memory_space<vmem>> -> memref<96x128xf32, #tpu.memory_space<vmem>>
      %dma_wait3A_143 = arith.constant 0 : i32
      %dma_wait3A_144 = tpu.memref_slice %arg7[%add3A_91, %dma_wait3A_143] : memref<10112x128xf32, #tpu.memory_space<vmem_shared>> -> memref<96x128xf32, #tpu.memory_space<vmem_shared>>
      %dma_wait3A_145 = arith.constant 0 : i32
      %dma_wait3A_146 = arith.constant 0 : i32
      %dma_wait3A_147 = tpu.memref_slice %arg10[%run_scoped3A_92, %dma_wait3A_145, %dma_wait3A_146] : memref<2x96x128xf32, #tpu.memory_space<vmem>> -> memref<1x96x128xf32, #tpu.memory_space<vmem>>
      %dma_wait3A_148 = tpu.memref_squeeze %dma_wait3A_147 : memref<1x96x128xf32, #tpu.memory_space<vmem>> -> memref<96x128xf32, #tpu.memory_space<vmem>>
      %dma_wait3A_149 = arith.constant 0 : i32
      %dma_wait3A_150 = tpu.memref_slice %arg7[%add3A_91, %dma_wait3A_149] : memref<10112x128xf32, #tpu.memory_space<vmem_shared>> -> memref<96x128xf32, #tpu.memory_space<vmem_shared>>
      tpu.wait_dma2 semaphore(%run_scoped3A_128 : memref<!tpu.dma_semaphore, #tpu.memory_space<semaphore_mem>>) src(%dma_wait3A_150 : memref<96x128xf32, #tpu.memory_space<vmem_shared>>) dst(%dma_wait3A_148 : memref<96x128xf32, #tpu.memory_space<vmem>>)
      tpu.yield
    }) : () -> ()
    %mul3A_93 = arith.constant 632 : i32
    %mul3A_94 = arith.muli %arg1, %mul3A_93 : i32
    %add3A_95 = arith.constant 288 : i32
    %add3A_96 = arith.addi %mul3A_94, %add3A_95 : i32
    %run_scoped3A_97 = arith.constant 0 : i32
    "tpu.region"() ({
      %run_scoped3A_128 = tpu.sem_alloc : memref<!tpu.dma_semaphore, #tpu.memory_space<semaphore_mem>>
      %dma_start3A = arith.constant 0 : i32
      %dma_start3A_129 = arith.constant 0 : i32
      %dma_start3A_130 = tpu.memref_slice %arg10[%run_scoped3A_97, %dma_start3A, %dma_start3A_129] : memref<2x96x128xf32, #tpu.memory_space<vmem>> -> memref<1x96x128xf32, #tpu.memory_space<vmem>>
      %dma_start3A_131 = tpu.memref_squeeze %dma_start3A_130 : memref<1x96x128xf32, #tpu.memory_space<vmem>> -> memref<96x128xf32, #tpu.memory_space<vmem>>
      %dma_start3A_132 = arith.constant 0 : i32
      %dma_start3A_133 = tpu.memref_slice %arg6[%arg0, %add3A_96, %dma_start3A_132] : memref<2x10112x128xf32, #tpu.memory_space<hbm>> -> memref<1x96x128xf32, #tpu.memory_space<hbm>>
      %dma_start3A_134 = tpu.memref_squeeze %dma_start3A_133 : memref<1x96x128xf32, #tpu.memory_space<hbm>> -> memref<96x128xf32, #tpu.memory_space<hbm>>
      %dma_start3A_135 = arith.constant 0 : i32
      %dma_start3A_136 = tpu.memref_slice %arg6[%arg0, %add3A_96, %dma_start3A_135] : memref<2x10112x128xf32, #tpu.memory_space<hbm>> -> memref<1x96x128xf32, #tpu.memory_space<hbm>>
      %dma_start3A_137 = tpu.memref_squeeze %dma_start3A_136 : memref<1x96x128xf32, #tpu.memory_space<hbm>> -> memref<96x128xf32, #tpu.memory_space<hbm>>
      %dma_start3A_138 = arith.constant 0 : i32
      %dma_start3A_139 = arith.constant 0 : i32
      %dma_start3A_140 = tpu.memref_slice %arg10[%run_scoped3A_97, %dma_start3A_138, %dma_start3A_139] : memref<2x96x128xf32, #tpu.memory_space<vmem>> -> memref<1x96x128xf32, #tpu.memory_space<vmem>>
      %dma_start3A_141 = tpu.memref_squeeze %dma_start3A_140 : memref<1x96x128xf32, #tpu.memory_space<vmem>> -> memref<96x128xf32, #tpu.memory_space<vmem>>
      tpu.enqueue_dma source(%dma_start3A_141 : memref<96x128xf32, #tpu.memory_space<vmem>>) target(%dma_start3A_137 : memref<96x128xf32, #tpu.memory_space<hbm>>) target_semaphore(%run_scoped3A_128 : memref<!tpu.dma_semaphore, #tpu.memory_space<semaphore_mem>>)
      %dma_wait3A = arith.constant 0 : i32
      %dma_wait3A_142 = arith.constant 0 : i32
      %dma_wait3A_143 = tpu.memref_slice %arg10[%run_scoped3A_97, %dma_wait3A, %dma_wait3A_142] : memref<2x96x128xf32, #tpu.memory_space<vmem>> -> memref<1x96x128xf32, #tpu.memory_space<vmem>>
      %dma_wait3A_144 = tpu.memref_squeeze %dma_wait3A_143 : memref<1x96x128xf32, #tpu.memory_space<vmem>> -> memref<96x128xf32, #tpu.memory_space<vmem>>
      %dma_wait3A_145 = arith.constant 0 : i32
      %dma_wait3A_146 = tpu.memref_slice %arg6[%arg0, %add3A_96, %dma_wait3A_145] : memref<2x10112x128xf32, #tpu.memory_space<hbm>> -> memref<1x96x128xf32, #tpu.memory_space<hbm>>
      %dma_wait3A_147 = tpu.memref_squeeze %dma_wait3A_146 : memref<1x96x128xf32, #tpu.memory_space<hbm>> -> memref<96x128xf32, #tpu.memory_space<hbm>>
      %dma_wait3A_148 = arith.constant 0 : i32
      %dma_wait3A_149 = tpu.memref_slice %arg6[%arg0, %add3A_96, %dma_wait3A_148] : memref<2x10112x128xf32, #tpu.memory_space<hbm>> -> memref<1x96x128xf32, #tpu.memory_space<hbm>>
      %dma_wait3A_150 = tpu.memref_squeeze %dma_wait3A_149 : memref<1x96x128xf32, #tpu.memory_space<hbm>> -> memref<96x128xf32, #tpu.memory_space<hbm>>
      %dma_wait3A_151 = arith.constant 0 : i32
      %dma_wait3A_152 = arith.constant 0 : i32
      %dma_wait3A_153 = tpu.memref_slice %arg10[%run_scoped3A_97, %dma_wait3A_151, %dma_wait3A_152] : memref<2x96x128xf32, #tpu.memory_space<vmem>> -> memref<1x96x128xf32, #tpu.memory_space<vmem>>
      %dma_wait3A_154 = tpu.memref_squeeze %dma_wait3A_153 : memref<1x96x128xf32, #tpu.memory_space<vmem>> -> memref<96x128xf32, #tpu.memory_space<vmem>>
      tpu.wait_dma2 semaphore(%run_scoped3A_128 : memref<!tpu.dma_semaphore, #tpu.memory_space<semaphore_mem>>) src(%dma_wait3A_154 : memref<96x128xf32, #tpu.memory_space<vmem>>) dst(%dma_wait3A_150 : memref<96x128xf32, #tpu.memory_space<hbm>>)
      tpu.yield
    }) : () -> ()
    %mul3A_98 = arith.constant 632 : i32
    %mul3A_99 = arith.muli %arg1, %mul3A_98 : i32
    %add3A_100 = arith.constant 384 : i32
    %add3A_101 = arith.addi %mul3A_99, %add3A_100 : i32
    %run_scoped3A_102 = arith.constant 0 : i32
    "tpu.region"() ({
      %run_scoped3A_128 = tpu.sem_alloc : memref<!tpu.dma_semaphore, #tpu.memory_space<semaphore_mem>>
      %dma_start3A = arith.constant 0 : i32
      %dma_start3A_129 = arith.constant 0 : i32
      %dma_start3A_130 = tpu.memref_slice %arg10[%run_scoped3A_102, %dma_start3A, %dma_start3A_129] : memref<2x96x128xf32, #tpu.memory_space<vmem>> -> memref<1x96x128xf32, #tpu.memory_space<vmem>>
      %dma_start3A_131 = tpu.memref_squeeze %dma_start3A_130 : memref<1x96x128xf32, #tpu.memory_space<vmem>> -> memref<96x128xf32, #tpu.memory_space<vmem>>
      %dma_start3A_132 = arith.constant 0 : i32
      %dma_start3A_133 = tpu.memref_slice %arg7[%add3A_101, %dma_start3A_132] : memref<10112x128xf32, #tpu.memory_space<vmem_shared>> -> memref<96x128xf32, #tpu.memory_space<vmem_shared>>
      %dma_start3A_134 = arith.constant 0 : i32
      %dma_start3A_135 = arith.constant 0 : i32
      %dma_start3A_136 = tpu.memref_slice %arg10[%run_scoped3A_102, %dma_start3A_134, %dma_start3A_135] : memref<2x96x128xf32, #tpu.memory_space<vmem>> -> memref<1x96x128xf32, #tpu.memory_space<vmem>>
      %dma_start3A_137 = tpu.memref_squeeze %dma_start3A_136 : memref<1x96x128xf32, #tpu.memory_space<vmem>> -> memref<96x128xf32, #tpu.memory_space<vmem>>
      %dma_start3A_138 = arith.constant 0 : i32
      %dma_start3A_139 = tpu.memref_slice %arg7[%add3A_101, %dma_start3A_138] : memref<10112x128xf32, #tpu.memory_space<vmem_shared>> -> memref<96x128xf32, #tpu.memory_space<vmem_shared>>
      tpu.enqueue_dma source(%dma_start3A_139 : memref<96x128xf32, #tpu.memory_space<vmem_shared>>) target(%dma_start3A_137 : memref<96x128xf32, #tpu.memory_space<vmem>>) target_semaphore(%run_scoped3A_128 : memref<!tpu.dma_semaphore, #tpu.memory_space<semaphore_mem>>)
      %dma_wait3A = arith.constant 0 : i32
      %dma_wait3A_140 = arith.constant 0 : i32
      %dma_wait3A_141 = tpu.memref_slice %arg10[%run_scoped3A_102, %dma_wait3A, %dma_wait3A_140] : memref<2x96x128xf32, #tpu.memory_space<vmem>> -> memref<1x96x128xf32, #tpu.memory_space<vmem>>
      %dma_wait3A_142 = tpu.memref_squeeze %dma_wait3A_141 : memref<1x96x128xf32, #tpu.memory_space<vmem>> -> memref<96x128xf32, #tpu.memory_space<vmem>>
      %dma_wait3A_143 = arith.constant 0 : i32
      %dma_wait3A_144 = tpu.memref_slice %arg7[%add3A_101, %dma_wait3A_143] : memref<10112x128xf32, #tpu.memory_space<vmem_shared>> -> memref<96x128xf32, #tpu.memory_space<vmem_shared>>
      %dma_wait3A_145 = arith.constant 0 : i32
      %dma_wait3A_146 = arith.constant 0 : i32
      %dma_wait3A_147 = tpu.memref_slice %arg10[%run_scoped3A_102, %dma_wait3A_145, %dma_wait3A_146] : memref<2x96x128xf32, #tpu.memory_space<vmem>> -> memref<1x96x128xf32, #tpu.memory_space<vmem>>
      %dma_wait3A_148 = tpu.memref_squeeze %dma_wait3A_147 : memref<1x96x128xf32, #tpu.memory_space<vmem>> -> memref<96x128xf32, #tpu.memory_space<vmem>>
      %dma_wait3A_149 = arith.constant 0 : i32
      %dma_wait3A_150 = tpu.memref_slice %arg7[%add3A_101, %dma_wait3A_149] : memref<10112x128xf32, #tpu.memory_space<vmem_shared>> -> memref<96x128xf32, #tpu.memory_space<vmem_shared>>
      tpu.wait_dma2 semaphore(%run_scoped3A_128 : memref<!tpu.dma_semaphore, #tpu.memory_space<semaphore_mem>>) src(%dma_wait3A_150 : memref<96x128xf32, #tpu.memory_space<vmem_shared>>) dst(%dma_wait3A_148 : memref<96x128xf32, #tpu.memory_space<vmem>>)
      tpu.yield
    }) : () -> ()
    %mul3A_103 = arith.constant 632 : i32
    %mul3A_104 = arith.muli %arg1, %mul3A_103 : i32
    %add3A_105 = arith.constant 384 : i32
    %add3A_106 = arith.addi %mul3A_104, %add3A_105 : i32
    %run_scoped3A_107 = arith.constant 0 : i32
    "tpu.region"() ({
      %run_scoped3A_128 = tpu.sem_alloc : memref<!tpu.dma_semaphore, #tpu.memory_space<semaphore_mem>>
      %dma_start3A = arith.constant 0 : i32
      %dma_start3A_129 = arith.constant 0 : i32
      %dma_start3A_130 = tpu.memref_slice %arg10[%run_scoped3A_107, %dma_start3A, %dma_start3A_129] : memref<2x96x128xf32, #tpu.memory_space<vmem>> -> memref<1x96x128xf32, #tpu.memory_space<vmem>>
      %dma_start3A_131 = tpu.memref_squeeze %dma_start3A_130 : memref<1x96x128xf32, #tpu.memory_space<vmem>> -> memref<96x128xf32, #tpu.memory_space<vmem>>
      %dma_start3A_132 = arith.constant 0 : i32
      %dma_start3A_133 = tpu.memref_slice %arg6[%arg0, %add3A_106, %dma_start3A_132] : memref<2x10112x128xf32, #tpu.memory_space<hbm>> -> memref<1x96x128xf32, #tpu.memory_space<hbm>>
      %dma_start3A_134 = tpu.memref_squeeze %dma_start3A_133 : memref<1x96x128xf32, #tpu.memory_space<hbm>> -> memref<96x128xf32, #tpu.memory_space<hbm>>
      %dma_start3A_135 = arith.constant 0 : i32
      %dma_start3A_136 = tpu.memref_slice %arg6[%arg0, %add3A_106, %dma_start3A_135] : memref<2x10112x128xf32, #tpu.memory_space<hbm>> -> memref<1x96x128xf32, #tpu.memory_space<hbm>>
      %dma_start3A_137 = tpu.memref_squeeze %dma_start3A_136 : memref<1x96x128xf32, #tpu.memory_space<hbm>> -> memref<96x128xf32, #tpu.memory_space<hbm>>
      %dma_start3A_138 = arith.constant 0 : i32
      %dma_start3A_139 = arith.constant 0 : i32
      %dma_start3A_140 = tpu.memref_slice %arg10[%run_scoped3A_107, %dma_start3A_138, %dma_start3A_139] : memref<2x96x128xf32, #tpu.memory_space<vmem>> -> memref<1x96x128xf32, #tpu.memory_space<vmem>>
      %dma_start3A_141 = tpu.memref_squeeze %dma_start3A_140 : memref<1x96x128xf32, #tpu.memory_space<vmem>> -> memref<96x128xf32, #tpu.memory_space<vmem>>
      tpu.enqueue_dma source(%dma_start3A_141 : memref<96x128xf32, #tpu.memory_space<vmem>>) target(%dma_start3A_137 : memref<96x128xf32, #tpu.memory_space<hbm>>) target_semaphore(%run_scoped3A_128 : memref<!tpu.dma_semaphore, #tpu.memory_space<semaphore_mem>>)
      %dma_wait3A = arith.constant 0 : i32
      %dma_wait3A_142 = arith.constant 0 : i32
      %dma_wait3A_143 = tpu.memref_slice %arg10[%run_scoped3A_107, %dma_wait3A, %dma_wait3A_142] : memref<2x96x128xf32, #tpu.memory_space<vmem>> -> memref<1x96x128xf32, #tpu.memory_space<vmem>>
      %dma_wait3A_144 = tpu.memref_squeeze %dma_wait3A_143 : memref<1x96x128xf32, #tpu.memory_space<vmem>> -> memref<96x128xf32, #tpu.memory_space<vmem>>
      %dma_wait3A_145 = arith.constant 0 : i32
      %dma_wait3A_146 = tpu.memref_slice %arg6[%arg0, %add3A_106, %dma_wait3A_145] : memref<2x10112x128xf32, #tpu.memory_space<hbm>> -> memref<1x96x128xf32, #tpu.memory_space<hbm>>
      %dma_wait3A_147 = tpu.memref_squeeze %dma_wait3A_146 : memref<1x96x128xf32, #tpu.memory_space<hbm>> -> memref<96x128xf32, #tpu.memory_space<hbm>>
      %dma_wait3A_148 = arith.constant 0 : i32
      %dma_wait3A_149 = tpu.memref_slice %arg6[%arg0, %add3A_106, %dma_wait3A_148] : memref<2x10112x128xf32, #tpu.memory_space<hbm>> -> memref<1x96x128xf32, #tpu.memory_space<hbm>>
      %dma_wait3A_150 = tpu.memref_squeeze %dma_wait3A_149 : memref<1x96x128xf32, #tpu.memory_space<hbm>> -> memref<96x128xf32, #tpu.memory_space<hbm>>
      %dma_wait3A_151 = arith.constant 0 : i32
      %dma_wait3A_152 = arith.constant 0 : i32
      %dma_wait3A_153 = tpu.memref_slice %arg10[%run_scoped3A_107, %dma_wait3A_151, %dma_wait3A_152] : memref<2x96x128xf32, #tpu.memory_space<vmem>> -> memref<1x96x128xf32, #tpu.memory_space<vmem>>
      %dma_wait3A_154 = tpu.memref_squeeze %dma_wait3A_153 : memref<1x96x128xf32, #tpu.memory_space<vmem>> -> memref<96x128xf32, #tpu.memory_space<vmem>>
      tpu.wait_dma2 semaphore(%run_scoped3A_128 : memref<!tpu.dma_semaphore, #tpu.memory_space<semaphore_mem>>) src(%dma_wait3A_154 : memref<96x128xf32, #tpu.memory_space<vmem>>) dst(%dma_wait3A_150 : memref<96x128xf32, #tpu.memory_space<hbm>>)
      tpu.yield
    }) : () -> ()
    %mul3A_108 = arith.constant 632 : i32
    %mul3A_109 = arith.muli %arg1, %mul3A_108 : i32
    %add3A_110 = arith.constant 480 : i32
    %add3A_111 = arith.addi %mul3A_109, %add3A_110 : i32
    %run_scoped3A_112 = arith.constant 0 : i32
    "tpu.region"() ({
      %run_scoped3A_128 = tpu.sem_alloc : memref<!tpu.dma_semaphore, #tpu.memory_space<semaphore_mem>>
      %dma_start3A = arith.constant 0 : i32
      %dma_start3A_129 = arith.constant 0 : i32
      %dma_start3A_130 = tpu.memref_slice %arg10[%run_scoped3A_112, %dma_start3A, %dma_start3A_129] : memref<2x96x128xf32, #tpu.memory_space<vmem>> -> memref<1x96x128xf32, #tpu.memory_space<vmem>>
      %dma_start3A_131 = tpu.memref_squeeze %dma_start3A_130 : memref<1x96x128xf32, #tpu.memory_space<vmem>> -> memref<96x128xf32, #tpu.memory_space<vmem>>
      %dma_start3A_132 = arith.constant 0 : i32
      %dma_start3A_133 = tpu.memref_slice %arg7[%add3A_111, %dma_start3A_132] : memref<10112x128xf32, #tpu.memory_space<vmem_shared>> -> memref<96x128xf32, #tpu.memory_space<vmem_shared>>
      %dma_start3A_134 = arith.constant 0 : i32
      %dma_start3A_135 = arith.constant 0 : i32
      %dma_start3A_136 = tpu.memref_slice %arg10[%run_scoped3A_112, %dma_start3A_134, %dma_start3A_135] : memref<2x96x128xf32, #tpu.memory_space<vmem>> -> memref<1x96x128xf32, #tpu.memory_space<vmem>>
      %dma_start3A_137 = tpu.memref_squeeze %dma_start3A_136 : memref<1x96x128xf32, #tpu.memory_space<vmem>> -> memref<96x128xf32, #tpu.memory_space<vmem>>
      %dma_start3A_138 = arith.constant 0 : i32
      %dma_start3A_139 = tpu.memref_slice %arg7[%add3A_111, %dma_start3A_138] : memref<10112x128xf32, #tpu.memory_space<vmem_shared>> -> memref<96x128xf32, #tpu.memory_space<vmem_shared>>
      tpu.enqueue_dma source(%dma_start3A_139 : memref<96x128xf32, #tpu.memory_space<vmem_shared>>) target(%dma_start3A_137 : memref<96x128xf32, #tpu.memory_space<vmem>>) target_semaphore(%run_scoped3A_128 : memref<!tpu.dma_semaphore, #tpu.memory_space<semaphore_mem>>)
      %dma_wait3A = arith.constant 0 : i32
      %dma_wait3A_140 = arith.constant 0 : i32
      %dma_wait3A_141 = tpu.memref_slice %arg10[%run_scoped3A_112, %dma_wait3A, %dma_wait3A_140] : memref<2x96x128xf32, #tpu.memory_space<vmem>> -> memref<1x96x128xf32, #tpu.memory_space<vmem>>
      %dma_wait3A_142 = tpu.memref_squeeze %dma_wait3A_141 : memref<1x96x128xf32, #tpu.memory_space<vmem>> -> memref<96x128xf32, #tpu.memory_space<vmem>>
      %dma_wait3A_143 = arith.constant 0 : i32
      %dma_wait3A_144 = tpu.memref_slice %arg7[%add3A_111, %dma_wait3A_143] : memref<10112x128xf32, #tpu.memory_space<vmem_shared>> -> memref<96x128xf32, #tpu.memory_space<vmem_shared>>
      %dma_wait3A_145 = arith.constant 0 : i32
      %dma_wait3A_146 = arith.constant 0 : i32
      %dma_wait3A_147 = tpu.memref_slice %arg10[%run_scoped3A_112, %dma_wait3A_145, %dma_wait3A_146] : memref<2x96x128xf32, #tpu.memory_space<vmem>> -> memref<1x96x128xf32, #tpu.memory_space<vmem>>
      %dma_wait3A_148 = tpu.memref_squeeze %dma_wait3A_147 : memref<1x96x128xf32, #tpu.memory_space<vmem>> -> memref<96x128xf32, #tpu.memory_space<vmem>>
      %dma_wait3A_149 = arith.constant 0 : i32
      %dma_wait3A_150 = tpu.memref_slice %arg7[%add3A_111, %dma_wait3A_149] : memref<10112x128xf32, #tpu.memory_space<vmem_shared>> -> memref<96x128xf32, #tpu.memory_space<vmem_shared>>
      tpu.wait_dma2 semaphore(%run_scoped3A_128 : memref<!tpu.dma_semaphore, #tpu.memory_space<semaphore_mem>>) src(%dma_wait3A_150 : memref<96x128xf32, #tpu.memory_space<vmem_shared>>) dst(%dma_wait3A_148 : memref<96x128xf32, #tpu.memory_space<vmem>>)
      tpu.yield
    }) : () -> ()
    %mul3A_113 = arith.constant 632 : i32
    %mul3A_114 = arith.muli %arg1, %mul3A_113 : i32
    %add3A_115 = arith.constant 480 : i32
    %add3A_116 = arith.addi %mul3A_114, %add3A_115 : i32
    %run_scoped3A_117 = arith.constant 0 : i32
    "tpu.region"() ({
      %run_scoped3A_128 = tpu.sem_alloc : memref<!tpu.dma_semaphore, #tpu.memory_space<semaphore_mem>>
      %dma_start3A = arith.constant 0 : i32
      %dma_start3A_129 = arith.constant 0 : i32
      %dma_start3A_130 = tpu.memref_slice %arg10[%run_scoped3A_117, %dma_start3A, %dma_start3A_129] : memref<2x96x128xf32, #tpu.memory_space<vmem>> -> memref<1x96x128xf32, #tpu.memory_space<vmem>>
      %dma_start3A_131 = tpu.memref_squeeze %dma_start3A_130 : memref<1x96x128xf32, #tpu.memory_space<vmem>> -> memref<96x128xf32, #tpu.memory_space<vmem>>
      %dma_start3A_132 = arith.constant 0 : i32
      %dma_start3A_133 = tpu.memref_slice %arg6[%arg0, %add3A_116, %dma_start3A_132] : memref<2x10112x128xf32, #tpu.memory_space<hbm>> -> memref<1x96x128xf32, #tpu.memory_space<hbm>>
      %dma_start3A_134 = tpu.memref_squeeze %dma_start3A_133 : memref<1x96x128xf32, #tpu.memory_space<hbm>> -> memref<96x128xf32, #tpu.memory_space<hbm>>
      %dma_start3A_135 = arith.constant 0 : i32
      %dma_start3A_136 = tpu.memref_slice %arg6[%arg0, %add3A_116, %dma_start3A_135] : memref<2x10112x128xf32, #tpu.memory_space<hbm>> -> memref<1x96x128xf32, #tpu.memory_space<hbm>>
      %dma_start3A_137 = tpu.memref_squeeze %dma_start3A_136 : memref<1x96x128xf32, #tpu.memory_space<hbm>> -> memref<96x128xf32, #tpu.memory_space<hbm>>
      %dma_start3A_138 = arith.constant 0 : i32
      %dma_start3A_139 = arith.constant 0 : i32
      %dma_start3A_140 = tpu.memref_slice %arg10[%run_scoped3A_117, %dma_start3A_138, %dma_start3A_139] : memref<2x96x128xf32, #tpu.memory_space<vmem>> -> memref<1x96x128xf32, #tpu.memory_space<vmem>>
      %dma_start3A_141 = tpu.memref_squeeze %dma_start3A_140 : memref<1x96x128xf32, #tpu.memory_space<vmem>> -> memref<96x128xf32, #tpu.memory_space<vmem>>
      tpu.enqueue_dma source(%dma_start3A_141 : memref<96x128xf32, #tpu.memory_space<vmem>>) target(%dma_start3A_137 : memref<96x128xf32, #tpu.memory_space<hbm>>) target_semaphore(%run_scoped3A_128 : memref<!tpu.dma_semaphore, #tpu.memory_space<semaphore_mem>>)
      %dma_wait3A = arith.constant 0 : i32
      %dma_wait3A_142 = arith.constant 0 : i32
      %dma_wait3A_143 = tpu.memref_slice %arg10[%run_scoped3A_117, %dma_wait3A, %dma_wait3A_142] : memref<2x96x128xf32, #tpu.memory_space<vmem>> -> memref<1x96x128xf32, #tpu.memory_space<vmem>>
      %dma_wait3A_144 = tpu.memref_squeeze %dma_wait3A_143 : memref<1x96x128xf32, #tpu.memory_space<vmem>> -> memref<96x128xf32, #tpu.memory_space<vmem>>
      %dma_wait3A_145 = arith.constant 0 : i32
      %dma_wait3A_146 = tpu.memref_slice %arg6[%arg0, %add3A_116, %dma_wait3A_145] : memref<2x10112x128xf32, #tpu.memory_space<hbm>> -> memref<1x96x128xf32, #tpu.memory_space<hbm>>
      %dma_wait3A_147 = tpu.memref_squeeze %dma_wait3A_146 : memref<1x96x128xf32, #tpu.memory_space<hbm>> -> memref<96x128xf32, #tpu.memory_space<hbm>>
      %dma_wait3A_148 = arith.constant 0 : i32
      %dma_wait3A_149 = tpu.memref_slice %arg6[%arg0, %add3A_116, %dma_wait3A_148] : memref<2x10112x128xf32, #tpu.memory_space<hbm>> -> memref<1x96x128xf32, #tpu.memory_space<hbm>>
      %dma_wait3A_150 = tpu.memref_squeeze %dma_wait3A_149 : memref<1x96x128xf32, #tpu.memory_space<hbm>> -> memref<96x128xf32, #tpu.memory_space<hbm>>
      %dma_wait3A_151 = arith.constant 0 : i32
      %dma_wait3A_152 = arith.constant 0 : i32
      %dma_wait3A_153 = tpu.memref_slice %arg10[%run_scoped3A_117, %dma_wait3A_151, %dma_wait3A_152] : memref<2x96x128xf32, #tpu.memory_space<vmem>> -> memref<1x96x128xf32, #tpu.memory_space<vmem>>
      %dma_wait3A_154 = tpu.memref_squeeze %dma_wait3A_153 : memref<1x96x128xf32, #tpu.memory_space<vmem>> -> memref<96x128xf32, #tpu.memory_space<vmem>>
      tpu.wait_dma2 semaphore(%run_scoped3A_128 : memref<!tpu.dma_semaphore, #tpu.memory_space<semaphore_mem>>) src(%dma_wait3A_154 : memref<96x128xf32, #tpu.memory_space<vmem>>) dst(%dma_wait3A_150 : memref<96x128xf32, #tpu.memory_space<hbm>>)
      tpu.yield
    }) : () -> ()
    %mul3A_118 = arith.constant 632 : i32
    %mul3A_119 = arith.muli %arg1, %mul3A_118 : i32
    %add3A_120 = arith.constant 576 : i32
    %add3A_121 = arith.addi %mul3A_119, %add3A_120 : i32
    %run_scoped3A_122 = arith.constant 0 : i32
    "tpu.region"() ({
      %run_scoped3A_128 = tpu.sem_alloc : memref<!tpu.dma_semaphore, #tpu.memory_space<semaphore_mem>>
      %dma_start3A = arith.constant 0 : i32
      %dma_start3A_129 = arith.constant 0 : i32
      %dma_start3A_130 = tpu.memref_slice %arg10[%run_scoped3A_122, %dma_start3A, %dma_start3A_129] : memref<2x96x128xf32, #tpu.memory_space<vmem>> -> memref<1x56x128xf32, #tpu.memory_space<vmem>>
      %dma_start3A_131 = tpu.memref_squeeze %dma_start3A_130 : memref<1x56x128xf32, #tpu.memory_space<vmem>> -> memref<56x128xf32, #tpu.memory_space<vmem>>
      %dma_start3A_132 = arith.constant 0 : i32
      %dma_start3A_133 = tpu.memref_slice %arg7[%add3A_121, %dma_start3A_132] : memref<10112x128xf32, #tpu.memory_space<vmem_shared>> -> memref<56x128xf32, #tpu.memory_space<vmem_shared>>
      %dma_start3A_134 = arith.constant 0 : i32
      %dma_start3A_135 = arith.constant 0 : i32
      %dma_start3A_136 = tpu.memref_slice %arg10[%run_scoped3A_122, %dma_start3A_134, %dma_start3A_135] : memref<2x96x128xf32, #tpu.memory_space<vmem>> -> memref<1x56x128xf32, #tpu.memory_space<vmem>>
      %dma_start3A_137 = tpu.memref_squeeze %dma_start3A_136 : memref<1x56x128xf32, #tpu.memory_space<vmem>> -> memref<56x128xf32, #tpu.memory_space<vmem>>
      %dma_start3A_138 = arith.constant 0 : i32
      %dma_start3A_139 = tpu.memref_slice %arg7[%add3A_121, %dma_start3A_138] : memref<10112x128xf32, #tpu.memory_space<vmem_shared>> -> memref<56x128xf32, #tpu.memory_space<vmem_shared>>
      tpu.enqueue_dma source(%dma_start3A_139 : memref<56x128xf32, #tpu.memory_space<vmem_shared>>) target(%dma_start3A_137 : memref<56x128xf32, #tpu.memory_space<vmem>>) target_semaphore(%run_scoped3A_128 : memref<!tpu.dma_semaphore, #tpu.memory_space<semaphore_mem>>)
      %dma_wait3A = arith.constant 0 : i32
      %dma_wait3A_140 = arith.constant 0 : i32
      %dma_wait3A_141 = tpu.memref_slice %arg10[%run_scoped3A_122, %dma_wait3A, %dma_wait3A_140] : memref<2x96x128xf32, #tpu.memory_space<vmem>> -> memref<1x56x128xf32, #tpu.memory_space<vmem>>
      %dma_wait3A_142 = tpu.memref_squeeze %dma_wait3A_141 : memref<1x56x128xf32, #tpu.memory_space<vmem>> -> memref<56x128xf32, #tpu.memory_space<vmem>>
      %dma_wait3A_143 = arith.constant 0 : i32
      %dma_wait3A_144 = tpu.memref_slice %arg7[%add3A_121, %dma_wait3A_143] : memref<10112x128xf32, #tpu.memory_space<vmem_shared>> -> memref<56x128xf32, #tpu.memory_space<vmem_shared>>
      %dma_wait3A_145 = arith.constant 0 : i32
      %dma_wait3A_146 = arith.constant 0 : i32
      %dma_wait3A_147 = tpu.memref_slice %arg10[%run_scoped3A_122, %dma_wait3A_145, %dma_wait3A_146] : memref<2x96x128xf32, #tpu.memory_space<vmem>> -> memref<1x56x128xf32, #tpu.memory_space<vmem>>
      %dma_wait3A_148 = tpu.memref_squeeze %dma_wait3A_147 : memref<1x56x128xf32, #tpu.memory_space<vmem>> -> memref<56x128xf32, #tpu.memory_space<vmem>>
      %dma_wait3A_149 = arith.constant 0 : i32
      %dma_wait3A_150 = tpu.memref_slice %arg7[%add3A_121, %dma_wait3A_149] : memref<10112x128xf32, #tpu.memory_space<vmem_shared>> -> memref<56x128xf32, #tpu.memory_space<vmem_shared>>
      tpu.wait_dma2 semaphore(%run_scoped3A_128 : memref<!tpu.dma_semaphore, #tpu.memory_space<semaphore_mem>>) src(%dma_wait3A_150 : memref<56x128xf32, #tpu.memory_space<vmem_shared>>) dst(%dma_wait3A_148 : memref<56x128xf32, #tpu.memory_space<vmem>>)
      tpu.yield
    }) : () -> ()
    %mul3A_123 = arith.constant 632 : i32
    %mul3A_124 = arith.muli %arg1, %mul3A_123 : i32
    %add3A_125 = arith.constant 576 : i32
    %add3A_126 = arith.addi %mul3A_124, %add3A_125 : i32
    %run_scoped3A_127 = arith.constant 0 : i32
    "tpu.region"() ({
      %run_scoped3A_128 = tpu.sem_alloc : memref<!tpu.dma_semaphore, #tpu.memory_space<semaphore_mem>>
      %dma_start3A = arith.constant 0 : i32
      %dma_start3A_129 = arith.constant 0 : i32
      %dma_start3A_130 = tpu.memref_slice %arg10[%run_scoped3A_127, %dma_start3A, %dma_start3A_129] : memref<2x96x128xf32, #tpu.memory_space<vmem>> -> memref<1x56x128xf32, #tpu.memory_space<vmem>>
      %dma_start3A_131 = tpu.memref_squeeze %dma_start3A_130 : memref<1x56x128xf32, #tpu.memory_space<vmem>> -> memref<56x128xf32, #tpu.memory_space<vmem>>
      %dma_start3A_132 = arith.constant 0 : i32
      %dma_start3A_133 = tpu.memref_slice %arg6[%arg0, %add3A_126, %dma_start3A_132] : memref<2x10112x128xf32, #tpu.memory_space<hbm>> -> memref<1x56x128xf32, #tpu.memory_space<hbm>>
      %dma_start3A_134 = tpu.memref_squeeze %dma_start3A_133 : memref<1x56x128xf32, #tpu.memory_space<hbm>> -> memref<56x128xf32, #tpu.memory_space<hbm>>
      %dma_start3A_135 = arith.constant 0 : i32
      %dma_start3A_136 = tpu.memref_slice %arg6[%arg0, %add3A_126, %dma_start3A_135] : memref<2x10112x128xf32, #tpu.memory_space<hbm>> -> memref<1x56x128xf32, #tpu.memory_space<hbm>>
      %dma_start3A_137 = tpu.memref_squeeze %dma_start3A_136 : memref<1x56x128xf32, #tpu.memory_space<hbm>> -> memref<56x128xf32, #tpu.memory_space<hbm>>
      %dma_start3A_138 = arith.constant 0 : i32
      %dma_start3A_139 = arith.constant 0 : i32
      %dma_start3A_140 = tpu.memref_slice %arg10[%run_scoped3A_127, %dma_start3A_138, %dma_start3A_139] : memref<2x96x128xf32, #tpu.memory_space<vmem>> -> memref<1x56x128xf32, #tpu.memory_space<vmem>>
      %dma_start3A_141 = tpu.memref_squeeze %dma_start3A_140 : memref<1x56x128xf32, #tpu.memory_space<vmem>> -> memref<56x128xf32, #tpu.memory_space<vmem>>
      tpu.enqueue_dma source(%dma_start3A_141 : memref<56x128xf32, #tpu.memory_space<vmem>>) target(%dma_start3A_137 : memref<56x128xf32, #tpu.memory_space<hbm>>) target_semaphore(%run_scoped3A_128 : memref<!tpu.dma_semaphore, #tpu.memory_space<semaphore_mem>>)
      %dma_wait3A = arith.constant 0 : i32
      %dma_wait3A_142 = arith.constant 0 : i32
      %dma_wait3A_143 = tpu.memref_slice %arg10[%run_scoped3A_127, %dma_wait3A, %dma_wait3A_142] : memref<2x96x128xf32, #tpu.memory_space<vmem>> -> memref<1x56x128xf32, #tpu.memory_space<vmem>>
      %dma_wait3A_144 = tpu.memref_squeeze %dma_wait3A_143 : memref<1x56x128xf32, #tpu.memory_space<vmem>> -> memref<56x128xf32, #tpu.memory_space<vmem>>
      %dma_wait3A_145 = arith.constant 0 : i32
      %dma_wait3A_146 = tpu.memref_slice %arg6[%arg0, %add3A_126, %dma_wait3A_145] : memref<2x10112x128xf32, #tpu.memory_space<hbm>> -> memref<1x56x128xf32, #tpu.memory_space<hbm>>
      %dma_wait3A_147 = tpu.memref_squeeze %dma_wait3A_146 : memref<1x56x128xf32, #tpu.memory_space<hbm>> -> memref<56x128xf32, #tpu.memory_space<hbm>>
      %dma_wait3A_148 = arith.constant 0 : i32
      %dma_wait3A_149 = tpu.memref_slice %arg6[%arg0, %add3A_126, %dma_wait3A_148] : memref<2x10112x128xf32, #tpu.memory_space<hbm>> -> memref<1x56x128xf32, #tpu.memory_space<hbm>>
      %dma_wait3A_150 = tpu.memref_squeeze %dma_wait3A_149 : memref<1x56x128xf32, #tpu.memory_space<hbm>> -> memref<56x128xf32, #tpu.memory_space<hbm>>
      %dma_wait3A_151 = arith.constant 0 : i32
      %dma_wait3A_152 = arith.constant 0 : i32
      %dma_wait3A_153 = tpu.memref_slice %arg10[%run_scoped3A_127, %dma_wait3A_151, %dma_wait3A_152] : memref<2x96x128xf32, #tpu.memory_space<vmem>> -> memref<1x56x128xf32, #tpu.memory_space<vmem>>
      %dma_wait3A_154 = tpu.memref_squeeze %dma_wait3A_153 : memref<1x56x128xf32, #tpu.memory_space<vmem>> -> memref<56x128xf32, #tpu.memory_space<vmem>>
      tpu.wait_dma2 semaphore(%run_scoped3A_128 : memref<!tpu.dma_semaphore, #tpu.memory_space<semaphore_mem>>) src(%dma_wait3A_154 : memref<56x128xf32, #tpu.memory_space<vmem>>) dst(%dma_wait3A_150 : memref<56x128xf32, #tpu.memory_space<hbm>>)
      tpu.yield
    }) : () -> ()
    return
  }
}

module attributes {stable_mosaic.version = 14 : i64} {
  func.func @_tc_mm_body(%arg0: i32, %arg1: memref<1264x128xf32, #tpu.memory_space<vmem>>, %arg2: memref<128x128xf32, #tpu.memory_space<vmem>>, %arg3: memref<1264x128xf32, #tpu.memory_space<vmem>>) attributes {dimension_semantics = [#tpu.dimension_semantics<arbitrary>], iteration_bounds = array<i64: 8>, scalar_prefetch = 0 : i64, scratch_operands = 0 : i64, tpu.core_type = #tpu.core_type<tc>, window_params = [{transform_indices = @transform_0, window_bounds = array<i64: 1264, 128>}, {pipeline_mode = #tpu.pipeline_mode<synchronous>, transform_indices = @transform_1, window_bounds = array<i64: 128, 128>}, {transform_indices = @transform_2, window_bounds = array<i64: 1264, 128>}]} {
    %get3A = arith.constant 0 : index
    %get3A_0 = arith.constant 0 : index
    %get3A_1 = vector.load %arg1[%get3A, %get3A_0] : memref<1264x128xf32, #tpu.memory_space<vmem>>, vector<1264x128xf32>
    %get3A_2 = arith.constant 0 : index
    %get3A_3 = arith.constant 0 : index
    %get3A_4 = vector.load %arg2[%get3A_2, %get3A_3] : memref<128x128xf32, #tpu.memory_space<vmem>>, vector<128x128xf32>
    %dot_general3A = arith.constant dense<0.000000e+00> : vector<1264x128xf32>
    %dot_general3A_5 = tpu.matmul %get3A_1, %get3A_4, %dot_general3A {dimension_numbers = #tpu.dot_dimension_numbers<[1], [0], [0], [1], [0, 0, 1, 1], [], []>, transpose_lhs_hint = false} : vector<1264x128xf32>, vector<128x128xf32>, vector<1264x128xf32> -> vector<1264x128xf32>
    %swap3A = arith.constant 0 : index
    %swap3A_6 = arith.constant 0 : index
    %swap3A_7 = vector.load %arg3[%swap3A, %swap3A_6] : memref<1264x128xf32, #tpu.memory_space<vmem>>, vector<1264x128xf32>
    tpu.vector_store %arg3[%swap3A, %swap3A_6], %dot_general3A_5 {strides = array<i32>} : memref<1264x128xf32, #tpu.memory_space<vmem>>, vector<1264x128xf32>,
    return
  }
  func.func @transform_0(%arg0: i32) -> (i32, i32) {
    %c0_i32 = arith.constant 0 : i32
    %c0_i32_0 = arith.constant 0 : i32
    return %arg0, %c0_i32 : i32, i32
  }
  func.func @transform_1(%arg0: i32) -> (i32, i32) {
    %c0_i32 = arith.constant 0 : i32
    %c0_i32_0 = arith.constant 0 : i32
    %c0_i32_1 = arith.constant 0 : i32
    return %c0_i32, %c0_i32_0 : i32, i32
  }
  func.func @transform_2(%arg0: i32) -> (i32, i32) {
    %c0_i32 = arith.constant 0 : i32
    %c0_i32_0 = arith.constant 0 : i32
    return %arg0, %c0_i32 : i32, i32
  }
}

module attributes {stable_mosaic.version = 14 : i64} {
  func.func @_tc_scale_body(%arg0: i32, %arg1: memref<1264x1xf32, #tpu.memory_space<vmem>>, %arg2: memref<1264x1xf32, #tpu.memory_space<vmem>>, %arg3: memref<1264x128xf32, #tpu.memory_space<vmem>>, %arg4: memref<1264x1xf32, #tpu.memory_space<vmem>>, %arg5: memref<1264x128xf32, #tpu.memory_space<vmem>>) attributes {dimension_semantics = [#tpu.dimension_semantics<arbitrary>], iteration_bounds = array<i64: 8>, scalar_prefetch = 0 : i64, scratch_operands = 0 : i64, tpu.core_type = #tpu.core_type<tc>, window_params = [{transform_indices = @transform_0, window_bounds = array<i64: 1264, 1>}, {transform_indices = @transform_1, window_bounds = array<i64: 1264, 1>}, {transform_indices = @transform_2, window_bounds = array<i64: 1264, 128>}, {transform_indices = @transform_3, window_bounds = array<i64: 1264, 1>}, {transform_indices = @transform_4, window_bounds = array<i64: 1264, 128>}]} {
    %get3A = arith.constant 0 : index
    %get3A_0 = arith.constant 0 : index
    %get3A_1 = vector.load %arg1[%get3A, %get3A_0] : memref<1264x1xf32, #tpu.memory_space<vmem>>, vector<1264x1xf32>
    %get3A_2 = arith.constant 0 : index
    %get3A_3 = arith.constant 0 : index
    %get3A_4 = vector.load %arg2[%get3A_2, %get3A_3] : memref<1264x1xf32, #tpu.memory_space<vmem>>, vector<1264x1xf32>
    %add3A = arith.addf %get3A_1, %get3A_4 : vector<1264x1xf32>
    %add3A_5 = arith.constant 1.000000e+00 : f32
    %add3A_6 = vector.broadcast %add3A_5 : f32 to vector<1264x1xf32>
    %add3A_7 = arith.addf %add3A, %add3A_6 : vector<1264x1xf32>
    %rsqrt3A = math.rsqrt %add3A_7 : vector<1264x1xf32>
    %swap3A = arith.constant 0 : index
    %swap3A_8 = arith.constant 0 : index
    %swap3A_9 = vector.load %arg4[%swap3A, %swap3A_8] : memref<1264x1xf32, #tpu.memory_space<vmem>>, vector<1264x1xf32>
    tpu.vector_store %arg4[%swap3A, %swap3A_8], %rsqrt3A {strides = array<i32>} : memref<1264x1xf32, #tpu.memory_space<vmem>>, vector<1264x1xf32>,
    %get3A_10 = arith.constant 0 : index
    %get3A_11 = arith.constant 0 : index
    %get3A_12 = vector.load %arg3[%get3A_10, %get3A_11] : memref<1264x128xf32, #tpu.memory_space<vmem>>, vector<1264x128xf32>
    %mul3A = vector.broadcast %rsqrt3A : vector<1264x1xf32> to vector<1264x128xf32>
    %mul3A_13 = arith.mulf %mul3A, %get3A_12 : vector<1264x128xf32>
    %swap3A_14 = arith.constant 0 : index
    %swap3A_15 = arith.constant 0 : index
    %swap3A_16 = vector.load %arg5[%swap3A_14, %swap3A_15] : memref<1264x128xf32, #tpu.memory_space<vmem>>, vector<1264x128xf32>
    tpu.vector_store %arg5[%swap3A_14, %swap3A_15], %mul3A_13 {strides = array<i32>} : memref<1264x128xf32, #tpu.memory_space<vmem>>, vector<1264x128xf32>,
    return
  }
  func.func @transform_0(%arg0: i32) -> (i32, i32) {
    %c0_i32 = arith.constant 0 : i32
    %c0_i32_0 = arith.constant 0 : i32
    return %arg0, %c0_i32 : i32, i32
  }
  func.func @transform_1(%arg0: i32) -> (i32, i32) {
    %c0_i32 = arith.constant 0 : i32
    %c0_i32_0 = arith.constant 0 : i32
    return %arg0, %c0_i32 : i32, i32
  }
  func.func @transform_2(%arg0: i32) -> (i32, i32) {
    %c0_i32 = arith.constant 0 : i32
    %c0_i32_0 = arith.constant 0 : i32
    return %arg0, %c0_i32 : i32, i32
  }
  func.func @transform_3(%arg0: i32) -> (i32, i32) {
    %c0_i32 = arith.constant 0 : i32
    %c0_i32_0 = arith.constant 0 : i32
    return %arg0, %c0_i32 : i32, i32
  }
  func.func @transform_4(%arg0: i32) -> (i32, i32) {
    %c0_i32 = arith.constant 0 : i32
    %c0_i32_0 = arith.constant 0 : i32
    return %arg0, %c0_i32 : i32, i32
  }
}

module attributes {stable_mosaic.version = 14 : i64} {
  func.func @_tc_b_body(%arg0: i32, %arg1: memref<1264x128xf32, #tpu.memory_space<vmem>>, %arg2: memref<1264x128xf32, #tpu.memory_space<vmem>>, %arg3: memref<1264x128xf32, #tpu.memory_space<vmem>>, %arg4: memref<1264x1xf32, #tpu.memory_space<vmem>>, %arg5: memref<1x128xf32, #tpu.memory_space<vmem>>, %arg6: memref<128x128xf32, #tpu.memory_space<vmem>>, %arg7: memref<1264x128xf32, #tpu.memory_space<vmem>>) attributes {dimension_semantics = [#tpu.dimension_semantics<arbitrary>], iteration_bounds = array<i64: 8>, scalar_prefetch = 0 : i64, scratch_operands = 0 : i64, tpu.core_type = #tpu.core_type<tc>, window_params = [{transform_indices = @transform_0, window_bounds = array<i64: 1264, 128>}, {transform_indices = @transform_1, window_bounds = array<i64: 1264, 128>}, {transform_indices = @transform_2, window_bounds = array<i64: 1264, 128>}, {transform_indices = @transform_3, window_bounds = array<i64: 1264, 1>}, {pipeline_mode = #tpu.pipeline_mode<synchronous>, transform_indices = @transform_4, window_bounds = array<i64: 1, 128>}, {pipeline_mode = #tpu.pipeline_mode<synchronous>, transform_indices = @transform_5, window_bounds = array<i64: 128, 128>}, {transform_indices = @transform_6, window_bounds = array<i64: 1264, 128>}]} {
    %get3A = arith.constant 0 : index
    %get3A_0 = arith.constant 0 : index
    %get3A_1 = vector.load %arg4[%get3A, %get3A_0] : memref<1264x1xf32, #tpu.memory_space<vmem>>, vector<1264x1xf32>
    %get3A_2 = arith.constant 0 : index
    %get3A_3 = arith.constant 0 : index
    %get3A_4 = vector.load %arg1[%get3A_2, %get3A_3] : memref<1264x128xf32, #tpu.memory_space<vmem>>, vector<1264x128xf32>
    %get3A_5 = arith.constant 0 : index
    %get3A_6 = arith.constant 0 : index
    %get3A_7 = vector.load %arg2[%get3A_5, %get3A_6] : memref<1264x128xf32, #tpu.memory_space<vmem>>, vector<1264x128xf32>
    %add3A = arith.addf %get3A_4, %get3A_7 : vector<1264x128xf32>
    %get3A_8 = arith.constant 0 : index
    %get3A_9 = arith.constant 0 : index
    %get3A_10 = vector.load %arg3[%get3A_8, %get3A_9] : memref<1264x128xf32, #tpu.memory_space<vmem>>, vector<1264x128xf32>
    %add3A_11 = arith.addf %add3A, %get3A_10 : vector<1264x128xf32>
    %mul3A = vector.broadcast %get3A_1 : vector<1264x1xf32> to vector<1264x128xf32>
    %mul3A_12 = arith.mulf %mul3A, %add3A_11 : vector<1264x128xf32>
    %get3A_13 = arith.constant 0 : index
    %get3A_14 = arith.constant 0 : index
    %get3A_15 = vector.load %arg5[%get3A_13, %get3A_14] : memref<1x128xf32, #tpu.memory_space<vmem>>, vector<1x128xf32>
    %add3A_16 = vector.broadcast %get3A_15 : vector<1x128xf32> to vector<1264x128xf32>
    %add3A_17 = arith.addf %mul3A_12, %add3A_16 : vector<1264x128xf32>
    %max3A = arith.constant 0.000000e+00 : f32
    %max3A_18 = vector.broadcast %max3A : f32 to vector<1264x128xf32>
    %max3A_19 = arith.maximumf %add3A_17, %max3A_18 : vector<1264x128xf32>
    %get3A_20 = arith.constant 0 : index
    %get3A_21 = arith.constant 0 : index
    %get3A_22 = vector.load %arg6[%get3A_20, %get3A_21] : memref<128x128xf32, #tpu.memory_space<vmem>>, vector<128x128xf32>
    %dot_general3A = arith.constant dense<0.000000e+00> : vector<1264x128xf32>
    %dot_general3A_23 = tpu.matmul %max3A_19, %get3A_22, %dot_general3A {dimension_numbers = #tpu.dot_dimension_numbers<[1], [0], [0], [1], [0, 0, 1, 1], [], []>, transpose_lhs_hint = false} : vector<1264x128xf32>, vector<128x128xf32>, vector<1264x128xf32> -> vector<1264x128xf32>
    %mul3A_24 = vector.broadcast %get3A_1 : vector<1264x1xf32> to vector<1264x128xf32>
    %mul3A_25 = arith.mulf %mul3A_24, %dot_general3A_23 : vector<1264x128xf32>
    %swap3A = arith.constant 0 : index
    %swap3A_26 = arith.constant 0 : index
    %swap3A_27 = vector.load %arg7[%swap3A, %swap3A_26] : memref<1264x128xf32, #tpu.memory_space<vmem>>, vector<1264x128xf32>
    tpu.vector_store %arg7[%swap3A, %swap3A_26], %mul3A_25 {strides = array<i32>} : memref<1264x128xf32, #tpu.memory_space<vmem>>, vector<1264x128xf32>,
    return
  }
  func.func @transform_0(%arg0: i32) -> (i32, i32) {
    %c0_i32 = arith.constant 0 : i32
    %c0_i32_0 = arith.constant 0 : i32
    return %arg0, %c0_i32 : i32, i32
  }
  func.func @transform_1(%arg0: i32) -> (i32, i32) {
    %c0_i32 = arith.constant 0 : i32
    %c0_i32_0 = arith.constant 0 : i32
    return %arg0, %c0_i32 : i32, i32
  }
  func.func @transform_2(%arg0: i32) -> (i32, i32) {
    %c0_i32 = arith.constant 0 : i32
    %c0_i32_0 = arith.constant 0 : i32
    return %arg0, %c0_i32 : i32, i32
  }
  func.func @transform_3(%arg0: i32) -> (i32, i32) {
    %c0_i32 = arith.constant 0 : i32
    %c0_i32_0 = arith.constant 0 : i32
    return %arg0, %c0_i32 : i32, i32
  }
  func.func @transform_4(%arg0: i32) -> (i32, i32) {
    %c0_i32 = arith.constant 0 : i32
    %c0_i32_0 = arith.constant 0 : i32
    %c0_i32_1 = arith.constant 0 : i32
    return %c0_i32, %c0_i32_0 : i32, i32
  }
  func.func @transform_5(%arg0: i32) -> (i32, i32) {
    %c0_i32 = arith.constant 0 : i32
    %c0_i32_0 = arith.constant 0 : i32
    %c0_i32_1 = arith.constant 0 : i32
    return %c0_i32, %c0_i32_0 : i32, i32
  }
  func.func @transform_6(%arg0: i32) -> (i32, i32) {
    %c0_i32 = arith.constant 0 : i32
    %c0_i32_0 = arith.constant 0 : i32
    return %arg0, %c0_i32 : i32, i32
  }
}

module attributes {stable_mosaic.version = 14 : i64} {
  func.func @_tc_c_body(%arg0: memref<10112x128xf32, #tpu.memory_space<vmem>>, %arg1: memref<10112x128xf32, #tpu.memory_space<vmem>>, %arg2: memref<10112x128xf32, #tpu.memory_space<vmem>>, %arg3: memref<10112x1xf32, #tpu.memory_space<vmem>>, %arg4: memref<1x128xf32, #tpu.memory_space<vmem>>, %arg5: memref<1x10112xi32, #tpu.memory_space<vmem>>, %arg6: memref<128x64xf32, #tpu.memory_space<vmem>>, %arg7: memref<1x64xf32, #tpu.memory_space<vmem>>, %arg8: memref<64x32xf32, #tpu.memory_space<vmem>>, %arg9: memref<1x32xf32, #tpu.memory_space<vmem>>, %arg10: memref<32x40xf32, #tpu.memory_space<vmem>>, %arg11: memref<1x40xf32, #tpu.memory_space<vmem>>, %arg12: memref<128x40xf32, #tpu.memory_space<vmem>>) attributes {dimension_semantics = [], scalar_prefetch = 0 : i64, scratch_operands = 0 : i64, tpu.core_type = #tpu.core_type<tc>} {
    %get3A = arith.constant 0 : index
    %get3A_0 = arith.constant 0 : index
    %get3A_1 = vector.load %arg3[%get3A, %get3A_0] : memref<10112x1xf32, #tpu.memory_space<vmem>>, vector<10112x1xf32>
    %get3A_2 = arith.constant 0 : index
    %get3A_3 = arith.constant 0 : index
    %get3A_4 = vector.load %arg0[%get3A_2, %get3A_3] : memref<10112x128xf32, #tpu.memory_space<vmem>>, vector<10112x128xf32>
    %get3A_5 = arith.constant 0 : index
    %get3A_6 = arith.constant 0 : index
    %get3A_7 = vector.load %arg1[%get3A_5, %get3A_6] : memref<10112x128xf32, #tpu.memory_space<vmem>>, vector<10112x128xf32>
    %add3A = arith.addf %get3A_4, %get3A_7 : vector<10112x128xf32>
    %get3A_8 = arith.constant 0 : index
    %get3A_9 = arith.constant 0 : index
    %get3A_10 = vector.load %arg2[%get3A_8, %get3A_9] : memref<10112x128xf32, #tpu.memory_space<vmem>>, vector<10112x128xf32>
    %add3A_11 = arith.addf %add3A, %get3A_10 : vector<10112x128xf32>
    %mul3A = vector.broadcast %get3A_1 : vector<10112x1xf32> to vector<10112x128xf32>
    %mul3A_12 = arith.mulf %mul3A, %add3A_11 : vector<10112x128xf32>
    %get3A_13 = arith.constant 0 : index
    %get3A_14 = arith.constant 0 : index
    %get3A_15 = vector.load %arg4[%get3A_13, %get3A_14] : memref<1x128xf32, #tpu.memory_space<vmem>>, vector<1x128xf32>
    %add3A_16 = vector.broadcast %get3A_15 : vector<1x128xf32> to vector<10112x128xf32>
    %add3A_17 = arith.addf %mul3A_12, %add3A_16 : vector<10112x128xf32>
    %iota3A = tpu.iota {dimensions = array<i32: 0>} : vector<128x10112xi32>
    %get3A_18 = arith.constant 0 : index
    %get3A_19 = arith.constant 0 : index
    %get3A_20 = vector.load %arg5[%get3A_18, %get3A_19] : memref<1x10112xi32, #tpu.memory_space<vmem>>, vector<1x10112xi32>
    %eq3A = vector.broadcast %get3A_20 : vector<1x10112xi32> to vector<128x10112xi32>
    %eq3A_21 = arith.cmpi eq, %eq3A, %iota3A : vector<128x10112xi32>
    %convert_element_type3A = arith.extui %eq3A_21 : vector<128x10112xi1> to vector<128x10112xi32>
    %convert_element_type3A_22 = arith.sitofp %convert_element_type3A : vector<128x10112xi32> to vector<128x10112xf32>
    %dot_general3A = arith.constant dense<0.000000e+00> : vector<128x128xf32>
    %dot_general3A_23 = tpu.matmul %convert_element_type3A_22, %add3A_17, %dot_general3A {dimension_numbers = #tpu.dot_dimension_numbers<[1], [0], [0], [1], [0, 0, 1, 1], [], []>, transpose_lhs_hint = false} : vector<128x10112xf32>, vector<10112x128xf32>, vector<128x128xf32> -> vector<128x128xf32>
    %reduce_sum3A = arith.constant dense<0.000000e+00> : vector<128xf32>
    %reduce_sum3A_24 = vector.multi_reduction <add>, %convert_element_type3A_22, %reduce_sum3A [1] : vector<128x10112xf32> to vector<128xf32>
    %broadcast_in_dim3A = vector.shape_cast %reduce_sum3A_24 : vector<128xf32> to vector<128x1xf32>
    %max3A = arith.constant 1.000000e+00 : f32
    %max3A_25 = vector.broadcast %max3A : f32 to vector<128x1xf32>
    %max3A_26 = arith.maximumf %broadcast_in_dim3A, %max3A_25 : vector<128x1xf32>
    %div3A = vector.broadcast %max3A_26 : vector<128x1xf32> to vector<128x128xf32>
    %div3A_27 = arith.divf %dot_general3A_23, %div3A : vector<128x128xf32>
    %get3A_28 = arith.constant 0 : index
    %get3A_29 = arith.constant 0 : index
    %get3A_30 = vector.load %arg6[%get3A_28, %get3A_29] : memref<128x64xf32, #tpu.memory_space<vmem>>, vector<128x64xf32>
    %dot_general3A_31 = arith.constant dense<0.000000e+00> : vector<128x64xf32>
    %dot_general3A_32 = tpu.matmul %div3A_27, %get3A_30, %dot_general3A_31 {dimension_numbers = #tpu.dot_dimension_numbers<[1], [0], [0], [1], [0, 0, 1, 1], [], []>, transpose_lhs_hint = false} : vector<128x128xf32>, vector<128x64xf32>, vector<128x64xf32> -> vector<128x64xf32>
    %get3A_33 = arith.constant 0 : index
    %get3A_34 = arith.constant 0 : index
    %get3A_35 = vector.load %arg7[%get3A_33, %get3A_34] : memref<1x64xf32, #tpu.memory_space<vmem>>, vector<1x64xf32>
    %add3A_36 = vector.broadcast %get3A_35 : vector<1x64xf32> to vector<128x64xf32>
    %add3A_37 = arith.addf %dot_general3A_32, %add3A_36 : vector<128x64xf32>
    %max3A_38 = arith.constant 0.000000e+00 : f32
    %max3A_39 = vector.broadcast %max3A_38 : f32 to vector<128x64xf32>
    %max3A_40 = arith.maximumf %add3A_37, %max3A_39 : vector<128x64xf32>
    %get3A_41 = arith.constant 0 : index
    %get3A_42 = arith.constant 0 : index
    %get3A_43 = vector.load %arg8[%get3A_41, %get3A_42] : memref<64x32xf32, #tpu.memory_space<vmem>>, vector<64x32xf32>
    %dot_general3A_44 = arith.constant dense<0.000000e+00> : vector<128x32xf32>
    %dot_general3A_45 = tpu.matmul %max3A_40, %get3A_43, %dot_general3A_44 {dimension_numbers = #tpu.dot_dimension_numbers<[1], [0], [0], [1], [0, 0, 1, 1], [], []>, transpose_lhs_hint = false} : vector<128x64xf32>, vector<64x32xf32>, vector<128x32xf32> -> vector<128x32xf32>
    %get3A_46 = arith.constant 0 : index
    %get3A_47 = arith.constant 0 : index
    %get3A_48 = vector.load %arg9[%get3A_46, %get3A_47] : memref<1x32xf32, #tpu.memory_space<vmem>>, vector<1x32xf32>
    %add3A_49 = vector.broadcast %get3A_48 : vector<1x32xf32> to vector<128x32xf32>
    %add3A_50 = arith.addf %dot_general3A_45, %add3A_49 : vector<128x32xf32>
    %max3A_51 = arith.constant 0.000000e+00 : f32
    %max3A_52 = vector.broadcast %max3A_51 : f32 to vector<128x32xf32>
    %max3A_53 = arith.maximumf %add3A_50, %max3A_52 : vector<128x32xf32>
    %get3A_54 = arith.constant 0 : index
    %get3A_55 = arith.constant 0 : index
    %get3A_56 = vector.load %arg10[%get3A_54, %get3A_55] : memref<32x40xf32, #tpu.memory_space<vmem>>, vector<32x40xf32>
    %dot_general3A_57 = arith.constant dense<0.000000e+00> : vector<128x40xf32>
    %dot_general3A_58 = tpu.matmul %max3A_53, %get3A_56, %dot_general3A_57 {dimension_numbers = #tpu.dot_dimension_numbers<[1], [0], [0], [1], [0, 0, 1, 1], [], []>, transpose_lhs_hint = false} : vector<128x32xf32>, vector<32x40xf32>, vector<128x40xf32> -> vector<128x40xf32>
    %get3A_59 = arith.constant 0 : index
    %get3A_60 = arith.constant 0 : index
    %get3A_61 = vector.load %arg11[%get3A_59, %get3A_60] : memref<1x40xf32, #tpu.memory_space<vmem>>, vector<1x40xf32>
    %add3A_62 = vector.broadcast %get3A_61 : vector<1x40xf32> to vector<128x40xf32>
    %add3A_63 = arith.addf %dot_general3A_58, %add3A_62 : vector<128x40xf32>
    %swap3A = arith.constant 0 : index
    %swap3A_64 = arith.constant 0 : index
    %swap3A_65 = vector.load %arg12[%swap3A, %swap3A_64] : memref<128x40xf32, #tpu.memory_space<vmem>>, vector<128x40xf32>
    tpu.vector_store %arg12[%swap3A, %swap3A_64], %add3A_63 {strides = array<i32>} : memref<128x40xf32, #tpu.memory_space<vmem>>, vector<128x40xf32>,
    return
  }
}

</mosaic_0001>

<sc_bundles>
// kernel: kernel.12.cloned.1.call-start
scs
__scs_entry_jumppad:
0x0: {  	(pc) =	sbr.rel $0x88, $3  }
0x1: {  	(tag) =	ssettag $0x0;
	lr =	simm.s32 $0x1  }
0x2: {  	[smem:$0x3F94] =	sst lr;
	_ =	strace $0xD0000000  }
0x3: {  	_ = 	snop  }
0x4: {  	_ = 	snop  }
0x5: {  	_ = 	snop  }
0x6: {  	_ = 	snop  }
0x7: {  	_ = 	snop  }
__scs_overlays_trampoline_lowered:
0x8: {  	[smem:$0x3FA3] =	sst s0  }
0x9: {  	[smem:$0x3FA4] =	sst s1  }
0xa: {  	[smem:$0x3FA5] =	sst s2  }
0xb: {  	[smem:$0x3FA6] =	sst s3  }
0xc: {  	[smem:$0x3FA7] =	sst s4  }
0xd: {  	[smem:$0x3FA8] =	sst s5  }
0xe: {  	[smem:$0x3FA9] =	sst s6  }
0xf: {  	[smem:$0x3FAA] =	sst s7  }
0x10: {  	[smem:$0x3FAB] =	sst s8  }
0x11: {  	[smem:$0x3FAC] =	sst s9;
	s0 =	simm.s32 @!p0 $0x0  }
0x12: {  	s1 =	sld [smem:$0x3F92];
	s0 =	simm.s32 @p0 $0x1  }
0x13: {  	[smem:$0x3FAD] =	sst s0;
	s0 =	simm.s32 @!p1 $0x0  }
0x14: {  	s2 =	sld [smem:$0x3F91];
	s0 =	simm.s32 @p1 $0x1  }
0x15: {  	[smem:$0x3FAE] =	sst s0;
	s0 =	simm.s32 @!p2 $0x0  }
0x16: {  	s3 =	sld [smem:$0x3FDB];
	s0 =	simm.s32 @p2 $0x1  }
0x17: {  	s4 =	simm.s32 $0x1BF5;
	[smem:$0x3FB0] =	sst s0  }
0x18: {  	s0 =	sld [smem:$0x3F93];
	_ =	swait.ge [sflag:s4], $0x0  }
0x19: {  	s7 =	sld [smem:$0x3F94]  }
0x1a: {  	s8 =	sadd.s32 $0xFFFFE003, lr  }
0x1b: {  	s9 =	sadd.s32 $0xFFFFFEF7, lr;
	s5 =	simm.s32 $0xFFFFFFFF;
	p2 =	slt.u32 s8, $0xFFFFF086  }
0x1c: {  	p1 =	slt.u32 s9, $0xF7A;
	s5 =	simm.s32 @!p2 $0x0  }
0x1d: {  	s5 =	simm.s32 @p1 $0x1;
	p0 =	seq.s32 s7, s2  }
0x1e: {  	s7 =	smul.u32 @!p0 $0xF7A, s2;
	p2 =	seq.s32 @!p0 s5, $0x0  }
0x1f: {  	s9 =	smul.u32 $0xF7A, s1;
	s8 =	simm.s32 @!p0 $0x1BF5;
	p2 =	por !p2, p0  }
0x20: {  	[sflag:s8] =	ssyncset.s32 @!p0 $0xFFFFF086;
	s6 =	sadd.s32 @!p0 s3, s7;
	s7 =	simm.s32 @!p0 $0x108  }
0x21: {  	s3 =	sadd.s32 s3, s9;
	s6 =	sadd.s32 @!p0 $0x88, s6;
	s7 =	simm.s32 @p2 $0x1082  }
0x22: {  	[simem:s7], [sflag:s8] =	dma.local @!p0 [hbm:s6], $0xF7A  }
0x23: {  	s9 =	sor.u32 $0xD0000000, s2;
	s6 =	simm.s32 $0x108;
	_ =	swait.ge @!p0 [sflag:s8], $0x0  }
0x24: {  	s3 =	sadd.s32 $0x88, s3;
	s6 =	simm.s32 @!p1 $0x1082;
	[sflag:s4] =	ssyncset.s32 $0xFFFFF086  }
0x25: {  	[simem:s6], [sflag:s4] =	dma.local [hbm:s3], $0xF7A  }
0x26: {  	[smem:$0x3F94] =	sst s1;
	(tag) =	ssettag s2;
	_ =	strace s9  }
0x27: {  	s1 =	sld [smem:$0x3FA4]  }
0x28: {  	s2 =	sld [smem:$0x3FA5]  }
0x29: {  	s4 =	sld [smem:$0x3FA7]  }
0x2a: {  	p0 =	seq.s32 s5, $0x0;
	s5 =	sld [smem:$0x3FA8]  }
0x2b: {  	s6 =	sld [smem:$0x3FA9]  }
0x2c: {  	s7 =	sld [smem:$0x3FAA]  }
0x2d: {  	s3 =	simm.s32 $0x108;
	s8 =	sld [smem:$0x3FAB]  }
0x2e: {  	s3 =	simm.s32 @!p0 $0x1082;
	s9 =	sld [smem:$0x3FAC]  }
0x2f: {  	lr =	sadd.s32 s0, s3;
	s0 =	sld [smem:$0x3FA3]  }
0x30: {  	s3 =	sld [smem:$0x3FA6]  }
0x31: {  	[smem:$0x3FAF] =	sst s10  }
0x32: {  	s10 =	sld [smem:$0x3FAD];
	_ =	sdelay $0x3  }
0x33: {  	p0 =	seq.s32 s10, $0x1;
	s10 =	sld [smem:$0x3FAF];
	_ =	sdelay $0x3  }
0x34: {  	[smem:$0x3FAF] =	sst s10  }
0x35: {  	s10 =	sld [smem:$0x3FAE];
	_ =	sdelay $0x3  }
0x36: {  	p1 =	seq.s32 s10, $0x1;
	s10 =	sld [smem:$0x3FAF];
	_ =	sdelay $0x3  }
0x37: {  	[smem:$0x3FAF] =	sst s10  }
0x38: {  	s10 =	sld [smem:$0x3FB0]  }
0x39: {  	_ = 	snop;
	(pc) =	sbr.ind lr, $3  }
0x3a: {  	_ = 	snop  }
0x3b: {  	_ = 	snop  }
0x3c: {  	p2 =	seq.s32 s10, $0x1;
	s10 =	sld [smem:$0x3FAF]  }
0x3d: {  	_ =	shalt  }
0x3e: {  	_ =	shalt  }
0x3f: {  	_ =	shalt  }
0x40: {  	_ =	shalt  }
0x41: {  	_ =	shalt  }
0x42: {  	_ =	shalt  }
0x43: {  	_ =	shalt  }
0x44: {  	_ =	shalt  }
0x45: {  	_ =	shalt  }
0x46: {  	_ =	shalt  }
0x47: {  	_ =	shalt  }
0x48: {  	_ =	shalt  }
0x49: {  	_ =	shalt  }
0x4a: {  	_ =	shalt  }
0x4b: {  	_ =	shalt  }
0x4c: {  	_ =	shalt  }
0x4d: {  	_ =	shalt  }
0x4e: {  	_ =	shalt  }
0x4f: {  	_ =	shalt  }
0x50: {  	_ =	shalt  }
0x51: {  	_ =	shalt  }
0x52: {  	_ =	shalt  }
0x53: {  	_ =	shalt  }
0x54: {  	_ =	shalt  }
0x55: {  	_ =	shalt  }
0x56: {  	_ =	shalt  }
0x57: {  	_ =	shalt  }
0x58: {  	_ =	shalt  }
0x59: {  	_ =	shalt  }
0x5a: {  	_ =	shalt  }
0x5b: {  	_ =	shalt  }
0x5c: {  	_ =	shalt  }
0x5d: {  	_ =	shalt  }
0x5e: {  	_ =	shalt  }
0x5f: {  	_ =	shalt  }
0x60: {  	_ =	shalt  }
0x61: {  	_ =	shalt  }
0x62: {  	_ =	shalt  }
0x63: {  	_ =	shalt  }
0x64: {  	_ =	shalt  }
0x65: {  	_ =	shalt  }
0x66: {  	_ =	shalt  }
0x67: {  	_ =	shalt  }
0x68: {  	_ =	shalt  }
0x69: {  	_ =	shalt  }
0x6a: {  	_ =	shalt  }
0x6b: {  	_ =	shalt  }
0x6c: {  	_ =	shalt  }
0x6d: {  	_ =	shalt  }
0x6e: {  	_ =	shalt  }
0x6f: {  	_ =	shalt  }
0x70: {  	_ =	shalt  }
0x71: {  	_ =	shalt  }
0x72: {  	_ =	shalt  }
0x73: {  	_ =	shalt  }
0x74: {  	_ =	shalt  }
0x75: {  	_ =	shalt  }
0x76: {  	_ =	shalt  }
0x77: {  	_ =	shalt  }
0x78: {  	_ =	shalt  }
0x79: {  	_ =	shalt  }
0x7a: {  	_ =	shalt  }
0x7b: {  	_ =	shalt  }
0x7c: {  	_ =	shalt  }
0x7d: {  	_ =	shalt  }
0x7e: {  	_ =	shalt  }
0x7f: {  	_ =	shalt  }
0x80: {  	_ =	shalt  }
0x81: {  	_ =	shalt  }
0x82: {  	_ =	shalt  }
0x83: {  	_ =	shalt  }
0x84: {  	_ =	shalt  }
0x85: {  	_ =	shalt  }
0x86: {  	_ =	shalt  }
0x87: {  	_ =	shalt  }
.Lfunc_end0:
.L_simem_size_0:
called_computation.1_lowered:
.L_overlay_start_0:
0x88: {  	s2 =	sld [smem:$0x3FD9]  }
0x89: {  	s3 =	sld [smem:$0x3FFE];
	_ =	sdelay $0x1  }
0x8a: {  	s1 =	srdreg.scid  }
0x8b: {  	s0 =	sand.u32 $0x1, s1  }
0x8c: {  	s16 =	sshll.u32 s0, $0xA;
	s2 =	sadd.s32 s3, s2  }
0x8d: {  	s2 =	sadd.s32 s2, s16  }
0x8e: {  	[smem:$0x3FBB] =	sst s2  }
0x8f: {  	_ = 	snop  }
0x90: {  	(tm) =	ssettm $0x1  }
0x91: {  	s17 =	sld [smem:$0x3FFB];
	_ =	sdelay $0x3  }
0x92: {  	_ =	strace s17  }
0x93: {  	s2 =	sld [smem:$0x3FFC];
	_ =	sdelay $0x3  }
0x94: {  	_ =	strace s2  }
0x95: {  	s2 =	sld [smem:$0x3FFD];
	_ =	sdelay $0x3  }
0x96: {  	_ =	strace s2  }
0x97: {  	_ =	strace $0x8FFFFFFF  }
0x98: {  	s18 =	sld [smem:$0x3FDB];
	_ =	sdelay $0x1  }
0x99: {  	s19 =	simm.s32 $_scs_section_size  }
0x9a: {  	s4 =	simm.s32 $_size__tile_overlayer_lowered;
	s5 =	simm.s32 $_tile_overlayer_lowered  }
0x9b: {  	s22 =	simm.s32 $0x1BFF;
	s21 =	sshll.u32 s5, $0x1;
	s2 =	sadd.s32 s19, s18  }
0x9c: {  	s6 =	simm.s32 $0x0;
	s20 =	sshll.u32 s4, $0x1;
	s4 =	sadd.s32 s21, s2  }
0x9d: {  	[timem:s6], [sflag:s22] =	dma.local [hbm:s4], s20  }
0x9e: {  	_ =	swait.ge [sflag:s22], s20  }
0x9f: {  	s3 =	ssub.s32 $0x0, s20;
	[sflag:s22] =	ssyncset.done $0x0  }
0xa0: {  	[sflag:s22] =	ssyncadd.s32 s3;
	_ =	sdelay $0x1  }
0xa1: {  	s23 =	simm.s32 $0x1B8B  }
0xa2: {  	_ =	swait.ge [sflag:s23], $0x1  }
0xa3: {  	[sflag:s23] =	ssyncset.done $0x0  }
0xa4: {  	s25 =	simm.s32 $0x1B8E;
	s24 =	sld [smem:$0x3FFE];
	[sflag:s23] =	ssyncadd.s32 $0xFFFFFFFF  }
0xa5: {  	s26 =	simm.s32 $execute0_lowered;
	[smem:$0x3FD2] =	sst s25  }
0xa6: {  	s4 =	sshll.u32 s26, $0x1;
	_ =	strace $0x80000049;
	[dreg:$0x1] =	wrdreg $0xFFFFFFFF  }
0xa7: {  	s28 =	simm.s32 $_size_execute0_lowered;
	s2 =	sadd.s32 s2, s4;
	[dreg:$0x0] =	wrdreg $0x0  }
0xa8: {  	s4 =	sshll.u32 s28, $0x1;
	[dreg:$0x2] =	wrdreg s2  }
0xa9: {  	[dreg:$0x3] =	wrdreg s4  }
0xaa: {  	[dreg:$0x4] =	wrdreg $0xC0  }
0xab: {  	_ =	task [dreg:s6], $0x5FFFF  }
0xac: {  	[dreg:$0x1] =	wrdreg $0xFFFFFFFF  }
0xad: {  	[dreg:$0x0] =	wrdreg $0x60  }
0xae: {  	[dreg:$0x2] =	wrdreg s24  }
0xaf: {  	[dreg:$0x3] =	wrdreg $0x0  }
0xb0: {  	[dreg:$0x4] =	wrdreg $0x9  }
0xb1: {  	_ =	task.clear_ibuf [dreg:s6], $0x5FFFF;
	_ =	strace $0x90000049  }
0xb2: {  	s29 =	simm.s32 $0x9;
	_ =	strace $0x8000004B  }
0xb3: {  	_ =	swait.ge [sflag:s29], $0x1  }
0xb4: {  	[sflag:s29] =	ssyncadd.s32 $0xFFFFFFFF  }
0xb5: {  	_ =	strace $0x9000004B  }
0xb6: {  	_ =	sfence  }
0xb7: {  	s30 =	sld [smem:$0x0];
	_ =	sdelay $0x2  }
0xb8: {  	s31 =	sshll.u32 s1, $0xD;
	s1 =	sshrl.u32 s1, $0x2  }
0xb9: {  	s3 =	sand.u32 $0x4000, s31;
	s1 =	sadd.s32 s1, s30  }
0xba: {  	s0 =	sor.u32 s3, s0;
	s1 =	sshll.u32 s1, $0x11  }
0xbb: {  	s0 =	sor.u32 s1, s0  }
0xbc: {  	s0 =	sadd.s32 $0x8F2B, s0  }
0xbd: {  	[sflag:s0] =	ssyncadd.remote.s32 $0x1  }
0xbe: {  	_ =	sfence.sel $0xFFFF  }
0xbf: {  	[dreg:$0x0] =	wrdreg $0xFFFFFFFF;
	(pc) =	sbr.abs _section_cstart, $3  }
0xc0: {  	[dreg:$0x1] =	wrdreg $0xFFFFFFFF  }
0xc1: {  	_ =	task.clear_ibuf [dreg:s6], $0x2FFFF;
	_ =	strace $0x9FFFFFFF  }
0xc2: {  	(tm) =	ssettm $0x7FFFFFFF  }
0xc3: {  	_ =	shalt  }
tec
execute0_lowered:
.L_overlay_start_1:
0x0: {  	(tag) =	ssettag $0x1  }
0x1: {  	s9 =	stileid.u32;
	s5 =	rddreg [dreg:$0x0]  }
0x2: {  	s0 =	srdreg.scid;
	s2 =	rddreg [dreg:$0x1];
	s3 =	simm.s32 $0x0  }
0x3: {  	s28 =	simm.s32 $0x18680;
	s29 =	simm.s32 $0x60;
	s1 =	smul.u32 $0xF, s9  }
0x4: {  	s31 =	simm.s32 $0x4;
	s0 =	sand.u32 $0x1, s0;
	s4 =	smul.u32 $0xC3, s9  }
0x5: {  	[smem:$0x7FF] =	sst s3;
	s7 =	smul.u32 $0x4F000, s9;
	s8 =	sadd.s32 $0x35C00, s5  }
0x6: {  	s14 =	smul.u32 $0x13C00, s9;
	p0 =	seq.s32 s0, $0x0;
	_ =	strace $0x8000004A  }
0x7: {  	s6 =	ssub.s32 $0x2, s0;
	[dreg:$0x3] =	wrdreg s8;
	s0 =	smul.u32 $0x13C000, s0  }
0x8: {  	s1 =	sadd.s32 $0xC30, s1;
	s20 =	sshrl.u32 s6, $0x1;
	s7 =	sshrl.u32 s7, $0x2  }
0x9: {  	s16 =	sadd.s32 $0x3000, s14;
	s22 =	sadd.s32 $0x6000, s14;
	s17 =	sadd.s32 $0x9000, s14  }
0xa: {  	s19 =	sadd.s32 $0xC000, s14;
	s1 =	smov.u32 @p0 s4;
	s4 =	sadd.s32 $0xE400, s5  }
0xb: {  	s15 =	ssub.s32 s6, s20;
	s6 =	simm.s32 $0xC3;
	s8 =	sadd.s32 s7, s2  }
0xc: {  	s9 =	sadd.s32 s16, s2;
	s10 =	sadd.s32 s22, s2;
	s11 =	sadd.s32 s17, s2  }
0xd: {  	s12 =	sadd.s32 s19, s2;
	s20 =	sadd.s32 $0xF000, s14;
	s18 =	sadd.s32 s14, s0  }
0xe: {  	s16 =	sadd.s32 s0, s16;
	s7 =	sadd.s32 s0, s22;
	s17 =	sadd.s32 s0, s17  }
0xf: {  	s25 =	sadd.s32 s0, s19;
	s1 =	smul.u32 $0xC, s1;
	s6 =	simm.s32 @!p0 $0xF  }
0x10: {  	s13 =	sadd.s32 s20, s2;
	s18 =	sshrl.u32 s18, $0x3;
	s16 =	sshrl.u32 s16, $0x3  }
0x11: {  	s7 =	sshrl.u32 s7, $0x3;
	s23 =	sshrl.u32 s17, $0x3;
	s1 =	sadd.s32 s1, s5  }
0x12: {  	s26 =	sadd.s32 s0, s20;
	s5 =	sadd.s32 $0x68400, s5;
	s21 =	sadd.s32 $0x36600, s1  }
0x13: {  	s22 =	smax.u32 s15, $0x1;
	s18 =	sadd.s32 s5, s18;
	[dreg:$0x4] =	wrdreg s21  }
0x14: {  	s30 =	sshrl.u32 s26, $0x3;
	s16 =	sadd.s32 s5, s16;
	[dreg:$0x5] =	wrdreg s18  }
0x15: {  	s26 =	simm.s32 $0x3;
	s7 =	sadd.s32 s5, s7;
	[dreg:$0x6] =	wrdreg s16  }
0x16: {  	s24 =	sadd.s32 s5, s23;
	s20 =	sadd.s32 s5, s30;
	[dreg:$0x7] =	wrdreg s7  }
0x17: {  	s23 =	sadd.s32 $0x4600, s1;
	s21 =	sadd.s32 $0x12000, s14;
	[dreg:$0x8] =	wrdreg s24  }
0x18: {  	s7 =	sshrl.u32 s25, $0x3;
	s25 =	simm.s32 $0x13C00;
	s0 =	sadd.s32 s0, s21  }
0x19: {  	s14 =	sadd.s32 s21, s2;
	s19 =	sadd.s32 s5, s7;
	s0 =	sshrl.u32 s0, $0x3  }
0x1a: {  	s21 =	sadd.s32 s5, s0;
	s5 =	sadd.s32 $0x460C, s1;
	s1 =	simm.s32 $0x0  }
.LBB2_1:
0x1b: {  	s0 =	rddreg [dreg:$0x4]  }
0x1c: {  	[tilespmem:s25], [sflag:$0x3] =	stream.linear.gather [hbm4b:s0+s3], $0x4920, $0x38;
	[tilespmem:$0x1E680] =	vst v63  }
0x1d: {  	_ =	swait.ge [sflag:s26], $0x4920  }
0x1e: {  	[sflag:s26] =	ssyncset.done $0x0  }
0x1f: {  	s17 =	rddreg [dreg:$0x3];
	[sflag:s26] =	ssyncadd.s32 $0xFFFFB6E0  }
0x20: {  	[tilespmem:s28], [sflag:$0x3] =	stream.linear.gather [hbm4b:s17+s3], $0x3000, $0x38;
	[tilespmem:$0x1E680] =	vst v63  }
0x21: {  	_ =	swait.ge [sflag:s26], $0x3000  }
0x22: {  	[sflag:s26] =	ssyncset.done $0x0  }
0x23: {  	[sflag:s26] =	ssyncadd.s32 $0xFFFFD000  }
0x24: {  	[spmem:s8] =	stream.linear.scatter [tilespmem:s28], [sflag:$0x3], $0x3000, $0x38;
	[tilespmem:$0x1E680] =	vst v63  }
0x25: {  	_ =	swait.ge [sflag:s26], $0x3000  }
0x26: {  	[sflag:s26] =	ssyncset.done $0x0  }
0x27: {  	[sflag:s26] =	ssyncadd.s32 $0xFFFFD000  }
0x28: {  	[spmem:s9] =	stream.linear.scatter [tilespmem:s28], [sflag:$0x3], $0x3000, $0x38;
	[tilespmem:$0x1E680] =	vst v63  }
0x29: {  	_ =	swait.ge [sflag:s26], $0x3000  }
0x2a: {  	[sflag:s26] =	ssyncset.done $0x0  }
0x2b: {  	[sflag:s26] =	ssyncadd.s32 $0xFFFFD000  }
0x2c: {  	[spmem:s10] =	stream.linear.scatter [tilespmem:s28], [sflag:$0x3], $0x3000, $0x38;
	[tilespmem:$0x1E680] =	vst v63  }
0x2d: {  	_ =	swait.ge [sflag:s26], $0x3000  }
0x2e: {  	[sflag:s26] =	ssyncset.done $0x0  }
0x2f: {  	[sflag:s26] =	ssyncadd.s32 $0xFFFFD000  }
0x30: {  	[spmem:s11] =	stream.linear.scatter [tilespmem:s28], [sflag:$0x3], $0x3000, $0x38;
	[tilespmem:$0x1E680] =	vst v63  }
0x31: {  	_ =	swait.ge [sflag:s26], $0x3000  }
0x32: {  	[sflag:s26] =	ssyncset.done $0x0  }
0x33: {  	[sflag:s26] =	ssyncadd.s32 $0xFFFFD000  }
0x34: {  	[spmem:s12] =	stream.linear.scatter [tilespmem:s28], [sflag:$0x3], $0x3000, $0x38;
	[tilespmem:$0x1E680] =	vst v63  }
0x35: {  	_ =	swait.ge [sflag:s26], $0x3000  }
0x36: {  	[sflag:s26] =	ssyncset.done $0x0  }
0x37: {  	[sflag:s26] =	ssyncadd.s32 $0xFFFFD000  }
0x38: {  	[spmem:s13] =	stream.linear.scatter [tilespmem:s28], [sflag:$0x3], $0x3000, $0x38;
	[tilespmem:$0x1E680] =	vst v63  }
0x39: {  	_ =	swait.ge [sflag:s26], $0x3000  }
0x3a: {  	[sflag:s26] =	ssyncset.done $0x0  }
0x3b: {  	[sflag:s26] =	ssyncadd.s32 $0xFFFFD000  }
0x3c: {  	[spmem:s14] =	stream.linear.scatter [tilespmem:s28], [sflag:$0x3], $0x1C00, $0x38;
	[tilespmem:$0x1E680] =	vst v63  }
0x3d: {  	_ =	swait.ge [sflag:s26], $0x1C00  }
0x3e: {  	[sflag:s26] =	ssyncset.done $0x0  }
0x3f: {  	[sflag:s26] =	ssyncadd.s32 $0xFFFFE400  }
0x40: {  	p1 =	sne.s32 s6, $0x2;
	[bflag:$0x0] =	sbarrier.arrive $0xFFFF  }
0x41: {  	[tilespmem:s28], [sflag:$0x1] =	stream.indirect.gather [hbm4b:s4+s29], $0x80, s25, s29, $0xb8;
	[tilespmem:$0x1E680] =	vst v63  }
.Ltmp0:
0x42: {  	s18 =	simm.s32 $0x18580;
	s24 =	simm.s32 $0x1;
	(pc) =	sbr.rel @!p1 .LBB2_2-.Ltmp0, $4  }
0x43: {  	[tilespmem:s18], [sflag:$0x4] =	stream.linear.gather [hbm4b:s23+s3], $0x60, $0x38;
	[tilespmem:$0x1E680] =	vst v63  }
0x44: {  	s30 =	simm.s32 $0x13C60;
	s16 =	simm.s32 $0x2;
	_ =	swait.ge [sflag:s31], $0x60  }
0x45: {  	p0 =	por $0x0, $0x0;
	s15 =	sand.u32 $0x1, s24;
	[sflag:s31] =	ssyncset.done $0x0  }
0x46: {  	s0 =	sxor.u32 $0x1, s15;
	s17 =	smul.u32 $0xC000, s15;
	[sflag:s31] =	ssyncadd.s32 $0xFFFFFFA0  }
0x47: {  	_ = 	snop  }
0x48: {  	s7 =	sshrl.u32 s17, $0x2  }
0x49: {  	s18 =	sshll.u32 s15, $0x7;
	s24 =	sadd.s32 $0x1, s15;
	s7 =	sor.u32 $0x18680, s7  }
0x4a: {  	[tilespmem:s7], [sflag:s24] =	stream.indirect.gather [hbm4b:s4+s29], $0x80, s30, s29, $0xb8;
	[tilespmem:$0x1E680] =	vst v63  }
0x4b: {  	p1 =	sne.s32 s6, $0x3;
	s18 =	sadd.s32 $0x18580, s18  }
0x4c: {  	[tilespmem:s18], [sflag:$0x4] =	stream.linear.gather [hbm4b:s5+s3], $0x60, $0x38;
	[tilespmem:$0x1E680] =	vst v63  }
0x4d: {  	s15 =	sand.u32 $0x1, s16;
	p0 =	por $0x1, $0x1;
	_ =	swait.ge [sflag:s31], $0x60  }
0x4e: {  	s17 =	sadd.s32 $0x1, s0;
	s24 =	smul.u32 $0xC000, s0;
	[sflag:s31] =	ssyncset.done $0x0  }
0x4f: {  	s7 =	simm.s32 $0x3;
	s30 =	simm.s32 $0x13CC0;
	[sflag:s31] =	ssyncadd.s32 $0xFFFFFFA0  }
.Ltmp1:
0x50: {  	s24 =	sshrl.u32 s24, $0x2;
	_ =	swait.ge [sflag:s17], $0x3000;
	(pc) =	sbr.rel @!p1 .LBB2_4-.Ltmp1, $4  }
0x51: {  	s18 =	sshll.u32 s0, $0x7;
	s24 =	sor.u32 $0x18680, s24;
	[sflag:s17] =	ssyncset.done $0x0  }
0x52: {  	s0 =	sadd.s32 $0x18580, s18;
	[sflag:s17] =	ssyncadd.s32 $0xFFFFD000;
	s17 =	smul.u32 $0xC000, s15  }
0x53: {  	[spmem:s2] =	stream.indirect.scatter.add.f32 [tilespmem:s24], [sflag:$0x3], $0x80, s0, s29, $0xb8;
	[tilespmem:$0x1E680] =	vst v63  }
0x54: {  	s24 =	sadd.s32 $0xC, s5;
	s0 =	sxor.u32 $0x1, s15;
	_ =	swait.ge [sflag:s26], $0x3000  }
.LBB2_5:
0x55: {  	s16 =	sshrl.u32 s17, $0x2;
	s17 =	sshll.u32 s15, $0x7;
	[sflag:s26] =	ssyncset.done $0x0  }
0x56: {  	s15 =	sadd.s32 $0x1, s15;
	s16 =	sor.u32 $0x18680, s16;
	[sflag:s26] =	ssyncadd.s32 $0xFFFFD000  }
0x57: {  	[tilespmem:s16], [sflag:s15] =	stream.indirect.gather [hbm4b:s4+s29], $0x80, s30, s29, $0xb8;
	[tilespmem:$0x1E680] =	vst v63  }
0x58: {  	s15 =	sadd.s32 $0x18580, s17;
	s16 =	smov.u32 s7;
	s7 =	sadd.s32 $0x1, s7  }
0x59: {  	[tilespmem:s15], [sflag:$0x4] =	stream.linear.gather [hbm4b:s24+s3], $0x60, $0x38;
	[tilespmem:$0x1E680] =	vst v63  }
0x5a: {  	p1 =	sne.s32 s6, s7;
	_ =	swait.ge [sflag:s31], $0x60  }
0x5b: {  	[sflag:s31] =	ssyncset.done $0x0  }
0x5c: {  	s17 =	sadd.s32 $0x1, s0;
	s15 =	smul.u32 $0xC000, s0;
	[sflag:s31] =	ssyncadd.s32 $0xFFFFFFA0  }
0x5d: {  	s0 =	sshll.u32 s0, $0x7;
	_ =	swait.ge [sflag:s17], $0x3000  }
.Ltmp2:
0x5e: {  	s18 =	sshrl.u32 s15, $0x2;
	[sflag:s17] =	ssyncset.done $0x0;
	(pc) =	sbr.rel @p1 .LBB2_5-.Ltmp2, $4  }
0x5f: {  	s15 =	sand.u32 $0x1, s16;
	s16 =	sor.u32 $0x18680, s18;
	[sflag:s17] =	ssyncadd.s32 $0xFFFFD000  }
0x60: {  	s24 =	sadd.s32 $0xC, s24;
	s0 =	sadd.s32 $0x18580, s0;
	s17 =	smul.u32 $0xC000, s15  }
0x61: {  	[spmem:s2] =	stream.indirect.scatter.add.f32 [tilespmem:s16], [sflag:$0x3], $0x80, s0, s29, $0xb8;
	[tilespmem:$0x1E680] =	vst v63  }
0x62: {  	s30 =	sadd.s32 $0x60, s30;
	s0 =	sxor.u32 $0x1, s15;
	_ =	swait.ge [sflag:s26], $0x3000  }
0x63: {  	s16 =	smov.u32 s7  }
.LBB2_7:
0x64: {  	s7 =	sshrl.u32 s17, $0x2;
	[sflag:s26] =	ssyncset.done @p0 $0x0;
	s18 =	sadd.s32 $0x1, s15  }
0x65: {  	s17 =	sshll.u32 s15, $0x7;
	s7 =	sor.u32 $0x18680, s7;
	[sflag:s26] =	ssyncadd.s32 @p0 $0xFFFFD000  }
0x66: {  	[tilespmem:s7], [sflag:s18] =	stream.indirect.gather [hbm4b:s4+s29], $0x80, s30, s29, $0xb8;
	[tilespmem:$0x1E680] =	vst v63  }
0x67: {  	s7 =	sadd.s32 $0x18580, s17  }
0x68: {  	[tilespmem:s7], [sflag:$0x4] =	stream.linear.gather [hbm4b:s24+s3], $0x60, $0x38;
	[tilespmem:$0x1E680] =	vst v63  }
0x69: {  	_ =	swait.ge [sflag:s31], $0x60  }
0x6a: {  	[sflag:s31] =	ssyncset.done $0x0  }
0x6b: {  	s18 =	smul.u32 $0xC000, s0;
	s24 =	sadd.s32 $0x1, s0;
	[sflag:s31] =	ssyncadd.s32 $0xFFFFFFA0  }
0x6c: {  	_ =	swait.ge [sflag:s24], $0x3000  }
0x6d: {  	s30 =	sshll.u32 s0, $0x7;
	s7 =	sshrl.u32 s18, $0x2;
	[sflag:s24] =	ssyncset.done $0x0  }
0x6e: {  	s0 =	sadd.s32 $0x18580, s30;
	s7 =	sor.u32 $0x18680, s7;
	[sflag:s24] =	ssyncadd.s32 $0xFFFFD000  }
0x6f: {  	[spmem:s2] =	stream.indirect.scatter.add.f32 [tilespmem:s7], [sflag:$0x3], $0x80, s0, s29, $0xb8;
	[tilespmem:$0x1E680] =	vst v63  }
0x70: {  	s7 =	sxor.u32 $0xFFFFFFFF, s16;
	_ =	swait.ge [sflag:s26], $0x3000  }
0x71: {  	s0 =	sand.u32 $0x1, s7;
	[sflag:s26] =	ssyncset.done $0x0  }
0x72: {  	s15 =	smul.u32 $0xC000, s0;
	s16 =	sadd.s32 $0x1, s0;
	[sflag:s26] =	ssyncadd.s32 $0xFFFFD000  }
0x73: {  	_ =	swait.ge [sflag:s16], $0x3000  }
0x74: {  	s0 =	sshll.u32 s0, $0x7;
	s7 =	sshrl.u32 s15, $0x2;
	[sflag:s16] =	ssyncset.done $0x0  }
0x75: {  	s0 =	sadd.s32 $0x18580, s0;
	s7 =	sor.u32 $0x18680, s7;
	[sflag:s16] =	ssyncadd.s32 $0xFFFFD000  }
0x76: {  	[spmem:s2] =	stream.indirect.scatter.add.f32 [tilespmem:s7], [sflag:$0x3], $0x80, s0, s29, $0xb8;
	[tilespmem:$0x1E680] =	vst v63  }
0x77: {  	_ =	swait.ge [sflag:s26], $0x3000  }
0x78: {  	[sflag:s26] =	ssyncset.done $0x0  }
0x79: {  	[sflag:s26] =	ssyncadd.s32 $0xFFFFD000  }
0x7a: {  	[bflag:$0x0] =	sbarrier.arrive $0xFFFF  }
0x7b: {  	[tilespmem:s28], [sflag:$0x3] =	stream.linear.gather [spmem:s8], $0x3000, $0x38;
	[tilespmem:$0x1E680] =	vst v63  }
0x7c: {  	_ =	swait.ge [sflag:s26], $0x3000  }
0x7d: {  	[sflag:s26] =	ssyncset.done $0x0  }
0x7e: {  	s17 =	rddreg [dreg:$0x5];
	[sflag:s26] =	ssyncadd.s32 $0xFFFFD000  }
0x7f: {  	[hbm4b:s17+s3] =	stream.linear.scatter [tilespmem:s28], [sflag:$0x3], $0x3000, $0x38;
	[tilespmem:$0x1E680] =	vst v63  }
0x80: {  	_ =	swait.ge [sflag:s26], $0x3000  }
0x81: {  	[sflag:s26] =	ssyncset.done $0x0  }
0x82: {  	[sflag:s26] =	ssyncadd.s32 $0xFFFFD000  }
0x83: {  	[tilespmem:s28], [sflag:$0x3] =	stream.linear.gather [spmem:s9], $0x3000, $0x38;
	[tilespmem:$0x1E680] =	vst v63  }
0x84: {  	_ =	swait.ge [sflag:s26], $0x3000  }
0x85: {  	[sflag:s26] =	ssyncset.done $0x0  }
0x86: {  	s18 =	rddreg [dreg:$0x6];
	[sflag:s26] =	ssyncadd.s32 $0xFFFFD000  }
0x87: {  	[hbm4b:s18+s3] =	stream.linear.scatter [tilespmem:s28], [sflag:$0x3], $0x3000, $0x38;
	[tilespmem:$0x1E680] =	vst v63  }
0x88: {  	_ =	swait.ge [sflag:s26], $0x3000  }
0x89: {  	[sflag:s26] =	ssyncset.done $0x0  }
0x8a: {  	[sflag:s26] =	ssyncadd.s32 $0xFFFFD000  }
0x8b: {  	[tilespmem:s28], [sflag:$0x3] =	stream.linear.gather [spmem:s10], $0x3000, $0x38;
	[tilespmem:$0x1E680] =	vst v63  }
0x8c: {  	_ =	swait.ge [sflag:s26], $0x3000  }
0x8d: {  	[sflag:s26] =	ssyncset.done $0x0  }
0x8e: {  	s24 =	rddreg [dreg:$0x7];
	[sflag:s26] =	ssyncadd.s32 $0xFFFFD000  }
0x8f: {  	[hbm4b:s24+s3] =	stream.linear.scatter [tilespmem:s28], [sflag:$0x3], $0x3000, $0x38;
	[tilespmem:$0x1E680] =	vst v63  }
0x90: {  	_ =	swait.ge [sflag:s26], $0x3000  }
0x91: {  	[sflag:s26] =	ssyncset.done $0x0  }
0x92: {  	[sflag:s26] =	ssyncadd.s32 $0xFFFFD000  }
0x93: {  	[tilespmem:s28], [sflag:$0x3] =	stream.linear.gather [spmem:s11], $0x3000, $0x38;
	[tilespmem:$0x1E680] =	vst v63  }
0x94: {  	_ =	swait.ge [sflag:s26], $0x3000  }
0x95: {  	[sflag:s26] =	ssyncset.done $0x0  }
0x96: {  	s30 =	rddreg [dreg:$0x8];
	[sflag:s26] =	ssyncadd.s32 $0xFFFFD000  }
0x97: {  	[hbm4b:s30+s3] =	stream.linear.scatter [tilespmem:s28], [sflag:$0x3], $0x3000, $0x38;
	[tilespmem:$0x1E680] =	vst v63  }
0x98: {  	_ =	swait.ge [sflag:s26], $0x3000  }
0x99: {  	[sflag:s26] =	ssyncset.done $0x0  }
0x9a: {  	[sflag:s26] =	ssyncadd.s32 $0xFFFFD000  }
0x9b: {  	[tilespmem:s28], [sflag:$0x3] =	stream.linear.gather [spmem:s12], $0x3000, $0x38;
	[tilespmem:$0x1E680] =	vst v63  }
0x9c: {  	_ =	swait.ge [sflag:s26], $0x3000  }
0x9d: {  	[sflag:s26] =	ssyncset.done $0x0  }
0x9e: {  	[sflag:s26] =	ssyncadd.s32 $0xFFFFD000  }
0x9f: {  	[hbm4b:s19+s3] =	stream.linear.scatter [tilespmem:s28], [sflag:$0x3], $0x3000, $0x38;
	[tilespmem:$0x1E680] =	vst v63  }
0xa0: {  	_ =	swait.ge [sflag:s26], $0x3000  }
0xa1: {  	[sflag:s26] =	ssyncset.done $0x0  }
0xa2: {  	[sflag:s26] =	ssyncadd.s32 $0xFFFFD000  }
0xa3: {  	[tilespmem:s28], [sflag:$0x3] =	stream.linear.gather [spmem:s13], $0x3000, $0x38;
	[tilespmem:$0x1E680] =	vst v63  }
0xa4: {  	_ =	swait.ge [sflag:s26], $0x3000  }
0xa5: {  	[sflag:s26] =	ssyncset.done $0x0  }
0xa6: {  	[sflag:s26] =	ssyncadd.s32 $0xFFFFD000  }
0xa7: {  	[hbm4b:s20+s3] =	stream.linear.scatter [tilespmem:s28], [sflag:$0x3], $0x3000, $0x38;
	[tilespmem:$0x1E680] =	vst v63  }
0xa8: {  	_ =	swait.ge [sflag:s26], $0x3000  }
0xa9: {  	[sflag:s26] =	ssyncset.done $0x0  }
0xaa: {  	[sflag:s26] =	ssyncadd.s32 $0xFFFFD000  }
0xab: {  	[tilespmem:s28], [sflag:$0x3] =	stream.linear.gather [spmem:s14], $0x1C00, $0x38;
	[tilespmem:$0x1E680] =	vst v63  }
0xac: {  	_ =	swait.ge [sflag:s26], $0x1C00  }
0xad: {  	s1 =	sadd.s32 $0x1, s1;
	[sflag:s26] =	ssyncset.done $0x0  }
0xae: {  	p0 =	sne.s32 s1, s22;
	[sflag:s26] =	ssyncadd.s32 $0xFFFFE400  }
0xaf: {  	[hbm4b:s21+s3] =	stream.linear.scatter [tilespmem:s28], [sflag:$0x3], $0x1C00, $0x38;
	[tilespmem:$0x1E680] =	vst v63  }
.Ltmp3:
0xb0: {  	_ = 	snop;
	(pc) =	sbr.rel @p0 .LBB2_1-.Ltmp3, $4  }
.Ltmp4:
0xb1: {  	_ = 	snop;
	(pc) =	sbr.rel @!p0 .LBB2_8-.Ltmp4, $4  }
0xb2: {  	_ =	swait.ge [sflag:s26], $0x1C00  }
0xb3: {  	[sflag:s26] =	ssyncset.done $0x0  }
0xb4: {  	[sflag:s26] =	ssyncadd.s32 $0xFFFFE400  }
0xb5: {  	_ = 	snop  }
.LBB2_2:
.Ltmp5:
0xb6: {  	(pc) =	sbr.rel .LBB2_7-.Ltmp5, $2  }
0xb7: {  	_ =	sdelay $0x2  }
0xb8: {  	s24 =	smov.u32 s5  }
.LBB2_4:
.Ltmp6:
0xb9: {  	(pc) =	sbr.rel .LBB2_7-.Ltmp6, $2  }
0xba: {  	_ =	sdelay $0x2  }
0xbb: {  	s16 =	simm.s32 $0x3  }
.LBB2_8:
0xbc: {  	_ =	sfence.sel $0x180000  }
0xbd: {  	[bflag:$0x0] =	sbarrier.arrive $0xFFFF  }
0xbe: {  	_ =	strace $0x9000004A  }
0xbf: {  	s0 =	stileid.u32;
	[bflag:$0x2] =	sbarrier.arrive $0xFFFF  }
0xc0: {  	p0 =	sne.s32 s0, $0x0;
	s0 =	rddreg [dreg:$0x2]  }
0xc1: {  	s0 =	sadd.s32 @!p0 $0x100000, s0  }
0xc2: {  	[sflag:s0] =	ssyncadd.tile.s32 @!p0 $0x1;
	_ =	shalt  }
.Lfunc_end2:
_tile_overlayer_lowered:
.L_overlay_start_2:
0xc3: {  	(tag) =	ssettag $0x2  }
0xc4: {  	s0 =	rddreg [dreg:$0x0];
	s2 =	stileid.u32  }
0xc5: {  	s1 =	rddreg [dreg:$0x1];
	p0 =	sne.s32 s2, $0x0  }
0xc6: {  	s3 =	rddreg [dreg:$0x2];
	[bflag:$0x3] =	sbarrier.arrive $0xFFFF;
	s2 =	simm.s32 @!p0 $0x1C03  }
0xc7: {  	[timem:s3], [sflag:s2] =	dma.local @!p0 [hbm:s0], s1  }
0xc8: {  	s0 =	simm.s32 @!p0 $0x3  }
0xc9: {  	_ =	swait.ge @!p0 [sflag:s0], s1  }
0xca: {  	s1 =	ssub.s32 @!p0 $0x0, s1;
	[sflag:s0] =	ssyncset.done @!p0 $0x0  }
0xcb: {  	[sflag:s0] =	ssyncadd.s32 @!p0 s1  }
0xcc: {  	[bflag:$0x3] =	sbarrier.arrive $0xFFFF  }
0xcd: {  	_ =	shalt  }

// kernel: kernel.15.cloned.1.call-start
scs
__scs_entry_jumppad:
0x0: {  	(pc) =	sbr.rel $0x88, $3  }
0x1: {  	(tag) =	ssettag $0x0;
	lr =	simm.s32 $0x1  }
0x2: {  	[smem:$0x3F94] =	sst lr;
	_ =	strace $0xD0000000  }
0x3: {  	_ = 	snop  }
0x4: {  	_ = 	snop  }
0x5: {  	_ = 	snop  }
0x6: {  	_ = 	snop  }
0x7: {  	_ = 	snop  }
__scs_overlays_trampoline_lowered:
0x8: {  	[smem:$0x3FA3] =	sst s0  }
0x9: {  	[smem:$0x3FA4] =	sst s1  }
0xa: {  	[smem:$0x3FA5] =	sst s2  }
0xb: {  	[smem:$0x3FA6] =	sst s3  }
0xc: {  	[smem:$0x3FA7] =	sst s4  }
0xd: {  	[smem:$0x3FA8] =	sst s5  }
0xe: {  	[smem:$0x3FA9] =	sst s6  }
0xf: {  	[smem:$0x3FAA] =	sst s7  }
0x10: {  	[smem:$0x3FAB] =	sst s8  }
0x11: {  	[smem:$0x3FAC] =	sst s9;
	s0 =	simm.s32 @!p0 $0x0  }
0x12: {  	s1 =	sld [smem:$0x3F92];
	s0 =	simm.s32 @p0 $0x1  }
0x13: {  	[smem:$0x3FAD] =	sst s0;
	s0 =	simm.s32 @!p1 $0x0  }
0x14: {  	s2 =	sld [smem:$0x3F91];
	s0 =	simm.s32 @p1 $0x1  }
0x15: {  	[smem:$0x3FAE] =	sst s0;
	s0 =	simm.s32 @!p2 $0x0  }
0x16: {  	s3 =	sld [smem:$0x3FDB];
	s0 =	simm.s32 @p2 $0x1  }
0x17: {  	s4 =	simm.s32 $0x1BF5;
	[smem:$0x3FB0] =	sst s0  }
0x18: {  	s0 =	sld [smem:$0x3F93];
	_ =	swait.ge [sflag:s4], $0x0  }
0x19: {  	s7 =	sld [smem:$0x3F94]  }
0x1a: {  	s8 =	sadd.s32 $0xFFFFE003, lr  }
0x1b: {  	s9 =	sadd.s32 $0xFFFFFEF7, lr;
	s5 =	simm.s32 $0xFFFFFFFF;
	p2 =	slt.u32 s8, $0xFFFFF086  }
0x1c: {  	p1 =	slt.u32 s9, $0xF7A;
	s5 =	simm.s32 @!p2 $0x0  }
0x1d: {  	s5 =	simm.s32 @p1 $0x1;
	p0 =	seq.s32 s7, s2  }
0x1e: {  	s7 =	smul.u32 @!p0 $0xF7A, s2;
	p2 =	seq.s32 @!p0 s5, $0x0  }
0x1f: {  	s9 =	smul.u32 $0xF7A, s1;
	s8 =	simm.s32 @!p0 $0x1BF5;
	p2 =	por !p2, p0  }
0x20: {  	[sflag:s8] =	ssyncset.s32 @!p0 $0xFFFFF086;
	s6 =	sadd.s32 @!p0 s3, s7;
	s7 =	simm.s32 @!p0 $0x108  }
0x21: {  	s3 =	sadd.s32 s3, s9;
	s6 =	sadd.s32 @!p0 $0x88, s6;
	s7 =	simm.s32 @p2 $0x1082  }
0x22: {  	[simem:s7], [sflag:s8] =	dma.local @!p0 [hbm:s6], $0xF7A  }
0x23: {  	s9 =	sor.u32 $0xD0000000, s2;
	s6 =	simm.s32 $0x108;
	_ =	swait.ge @!p0 [sflag:s8], $0x0  }
0x24: {  	s3 =	sadd.s32 $0x88, s3;
	s6 =	simm.s32 @!p1 $0x1082;
	[sflag:s4] =	ssyncset.s32 $0xFFFFF086  }
0x25: {  	[simem:s6], [sflag:s4] =	dma.local [hbm:s3], $0xF7A  }
0x26: {  	[smem:$0x3F94] =	sst s1;
	(tag) =	ssettag s2;
	_ =	strace s9  }
0x27: {  	s1 =	sld [smem:$0x3FA4]  }
0x28: {  	s2 =	sld [smem:$0x3FA5]  }
0x29: {  	s4 =	sld [smem:$0x3FA7]  }
0x2a: {  	p0 =	seq.s32 s5, $0x0;
	s5 =	sld [smem:$0x3FA8]  }
0x2b: {  	s6 =	sld [smem:$0x3FA9]  }
0x2c: {  	s7 =	sld [smem:$0x3FAA]  }
0x2d: {  	s3 =	simm.s32 $0x108;
	s8 =	sld [smem:$0x3FAB]  }
0x2e: {  	s3 =	simm.s32 @!p0 $0x1082;
	s9 =	sld [smem:$0x3FAC]  }
0x2f: {  	lr =	sadd.s32 s0, s3;
	s0 =	sld [smem:$0x3FA3]  }
0x30: {  	s3 =	sld [smem:$0x3FA6]  }
0x31: {  	[smem:$0x3FAF] =	sst s10  }
0x32: {  	s10 =	sld [smem:$0x3FAD];
	_ =	sdelay $0x3  }
0x33: {  	p0 =	seq.s32 s10, $0x1;
	s10 =	sld [smem:$0x3FAF];
	_ =	sdelay $0x3  }
0x34: {  	[smem:$0x3FAF] =	sst s10  }
0x35: {  	s10 =	sld [smem:$0x3FAE];
	_ =	sdelay $0x3  }
0x36: {  	p1 =	seq.s32 s10, $0x1;
	s10 =	sld [smem:$0x3FAF];
	_ =	sdelay $0x3  }
0x37: {  	[smem:$0x3FAF] =	sst s10  }
0x38: {  	s10 =	sld [smem:$0x3FB0]  }
0x39: {  	_ = 	snop;
	(pc) =	sbr.ind lr, $3  }
0x3a: {  	_ = 	snop  }
0x3b: {  	_ = 	snop  }
0x3c: {  	p2 =	seq.s32 s10, $0x1;
	s10 =	sld [smem:$0x3FAF]  }
0x3d: {  	_ =	shalt  }
0x3e: {  	_ =	shalt  }
0x3f: {  	_ =	shalt  }
0x40: {  	_ =	shalt  }
0x41: {  	_ =	shalt  }
0x42: {  	_ =	shalt  }
0x43: {  	_ =	shalt  }
0x44: {  	_ =	shalt  }
0x45: {  	_ =	shalt  }
0x46: {  	_ =	shalt  }
0x47: {  	_ =	shalt  }
0x48: {  	_ =	shalt  }
0x49: {  	_ =	shalt  }
0x4a: {  	_ =	shalt  }
0x4b: {  	_ =	shalt  }
0x4c: {  	_ =	shalt  }
0x4d: {  	_ =	shalt  }
0x4e: {  	_ =	shalt  }
0x4f: {  	_ =	shalt  }
0x50: {  	_ =	shalt  }
0x51: {  	_ =	shalt  }
0x52: {  	_ =	shalt  }
0x53: {  	_ =	shalt  }
0x54: {  	_ =	shalt  }
0x55: {  	_ =	shalt  }
0x56: {  	_ =	shalt  }
0x57: {  	_ =	shalt  }
0x58: {  	_ =	shalt  }
0x59: {  	_ =	shalt  }
0x5a: {  	_ =	shalt  }
0x5b: {  	_ =	shalt  }
0x5c: {  	_ =	shalt  }
0x5d: {  	_ =	shalt  }
0x5e: {  	_ =	shalt  }
0x5f: {  	_ =	shalt  }
0x60: {  	_ =	shalt  }
0x61: {  	_ =	shalt  }
0x62: {  	_ =	shalt  }
0x63: {  	_ =	shalt  }
0x64: {  	_ =	shalt  }
0x65: {  	_ =	shalt  }
0x66: {  	_ =	shalt  }
0x67: {  	_ =	shalt  }
0x68: {  	_ =	shalt  }
0x69: {  	_ =	shalt  }
0x6a: {  	_ =	shalt  }
0x6b: {  	_ =	shalt  }
0x6c: {  	_ =	shalt  }
0x6d: {  	_ =	shalt  }
0x6e: {  	_ =	shalt  }
0x6f: {  	_ =	shalt  }
0x70: {  	_ =	shalt  }
0x71: {  	_ =	shalt  }
0x72: {  	_ =	shalt  }
0x73: {  	_ =	shalt  }
0x74: {  	_ =	shalt  }
0x75: {  	_ =	shalt  }
0x76: {  	_ =	shalt  }
0x77: {  	_ =	shalt  }
0x78: {  	_ =	shalt  }
0x79: {  	_ =	shalt  }
0x7a: {  	_ =	shalt  }
0x7b: {  	_ =	shalt  }
0x7c: {  	_ =	shalt  }
0x7d: {  	_ =	shalt  }
0x7e: {  	_ =	shalt  }
0x7f: {  	_ =	shalt  }
0x80: {  	_ =	shalt  }
0x81: {  	_ =	shalt  }
0x82: {  	_ =	shalt  }
0x83: {  	_ =	shalt  }
0x84: {  	_ =	shalt  }
0x85: {  	_ =	shalt  }
0x86: {  	_ =	shalt  }
0x87: {  	_ =	shalt  }
.Lfunc_end0:
.L_simem_size_0:
called_computation.2_lowered:
.L_overlay_start_0:
0x88: {  	s2 =	sld [smem:$0x3FD9]  }
0x89: {  	s3 =	sld [smem:$0x3FFE];
	_ =	sdelay $0x1  }
0x8a: {  	s1 =	srdreg.scid  }
0x8b: {  	s0 =	sand.u32 $0x1, s1  }
0x8c: {  	s16 =	sshll.u32 s0, $0xA;
	s2 =	sadd.s32 s3, s2  }
0x8d: {  	s2 =	sadd.s32 s2, s16  }
0x8e: {  	[smem:$0x3FBB] =	sst s2  }
0x8f: {  	_ = 	snop  }
0x90: {  	(tm) =	ssettm $0x1  }
0x91: {  	s17 =	sld [smem:$0x3FFB];
	_ =	sdelay $0x3  }
0x92: {  	_ =	strace s17  }
0x93: {  	s2 =	sld [smem:$0x3FFC];
	_ =	sdelay $0x3  }
0x94: {  	_ =	strace s2  }
0x95: {  	s2 =	sld [smem:$0x3FFD];
	_ =	sdelay $0x3  }
0x96: {  	_ =	strace s2  }
0x97: {  	_ =	strace $0x8FFFFFFF  }
0x98: {  	s18 =	sld [smem:$0x3FDB];
	_ =	sdelay $0x1  }
0x99: {  	s19 =	simm.s32 $_scs_section_size  }
0x9a: {  	s4 =	simm.s32 $_size__tile_overlayer_lowered;
	s5 =	simm.s32 $_tile_overlayer_lowered  }
0x9b: {  	s22 =	simm.s32 $0x1BFF;
	s21 =	sshll.u32 s5, $0x1;
	s2 =	sadd.s32 s19, s18  }
0x9c: {  	s6 =	simm.s32 $0x0;
	s20 =	sshll.u32 s4, $0x1;
	s4 =	sadd.s32 s21, s2  }
0x9d: {  	[timem:s6], [sflag:s22] =	dma.local [hbm:s4], s20  }
0x9e: {  	_ =	swait.ge [sflag:s22], s20  }
0x9f: {  	s3 =	ssub.s32 $0x0, s20;
	[sflag:s22] =	ssyncset.done $0x0  }
0xa0: {  	[sflag:s22] =	ssyncadd.s32 s3;
	_ =	sdelay $0x1  }
0xa1: {  	s23 =	simm.s32 $0x1B8B  }
0xa2: {  	_ =	swait.ge [sflag:s23], $0x1  }
0xa3: {  	[sflag:s23] =	ssyncset.done $0x0  }
0xa4: {  	s25 =	simm.s32 $0x1B8E;
	s24 =	sld [smem:$0x3FFE];
	[sflag:s23] =	ssyncadd.s32 $0xFFFFFFFF  }
0xa5: {  	s26 =	simm.s32 $execute0_lowered;
	[smem:$0x3FD2] =	sst s25  }
0xa6: {  	s4 =	sshll.u32 s26, $0x1;
	_ =	strace $0x8000004C;
	[dreg:$0x1] =	wrdreg $0xFFFFFFFF  }
0xa7: {  	s28 =	simm.s32 $_size_execute0_lowered;
	s2 =	sadd.s32 s2, s4;
	[dreg:$0x0] =	wrdreg $0x0  }
0xa8: {  	s4 =	sshll.u32 s28, $0x1;
	[dreg:$0x2] =	wrdreg s2  }
0xa9: {  	[dreg:$0x3] =	wrdreg s4  }
0xaa: {  	[dreg:$0x4] =	wrdreg $0xC0  }
0xab: {  	_ =	task [dreg:s6], $0x5FFFF  }
0xac: {  	[dreg:$0x1] =	wrdreg $0xFFFFFFFF  }
0xad: {  	[dreg:$0x0] =	wrdreg $0x60  }
0xae: {  	[dreg:$0x2] =	wrdreg s24  }
0xaf: {  	[dreg:$0x3] =	wrdreg $0x0  }
0xb0: {  	[dreg:$0x4] =	wrdreg $0x9  }
0xb1: {  	_ =	task.clear_ibuf [dreg:s6], $0x5FFFF;
	_ =	strace $0x9000004C  }
0xb2: {  	s29 =	simm.s32 $0x9;
	_ =	strace $0x8000004E  }
0xb3: {  	_ =	swait.ge [sflag:s29], $0x1  }
0xb4: {  	[sflag:s29] =	ssyncadd.s32 $0xFFFFFFFF  }
0xb5: {  	_ =	strace $0x9000004E  }
0xb6: {  	_ =	sfence  }
0xb7: {  	s30 =	sld [smem:$0x0];
	_ =	sdelay $0x2  }
0xb8: {  	s31 =	sshll.u32 s1, $0xD;
	s1 =	sshrl.u32 s1, $0x2  }
0xb9: {  	s3 =	sand.u32 $0x4000, s31;
	s1 =	sadd.s32 s1, s30  }
0xba: {  	s0 =	sor.u32 s3, s0;
	s1 =	sshll.u32 s1, $0x11  }
0xbb: {  	s0 =	sor.u32 s1, s0  }
0xbc: {  	s0 =	sadd.s32 $0x8F2B, s0  }
0xbd: {  	[sflag:s0] =	ssyncadd.remote.s32 $0x1  }
0xbe: {  	_ =	sfence.sel $0xFFFF  }
0xbf: {  	[dreg:$0x0] =	wrdreg $0xFFFFFFFF;
	(pc) =	sbr.abs _section_cstart, $3  }
0xc0: {  	[dreg:$0x1] =	wrdreg $0xFFFFFFFF  }
0xc1: {  	_ =	task.clear_ibuf [dreg:s6], $0x2FFFF;
	_ =	strace $0x9FFFFFFF  }
0xc2: {  	(tm) =	ssettm $0x7FFFFFFF  }
0xc3: {  	_ =	shalt  }
tec
execute0_lowered:
.L_overlay_start_1:
0x0: {  	(tag) =	ssettag $0x1  }
0x1: {  	s9 =	stileid.u32;
	s5 =	rddreg [dreg:$0x0]  }
0x2: {  	s0 =	srdreg.scid;
	s2 =	rddreg [dreg:$0x1];
	s3 =	simm.s32 $0x0  }
0x3: {  	s28 =	simm.s32 $0x18680;
	s29 =	simm.s32 $0x60;
	s1 =	smul.u32 $0xF, s9  }
0x4: {  	s31 =	simm.s32 $0x4;
	s0 =	sand.u32 $0x1, s0;
	s4 =	smul.u32 $0xC3, s9  }
0x5: {  	[smem:$0x7FF] =	sst s3;
	s7 =	smul.u32 $0x4F000, s9;
	s8 =	sadd.s32 $0x35C00, s5  }
0x6: {  	s14 =	smul.u32 $0x13C00, s9;
	p0 =	seq.s32 s0, $0x0;
	_ =	strace $0x8000004D  }
0x7: {  	s6 =	ssub.s32 $0x2, s0;
	[dreg:$0x3] =	wrdreg s8;
	s0 =	smul.u32 $0x13C000, s0  }
0x8: {  	s1 =	sadd.s32 $0xC30, s1;
	s20 =	sshrl.u32 s6, $0x1;
	s7 =	sshrl.u32 s7, $0x2  }
0x9: {  	s16 =	sadd.s32 $0x3000, s14;
	s22 =	sadd.s32 $0x6000, s14;
	s17 =	sadd.s32 $0x9000, s14  }
0xa: {  	s19 =	sadd.s32 $0xC000, s14;
	s1 =	smov.u32 @p0 s4;
	s4 =	sadd.s32 $0xE400, s5  }
0xb: {  	s15 =	ssub.s32 s6, s20;
	s6 =	simm.s32 $0xC3;
	s8 =	sadd.s32 s7, s2  }
0xc: {  	s9 =	sadd.s32 s16, s2;
	s10 =	sadd.s32 s22, s2;
	s11 =	sadd.s32 s17, s2  }
0xd: {  	s12 =	sadd.s32 s19, s2;
	s20 =	sadd.s32 $0xF000, s14;
	s18 =	sadd.s32 s14, s0  }
0xe: {  	s16 =	sadd.s32 s0, s16;
	s7 =	sadd.s32 s0, s22;
	s17 =	sadd.s32 s0, s17  }
0xf: {  	s25 =	sadd.s32 s0, s19;
	s1 =	smul.u32 $0xC, s1;
	s6 =	simm.s32 @!p0 $0xF  }
0x10: {  	s13 =	sadd.s32 s20, s2;
	s18 =	sshrl.u32 s18, $0x3;
	s16 =	sshrl.u32 s16, $0x3  }
0x11: {  	s7 =	sshrl.u32 s7, $0x3;
	s23 =	sshrl.u32 s17, $0x3;
	s1 =	sadd.s32 s1, s5  }
0x12: {  	s26 =	sadd.s32 s0, s20;
	s5 =	sadd.s32 $0x68400, s5;
	s21 =	sadd.s32 $0x36600, s1  }
0x13: {  	s22 =	smax.u32 s15, $0x1;
	s18 =	sadd.s32 s5, s18;
	[dreg:$0x4] =	wrdreg s21  }
0x14: {  	s30 =	sshrl.u32 s26, $0x3;
	s16 =	sadd.s32 s5, s16;
	[dreg:$0x5] =	wrdreg s18  }
0x15: {  	s26 =	simm.s32 $0x3;
	s7 =	sadd.s32 s5, s7;
	[dreg:$0x6] =	wrdreg s16  }
0x16: {  	s24 =	sadd.s32 s5, s23;
	s20 =	sadd.s32 s5, s30;
	[dreg:$0x7] =	wrdreg s7  }
0x17: {  	s23 =	sadd.s32 $0x4600, s1;
	s21 =	sadd.s32 $0x12000, s14;
	[dreg:$0x8] =	wrdreg s24  }
0x18: {  	s7 =	sshrl.u32 s25, $0x3;
	s25 =	simm.s32 $0x13C00;
	s0 =	sadd.s32 s0, s21  }
0x19: {  	s14 =	sadd.s32 s21, s2;
	s19 =	sadd.s32 s5, s7;
	s0 =	sshrl.u32 s0, $0x3  }
0x1a: {  	s21 =	sadd.s32 s5, s0;
	s5 =	sadd.s32 $0x460C, s1;
	s1 =	simm.s32 $0x0  }
.LBB2_1:
0x1b: {  	s0 =	rddreg [dreg:$0x4]  }
0x1c: {  	[tilespmem:s25], [sflag:$0x3] =	stream.linear.gather [hbm4b:s0+s3], $0x4920, $0x38;
	[tilespmem:$0x1E680] =	vst v63  }
0x1d: {  	_ =	swait.ge [sflag:s26], $0x4920  }
0x1e: {  	[sflag:s26] =	ssyncset.done $0x0  }
0x1f: {  	s17 =	rddreg [dreg:$0x3];
	[sflag:s26] =	ssyncadd.s32 $0xFFFFB6E0  }
0x20: {  	[tilespmem:s28], [sflag:$0x3] =	stream.linear.gather [hbm4b:s17+s3], $0x3000, $0x38;
	[tilespmem:$0x1E680] =	vst v63  }
0x21: {  	_ =	swait.ge [sflag:s26], $0x3000  }
0x22: {  	[sflag:s26] =	ssyncset.done $0x0  }
0x23: {  	[sflag:s26] =	ssyncadd.s32 $0xFFFFD000  }
0x24: {  	[spmem:s8] =	stream.linear.scatter [tilespmem:s28], [sflag:$0x3], $0x3000, $0x38;
	[tilespmem:$0x1E680] =	vst v63  }
0x25: {  	_ =	swait.ge [sflag:s26], $0x3000  }
0x26: {  	[sflag:s26] =	ssyncset.done $0x0  }
0x27: {  	[sflag:s26] =	ssyncadd.s32 $0xFFFFD000  }
0x28: {  	[spmem:s9] =	stream.linear.scatter [tilespmem:s28], [sflag:$0x3], $0x3000, $0x38;
	[tilespmem:$0x1E680] =	vst v63  }
0x29: {  	_ =	swait.ge [sflag:s26], $0x3000  }
0x2a: {  	[sflag:s26] =	ssyncset.done $0x0  }
0x2b: {  	[sflag:s26] =	ssyncadd.s32 $0xFFFFD000  }
0x2c: {  	[spmem:s10] =	stream.linear.scatter [tilespmem:s28], [sflag:$0x3], $0x3000, $0x38;
	[tilespmem:$0x1E680] =	vst v63  }
0x2d: {  	_ =	swait.ge [sflag:s26], $0x3000  }
0x2e: {  	[sflag:s26] =	ssyncset.done $0x0  }
0x2f: {  	[sflag:s26] =	ssyncadd.s32 $0xFFFFD000  }
0x30: {  	[spmem:s11] =	stream.linear.scatter [tilespmem:s28], [sflag:$0x3], $0x3000, $0x38;
	[tilespmem:$0x1E680] =	vst v63  }
0x31: {  	_ =	swait.ge [sflag:s26], $0x3000  }
0x32: {  	[sflag:s26] =	ssyncset.done $0x0  }
0x33: {  	[sflag:s26] =	ssyncadd.s32 $0xFFFFD000  }
0x34: {  	[spmem:s12] =	stream.linear.scatter [tilespmem:s28], [sflag:$0x3], $0x3000, $0x38;
	[tilespmem:$0x1E680] =	vst v63  }
0x35: {  	_ =	swait.ge [sflag:s26], $0x3000  }
0x36: {  	[sflag:s26] =	ssyncset.done $0x0  }
0x37: {  	[sflag:s26] =	ssyncadd.s32 $0xFFFFD000  }
0x38: {  	[spmem:s13] =	stream.linear.scatter [tilespmem:s28], [sflag:$0x3], $0x3000, $0x38;
	[tilespmem:$0x1E680] =	vst v63  }
0x39: {  	_ =	swait.ge [sflag:s26], $0x3000  }
0x3a: {  	[sflag:s26] =	ssyncset.done $0x0  }
0x3b: {  	[sflag:s26] =	ssyncadd.s32 $0xFFFFD000  }
0x3c: {  	[spmem:s14] =	stream.linear.scatter [tilespmem:s28], [sflag:$0x3], $0x1C00, $0x38;
	[tilespmem:$0x1E680] =	vst v63  }
0x3d: {  	_ =	swait.ge [sflag:s26], $0x1C00  }
0x3e: {  	[sflag:s26] =	ssyncset.done $0x0  }
0x3f: {  	[sflag:s26] =	ssyncadd.s32 $0xFFFFE400  }
0x40: {  	p1 =	sne.s32 s6, $0x2;
	[bflag:$0x0] =	sbarrier.arrive $0xFFFF  }
0x41: {  	[tilespmem:s28], [sflag:$0x1] =	stream.indirect.gather [hbm4b:s4+s29], $0x80, s25, s29, $0xb8;
	[tilespmem:$0x1E680] =	vst v63  }
.Ltmp0:
0x42: {  	s18 =	simm.s32 $0x18580;
	s24 =	simm.s32 $0x1;
	(pc) =	sbr.rel @!p1 .LBB2_2-.Ltmp0, $4  }
0x43: {  	[tilespmem:s18], [sflag:$0x4] =	stream.linear.gather [hbm4b:s23+s3], $0x60, $0x38;
	[tilespmem:$0x1E680] =	vst v63  }
0x44: {  	s30 =	simm.s32 $0x13C60;
	s16 =	simm.s32 $0x2;
	_ =	swait.ge [sflag:s31], $0x60  }
0x45: {  	p0 =	por $0x0, $0x0;
	s15 =	sand.u32 $0x1, s24;
	[sflag:s31] =	ssyncset.done $0x0  }
0x46: {  	s0 =	sxor.u32 $0x1, s15;
	s17 =	smul.u32 $0xC000, s15;
	[sflag:s31] =	ssyncadd.s32 $0xFFFFFFA0  }
0x47: {  	_ = 	snop  }
0x48: {  	s7 =	sshrl.u32 s17, $0x2  }
0x49: {  	s18 =	sshll.u32 s15, $0x7;
	s24 =	sadd.s32 $0x1, s15;
	s7 =	sor.u32 $0x18680, s7  }
0x4a: {  	[tilespmem:s7], [sflag:s24] =	stream.indirect.gather [hbm4b:s4+s29], $0x80, s30, s29, $0xb8;
	[tilespmem:$0x1E680] =	vst v63  }
0x4b: {  	p1 =	sne.s32 s6, $0x3;
	s18 =	sadd.s32 $0x18580, s18  }
0x4c: {  	[tilespmem:s18], [sflag:$0x4] =	stream.linear.gather [hbm4b:s5+s3], $0x60, $0x38;
	[tilespmem:$0x1E680] =	vst v63  }
0x4d: {  	s15 =	sand.u32 $0x1, s16;
	p0 =	por $0x1, $0x1;
	_ =	swait.ge [sflag:s31], $0x60  }
0x4e: {  	s17 =	sadd.s32 $0x1, s0;
	s24 =	smul.u32 $0xC000, s0;
	[sflag:s31] =	ssyncset.done $0x0  }
0x4f: {  	s7 =	simm.s32 $0x3;
	s30 =	simm.s32 $0x13CC0;
	[sflag:s31] =	ssyncadd.s32 $0xFFFFFFA0  }
.Ltmp1:
0x50: {  	s24 =	sshrl.u32 s24, $0x2;
	_ =	swait.ge [sflag:s17], $0x3000;
	(pc) =	sbr.rel @!p1 .LBB2_4-.Ltmp1, $4  }
0x51: {  	s18 =	sshll.u32 s0, $0x7;
	s24 =	sor.u32 $0x18680, s24;
	[sflag:s17] =	ssyncset.done $0x0  }
0x52: {  	s0 =	sadd.s32 $0x18580, s18;
	[sflag:s17] =	ssyncadd.s32 $0xFFFFD000;
	s17 =	smul.u32 $0xC000, s15  }
0x53: {  	[spmem:s2] =	stream.indirect.scatter.add.f32 [tilespmem:s24], [sflag:$0x3], $0x80, s0, s29, $0xb8;
	[tilespmem:$0x1E680] =	vst v63  }
0x54: {  	s24 =	sadd.s32 $0xC, s5;
	s0 =	sxor.u32 $0x1, s15;
	_ =	swait.ge [sflag:s26], $0x3000  }
.LBB2_5:
0x55: {  	s16 =	sshrl.u32 s17, $0x2;
	s17 =	sshll.u32 s15, $0x7;
	[sflag:s26] =	ssyncset.done $0x0  }
0x56: {  	s15 =	sadd.s32 $0x1, s15;
	s16 =	sor.u32 $0x18680, s16;
	[sflag:s26] =	ssyncadd.s32 $0xFFFFD000  }
0x57: {  	[tilespmem:s16], [sflag:s15] =	stream.indirect.gather [hbm4b:s4+s29], $0x80, s30, s29, $0xb8;
	[tilespmem:$0x1E680] =	vst v63  }
0x58: {  	s15 =	sadd.s32 $0x18580, s17;
	s16 =	smov.u32 s7;
	s7 =	sadd.s32 $0x1, s7  }
0x59: {  	[tilespmem:s15], [sflag:$0x4] =	stream.linear.gather [hbm4b:s24+s3], $0x60, $0x38;
	[tilespmem:$0x1E680] =	vst v63  }
0x5a: {  	p1 =	sne.s32 s6, s7;
	_ =	swait.ge [sflag:s31], $0x60  }
0x5b: {  	[sflag:s31] =	ssyncset.done $0x0  }
0x5c: {  	s17 =	sadd.s32 $0x1, s0;
	s15 =	smul.u32 $0xC000, s0;
	[sflag:s31] =	ssyncadd.s32 $0xFFFFFFA0  }
0x5d: {  	s0 =	sshll.u32 s0, $0x7;
	_ =	swait.ge [sflag:s17], $0x3000  }
.Ltmp2:
0x5e: {  	s18 =	sshrl.u32 s15, $0x2;
	[sflag:s17] =	ssyncset.done $0x0;
	(pc) =	sbr.rel @p1 .LBB2_5-.Ltmp2, $4  }
0x5f: {  	s15 =	sand.u32 $0x1, s16;
	s16 =	sor.u32 $0x18680, s18;
	[sflag:s17] =	ssyncadd.s32 $0xFFFFD000  }
0x60: {  	s24 =	sadd.s32 $0xC, s24;
	s0 =	sadd.s32 $0x18580, s0;
	s17 =	smul.u32 $0xC000, s15  }
0x61: {  	[spmem:s2] =	stream.indirect.scatter.add.f32 [tilespmem:s16], [sflag:$0x3], $0x80, s0, s29, $0xb8;
	[tilespmem:$0x1E680] =	vst v63  }
0x62: {  	s30 =	sadd.s32 $0x60, s30;
	s0 =	sxor.u32 $0x1, s15;
	_ =	swait.ge [sflag:s26], $0x3000  }
0x63: {  	s16 =	smov.u32 s7  }
.LBB2_7:
0x64: {  	s7 =	sshrl.u32 s17, $0x2;
	[sflag:s26] =	ssyncset.done @p0 $0x0;
	s18 =	sadd.s32 $0x1, s15  }
0x65: {  	s17 =	sshll.u32 s15, $0x7;
	s7 =	sor.u32 $0x18680, s7;
	[sflag:s26] =	ssyncadd.s32 @p0 $0xFFFFD000  }
0x66: {  	[tilespmem:s7], [sflag:s18] =	stream.indirect.gather [hbm4b:s4+s29], $0x80, s30, s29, $0xb8;
	[tilespmem:$0x1E680] =	vst v63  }
0x67: {  	s7 =	sadd.s32 $0x18580, s17  }
0x68: {  	[tilespmem:s7], [sflag:$0x4] =	stream.linear.gather [hbm4b:s24+s3], $0x60, $0x38;
	[tilespmem:$0x1E680] =	vst v63  }
0x69: {  	_ =	swait.ge [sflag:s31], $0x60  }
0x6a: {  	[sflag:s31] =	ssyncset.done $0x0  }
0x6b: {  	s18 =	smul.u32 $0xC000, s0;
	s24 =	sadd.s32 $0x1, s0;
	[sflag:s31] =	ssyncadd.s32 $0xFFFFFFA0  }
0x6c: {  	_ =	swait.ge [sflag:s24], $0x3000  }
0x6d: {  	s30 =	sshll.u32 s0, $0x7;
	s7 =	sshrl.u32 s18, $0x2;
	[sflag:s24] =	ssyncset.done $0x0  }
0x6e: {  	s0 =	sadd.s32 $0x18580, s30;
	s7 =	sor.u32 $0x18680, s7;
	[sflag:s24] =	ssyncadd.s32 $0xFFFFD000  }
0x6f: {  	[spmem:s2] =	stream.indirect.scatter.add.f32 [tilespmem:s7], [sflag:$0x3], $0x80, s0, s29, $0xb8;
	[tilespmem:$0x1E680] =	vst v63  }
0x70: {  	s7 =	sxor.u32 $0xFFFFFFFF, s16;
	_ =	swait.ge [sflag:s26], $0x3000  }
0x71: {  	s0 =	sand.u32 $0x1, s7;
	[sflag:s26] =	ssyncset.done $0x0  }
0x72: {  	s15 =	smul.u32 $0xC000, s0;
	s16 =	sadd.s32 $0x1, s0;
	[sflag:s26] =	ssyncadd.s32 $0xFFFFD000  }
0x73: {  	_ =	swait.ge [sflag:s16], $0x3000  }
0x74: {  	s0 =	sshll.u32 s0, $0x7;
	s7 =	sshrl.u32 s15, $0x2;
	[sflag:s16] =	ssyncset.done $0x0  }
0x75: {  	s0 =	sadd.s32 $0x18580, s0;
	s7 =	sor.u32 $0x18680, s7;
	[sflag:s16] =	ssyncadd.s32 $0xFFFFD000  }
0x76: {  	[spmem:s2] =	stream.indirect.scatter.add.f32 [tilespmem:s7], [sflag:$0x3], $0x80, s0, s29, $0xb8;
	[tilespmem:$0x1E680] =	vst v63  }
0x77: {  	_ =	swait.ge [sflag:s26], $0x3000  }
0x78: {  	[sflag:s26] =	ssyncset.done $0x0  }
0x79: {  	[sflag:s26] =	ssyncadd.s32 $0xFFFFD000  }
0x7a: {  	[bflag:$0x0] =	sbarrier.arrive $0xFFFF  }
0x7b: {  	[tilespmem:s28], [sflag:$0x3] =	stream.linear.gather [spmem:s8], $0x3000, $0x38;
	[tilespmem:$0x1E680] =	vst v63  }
0x7c: {  	_ =	swait.ge [sflag:s26], $0x3000  }
0x7d: {  	[sflag:s26] =	ssyncset.done $0x0  }
0x7e: {  	s17 =	rddreg [dreg:$0x5];
	[sflag:s26] =	ssyncadd.s32 $0xFFFFD000  }
0x7f: {  	[hbm4b:s17+s3] =	stream.linear.scatter [tilespmem:s28], [sflag:$0x3], $0x3000, $0x38;
	[tilespmem:$0x1E680] =	vst v63  }
0x80: {  	_ =	swait.ge [sflag:s26], $0x3000  }
0x81: {  	[sflag:s26] =	ssyncset.done $0x0  }
0x82: {  	[sflag:s26] =	ssyncadd.s32 $0xFFFFD000  }
0x83: {  	[tilespmem:s28], [sflag:$0x3] =	stream.linear.gather [spmem:s9], $0x3000, $0x38;
	[tilespmem:$0x1E680] =	vst v63  }
0x84: {  	_ =	swait.ge [sflag:s26], $0x3000  }
0x85: {  	[sflag:s26] =	ssyncset.done $0x0  }
0x86: {  	s18 =	rddreg [dreg:$0x6];
	[sflag:s26] =	ssyncadd.s32 $0xFFFFD000  }
0x87: {  	[hbm4b:s18+s3] =	stream.linear.scatter [tilespmem:s28], [sflag:$0x3], $0x3000, $0x38;
	[tilespmem:$0x1E680] =	vst v63  }
0x88: {  	_ =	swait.ge [sflag:s26], $0x3000  }
0x89: {  	[sflag:s26] =	ssyncset.done $0x0  }
0x8a: {  	[sflag:s26] =	ssyncadd.s32 $0xFFFFD000  }
0x8b: {  	[tilespmem:s28], [sflag:$0x3] =	stream.linear.gather [spmem:s10], $0x3000, $0x38;
	[tilespmem:$0x1E680] =	vst v63  }
0x8c: {  	_ =	swait.ge [sflag:s26], $0x3000  }
0x8d: {  	[sflag:s26] =	ssyncset.done $0x0  }
0x8e: {  	s24 =	rddreg [dreg:$0x7];
	[sflag:s26] =	ssyncadd.s32 $0xFFFFD000  }
0x8f: {  	[hbm4b:s24+s3] =	stream.linear.scatter [tilespmem:s28], [sflag:$0x3], $0x3000, $0x38;
	[tilespmem:$0x1E680] =	vst v63  }
0x90: {  	_ =	swait.ge [sflag:s26], $0x3000  }
0x91: {  	[sflag:s26] =	ssyncset.done $0x0  }
0x92: {  	[sflag:s26] =	ssyncadd.s32 $0xFFFFD000  }
0x93: {  	[tilespmem:s28], [sflag:$0x3] =	stream.linear.gather [spmem:s11], $0x3000, $0x38;
	[tilespmem:$0x1E680] =	vst v63  }
0x94: {  	_ =	swait.ge [sflag:s26], $0x3000  }
0x95: {  	[sflag:s26] =	ssyncset.done $0x0  }
0x96: {  	s30 =	rddreg [dreg:$0x8];
	[sflag:s26] =	ssyncadd.s32 $0xFFFFD000  }
0x97: {  	[hbm4b:s30+s3] =	stream.linear.scatter [tilespmem:s28], [sflag:$0x3], $0x3000, $0x38;
	[tilespmem:$0x1E680] =	vst v63  }
0x98: {  	_ =	swait.ge [sflag:s26], $0x3000  }
0x99: {  	[sflag:s26] =	ssyncset.done $0x0  }
0x9a: {  	[sflag:s26] =	ssyncadd.s32 $0xFFFFD000  }
0x9b: {  	[tilespmem:s28], [sflag:$0x3] =	stream.linear.gather [spmem:s12], $0x3000, $0x38;
	[tilespmem:$0x1E680] =	vst v63  }
0x9c: {  	_ =	swait.ge [sflag:s26], $0x3000  }
0x9d: {  	[sflag:s26] =	ssyncset.done $0x0  }
0x9e: {  	[sflag:s26] =	ssyncadd.s32 $0xFFFFD000  }
0x9f: {  	[hbm4b:s19+s3] =	stream.linear.scatter [tilespmem:s28], [sflag:$0x3], $0x3000, $0x38;
	[tilespmem:$0x1E680] =	vst v63  }
0xa0: {  	_ =	swait.ge [sflag:s26], $0x3000  }
0xa1: {  	[sflag:s26] =	ssyncset.done $0x0  }
0xa2: {  	[sflag:s26] =	ssyncadd.s32 $0xFFFFD000  }
0xa3: {  	[tilespmem:s28], [sflag:$0x3] =	stream.linear.gather [spmem:s13], $0x3000, $0x38;
	[tilespmem:$0x1E680] =	vst v63  }
0xa4: {  	_ =	swait.ge [sflag:s26], $0x3000  }
0xa5: {  	[sflag:s26] =	ssyncset.done $0x0  }
0xa6: {  	[sflag:s26] =	ssyncadd.s32 $0xFFFFD000  }
0xa7: {  	[hbm4b:s20+s3] =	stream.linear.scatter [tilespmem:s28], [sflag:$0x3], $0x3000, $0x38;
	[tilespmem:$0x1E680] =	vst v63  }
0xa8: {  	_ =	swait.ge [sflag:s26], $0x3000  }
0xa9: {  	[sflag:s26] =	ssyncset.done $0x0  }
0xaa: {  	[sflag:s26] =	ssyncadd.s32 $0xFFFFD000  }
0xab: {  	[tilespmem:s28], [sflag:$0x3] =	stream.linear.gather [spmem:s14], $0x1C00, $0x38;
	[tilespmem:$0x1E680] =	vst v63  }
0xac: {  	_ =	swait.ge [sflag:s26], $0x1C00  }
0xad: {  	s1 =	sadd.s32 $0x1, s1;
	[sflag:s26] =	ssyncset.done $0x0  }
0xae: {  	p0 =	sne.s32 s1, s22;
	[sflag:s26] =	ssyncadd.s32 $0xFFFFE400  }
0xaf: {  	[hbm4b:s21+s3] =	stream.linear.scatter [tilespmem:s28], [sflag:$0x3], $0x1C00, $0x38;
	[tilespmem:$0x1E680] =	vst v63  }
.Ltmp3:
0xb0: {  	_ = 	snop;
	(pc) =	sbr.rel @p0 .LBB2_1-.Ltmp3, $4  }
.Ltmp4:
0xb1: {  	_ = 	snop;
	(pc) =	sbr.rel @!p0 .LBB2_8-.Ltmp4, $4  }
0xb2: {  	_ =	swait.ge [sflag:s26], $0x1C00  }
0xb3: {  	[sflag:s26] =	ssyncset.done $0x0  }
0xb4: {  	[sflag:s26] =	ssyncadd.s32 $0xFFFFE400  }
0xb5: {  	_ = 	snop  }
.LBB2_2:
.Ltmp5:
0xb6: {  	(pc) =	sbr.rel .LBB2_7-.Ltmp5, $2  }
0xb7: {  	_ =	sdelay $0x2  }
0xb8: {  	s24 =	smov.u32 s5  }
.LBB2_4:
.Ltmp6:
0xb9: {  	(pc) =	sbr.rel .LBB2_7-.Ltmp6, $2  }
0xba: {  	_ =	sdelay $0x2  }
0xbb: {  	s16 =	simm.s32 $0x3  }
.LBB2_8:
0xbc: {  	_ =	sfence.sel $0x180000  }
0xbd: {  	[bflag:$0x0] =	sbarrier.arrive $0xFFFF  }
0xbe: {  	_ =	strace $0x9000004D  }
0xbf: {  	s0 =	stileid.u32;
	[bflag:$0x2] =	sbarrier.arrive $0xFFFF  }
0xc0: {  	p0 =	sne.s32 s0, $0x0;
	s0 =	rddreg [dreg:$0x2]  }
0xc1: {  	s0 =	sadd.s32 @!p0 $0x100000, s0  }
0xc2: {  	[sflag:s0] =	ssyncadd.tile.s32 @!p0 $0x1;
	_ =	shalt  }
.Lfunc_end2:
_tile_overlayer_lowered:
.L_overlay_start_2:
0xc3: {  	(tag) =	ssettag $0x2  }
0xc4: {  	s0 =	rddreg [dreg:$0x0];
	s2 =	stileid.u32  }
0xc5: {  	s1 =	rddreg [dreg:$0x1];
	p0 =	sne.s32 s2, $0x0  }
0xc6: {  	s3 =	rddreg [dreg:$0x2];
	[bflag:$0x3] =	sbarrier.arrive $0xFFFF;
	s2 =	simm.s32 @!p0 $0x1C03  }
0xc7: {  	[timem:s3], [sflag:s2] =	dma.local @!p0 [hbm:s0], s1  }
0xc8: {  	s0 =	simm.s32 @!p0 $0x3  }
0xc9: {  	_ =	swait.ge @!p0 [sflag:s0], s1  }
0xca: {  	s1 =	ssub.s32 @!p0 $0x0, s1;
	[sflag:s0] =	ssyncset.done @!p0 $0x0  }
0xcb: {  	[sflag:s0] =	ssyncadd.s32 @!p0 s1  }
0xcc: {  	[bflag:$0x3] =	sbarrier.arrive $0xFFFF  }
0xcd: {  	_ =	shalt  }

// kernel: kernel.9.cloned.1.call-start
scs
__scs_entry_jumppad:
0x0: {  	(pc) =	sbr.rel $0x88, $3  }
0x1: {  	(tag) =	ssettag $0x0;
	lr =	simm.s32 $0x1  }
0x2: {  	[smem:$0x3F94] =	sst lr;
	_ =	strace $0xD0000000  }
0x3: {  	_ = 	snop  }
0x4: {  	_ = 	snop  }
0x5: {  	_ = 	snop  }
0x6: {  	_ = 	snop  }
0x7: {  	_ = 	snop  }
__scs_overlays_trampoline_lowered:
0x8: {  	[smem:$0x3FA3] =	sst s0  }
0x9: {  	[smem:$0x3FA4] =	sst s1  }
0xa: {  	[smem:$0x3FA5] =	sst s2  }
0xb: {  	[smem:$0x3FA6] =	sst s3  }
0xc: {  	[smem:$0x3FA7] =	sst s4  }
0xd: {  	[smem:$0x3FA8] =	sst s5  }
0xe: {  	[smem:$0x3FA9] =	sst s6  }
0xf: {  	[smem:$0x3FAA] =	sst s7  }
0x10: {  	[smem:$0x3FAB] =	sst s8  }
0x11: {  	[smem:$0x3FAC] =	sst s9;
	s0 =	simm.s32 @!p0 $0x0  }
0x12: {  	s1 =	sld [smem:$0x3F92];
	s0 =	simm.s32 @p0 $0x1  }
0x13: {  	[smem:$0x3FAD] =	sst s0;
	s0 =	simm.s32 @!p1 $0x0  }
0x14: {  	s2 =	sld [smem:$0x3F91];
	s0 =	simm.s32 @p1 $0x1  }
0x15: {  	[smem:$0x3FAE] =	sst s0;
	s0 =	simm.s32 @!p2 $0x0  }
0x16: {  	s3 =	sld [smem:$0x3FDB];
	s0 =	simm.s32 @p2 $0x1  }
0x17: {  	s4 =	simm.s32 $0x1BF5;
	[smem:$0x3FB0] =	sst s0  }
0x18: {  	s0 =	sld [smem:$0x3F93];
	_ =	swait.ge [sflag:s4], $0x0  }
0x19: {  	s7 =	sld [smem:$0x3F94]  }
0x1a: {  	s8 =	sadd.s32 $0xFFFFE003, lr  }
0x1b: {  	s9 =	sadd.s32 $0xFFFFFEF7, lr;
	s5 =	simm.s32 $0xFFFFFFFF;
	p2 =	slt.u32 s8, $0xFFFFF086  }
0x1c: {  	p1 =	slt.u32 s9, $0xF7A;
	s5 =	simm.s32 @!p2 $0x0  }
0x1d: {  	s5 =	simm.s32 @p1 $0x1;
	p0 =	seq.s32 s7, s2  }
0x1e: {  	s7 =	smul.u32 @!p0 $0xF7A, s2;
	p2 =	seq.s32 @!p0 s5, $0x0  }
0x1f: {  	s9 =	smul.u32 $0xF7A, s1;
	s8 =	simm.s32 @!p0 $0x1BF5;
	p2 =	por !p2, p0  }
0x20: {  	[sflag:s8] =	ssyncset.s32 @!p0 $0xFFFFF086;
	s6 =	sadd.s32 @!p0 s3, s7;
	s7 =	simm.s32 @!p0 $0x108  }
0x21: {  	s3 =	sadd.s32 s3, s9;
	s6 =	sadd.s32 @!p0 $0x88, s6;
	s7 =	simm.s32 @p2 $0x1082  }
0x22: {  	[simem:s7], [sflag:s8] =	dma.local @!p0 [hbm:s6], $0xF7A  }
0x23: {  	s9 =	sor.u32 $0xD0000000, s2;
	s6 =	simm.s32 $0x108;
	_ =	swait.ge @!p0 [sflag:s8], $0x0  }
0x24: {  	s3 =	sadd.s32 $0x88, s3;
	s6 =	simm.s32 @!p1 $0x1082;
	[sflag:s4] =	ssyncset.s32 $0xFFFFF086  }
0x25: {  	[simem:s6], [sflag:s4] =	dma.local [hbm:s3], $0xF7A  }
0x26: {  	[smem:$0x3F94] =	sst s1;
	(tag) =	ssettag s2;
	_ =	strace s9  }
0x27: {  	s1 =	sld [smem:$0x3FA4]  }
0x28: {  	s2 =	sld [smem:$0x3FA5]  }
0x29: {  	s4 =	sld [smem:$0x3FA7]  }
0x2a: {  	p0 =	seq.s32 s5, $0x0;
	s5 =	sld [smem:$0x3FA8]  }
0x2b: {  	s6 =	sld [smem:$0x3FA9]  }
0x2c: {  	s7 =	sld [smem:$0x3FAA]  }
0x2d: {  	s3 =	simm.s32 $0x108;
	s8 =	sld [smem:$0x3FAB]  }
0x2e: {  	s3 =	simm.s32 @!p0 $0x1082;
	s9 =	sld [smem:$0x3FAC]  }
0x2f: {  	lr =	sadd.s32 s0, s3;
	s0 =	sld [smem:$0x3FA3]  }
0x30: {  	s3 =	sld [smem:$0x3FA6]  }
0x31: {  	[smem:$0x3FAF] =	sst s10  }
0x32: {  	s10 =	sld [smem:$0x3FAD];
	_ =	sdelay $0x3  }
0x33: {  	p0 =	seq.s32 s10, $0x1;
	s10 =	sld [smem:$0x3FAF];
	_ =	sdelay $0x3  }
0x34: {  	[smem:$0x3FAF] =	sst s10  }
0x35: {  	s10 =	sld [smem:$0x3FAE];
	_ =	sdelay $0x3  }
0x36: {  	p1 =	seq.s32 s10, $0x1;
	s10 =	sld [smem:$0x3FAF];
	_ =	sdelay $0x3  }
0x37: {  	[smem:$0x3FAF] =	sst s10  }
0x38: {  	s10 =	sld [smem:$0x3FB0]  }
0x39: {  	_ = 	snop;
	(pc) =	sbr.ind lr, $3  }
0x3a: {  	_ = 	snop  }
0x3b: {  	_ = 	snop  }
0x3c: {  	p2 =	seq.s32 s10, $0x1;
	s10 =	sld [smem:$0x3FAF]  }
0x3d: {  	_ =	shalt  }
0x3e: {  	_ =	shalt  }
0x3f: {  	_ =	shalt  }
0x40: {  	_ =	shalt  }
0x41: {  	_ =	shalt  }
0x42: {  	_ =	shalt  }
0x43: {  	_ =	shalt  }
0x44: {  	_ =	shalt  }
0x45: {  	_ =	shalt  }
0x46: {  	_ =	shalt  }
0x47: {  	_ =	shalt  }
0x48: {  	_ =	shalt  }
0x49: {  	_ =	shalt  }
0x4a: {  	_ =	shalt  }
0x4b: {  	_ =	shalt  }
0x4c: {  	_ =	shalt  }
0x4d: {  	_ =	shalt  }
0x4e: {  	_ =	shalt  }
0x4f: {  	_ =	shalt  }
0x50: {  	_ =	shalt  }
0x51: {  	_ =	shalt  }
0x52: {  	_ =	shalt  }
0x53: {  	_ =	shalt  }
0x54: {  	_ =	shalt  }
0x55: {  	_ =	shalt  }
0x56: {  	_ =	shalt  }
0x57: {  	_ =	shalt  }
0x58: {  	_ =	shalt  }
0x59: {  	_ =	shalt  }
0x5a: {  	_ =	shalt  }
0x5b: {  	_ =	shalt  }
0x5c: {  	_ =	shalt  }
0x5d: {  	_ =	shalt  }
0x5e: {  	_ =	shalt  }
0x5f: {  	_ =	shalt  }
0x60: {  	_ =	shalt  }
0x61: {  	_ =	shalt  }
0x62: {  	_ =	shalt  }
0x63: {  	_ =	shalt  }
0x64: {  	_ =	shalt  }
0x65: {  	_ =	shalt  }
0x66: {  	_ =	shalt  }
0x67: {  	_ =	shalt  }
0x68: {  	_ =	shalt  }
0x69: {  	_ =	shalt  }
0x6a: {  	_ =	shalt  }
0x6b: {  	_ =	shalt  }
0x6c: {  	_ =	shalt  }
0x6d: {  	_ =	shalt  }
0x6e: {  	_ =	shalt  }
0x6f: {  	_ =	shalt  }
0x70: {  	_ =	shalt  }
0x71: {  	_ =	shalt  }
0x72: {  	_ =	shalt  }
0x73: {  	_ =	shalt  }
0x74: {  	_ =	shalt  }
0x75: {  	_ =	shalt  }
0x76: {  	_ =	shalt  }
0x77: {  	_ =	shalt  }
0x78: {  	_ =	shalt  }
0x79: {  	_ =	shalt  }
0x7a: {  	_ =	shalt  }
0x7b: {  	_ =	shalt  }
0x7c: {  	_ =	shalt  }
0x7d: {  	_ =	shalt  }
0x7e: {  	_ =	shalt  }
0x7f: {  	_ =	shalt  }
0x80: {  	_ =	shalt  }
0x81: {  	_ =	shalt  }
0x82: {  	_ =	shalt  }
0x83: {  	_ =	shalt  }
0x84: {  	_ =	shalt  }
0x85: {  	_ =	shalt  }
0x86: {  	_ =	shalt  }
0x87: {  	_ =	shalt  }
.Lfunc_end0:
.L_simem_size_0:
called_computation_lowered:
.L_overlay_start_0:
0x88: {  	s2 =	sld [smem:$0x3FD9]  }
0x89: {  	s3 =	sld [smem:$0x3FFE];
	_ =	sdelay $0x1  }
0x8a: {  	s1 =	srdreg.scid  }
0x8b: {  	s0 =	sand.u32 $0x1, s1  }
0x8c: {  	s17 =	sshll.u32 s0, $0xA;
	s2 =	sadd.s32 s3, s2  }
0x8d: {  	s2 =	sadd.s32 s2, s17  }
0x8e: {  	[smem:$0x3FBB] =	sst s2  }
0x8f: {  	_ = 	snop  }
0x90: {  	s2 =	sld [smem:$0x3FD0];
	(tm) =	ssettm $0x1  }
0x91: {  	s18 =	sld [smem:$0x3FFB];
	_ =	sdelay $0x3  }
0x92: {  	_ =	strace s18  }
0x93: {  	s3 =	sld [smem:$0x3FFC];
	_ =	sdelay $0x3  }
0x94: {  	_ =	strace s3  }
0x95: {  	s3 =	sld [smem:$0x3FFD];
	_ =	sdelay $0x3  }
0x96: {  	_ =	strace s3  }
0x97: {  	_ =	strace $0x8FFFFFFF  }
0x98: {  	s19 =	sld [smem:$0x3FDB];
	_ =	sdelay $0x1  }
0x99: {  	s4 =	simm.s32 $_scs_section_size  }
0x9a: {  	s5 =	simm.s32 $_size__tile_overlayer_lowered;
	s6 =	simm.s32 $_tile_overlayer_lowered  }
0x9b: {  	s22 =	simm.s32 $0x1BFF;
	s21 =	sshll.u32 s6, $0x1;
	s3 =	sadd.s32 s4, s19  }
0x9c: {  	s7 =	simm.s32 $0x0;
	s20 =	sshll.u32 s5, $0x1;
	s5 =	sadd.s32 s21, s3  }
0x9d: {  	[timem:s7], [sflag:s22] =	dma.local [hbm:s5], s20  }
0x9e: {  	_ =	swait.ge [sflag:s22], s20  }
0x9f: {  	s4 =	ssub.s32 $0x0, s20;
	[sflag:s22] =	ssyncset.done $0x0  }
0xa0: {  	[sflag:s22] =	ssyncadd.s32 s4;
	_ =	sdelay $0x1  }
0xa1: {  	s23 =	simm.s32 $0x1B8B  }
0xa2: {  	_ =	swait.ge [sflag:s23], $0x1  }
0xa3: {  	[sflag:s23] =	ssyncset.done $0x0  }
0xa4: {  	s25 =	simm.s32 $0x1B8E;
	s24 =	sld [smem:$0x3FFE];
	[sflag:s23] =	ssyncadd.s32 $0xFFFFFFFF  }
0xa5: {  	s26 =	simm.s32 $execute0_lowered;
	[smem:$0x3FD2] =	sst s25  }
0xa6: {  	s5 =	sshll.u32 s26, $0x1;
	_ =	strace $0x80000046;
	[dreg:$0x1] =	wrdreg $0xFFFFFFFF  }
0xa7: {  	s28 =	simm.s32 $_size_execute0_lowered;
	s3 =	sadd.s32 s3, s5;
	[dreg:$0x0] =	wrdreg $0x0  }
0xa8: {  	s5 =	sshll.u32 s28, $0x1;
	[dreg:$0x2] =	wrdreg s3  }
0xa9: {  	[dreg:$0x3] =	wrdreg s5  }
0xaa: {  	[dreg:$0x4] =	wrdreg $0xC0  }
0xab: {  	_ =	task [dreg:s7], $0x5FFFF  }
0xac: {  	[dreg:$0x1] =	wrdreg $0xFFFFFFFF  }
0xad: {  	[dreg:$0x0] =	wrdreg $0x60  }
0xae: {  	[dreg:$0x2] =	wrdreg s24  }
0xaf: {  	[dreg:$0x3] =	wrdreg s2  }
0xb0: {  	[dreg:$0x4] =	wrdreg $0x0  }
0xb1: {  	[dreg:$0x5] =	wrdreg $0x9  }
0xb2: {  	_ =	task.clear_ibuf [dreg:s7], $0x6FFFF;
	_ =	strace $0x90000046  }
0xb3: {  	s29 =	simm.s32 $0x9;
	_ =	strace $0x80000048  }
0xb4: {  	_ =	swait.ge [sflag:s29], $0x1  }
0xb5: {  	[sflag:s29] =	ssyncadd.s32 $0xFFFFFFFF  }
0xb6: {  	_ =	strace $0x90000048  }
0xb7: {  	_ =	sfence  }
0xb8: {  	s30 =	sld [smem:$0x0];
	_ =	sdelay $0x2  }
0xb9: {  	s31 =	sshll.u32 s1, $0xD;
	s1 =	sshrl.u32 s1, $0x2  }
0xba: {  	s3 =	sand.u32 $0x4000, s31;
	s1 =	sadd.s32 s1, s30  }
0xbb: {  	s0 =	sor.u32 s3, s0;
	s1 =	sshll.u32 s1, $0x11  }
0xbc: {  	s0 =	sor.u32 s1, s0  }
0xbd: {  	s0 =	sadd.s32 $0x8F2B, s0  }
0xbe: {  	[sflag:s0] =	ssyncadd.remote.s32 $0x1  }
0xbf: {  	_ =	sfence.sel $0xFFFF  }
0xc0: {  	[dreg:$0x0] =	wrdreg $0xFFFFFFFF;
	(pc) =	sbr.abs _section_cstart, $3  }
0xc1: {  	[dreg:$0x1] =	wrdreg $0xFFFFFFFF  }
0xc2: {  	_ =	task.clear_ibuf [dreg:s7], $0x2FFFF;
	_ =	strace $0x9FFFFFFF  }
0xc3: {  	(tm) =	ssettm $0x7FFFFFFF  }
tec
execute0_lowered:
.L_overlay_start_1:
0x0: {  	(tag) =	ssettag $0x1  }
0x1: {  	s5 =	rddreg [dreg:$0x0]  }
0x2: {  	s1 =	srdreg.scid;
	s2 =	rddreg [dreg:$0x1]  }
0x3: {  	s0 =	stileid.u32;
	s3 =	rddreg [dreg:$0x2]  }
0x4: {  	s4 =	simm.s32 $0x0;
	s14 =	simm.s32 $0x378;
	s15 =	simm.s32 $0x1  }
0x5: {  	s6 =	sand.u32 $0x1, s1;
	s7 =	smul.u32 $0x278, s0;
	s1 =	rddreg [dreg:$0x3]  }
0x6: {  	s16 =	simm.s32 $0x0;
	[smem:$0x7FF] =	sst s4;
	s12 =	smul.u32 $0x4EC, s0  }
0x7: {  	s9 =	sadd.s32 $0x4600, s5;
	s8 =	smul.u32 $0x2780, s6;
	_ =	strace $0x80000047  }
0x8: {  	s30 =	ssub.s32 $0x2, s6;
	s11 =	sshll.u32 s6, $0x4;
	s6 =	smul.u32 $0x4EC0, s6  }
0x9: {  	s10 =	sshrl.u32 s30, $0x1;
	s11 =	sor.u32 s0, s11;
	s8 =	sadd.s32 s7, s8  }
0xa: {  	s10 =	ssub.s32 s30, s10;
	s11 =	smul.u32 $0x4EC, s11;
	s13 =	sadd.s32 s6, s9  }
0xb: {  	s8 =	sshrl.u32 s8, $0x3;
	s31 =	sadd.s32 s12, s13;
	s12 =	simm.s32 $0x278  }
0xc: {  	s13 =	simm.s32 $0x60;
	s8 =	sadd.s32 s8, s5;
	s5 =	sadd.s32 s7, s3  }
0xd: {  	s7 =	smax.u32 s10, $0x1;
	s10 =	simm.s32 $0x3F8;
	s6 =	sadd.s32 $0xE400, s8  }
0xe: {  	v0 =	vimm.f32 $1.000000000e+00;
	s8 =	sadd.s32 s9, s11;
	s9 =	sadd.s32 $0xC, s31;
	s11 =	simm.s32 $0x3  }
.LBB2_1:
0xf: {  	[tilespmem:s10], [sflag:$0x3] =	stream.linear.gather [hbm4b:s2+s4], $0x280, $0x38;
	[tilespmem:$0x678] =	vst v63  }
0x10: {  	_ =	swait.ge [sflag:s11], $0x280  }
0x11: {  	[sflag:s11] =	ssyncset.done $0x0  }
0x12: {  	[sflag:s11] =	ssyncadd.s32 $0xFFFFFD80  }
0x13: {  	[spmem:s5] =	stream.linear.scatter [tilespmem:s10], [sflag:$0x3], $0x278, $0x38;
	[tilespmem:$0x678] =	vst v63  }
0x14: {  	_ =	swait.ge [sflag:s11], $0x278  }
0x15: {  	[sflag:s11] =	ssyncset.done $0x0  }
0x16: {  	[sflag:s11] =	ssyncadd.s32 $0xFFFFFD88  }
0x17: {  	[tilespmem:$0x378] =	vst v0  }
0x18: {  	[tilespmem:$0x388] =	vst v0  }
0x19: {  	[tilespmem:$0x398] =	vst v0  }
0x1a: {  	[tilespmem:$0x3A8] =	vst v0  }
0x1b: {  	[tilespmem:$0x3B8] =	vst v0  }
0x1c: {  	s17 =	sand.u32 $0x1, s15;
	[tilespmem:$0x3C8] =	vst v0  }
0x1d: {  	s18 =	sshll.u32 s17, $0x7;
	s19 =	sxor.u32 $0x1, s17;
	[bflag:$0x0] =	sbarrier.arrive $0xFFFF  }
0x1e: {  	[tilespmem:s12], [sflag:$0x1] =	stream.linear.gather [hbm4b:s8+s4], $0x60, $0x38;
	[tilespmem:$0x678] =	vst v63  }
0x1f: {  	s17 =	sadd.s32 $0x1, s17;
	s18 =	sor.u32 $0x278, s18;
	s20 =	sadd.s32 $0x1, s19  }
0x20: {  	[tilespmem:s18], [sflag:s17] =	stream.linear.gather [hbm4b:s9+s4], $0x60, $0x38;
	[tilespmem:$0x678] =	vst v63  }
0x21: {  	_ =	swait.ge [sflag:s20], $0x60  }
0x22: {  	s30 =	sshll.u32 s19, $0x7;
	[sflag:s20] =	ssyncset.done $0x0  }
0x23: {  	s31 =	simm.s32 $0x2;
	s17 =	sor.u32 $0x278, s30;
	[sflag:s20] =	ssyncadd.s32 $0xFFFFFFA0  }
0x24: {  	[spmem:s3] =	stream.indirect.scatter.add.f32 [tilespmem:s14], [sflag:$0x3], $0x1, s17, s13, $0xb8;
	[tilespmem:$0x678] =	vst v63  }
0x25: {  	s18 =	simm.s32 $0x3;
	s20 =	sand.u32 $0x1, s31;
	s17 =	sadd.s32 $0xC, s9  }
0x26: {  	s21 =	sshll.u32 s20, $0x7;
	s19 =	sadd.s32 $0x1, s20;
	_ =	swait.ge [sflag:s11], $0x60  }
.LBB2_2:
0x27: {  	s21 =	sor.u32 $0x278, s21;
	s20 =	sxor.u32 $0x1, s20  }
0x28: {  	[sflag:s11] =	ssyncset.done $0x0;
	s22 =	smov.u32 s18;
	p0 =	sne.s32 s18, $0x68  }
0x29: {  	s23 =	sadd.s32 $0x1, s20;
	s20 =	sshll.u32 s20, $0x7;
	[sflag:s11] =	ssyncadd.s32 $0xFFFFFFA0  }
0x2a: {  	[tilespmem:s21], [sflag:s19] =	stream.linear.gather [hbm4b:s17+s4], $0x60, $0x38;
	[tilespmem:$0x678] =	vst v63  }
.Ltmp0:
0x2b: {  	s24 =	sadd.s32 $0x1, s18;
	_ =	swait.ge [sflag:s23], $0x60;
	(pc) =	sbr.rel @p0 .LBB2_2-.Ltmp0, $4  }
0x2c: {  	s18 =	sor.u32 $0x278, s20;
	s20 =	sand.u32 $0x1, s22;
	[sflag:s23] =	ssyncset.done $0x0  }
0x2d: {  	s17 =	sadd.s32 $0xC, s17;
	s21 =	sshll.u32 s20, $0x7;
	[sflag:s23] =	ssyncadd.s32 $0xFFFFFFA0  }
0x2e: {  	[spmem:s3] =	stream.indirect.scatter.add.f32 [tilespmem:s14], [sflag:$0x3], $0x1, s18, s13, $0xb8;
	[tilespmem:$0x678] =	vst v63  }
0x2f: {  	s19 =	sadd.s32 $0x1, s20;
	s18 =	smov.u32 s24;
	_ =	swait.ge [sflag:s11], $0x60  }
0x30: {  	s18 =	sxor.u32 $0x1, s20;
	[sflag:s11] =	ssyncset.done $0x0  }
0x31: {  	s29 =	sor.u32 $0x278, s21;
	s30 =	sadd.s32 $0x1, s18;
	[sflag:s11] =	ssyncadd.s32 $0xFFFFFFA0  }
0x32: {  	[tilespmem:s29], [sflag:s19] =	stream.linear.gather [hbm4b:s17+s4], $0x60, $0x38;
	[tilespmem:$0x678] =	vst v63  }
0x33: {  	_ =	swait.ge [sflag:s30], $0x60  }
0x34: {  	s31 =	sshll.u32 s18, $0x7;
	[sflag:s30] =	ssyncset.done $0x0  }
0x35: {  	s17 =	sor.u32 $0x278, s31;
	[sflag:s30] =	ssyncadd.s32 $0xFFFFFFA0  }
0x36: {  	[spmem:s3] =	stream.indirect.scatter.add.f32 [tilespmem:s14], [sflag:$0x3], $0x1, s17, s13, $0xb8;
	[tilespmem:$0x678] =	vst v63  }
0x37: {  	_ =	swait.ge [sflag:s11], $0x60  }
0x38: {  	[sflag:s11] =	ssyncset.done $0x0  }
0x39: {  	[sflag:s11] =	ssyncadd.s32 $0xFFFFFFA0  }
0x3a: {  	_ =	swait.ge [sflag:s15], $0x60  }
0x3b: {  	[sflag:s15] =	ssyncset.done $0x0  }
0x3c: {  	[sflag:s15] =	ssyncadd.s32 $0xFFFFFFA0  }
0x3d: {  	[spmem:s3] =	stream.indirect.scatter.add.f32 [tilespmem:s14], [sflag:$0x3], $0x1, s12, s13, $0xb8;
	[tilespmem:$0x678] =	vst v63  }
0x3e: {  	_ =	swait.ge [sflag:s11], $0x60  }
0x3f: {  	[sflag:s11] =	ssyncset.done $0x0  }
0x40: {  	[sflag:s11] =	ssyncadd.s32 $0xFFFFFFA0  }
0x41: {  	[bflag:$0x0] =	sbarrier.arrive $0xFFFF  }
0x42: {  	[tilespmem:s10], [sflag:$0x3] =	stream.linear.gather [spmem:s5], $0x278, $0x38;
	[tilespmem:$0x678] =	vst v63  }
0x43: {  	s16 =	sadd.s32 $0x1, s16;
	_ =	swait.ge [sflag:s11], $0x278  }
0x44: {  	p0 =	sne.s32 s16, s7;
	[sflag:s11] =	ssyncset.done $0x0  }
.Ltmp1:
0x45: {  	[sflag:s11] =	ssyncadd.s32 $0xFFFFFD88;
	(pc) =	sbr.rel @p0 .LBB2_1-.Ltmp1, $4  }
0x46: {  	[hbm4b:s6+s4] =	stream.linear.scatter [tilespmem:s10], [sflag:$0x3], $0x278, $0x38;
	[tilespmem:$0x678] =	vst v63  }
0x47: {  	_ =	swait.ge [sflag:s11], $0x278  }
0x48: {  	[sflag:s11] =	ssyncset.done $0x0  }
0x49: {  	[sflag:s11] =	ssyncadd.s32 $0xFFFFFD88  }
0x4a: {  	_ =	sfence.sel $0x180000  }
0x4b: {  	[bflag:$0x0] =	sbarrier.arrive $0xFFFF  }
0x4c: {  	p0 =	sne.s32 s0, $0x0;
	_ =	strace $0x90000047  }
0x4d: {  	s0 =	sadd.s32 @!p0 $0x100000, s1;
	[bflag:$0x2] =	sbarrier.arrive $0xFFFF  }
0x4e: {  	[sflag:s0] =	ssyncadd.tile.s32 @!p0 $0x1;
	_ =	shalt  }
.Lfunc_end2:
_tile_overlayer_lowered:
.L_overlay_start_2:
0x4f: {  	(tag) =	ssettag $0x2  }
0x50: {  	s0 =	rddreg [dreg:$0x0];
	s2 =	stileid.u32  }
0x51: {  	s1 =	rddreg [dreg:$0x1];
	p0 =	sne.s32 s2, $0x0  }
0x52: {  	s3 =	rddreg [dreg:$0x2];
	[bflag:$0x3] =	sbarrier.arrive $0xFFFF;
	s2 =	simm.s32 @!p0 $0x1C03  }
0x53: {  	[timem:s3], [sflag:s2] =	dma.local @!p0 [hbm:s0], s1  }
0x54: {  	s0 =	simm.s32 @!p0 $0x3  }
0x55: {  	_ =	swait.ge @!p0 [sflag:s0], s1  }
0x56: {  	s1 =	ssub.s32 @!p0 $0x0, s1;
	[sflag:s0] =	ssyncset.done @!p0 $0x0  }
0x57: {  	[sflag:s0] =	ssyncadd.s32 @!p0 s1  }
0x58: {  	[bflag:$0x3] =	sbarrier.arrive $0xFFFF  }
0x59: {  	_ =	shalt  }

</sc_bundles>
